<compile_context>
chip_gen: v7x
topology: tpu7x:2x2x1
jax: 0.10.2.dev20260603
libtpu: 0.0.44.dev20260713+nightly
codegen_flags: <defaults>
</compile_context>

<pallas_src>
import functools

import jax
import jax.numpy as jnp
from jax import lax
from jax.experimental import pallas as pl
from jax.experimental.pallas import tpu as pltpu
from jax.experimental.pallas import tpu_sc as plsc

B = 128
N = 32768
KSEL = 3276
NV = N // 16
NW = 32
RPW = B // NW
UNROLL = 16


def _row_topk_sum(xv, yv, hist, tot, lanes, lane_off, ones_i, zeros_i,
                  prefetch):

    def merge_and_pick(kr):
        @plsc.parallel_loop(0, 16, unroll=2)
        def _(c):
            t = hist[pl.ds(c * 16, 16)]
            for l in range(1, 16):
                t = t + hist[pl.ds(l * 256 + c * 16, 16)]
            tot[pl.ds(c * 16, 16)] = jnp.flip(jnp.cumsum(jnp.flip(t)))

        krv = jnp.full((16,), kr, jnp.int32)
        ct = plsc.load_gather(tot, [lanes * 16])
        sc = jnp.flip(jnp.cumsum(jnp.flip(ct)))
        above = jnp.max(jnp.where(sc < krv, sc, 0))
        cstar = jnp.sum(jnp.where(sc >= krv, 1, 0)) - 1
        s_in = tot[pl.ds(cstar * 16, 16)] + above
        cnt_in = jnp.sum(jnp.where(s_in >= krv, 1, 0))
        bstar = cstar * 16 + cnt_in - 1
        over = jnp.maximum(above, jnp.max(jnp.where(s_in < krv, s_in, 0)))
        return bstar, over

    @plsc.parallel_loop(0, 256, unroll=UNROLL)
    def _(i):
        hist[pl.ds(i * 16, 16)] = zeros_i

    @plsc.parallel_loop(0, NV, unroll=UNROLL)
    def _(i):
        s0 = i * 16
        l = jnp.abs(xv[pl.ds(s0, 16)] - yv[pl.ds(s0, 16)])
        xv[pl.ds(s0, 16)] = l
        v = lax.bitcast_convert_type(l, jnp.int32)
        bucket = lax.shift_right_logical(v, 24)
        plsc.addupdate_scatter(hist, [lane_off + bucket], ones_i)

    bstar, over = merge_and_pick(jnp.int32(KSEL))
    P = lax.shift_left(bstar, 24)
    kr = jnp.int32(KSEL) - over

    pvec1 = jnp.full((16,), P, jnp.int32)

    @plsc.parallel_loop(0, 256, unroll=UNROLL)
    def _(i):
        hist[pl.ds(i * 16, 16)] = zeros_i

    @plsc.parallel_loop(0, NV, unroll=UNROLL)
    def _(i):
        v = lax.bitcast_convert_type(xv[pl.ds(i * 16, 16)], jnp.int32)
        bucket = lax.shift_right_logical(v, 16) & 255
        m = (v & jnp.int32(-(1 << 24))) == pvec1
        plsc.addupdate_scatter(hist, [lane_off + bucket], ones_i, mask=m)

    prefetch()

    bstar, over = merge_and_pick(kr)
    P = P | lax.shift_left(bstar, 16)
    kr = kr - over

    def pass_body(p, carries):
        P, kr = carries
        sh = 24 - 8 * p
        himask = lax.shift_left(jnp.int32(-1), sh + 8)
        pvec = jnp.full((16,), P, jnp.int32)
        shv = jnp.full((16,), sh, jnp.int32)
        hmv = jnp.full((16,), himask, jnp.int32)

        @plsc.parallel_loop(0, 256, unroll=UNROLL)
        def _(i):
            hist[pl.ds(i * 16, 16)] = zeros_i

        @plsc.parallel_loop(0, NV, unroll=UNROLL)
        def _(i):
            v = lax.bitcast_convert_type(xv[pl.ds(i * 16, 16)], jnp.int32)
            bucket = lax.shift_right_logical(v, shv) & 255
            m = (v & hmv) == pvec
            plsc.addupdate_scatter(hist, [lane_off + bucket],
                                   ones_i, mask=m)

        bstar, over = merge_and_pick(kr)
        return P | lax.shift_left(bstar, sh), kr - over

    P, kr = lax.fori_loop(2, 4, pass_body, (P, kr))

    tvec = lax.bitcast_convert_type(jnp.full((16,), P, jnp.int32), jnp.float32)
    tval = jnp.max(tvec)

    @plsc.parallel_loop(0, NV, unroll=UNROLL,
                        carry=(jnp.zeros((16,), jnp.float32), zeros_i))
    def fin_loop(i, c):
        acc, cnt = c
        v = xv[pl.ds(i * 16, 16)]
        gt = v > tvec
        acc = acc + jnp.where(gt, v, jnp.float32(0.0))
        cnt = cnt + jnp.where(gt, 1, 0)
        return acc, cnt
    acc, cnt = fin_loop
    return (jnp.sum(acc)
            + (jnp.int32(KSEL) - jnp.sum(cnt)).astype(jnp.float32) * tval)


def _tec_body(x_hbm, y_hbm, out_hbm, xv0, xv1, yv, hist, tot, outv,
              semx, semy):
    cid = lax.axis_index("c")
    sid = lax.axis_index("s")
    wid = sid * 2 + cid

    lanes = lax.iota(jnp.int32, 16)
    lane_off = lanes * 256
    ones_i = jnp.ones((16,), jnp.int32)
    zeros_i = jnp.zeros((16,), jnp.int32)

    def issue(rr, xbuf):
        pltpu.async_copy(x_hbm.at[rr], xbuf, semx)
        pltpu.async_copy(y_hbm.at[rr], yv, semy)

    def drain():
        pltpu.make_async_copy(x_hbm.at[0], xv0, semx).wait()
        pltpu.make_async_copy(y_hbm.at[0], yv, semy).wait()

    issue(wid * RPW, xv0)

    def pair_body(j, total):
        r = wid * RPW + 2 * j
        drain()
        s0 = _row_topk_sum(xv0, yv, hist, tot,
                           lanes, lane_off, ones_i, zeros_i,
                           lambda: issue(r + 1, xv1))
        drain()
        s1 = _row_topk_sum(xv1, yv, hist, tot,
                           lanes, lane_off, ones_i, zeros_i,
                           lambda: issue(jnp.minimum(r + 2, B - 1), xv0))
        return total + jnp.full((16,), s0 + s1, jnp.float32)

    total = lax.fori_loop(0, RPW // 2, pair_body, jnp.zeros((16,), jnp.float32))
    drain()

    outv[...] = total
    sync_out = pltpu.sync_copy(outv, out_hbm.at[wid])


@jax.jit
def _topk_partials(x, y):
    mesh = plsc.VectorSubcoreMesh(core_axis_name="c", subcore_axis_name="s")
    run = pl.kernel(
        _tec_body,
        out_type=jax.ShapeDtypeStruct((NW, 16), jnp.float32),
        mesh=mesh,
        compiler_params=pltpu.CompilerParams(needs_layout_passes=False),
        scratch_types=[
            pltpu.VMEM((N,), jnp.float32),
            pltpu.VMEM((N,), jnp.float32),
            pltpu.VMEM((N,), jnp.float32),
            pltpu.VMEM((4096,), jnp.int32),
            pltpu.VMEM((256,), jnp.int32),
            pltpu.VMEM((16,), jnp.float32),
            pltpu.SemaphoreType.DMA,
            pltpu.SemaphoreType.DMA,
        ],
    )
    return run(x, y)


def kernel(x, y):
    partials = _topk_partials(x, y)
    return jnp.sum(partials[:, 0]) / jnp.float32(B * KSEL)

# --- scband reference (transcript-rebuilt; emitter-appended) ---
"""Pipeline reference for scband-topk-l1-74062416052269 (READ-ONLY COPY).

The authoritative reference and input builder live on the scoring server;
editing this copy changes nothing except your own understanding.
"""

import jax, jax.numpy as jnp
import numpy as np


def setup_inputs(seed: int = 0) -> dict:
    key = jax.random.key(seed)
    k1, k2 = jax.random.split(key)
    x = jax.random.normal(k1, (128, 32768), dtype=jnp.float32)
    y = jax.random.normal(k2, (128, 32768), dtype=jnp.float32)
    return {"x": x, "y": y}


def reference(x, y):
    b = x.shape[0]
    num = int(np.prod(x.shape[1:]))
    k_frac = 0.1
    kk = int(k_frac * num)
    loss = jnp.abs(x - y).reshape(b, -1)
    u, _ = jax.lax.top_k(loss, kk)
    return jnp.mean(u)

if __name__ == "__main__":
    import jax
    _d = setup_inputs()
    print(jax.jit(kernel)(*tuple(_d.values())))

</pallas_src>

<mosaic_0001>
#map = affine_map<(d0, d1) -> (0, 0)>
module attributes {stable_mosaic.version = 14 : i64} {
  func.func @_tec_body(%arg0: i32, %arg1: i32, %arg2: memref<128x32768xf32, #tpu.memory_space<hbm>>, %arg3: memref<128x32768xf32, #tpu.memory_space<hbm>>, %arg4: memref<32x16xf32, #tpu.memory_space<hbm>>, %arg5: memref<32768xf32, #tpu.memory_space<vmem>>, %arg6: memref<32768xf32, #tpu.memory_space<vmem>>, %arg7: memref<32768xf32, #tpu.memory_space<vmem>>, %arg8: memref<4096xi32, #tpu.memory_space<vmem>>, %arg9: memref<256xi32, #tpu.memory_space<vmem>>, %arg10: memref<16xf32, #tpu.memory_space<vmem>>, %arg11: memref<!tpu.dma_semaphore, #tpu.memory_space<semaphore_mem>>, %arg12: memref<!tpu.dma_semaphore, #tpu.memory_space<semaphore_mem>>) attributes {dimension_semantics = [#tpu.dimension_semantics<core_parallel>, #tpu.dimension_semantics<subcore_parallel>], iteration_bounds = array<i64: 2, 16>, scalar_prefetch = 0 : i64, scratch_operands = 8 : i64, tpu.core_type = #tpu.core_type<sc_vector_subcore>, window_params = [{transform_indices = #map}, {transform_indices = #map}, {transform_indices = #map}]} {
    %mul3A = arith.constant 2 : i32
    %mul3A_0 = arith.muli %arg1, %mul3A : i32
    %add3A = arith.addi %mul3A_0, %arg0 : i32
    %iota3A = tpu.iota {dimensions = array<i32: 0>} : vector<16xi32>
    %mul3A_1 = arith.constant 256 : i32
    %mul3A_2 = vector.broadcast %mul3A_1 : i32 to vector<16xi32>
    %mul3A_3 = arith.muli %iota3A, %mul3A_2 : vector<16xi32>
    %broadcast_in_dim3A = arith.constant 1 : i32
    %broadcast_in_dim3A_4 = vector.broadcast %broadcast_in_dim3A : i32 to vector<16xi32>
    %broadcast_in_dim3A_5 = arith.constant 0 : i32
    %broadcast_in_dim3A_6 = vector.broadcast %broadcast_in_dim3A_5 : i32 to vector<16xi32>
    %mul3A_7 = arith.constant 4 : i32
    %mul3A_8 = arith.muli %add3A, %mul3A_7 : i32
    %dma_start3A = arith.constant 0 : i32
    %dma_start3A_9 = tpu.memref_slice %arg2[%mul3A_8, %dma_start3A] : memref<128x32768xf32, #tpu.memory_space<hbm>> -> memref<1x32768xf32, #tpu.memory_space<hbm>>
    %dma_start3A_10 = tpu.memref_squeeze %dma_start3A_9 : memref<1x32768xf32, #tpu.memory_space<hbm>> -> memref<32768xf32, #tpu.memory_space<hbm>>
    %dma_start3A_11 = arith.constant 0 : i32
    %dma_start3A_12 = tpu.memref_slice %arg2[%mul3A_8, %dma_start3A_11] : memref<128x32768xf32, #tpu.memory_space<hbm>> -> memref<1x32768xf32, #tpu.memory_space<hbm>>
    %dma_start3A_13 = tpu.memref_squeeze %dma_start3A_12 : memref<1x32768xf32, #tpu.memory_space<hbm>> -> memref<32768xf32, #tpu.memory_space<hbm>>
    tpu.enqueue_dma source(%dma_start3A_13 : memref<32768xf32, #tpu.memory_space<hbm>>) target(%arg5 : memref<32768xf32, #tpu.memory_space<vmem>>) target_semaphore(%arg11 : memref<!tpu.dma_semaphore, #tpu.memory_space<semaphore_mem>>)
    %dma_start3A_14 = arith.constant 0 : i32
    %dma_start3A_15 = tpu.memref_slice %arg3[%mul3A_8, %dma_start3A_14] : memref<128x32768xf32, #tpu.memory_space<hbm>> -> memref<1x32768xf32, #tpu.memory_space<hbm>>
    %dma_start3A_16 = tpu.memref_squeeze %dma_start3A_15 : memref<1x32768xf32, #tpu.memory_space<hbm>> -> memref<32768xf32, #tpu.memory_space<hbm>>
    %dma_start3A_17 = arith.constant 0 : i32
    %dma_start3A_18 = tpu.memref_slice %arg3[%mul3A_8, %dma_start3A_17] : memref<128x32768xf32, #tpu.memory_space<hbm>> -> memref<1x32768xf32, #tpu.memory_space<hbm>>
    %dma_start3A_19 = tpu.memref_squeeze %dma_start3A_18 : memref<1x32768xf32, #tpu.memory_space<hbm>> -> memref<32768xf32, #tpu.memory_space<hbm>>
    tpu.enqueue_dma source(%dma_start3A_19 : memref<32768xf32, #tpu.memory_space<hbm>>) target(%arg7 : memref<32768xf32, #tpu.memory_space<vmem>>) target_semaphore(%arg12 : memref<!tpu.dma_semaphore, #tpu.memory_space<semaphore_mem>>)
    %broadcast_in_dim3A_20 = arith.constant 0.000000e+00 : f32
    %broadcast_in_dim3A_21 = vector.broadcast %broadcast_in_dim3A_20 : f32 to vector<16xf32>
    %scan3A = arith.constant 0 : i32
    %scan3A_22 = arith.constant 2 : i32
    %scan3A_23 = arith.addi %scan3A, %scan3A_22 : i32
    %scan3A_24 = arith.constant 1 : i32
    %scan3A_25 = scf.for %scan3A_41 = %scan3A to %scan3A_23 step %scan3A_24 iter_args(%scan3A_42 = %broadcast_in_dim3A_21) -> (vector<16xf32>)  : i32 {
      %mul3A_43 = arith.constant 4 : i32
      %mul3A_44 = arith.muli %add3A, %mul3A_43 : i32
      %mul3A_45 = arith.constant 2 : i32
      %mul3A_46 = arith.muli %mul3A_45, %scan3A_41 : i32
      %add3A_47 = arith.addi %mul3A_44, %mul3A_46 : i32
      %dma_wait3A_48 = arith.constant 0 : i32
      %dma_wait3A_49 = arith.constant 0 : i32
      %dma_wait3A_50 = tpu.memref_slice %arg2[%dma_wait3A_48, %dma_wait3A_49] : memref<128x32768xf32, #tpu.memory_space<hbm>> -> memref<1x32768xf32, #tpu.memory_space<hbm>>
      %dma_wait3A_51 = tpu.memref_squeeze %dma_wait3A_50 : memref<1x32768xf32, #tpu.memory_space<hbm>> -> memref<32768xf32, #tpu.memory_space<hbm>>
      %dma_wait3A_52 = arith.constant 0 : i32
      %dma_wait3A_53 = tpu.memref_slice %arg2[%dma_wait3A_48, %dma_wait3A_52] : memref<128x32768xf32, #tpu.memory_space<hbm>> -> memref<1x32768xf32, #tpu.memory_space<hbm>>
      %dma_wait3A_54 = tpu.memref_squeeze %dma_wait3A_53 : memref<1x32768xf32, #tpu.memory_space<hbm>> -> memref<32768xf32, #tpu.memory_space<hbm>>
      tpu.wait_dma2 semaphore(%arg11 : memref<!tpu.dma_semaphore, #tpu.memory_space<semaphore_mem>>) src(%dma_wait3A_54 : memref<32768xf32, #tpu.memory_space<hbm>>) dst(%arg5 : memref<32768xf32, #tpu.memory_space<vmem>>)
      %dma_wait3A_55 = arith.constant 0 : i32
      %dma_wait3A_56 = arith.constant 0 : i32
      %dma_wait3A_57 = tpu.memref_slice %arg3[%dma_wait3A_55, %dma_wait3A_56] : memref<128x32768xf32, #tpu.memory_space<hbm>> -> memref<1x32768xf32, #tpu.memory_space<hbm>>
      %dma_wait3A_58 = tpu.memref_squeeze %dma_wait3A_57 : memref<1x32768xf32, #tpu.memory_space<hbm>> -> memref<32768xf32, #tpu.memory_space<hbm>>
      %dma_wait3A_59 = arith.constant 0 : i32
      %dma_wait3A_60 = tpu.memref_slice %arg3[%dma_wait3A_55, %dma_wait3A_59] : memref<128x32768xf32, #tpu.memory_space<hbm>> -> memref<1x32768xf32, #tpu.memory_space<hbm>>
      %dma_wait3A_61 = tpu.memref_squeeze %dma_wait3A_60 : memref<1x32768xf32, #tpu.memory_space<hbm>> -> memref<32768xf32, #tpu.memory_space<hbm>>
      tpu.wait_dma2 semaphore(%arg12 : memref<!tpu.dma_semaphore, #tpu.memory_space<semaphore_mem>>) src(%dma_wait3A_61 : memref<32768xf32, #tpu.memory_space<hbm>>) dst(%arg7 : memref<32768xf32, #tpu.memory_space<vmem>>)
      %parallel_loop3A = arith.constant 0 : i32
      %parallel_loop3A_62 = arith.constant 256 : i32
      %parallel_loop3A_63 = arith.constant 1 : i32
      scf.for %parallel_loop3A_513 = %parallel_loop3A to %parallel_loop3A_62 step %parallel_loop3A_63  : i32 {
        %parallel_loop3A_514 = arith.constant 16 : i32
        %parallel_loop3A_515 = arith.muli %parallel_loop3A_513, %parallel_loop3A_514 : i32
        %parallel_loop3A_516 = arith.index_cast %parallel_loop3A_515 : i32 to index
        %parallel_loop3A_517 = tpu.vector_load %arg8[%parallel_loop3A_516] {strides = array<i32>} : memref<4096xi32, #tpu.memory_space<vmem>>, vector<16xi32>,
        tpu.vector_store %arg8[%parallel_loop3A_516], %broadcast_in_dim3A_6 {strides = array<i32>} : memref<4096xi32, #tpu.memory_space<vmem>>, vector<16xi32>,
      } {sc.loop_unroll_factor = 16 : i64, sc.parallel_access}
      %parallel_loop3A_64 = arith.constant 0 : i32
      %parallel_loop3A_65 = arith.constant 2048 : i32
      %parallel_loop3A_66 = arith.constant 1 : i32
      scf.for %parallel_loop3A_513 = %parallel_loop3A_64 to %parallel_loop3A_65 step %parallel_loop3A_66  : i32 {
        %parallel_loop3A_514 = arith.constant 16 : i32
        %parallel_loop3A_515 = arith.muli %parallel_loop3A_513, %parallel_loop3A_514 : i32
        %parallel_loop3A_516 = arith.index_cast %parallel_loop3A_515 : i32 to index
        %parallel_loop3A_517 = tpu.vector_load %arg5[%parallel_loop3A_516] {strides = array<i32>} : memref<32768xf32, #tpu.memory_space<vmem>>, vector<16xf32>,
        %parallel_loop3A_518 = arith.index_cast %parallel_loop3A_515 : i32 to index
        %parallel_loop3A_519 = tpu.vector_load %arg7[%parallel_loop3A_518] {strides = array<i32>} : memref<32768xf32, #tpu.memory_space<vmem>>, vector<16xf32>,
        %parallel_loop3A_520 = arith.subf %parallel_loop3A_517, %parallel_loop3A_519 : vector<16xf32>
        %parallel_loop3A_521 = math.absf %parallel_loop3A_520 : vector<16xf32>
        %parallel_loop3A_522 = arith.index_cast %parallel_loop3A_515 : i32 to index
        %parallel_loop3A_523 = tpu.vector_load %arg5[%parallel_loop3A_522] {strides = array<i32>} : memref<32768xf32, #tpu.memory_space<vmem>>, vector<16xf32>,
        tpu.vector_store %arg5[%parallel_loop3A_522], %parallel_loop3A_521 {strides = array<i32>} : memref<32768xf32, #tpu.memory_space<vmem>>, vector<16xf32>,
        %parallel_loop3A_524 = tpu.bitcast %parallel_loop3A_521 : vector<16xf32> -> vector<16xi32>
        %parallel_loop3A_525 = arith.constant 24 : i32
        %parallel_loop3A_526 = vector.broadcast %parallel_loop3A_525 : i32 to vector<16xi32>
        %parallel_loop3A_527 = arith.shrui %parallel_loop3A_524, %parallel_loop3A_526 : vector<16xi32>
        %parallel_loop3A_528 = arith.addi %mul3A_3, %parallel_loop3A_527 : vector<16xi32>
        tpu.vector_store_idx %arg8[%parallel_loop3A_528], %broadcast_in_dim3A_4 {add = true} : memref<4096xi32, #tpu.memory_space<vmem>>[vector<16xi32>], vector<16xi32>,
      } {sc.loop_unroll_factor = 16 : i64, sc.parallel_access}
      %parallel_loop3A_67 = arith.constant 0 : i32
      %parallel_loop3A_68 = arith.constant 16 : i32
      %parallel_loop3A_69 = arith.constant 1 : i32
      scf.for %parallel_loop3A_513 = %parallel_loop3A_67 to %parallel_loop3A_68 step %parallel_loop3A_69  : i32 {
        %parallel_loop3A_514 = arith.constant 16 : i32
        %parallel_loop3A_515 = arith.muli %parallel_loop3A_513, %parallel_loop3A_514 : i32
        %parallel_loop3A_516 = arith.index_cast %parallel_loop3A_515 : i32 to index
        %parallel_loop3A_517 = tpu.vector_load %arg8[%parallel_loop3A_516] {strides = array<i32>} : memref<4096xi32, #tpu.memory_space<vmem>>, vector<16xi32>,
        %parallel_loop3A_518 = arith.constant 16 : i32
        %parallel_loop3A_519 = arith.muli %parallel_loop3A_513, %parallel_loop3A_518 : i32
        %parallel_loop3A_520 = arith.constant 256 : i32
        %parallel_loop3A_521 = arith.addi %parallel_loop3A_520, %parallel_loop3A_519 : i32
        %parallel_loop3A_522 = arith.index_cast %parallel_loop3A_521 : i32 to index
        %parallel_loop3A_523 = tpu.vector_load %arg8[%parallel_loop3A_522] {strides = array<i32>} : memref<4096xi32, #tpu.memory_space<vmem>>, vector<16xi32>,
        %parallel_loop3A_524 = arith.addi %parallel_loop3A_517, %parallel_loop3A_523 : vector<16xi32>
        %parallel_loop3A_525 = arith.constant 16 : i32
        %parallel_loop3A_526 = arith.muli %parallel_loop3A_513, %parallel_loop3A_525 : i32
        %parallel_loop3A_527 = arith.constant 512 : i32
        %parallel_loop3A_528 = arith.addi %parallel_loop3A_527, %parallel_loop3A_526 : i32
        %parallel_loop3A_529 = arith.index_cast %parallel_loop3A_528 : i32 to index
        %parallel_loop3A_530 = tpu.vector_load %arg8[%parallel_loop3A_529] {strides = array<i32>} : memref<4096xi32, #tpu.memory_space<vmem>>, vector<16xi32>,
        %parallel_loop3A_531 = arith.addi %parallel_loop3A_524, %parallel_loop3A_530 : vector<16xi32>
        %parallel_loop3A_532 = arith.constant 16 : i32
        %parallel_loop3A_533 = arith.muli %parallel_loop3A_513, %parallel_loop3A_532 : i32
        %parallel_loop3A_534 = arith.constant 768 : i32
        %parallel_loop3A_535 = arith.addi %parallel_loop3A_534, %parallel_loop3A_533 : i32
        %parallel_loop3A_536 = arith.index_cast %parallel_loop3A_535 : i32 to index
        %parallel_loop3A_537 = tpu.vector_load %arg8[%parallel_loop3A_536] {strides = array<i32>} : memref<4096xi32, #tpu.memory_space<vmem>>, vector<16xi32>,
        %parallel_loop3A_538 = arith.addi %parallel_loop3A_531, %parallel_loop3A_537 : vector<16xi32>
        %parallel_loop3A_539 = arith.constant 16 : i32
        %parallel_loop3A_540 = arith.muli %parallel_loop3A_513, %parallel_loop3A_539 : i32
        %parallel_loop3A_541 = arith.constant 1024 : i32
        %parallel_loop3A_542 = arith.addi %parallel_loop3A_541, %parallel_loop3A_540 : i32
        %parallel_loop3A_543 = arith.index_cast %parallel_loop3A_542 : i32 to index
        %parallel_loop3A_544 = tpu.vector_load %arg8[%parallel_loop3A_543] {strides = array<i32>} : memref<4096xi32, #tpu.memory_space<vmem>>, vector<16xi32>,
        %parallel_loop3A_545 = arith.addi %parallel_loop3A_538, %parallel_loop3A_544 : vector<16xi32>
        %parallel_loop3A_546 = arith.constant 16 : i32
        %parallel_loop3A_547 = arith.muli %parallel_loop3A_513, %parallel_loop3A_546 : i32
        %parallel_loop3A_548 = arith.constant 1280 : i32
        %parallel_loop3A_549 = arith.addi %parallel_loop3A_548, %parallel_loop3A_547 : i32
        %parallel_loop3A_550 = arith.index_cast %parallel_loop3A_549 : i32 to index
        %parallel_loop3A_551 = tpu.vector_load %arg8[%parallel_loop3A_550] {strides = array<i32>} : memref<4096xi32, #tpu.memory_space<vmem>>, vector<16xi32>,
        %parallel_loop3A_552 = arith.addi %parallel_loop3A_545, %parallel_loop3A_551 : vector<16xi32>
        %parallel_loop3A_553 = arith.constant 16 : i32
        %parallel_loop3A_554 = arith.muli %parallel_loop3A_513, %parallel_loop3A_553 : i32
        %parallel_loop3A_555 = arith.constant 1536 : i32
        %parallel_loop3A_556 = arith.addi %parallel_loop3A_555, %parallel_loop3A_554 : i32
        %parallel_loop3A_557 = arith.index_cast %parallel_loop3A_556 : i32 to index
        %parallel_loop3A_558 = tpu.vector_load %arg8[%parallel_loop3A_557] {strides = array<i32>} : memref<4096xi32, #tpu.memory_space<vmem>>, vector<16xi32>,
        %parallel_loop3A_559 = arith.addi %parallel_loop3A_552, %parallel_loop3A_558 : vector<16xi32>
        %parallel_loop3A_560 = arith.constant 16 : i32
        %parallel_loop3A_561 = arith.muli %parallel_loop3A_513, %parallel_loop3A_560 : i32
        %parallel_loop3A_562 = arith.constant 1792 : i32
        %parallel_loop3A_563 = arith.addi %parallel_loop3A_562, %parallel_loop3A_561 : i32
        %parallel_loop3A_564 = arith.index_cast %parallel_loop3A_563 : i32 to index
        %parallel_loop3A_565 = tpu.vector_load %arg8[%parallel_loop3A_564] {strides = array<i32>} : memref<4096xi32, #tpu.memory_space<vmem>>, vector<16xi32>,
        %parallel_loop3A_566 = arith.addi %parallel_loop3A_559, %parallel_loop3A_565 : vector<16xi32>
        %parallel_loop3A_567 = arith.constant 16 : i32
        %parallel_loop3A_568 = arith.muli %parallel_loop3A_513, %parallel_loop3A_567 : i32
        %parallel_loop3A_569 = arith.constant 2048 : i32
        %parallel_loop3A_570 = arith.addi %parallel_loop3A_569, %parallel_loop3A_568 : i32
        %parallel_loop3A_571 = arith.index_cast %parallel_loop3A_570 : i32 to index
        %parallel_loop3A_572 = tpu.vector_load %arg8[%parallel_loop3A_571] {strides = array<i32>} : memref<4096xi32, #tpu.memory_space<vmem>>, vector<16xi32>,
        %parallel_loop3A_573 = arith.addi %parallel_loop3A_566, %parallel_loop3A_572 : vector<16xi32>
        %parallel_loop3A_574 = arith.constant 16 : i32
        %parallel_loop3A_575 = arith.muli %parallel_loop3A_513, %parallel_loop3A_574 : i32
        %parallel_loop3A_576 = arith.constant 2304 : i32
        %parallel_loop3A_577 = arith.addi %parallel_loop3A_576, %parallel_loop3A_575 : i32
        %parallel_loop3A_578 = arith.index_cast %parallel_loop3A_577 : i32 to index
        %parallel_loop3A_579 = tpu.vector_load %arg8[%parallel_loop3A_578] {strides = array<i32>} : memref<4096xi32, #tpu.memory_space<vmem>>, vector<16xi32>,
        %parallel_loop3A_580 = arith.addi %parallel_loop3A_573, %parallel_loop3A_579 : vector<16xi32>
        %parallel_loop3A_581 = arith.constant 16 : i32
        %parallel_loop3A_582 = arith.muli %parallel_loop3A_513, %parallel_loop3A_581 : i32
        %parallel_loop3A_583 = arith.constant 2560 : i32
        %parallel_loop3A_584 = arith.addi %parallel_loop3A_583, %parallel_loop3A_582 : i32
        %parallel_loop3A_585 = arith.index_cast %parallel_loop3A_584 : i32 to index
        %parallel_loop3A_586 = tpu.vector_load %arg8[%parallel_loop3A_585] {strides = array<i32>} : memref<4096xi32, #tpu.memory_space<vmem>>, vector<16xi32>,
        %parallel_loop3A_587 = arith.addi %parallel_loop3A_580, %parallel_loop3A_586 : vector<16xi32>
        %parallel_loop3A_588 = arith.constant 16 : i32
        %parallel_loop3A_589 = arith.muli %parallel_loop3A_513, %parallel_loop3A_588 : i32
        %parallel_loop3A_590 = arith.constant 2816 : i32
        %parallel_loop3A_591 = arith.addi %parallel_loop3A_590, %parallel_loop3A_589 : i32
        %parallel_loop3A_592 = arith.index_cast %parallel_loop3A_591 : i32 to index
        %parallel_loop3A_593 = tpu.vector_load %arg8[%parallel_loop3A_592] {strides = array<i32>} : memref<4096xi32, #tpu.memory_space<vmem>>, vector<16xi32>,
        %parallel_loop3A_594 = arith.addi %parallel_loop3A_587, %parallel_loop3A_593 : vector<16xi32>
        %parallel_loop3A_595 = arith.constant 16 : i32
        %parallel_loop3A_596 = arith.muli %parallel_loop3A_513, %parallel_loop3A_595 : i32
        %parallel_loop3A_597 = arith.constant 3072 : i32
        %parallel_loop3A_598 = arith.addi %parallel_loop3A_597, %parallel_loop3A_596 : i32
        %parallel_loop3A_599 = arith.index_cast %parallel_loop3A_598 : i32 to index
        %parallel_loop3A_600 = tpu.vector_load %arg8[%parallel_loop3A_599] {strides = array<i32>} : memref<4096xi32, #tpu.memory_space<vmem>>, vector<16xi32>,
        %parallel_loop3A_601 = arith.addi %parallel_loop3A_594, %parallel_loop3A_600 : vector<16xi32>
        %parallel_loop3A_602 = arith.constant 16 : i32
        %parallel_loop3A_603 = arith.muli %parallel_loop3A_513, %parallel_loop3A_602 : i32
        %parallel_loop3A_604 = arith.constant 3328 : i32
        %parallel_loop3A_605 = arith.addi %parallel_loop3A_604, %parallel_loop3A_603 : i32
        %parallel_loop3A_606 = arith.index_cast %parallel_loop3A_605 : i32 to index
        %parallel_loop3A_607 = tpu.vector_load %arg8[%parallel_loop3A_606] {strides = array<i32>} : memref<4096xi32, #tpu.memory_space<vmem>>, vector<16xi32>,
        %parallel_loop3A_608 = arith.addi %parallel_loop3A_601, %parallel_loop3A_607 : vector<16xi32>
        %parallel_loop3A_609 = arith.constant 16 : i32
        %parallel_loop3A_610 = arith.muli %parallel_loop3A_513, %parallel_loop3A_609 : i32
        %parallel_loop3A_611 = arith.constant 3584 : i32
        %parallel_loop3A_612 = arith.addi %parallel_loop3A_611, %parallel_loop3A_610 : i32
        %parallel_loop3A_613 = arith.index_cast %parallel_loop3A_612 : i32 to index
        %parallel_loop3A_614 = tpu.vector_load %arg8[%parallel_loop3A_613] {strides = array<i32>} : memref<4096xi32, #tpu.memory_space<vmem>>, vector<16xi32>,
        %parallel_loop3A_615 = arith.addi %parallel_loop3A_608, %parallel_loop3A_614 : vector<16xi32>
        %parallel_loop3A_616 = arith.constant 16 : i32
        %parallel_loop3A_617 = arith.muli %parallel_loop3A_513, %parallel_loop3A_616 : i32
        %parallel_loop3A_618 = arith.constant 3840 : i32
        %parallel_loop3A_619 = arith.addi %parallel_loop3A_618, %parallel_loop3A_617 : i32
        %parallel_loop3A_620 = arith.index_cast %parallel_loop3A_619 : i32 to index
        %parallel_loop3A_621 = tpu.vector_load %arg8[%parallel_loop3A_620] {strides = array<i32>} : memref<4096xi32, #tpu.memory_space<vmem>>, vector<16xi32>,
        %parallel_loop3A_622 = arith.addi %parallel_loop3A_615, %parallel_loop3A_621 : vector<16xi32>
        %parallel_loop3A_623 = arith.constant 15 : i32
        %parallel_loop3A_624 = vector.broadcast %parallel_loop3A_623 : i32 to vector<16xi32>
        %parallel_loop3A_625 = tpu.iota {dimensions = array<i32: 0>} : vector<16xi32>
        %parallel_loop3A_626 = arith.subi %parallel_loop3A_624, %parallel_loop3A_625 : vector<16xi32>
        %parallel_loop3A_627 = tpu.dynamic_gather %parallel_loop3A_622[%parallel_loop3A_626] in [0] : vector<16xi32>, vector<16xi32> -> vector<16xi32>
        %parallel_loop3A_628 = arith.constant true
        %parallel_loop3A_629 = vector.broadcast %parallel_loop3A_628 : i1 to vector<16xi1>
        %parallel_loop3A_630 = tpu.scan <sum>, %parallel_loop3A_627 masked %parallel_loop3A_629 : vector<16xi32>, vector<16xi1> -> vector<16xi32>
        %parallel_loop3A_631 = arith.constant 15 : i32
        %parallel_loop3A_632 = vector.broadcast %parallel_loop3A_631 : i32 to vector<16xi32>
        %parallel_loop3A_633 = tpu.iota {dimensions = array<i32: 0>} : vector<16xi32>
        %parallel_loop3A_634 = arith.subi %parallel_loop3A_632, %parallel_loop3A_633 : vector<16xi32>
        %parallel_loop3A_635 = tpu.dynamic_gather %parallel_loop3A_630[%parallel_loop3A_634] in [0] : vector<16xi32>, vector<16xi32> -> vector<16xi32>
        %parallel_loop3A_636 = arith.constant 16 : i32
        %parallel_loop3A_637 = arith.muli %parallel_loop3A_513, %parallel_loop3A_636 : i32
        %parallel_loop3A_638 = arith.index_cast %parallel_loop3A_637 : i32 to index
        %parallel_loop3A_639 = tpu.vector_load %arg9[%parallel_loop3A_638] {strides = array<i32>} : memref<256xi32, #tpu.memory_space<vmem>>, vector<16xi32>,
        tpu.vector_store %arg9[%parallel_loop3A_638], %parallel_loop3A_635 {strides = array<i32>} : memref<256xi32, #tpu.memory_space<vmem>>, vector<16xi32>,
      } {sc.loop_unroll_factor = 2 : i64, sc.parallel_access}
      %broadcast_in_dim3A_70 = arith.constant 3276 : i32
      %broadcast_in_dim3A_71 = vector.broadcast %broadcast_in_dim3A_70 : i32 to vector<16xi32>
      %mul3A_72 = arith.constant 16 : i32
      %mul3A_73 = vector.broadcast %mul3A_72 : i32 to vector<16xi32>
      %mul3A_74 = arith.muli %iota3A, %mul3A_73 : vector<16xi32>
      %gather3A = tpu.vector_load_idx %arg9[%mul3A_74] : memref<256xi32, #tpu.memory_space<vmem>>[vector<16xi32>], vector<16xi32>,
      %rev3A = arith.constant 15 : i32
      %rev3A_75 = vector.broadcast %rev3A : i32 to vector<16xi32>
      %rev3A_76 = tpu.iota {dimensions = array<i32: 0>} : vector<16xi32>
      %rev3A_77 = arith.subi %rev3A_75, %rev3A_76 : vector<16xi32>
      %rev3A_78 = tpu.dynamic_gather %gather3A[%rev3A_77] in [0] : vector<16xi32>, vector<16xi32> -> vector<16xi32>
      %cumsum3A = arith.constant true
      %cumsum3A_79 = vector.broadcast %cumsum3A : i1 to vector<16xi1>
      %cumsum3A_80 = tpu.scan <sum>, %rev3A_78 masked %cumsum3A_79 : vector<16xi32>, vector<16xi1> -> vector<16xi32>
      %rev3A_81 = arith.constant 15 : i32
      %rev3A_82 = vector.broadcast %rev3A_81 : i32 to vector<16xi32>
      %rev3A_83 = tpu.iota {dimensions = array<i32: 0>} : vector<16xi32>
      %rev3A_84 = arith.subi %rev3A_82, %rev3A_83 : vector<16xi32>
      %rev3A_85 = tpu.dynamic_gather %cumsum3A_80[%rev3A_84] in [0] : vector<16xi32>, vector<16xi32> -> vector<16xi32>
      %lt3A = arith.cmpi slt, %rev3A_85, %broadcast_in_dim3A_71 : vector<16xi32>
      %jit3A = arith.constant 0 : i32
      %broadcast_in_dim3A_86 = vector.broadcast %jit3A : i32 to vector<16xi32>
      %select_n3A = arith.select %lt3A, %rev3A_85, %broadcast_in_dim3A_86 : vector<16xi1>, vector<16xi32>
      %reduce_max3A = arith.constant true
      %reduce_max3A_87 = vector.broadcast %reduce_max3A : i1 to vector<16xi1>
      %reduce_max3A_88 = arith.constant -2147483648 : i32
      %reduce_max3A_89 = vector.broadcast %reduce_max3A_88 : i32 to vector<16xi32>
      %reduce_max3A_90 = arith.xori %select_n3A, %reduce_max3A_89 : vector<16xi32>
      %reduce_max3A_91 = tpu.scan <max>, %reduce_max3A_90 masked %reduce_max3A_87 : vector<16xi32>, vector<16xi1> -> vector<16xi32>
      %reduce_max3A_92 = arith.xori %reduce_max3A_91, %reduce_max3A_89 : vector<16xi32>
      %reduce_max3A_93 = vector.extract %reduce_max3A_92[15] : i32 from vector<16xi32>
      %ge3A = arith.cmpi sge, %rev3A_85, %broadcast_in_dim3A_71 : vector<16xi32>
      %jit3A_94 = arith.constant 1 : i32
      %jit3A_95 = arith.constant 0 : i32
      %broadcast_in_dim3A_96 = vector.broadcast %jit3A_94 : i32 to vector<16xi32>
      %broadcast_in_dim3A_97 = vector.broadcast %jit3A_95 : i32 to vector<16xi32>
      %select_n3A_98 = arith.select %ge3A, %broadcast_in_dim3A_96, %broadcast_in_dim3A_97 : vector<16xi1>, vector<16xi32>
      %reduce_sum3A = arith.constant true
      %reduce_sum3A_99 = vector.broadcast %reduce_sum3A : i1 to vector<16xi1>
      %reduce_sum3A_100 = tpu.scan <sum>, %select_n3A_98 masked %reduce_sum3A_99 : vector<16xi32>, vector<16xi1> -> vector<16xi32>
      %reduce_sum3A_101 = vector.extract %reduce_sum3A_100[15] : i32 from vector<16xi32>
      %sub3A = arith.constant 1 : i32
      %sub3A_102 = arith.subi %reduce_sum3A_101, %sub3A : i32
      %mul3A_103 = arith.constant 16 : i32
      %mul3A_104 = arith.muli %sub3A_102, %mul3A_103 : i32
      %get3A = arith.index_cast %mul3A_104 : i32 to index
      %get3A_105 = tpu.vector_load %arg9[%get3A] {strides = array<i32>} : memref<256xi32, #tpu.memory_space<vmem>>, vector<16xi32>,
      %add3A_106 = vector.broadcast %reduce_max3A_93 : i32 to vector<16xi32>
      %add3A_107 = arith.addi %get3A_105, %add3A_106 : vector<16xi32>
      %ge3A_108 = arith.cmpi sge, %add3A_107, %broadcast_in_dim3A_71 : vector<16xi32>
      %jit3A_109 = arith.constant 1 : i32
      %jit3A_110 = arith.constant 0 : i32
      %broadcast_in_dim3A_111 = vector.broadcast %jit3A_109 : i32 to vector<16xi32>
      %broadcast_in_dim3A_112 = vector.broadcast %jit3A_110 : i32 to vector<16xi32>
      %select_n3A_113 = arith.select %ge3A_108, %broadcast_in_dim3A_111, %broadcast_in_dim3A_112 : vector<16xi1>, vector<16xi32>
      %reduce_sum3A_114 = arith.constant true
      %reduce_sum3A_115 = vector.broadcast %reduce_sum3A_114 : i1 to vector<16xi1>
      %reduce_sum3A_116 = tpu.scan <sum>, %select_n3A_113 masked %reduce_sum3A_115 : vector<16xi32>, vector<16xi1> -> vector<16xi32>
      %reduce_sum3A_117 = vector.extract %reduce_sum3A_116[15] : i32 from vector<16xi32>
      %mul3A_118 = arith.constant 16 : i32
      %mul3A_119 = arith.muli %sub3A_102, %mul3A_118 : i32
      %add3A_120 = arith.addi %mul3A_119, %reduce_sum3A_117 : i32
      %sub3A_121 = arith.constant 1 : i32
      %sub3A_122 = arith.subi %add3A_120, %sub3A_121 : i32
      %lt3A_123 = arith.cmpi slt, %add3A_107, %broadcast_in_dim3A_71 : vector<16xi32>
      %jit3A_124 = arith.constant 0 : i32
      %broadcast_in_dim3A_125 = vector.broadcast %jit3A_124 : i32 to vector<16xi32>
      %select_n3A_126 = arith.select %lt3A_123, %add3A_107, %broadcast_in_dim3A_125 : vector<16xi1>, vector<16xi32>
      %reduce_max3A_127 = arith.constant true
      %reduce_max3A_128 = vector.broadcast %reduce_max3A_127 : i1 to vector<16xi1>
      %reduce_max3A_129 = arith.constant -2147483648 : i32
      %reduce_max3A_130 = vector.broadcast %reduce_max3A_129 : i32 to vector<16xi32>
      %reduce_max3A_131 = arith.xori %select_n3A_126, %reduce_max3A_130 : vector<16xi32>
      %reduce_max3A_132 = tpu.scan <max>, %reduce_max3A_131 masked %reduce_max3A_128 : vector<16xi32>, vector<16xi1> -> vector<16xi32>
      %reduce_max3A_133 = arith.xori %reduce_max3A_132, %reduce_max3A_130 : vector<16xi32>
      %reduce_max3A_134 = vector.extract %reduce_max3A_133[15] : i32 from vector<16xi32>
      %max3A = arith.maxsi %reduce_max3A_93, %reduce_max3A_134 : i32
      %shift_left3A = arith.constant 24 : i32
      %shift_left3A_135 = arith.shli %sub3A_122, %shift_left3A : i32
      %sub3A_136 = arith.constant 3276 : i32
      %sub3A_137 = arith.subi %sub3A_136, %max3A : i32
      %broadcast_in_dim3A_138 = vector.broadcast %shift_left3A_135 : i32 to vector<16xi32>
      %parallel_loop3A_139 = arith.constant 0 : i32
      %parallel_loop3A_140 = arith.constant 256 : i32
      %parallel_loop3A_141 = arith.constant 1 : i32
      scf.for %parallel_loop3A_513 = %parallel_loop3A_139 to %parallel_loop3A_140 step %parallel_loop3A_141  : i32 {
        %parallel_loop3A_514 = arith.constant 16 : i32
        %parallel_loop3A_515 = arith.muli %parallel_loop3A_513, %parallel_loop3A_514 : i32
        %parallel_loop3A_516 = arith.index_cast %parallel_loop3A_515 : i32 to index
        %parallel_loop3A_517 = tpu.vector_load %arg8[%parallel_loop3A_516] {strides = array<i32>} : memref<4096xi32, #tpu.memory_space<vmem>>, vector<16xi32>,
        tpu.vector_store %arg8[%parallel_loop3A_516], %broadcast_in_dim3A_6 {strides = array<i32>} : memref<4096xi32, #tpu.memory_space<vmem>>, vector<16xi32>,
      } {sc.loop_unroll_factor = 16 : i64, sc.parallel_access}
      %parallel_loop3A_142 = arith.constant 0 : i32
      %parallel_loop3A_143 = arith.constant 2048 : i32
      %parallel_loop3A_144 = arith.constant 1 : i32
      scf.for %parallel_loop3A_513 = %parallel_loop3A_142 to %parallel_loop3A_143 step %parallel_loop3A_144  : i32 {
        %parallel_loop3A_514 = arith.constant 16 : i32
        %parallel_loop3A_515 = arith.muli %parallel_loop3A_513, %parallel_loop3A_514 : i32
        %parallel_loop3A_516 = arith.index_cast %parallel_loop3A_515 : i32 to index
        %parallel_loop3A_517 = tpu.vector_load %arg5[%parallel_loop3A_516] {strides = array<i32>} : memref<32768xf32, #tpu.memory_space<vmem>>, vector<16xf32>,
        %parallel_loop3A_518 = tpu.bitcast %parallel_loop3A_517 : vector<16xf32> -> vector<16xi32>
        %parallel_loop3A_519 = arith.constant 16 : i32
        %parallel_loop3A_520 = vector.broadcast %parallel_loop3A_519 : i32 to vector<16xi32>
        %parallel_loop3A_521 = arith.shrui %parallel_loop3A_518, %parallel_loop3A_520 : vector<16xi32>
        %parallel_loop3A_522 = arith.constant 255 : i32
        %parallel_loop3A_523 = vector.broadcast %parallel_loop3A_522 : i32 to vector<16xi32>
        %parallel_loop3A_524 = arith.andi %parallel_loop3A_521, %parallel_loop3A_523 : vector<16xi32>
        %parallel_loop3A_525 = arith.constant -16777216 : i32
        %parallel_loop3A_526 = vector.broadcast %parallel_loop3A_525 : i32 to vector<16xi32>
        %parallel_loop3A_527 = arith.andi %parallel_loop3A_518, %parallel_loop3A_526 : vector<16xi32>
        %parallel_loop3A_528 = arith.cmpi eq, %parallel_loop3A_527, %broadcast_in_dim3A_138 : vector<16xi32>
        %parallel_loop3A_529 = arith.addi %mul3A_3, %parallel_loop3A_524 : vector<16xi32>
        tpu.vector_store_idx %arg8[%parallel_loop3A_529], %broadcast_in_dim3A_4 masked %parallel_loop3A_528 {add = true} : memref<4096xi32, #tpu.memory_space<vmem>>[vector<16xi32>], vector<16xi32>, vector<16xi1>
      } {sc.loop_unroll_factor = 16 : i64, sc.parallel_access}
      %add3A_145 = arith.constant 1 : i32
      %add3A_146 = arith.addi %add3A_47, %add3A_145 : i32
      %dma_start3A_147 = arith.constant 0 : i32
      %dma_start3A_148 = tpu.memref_slice %arg2[%add3A_146, %dma_start3A_147] : memref<128x32768xf32, #tpu.memory_space<hbm>> -> memref<1x32768xf32, #tpu.memory_space<hbm>>
      %dma_start3A_149 = tpu.memref_squeeze %dma_start3A_148 : memref<1x32768xf32, #tpu.memory_space<hbm>> -> memref<32768xf32, #tpu.memory_space<hbm>>
      %dma_start3A_150 = arith.constant 0 : i32
      %dma_start3A_151 = tpu.memref_slice %arg2[%add3A_146, %dma_start3A_150] : memref<128x32768xf32, #tpu.memory_space<hbm>> -> memref<1x32768xf32, #tpu.memory_space<hbm>>
      %dma_start3A_152 = tpu.memref_squeeze %dma_start3A_151 : memref<1x32768xf32, #tpu.memory_space<hbm>> -> memref<32768xf32, #tpu.memory_space<hbm>>
      tpu.enqueue_dma source(%dma_start3A_152 : memref<32768xf32, #tpu.memory_space<hbm>>) target(%arg6 : memref<32768xf32, #tpu.memory_space<vmem>>) target_semaphore(%arg11 : memref<!tpu.dma_semaphore, #tpu.memory_space<semaphore_mem>>)
      %dma_start3A_153 = arith.constant 0 : i32
      %dma_start3A_154 = tpu.memref_slice %arg3[%add3A_146, %dma_start3A_153] : memref<128x32768xf32, #tpu.memory_space<hbm>> -> memref<1x32768xf32, #tpu.memory_space<hbm>>
      %dma_start3A_155 = tpu.memref_squeeze %dma_start3A_154 : memref<1x32768xf32, #tpu.memory_space<hbm>> -> memref<32768xf32, #tpu.memory_space<hbm>>
      %dma_start3A_156 = arith.constant 0 : i32
      %dma_start3A_157 = tpu.memref_slice %arg3[%add3A_146, %dma_start3A_156] : memref<128x32768xf32, #tpu.memory_space<hbm>> -> memref<1x32768xf32, #tpu.memory_space<hbm>>
      %dma_start3A_158 = tpu.memref_squeeze %dma_start3A_157 : memref<1x32768xf32, #tpu.memory_space<hbm>> -> memref<32768xf32, #tpu.memory_space<hbm>>
      tpu.enqueue_dma source(%dma_start3A_158 : memref<32768xf32, #tpu.memory_space<hbm>>) target(%arg7 : memref<32768xf32, #tpu.memory_space<vmem>>) target_semaphore(%arg12 : memref<!tpu.dma_semaphore, #tpu.memory_space<semaphore_mem>>)
      %parallel_loop3A_159 = arith.constant 0 : i32
      %parallel_loop3A_160 = arith.constant 16 : i32
      %parallel_loop3A_161 = arith.constant 1 : i32
      scf.for %parallel_loop3A_513 = %parallel_loop3A_159 to %parallel_loop3A_160 step %parallel_loop3A_161  : i32 {
        %parallel_loop3A_514 = arith.constant 16 : i32
        %parallel_loop3A_515 = arith.muli %parallel_loop3A_513, %parallel_loop3A_514 : i32
        %parallel_loop3A_516 = arith.index_cast %parallel_loop3A_515 : i32 to index
        %parallel_loop3A_517 = tpu.vector_load %arg8[%parallel_loop3A_516] {strides = array<i32>} : memref<4096xi32, #tpu.memory_space<vmem>>, vector<16xi32>,
        %parallel_loop3A_518 = arith.constant 16 : i32
        %parallel_loop3A_519 = arith.muli %parallel_loop3A_513, %parallel_loop3A_518 : i32
        %parallel_loop3A_520 = arith.constant 256 : i32
        %parallel_loop3A_521 = arith.addi %parallel_loop3A_520, %parallel_loop3A_519 : i32
        %parallel_loop3A_522 = arith.index_cast %parallel_loop3A_521 : i32 to index
        %parallel_loop3A_523 = tpu.vector_load %arg8[%parallel_loop3A_522] {strides = array<i32>} : memref<4096xi32, #tpu.memory_space<vmem>>, vector<16xi32>,
        %parallel_loop3A_524 = arith.addi %parallel_loop3A_517, %parallel_loop3A_523 : vector<16xi32>
        %parallel_loop3A_525 = arith.constant 16 : i32
        %parallel_loop3A_526 = arith.muli %parallel_loop3A_513, %parallel_loop3A_525 : i32
        %parallel_loop3A_527 = arith.constant 512 : i32
        %parallel_loop3A_528 = arith.addi %parallel_loop3A_527, %parallel_loop3A_526 : i32
        %parallel_loop3A_529 = arith.index_cast %parallel_loop3A_528 : i32 to index
        %parallel_loop3A_530 = tpu.vector_load %arg8[%parallel_loop3A_529] {strides = array<i32>} : memref<4096xi32, #tpu.memory_space<vmem>>, vector<16xi32>,
        %parallel_loop3A_531 = arith.addi %parallel_loop3A_524, %parallel_loop3A_530 : vector<16xi32>
        %parallel_loop3A_532 = arith.constant 16 : i32
        %parallel_loop3A_533 = arith.muli %parallel_loop3A_513, %parallel_loop3A_532 : i32
        %parallel_loop3A_534 = arith.constant 768 : i32
        %parallel_loop3A_535 = arith.addi %parallel_loop3A_534, %parallel_loop3A_533 : i32
        %parallel_loop3A_536 = arith.index_cast %parallel_loop3A_535 : i32 to index
        %parallel_loop3A_537 = tpu.vector_load %arg8[%parallel_loop3A_536] {strides = array<i32>} : memref<4096xi32, #tpu.memory_space<vmem>>, vector<16xi32>,
        %parallel_loop3A_538 = arith.addi %parallel_loop3A_531, %parallel_loop3A_537 : vector<16xi32>
        %parallel_loop3A_539 = arith.constant 16 : i32
        %parallel_loop3A_540 = arith.muli %parallel_loop3A_513, %parallel_loop3A_539 : i32
        %parallel_loop3A_541 = arith.constant 1024 : i32
        %parallel_loop3A_542 = arith.addi %parallel_loop3A_541, %parallel_loop3A_540 : i32
        %parallel_loop3A_543 = arith.index_cast %parallel_loop3A_542 : i32 to index
        %parallel_loop3A_544 = tpu.vector_load %arg8[%parallel_loop3A_543] {strides = array<i32>} : memref<4096xi32, #tpu.memory_space<vmem>>, vector<16xi32>,
        %parallel_loop3A_545 = arith.addi %parallel_loop3A_538, %parallel_loop3A_544 : vector<16xi32>
        %parallel_loop3A_546 = arith.constant 16 : i32
        %parallel_loop3A_547 = arith.muli %parallel_loop3A_513, %parallel_loop3A_546 : i32
        %parallel_loop3A_548 = arith.constant 1280 : i32
        %parallel_loop3A_549 = arith.addi %parallel_loop3A_548, %parallel_loop3A_547 : i32
        %parallel_loop3A_550 = arith.index_cast %parallel_loop3A_549 : i32 to index
        %parallel_loop3A_551 = tpu.vector_load %arg8[%parallel_loop3A_550] {strides = array<i32>} : memref<4096xi32, #tpu.memory_space<vmem>>, vector<16xi32>,
        %parallel_loop3A_552 = arith.addi %parallel_loop3A_545, %parallel_loop3A_551 : vector<16xi32>
        %parallel_loop3A_553 = arith.constant 16 : i32
        %parallel_loop3A_554 = arith.muli %parallel_loop3A_513, %parallel_loop3A_553 : i32
        %parallel_loop3A_555 = arith.constant 1536 : i32
        %parallel_loop3A_556 = arith.addi %parallel_loop3A_555, %parallel_loop3A_554 : i32
        %parallel_loop3A_557 = arith.index_cast %parallel_loop3A_556 : i32 to index
        %parallel_loop3A_558 = tpu.vector_load %arg8[%parallel_loop3A_557] {strides = array<i32>} : memref<4096xi32, #tpu.memory_space<vmem>>, vector<16xi32>,
        %parallel_loop3A_559 = arith.addi %parallel_loop3A_552, %parallel_loop3A_558 : vector<16xi32>
        %parallel_loop3A_560 = arith.constant 16 : i32
        %parallel_loop3A_561 = arith.muli %parallel_loop3A_513, %parallel_loop3A_560 : i32
        %parallel_loop3A_562 = arith.constant 1792 : i32
        %parallel_loop3A_563 = arith.addi %parallel_loop3A_562, %parallel_loop3A_561 : i32
        %parallel_loop3A_564 = arith.index_cast %parallel_loop3A_563 : i32 to index
        %parallel_loop3A_565 = tpu.vector_load %arg8[%parallel_loop3A_564] {strides = array<i32>} : memref<4096xi32, #tpu.memory_space<vmem>>, vector<16xi32>,
        %parallel_loop3A_566 = arith.addi %parallel_loop3A_559, %parallel_loop3A_565 : vector<16xi32>
        %parallel_loop3A_567 = arith.constant 16 : i32
        %parallel_loop3A_568 = arith.muli %parallel_loop3A_513, %parallel_loop3A_567 : i32
        %parallel_loop3A_569 = arith.constant 2048 : i32
        %parallel_loop3A_570 = arith.addi %parallel_loop3A_569, %parallel_loop3A_568 : i32
        %parallel_loop3A_571 = arith.index_cast %parallel_loop3A_570 : i32 to index
        %parallel_loop3A_572 = tpu.vector_load %arg8[%parallel_loop3A_571] {strides = array<i32>} : memref<4096xi32, #tpu.memory_space<vmem>>, vector<16xi32>,
        %parallel_loop3A_573 = arith.addi %parallel_loop3A_566, %parallel_loop3A_572 : vector<16xi32>
        %parallel_loop3A_574 = arith.constant 16 : i32
        %parallel_loop3A_575 = arith.muli %parallel_loop3A_513, %parallel_loop3A_574 : i32
        %parallel_loop3A_576 = arith.constant 2304 : i32
        %parallel_loop3A_577 = arith.addi %parallel_loop3A_576, %parallel_loop3A_575 : i32
        %parallel_loop3A_578 = arith.index_cast %parallel_loop3A_577 : i32 to index
        %parallel_loop3A_579 = tpu.vector_load %arg8[%parallel_loop3A_578] {strides = array<i32>} : memref<4096xi32, #tpu.memory_space<vmem>>, vector<16xi32>,
        %parallel_loop3A_580 = arith.addi %parallel_loop3A_573, %parallel_loop3A_579 : vector<16xi32>
        %parallel_loop3A_581 = arith.constant 16 : i32
        %parallel_loop3A_582 = arith.muli %parallel_loop3A_513, %parallel_loop3A_581 : i32
        %parallel_loop3A_583 = arith.constant 2560 : i32
        %parallel_loop3A_584 = arith.addi %parallel_loop3A_583, %parallel_loop3A_582 : i32
        %parallel_loop3A_585 = arith.index_cast %parallel_loop3A_584 : i32 to index
        %parallel_loop3A_586 = tpu.vector_load %arg8[%parallel_loop3A_585] {strides = array<i32>} : memref<4096xi32, #tpu.memory_space<vmem>>, vector<16xi32>,
        %parallel_loop3A_587 = arith.addi %parallel_loop3A_580, %parallel_loop3A_586 : vector<16xi32>
        %parallel_loop3A_588 = arith.constant 16 : i32
        %parallel_loop3A_589 = arith.muli %parallel_loop3A_513, %parallel_loop3A_588 : i32
        %parallel_loop3A_590 = arith.constant 2816 : i32
        %parallel_loop3A_591 = arith.addi %parallel_loop3A_590, %parallel_loop3A_589 : i32
        %parallel_loop3A_592 = arith.index_cast %parallel_loop3A_591 : i32 to index
        %parallel_loop3A_593 = tpu.vector_load %arg8[%parallel_loop3A_592] {strides = array<i32>} : memref<4096xi32, #tpu.memory_space<vmem>>, vector<16xi32>,
        %parallel_loop3A_594 = arith.addi %parallel_loop3A_587, %parallel_loop3A_593 : vector<16xi32>
        %parallel_loop3A_595 = arith.constant 16 : i32
        %parallel_loop3A_596 = arith.muli %parallel_loop3A_513, %parallel_loop3A_595 : i32
        %parallel_loop3A_597 = arith.constant 3072 : i32
        %parallel_loop3A_598 = arith.addi %parallel_loop3A_597, %parallel_loop3A_596 : i32
        %parallel_loop3A_599 = arith.index_cast %parallel_loop3A_598 : i32 to index
        %parallel_loop3A_600 = tpu.vector_load %arg8[%parallel_loop3A_599] {strides = array<i32>} : memref<4096xi32, #tpu.memory_space<vmem>>, vector<16xi32>,
        %parallel_loop3A_601 = arith.addi %parallel_loop3A_594, %parallel_loop3A_600 : vector<16xi32>
        %parallel_loop3A_602 = arith.constant 16 : i32
        %parallel_loop3A_603 = arith.muli %parallel_loop3A_513, %parallel_loop3A_602 : i32
        %parallel_loop3A_604 = arith.constant 3328 : i32
        %parallel_loop3A_605 = arith.addi %parallel_loop3A_604, %parallel_loop3A_603 : i32
        %parallel_loop3A_606 = arith.index_cast %parallel_loop3A_605 : i32 to index
        %parallel_loop3A_607 = tpu.vector_load %arg8[%parallel_loop3A_606] {strides = array<i32>} : memref<4096xi32, #tpu.memory_space<vmem>>, vector<16xi32>,
        %parallel_loop3A_608 = arith.addi %parallel_loop3A_601, %parallel_loop3A_607 : vector<16xi32>
        %parallel_loop3A_609 = arith.constant 16 : i32
        %parallel_loop3A_610 = arith.muli %parallel_loop3A_513, %parallel_loop3A_609 : i32
        %parallel_loop3A_611 = arith.constant 3584 : i32
        %parallel_loop3A_612 = arith.addi %parallel_loop3A_611, %parallel_loop3A_610 : i32
        %parallel_loop3A_613 = arith.index_cast %parallel_loop3A_612 : i32 to index
        %parallel_loop3A_614 = tpu.vector_load %arg8[%parallel_loop3A_613] {strides = array<i32>} : memref<4096xi32, #tpu.memory_space<vmem>>, vector<16xi32>,
        %parallel_loop3A_615 = arith.addi %parallel_loop3A_608, %parallel_loop3A_614 : vector<16xi32>
        %parallel_loop3A_616 = arith.constant 16 : i32
        %parallel_loop3A_617 = arith.muli %parallel_loop3A_513, %parallel_loop3A_616 : i32
        %parallel_loop3A_618 = arith.constant 3840 : i32
        %parallel_loop3A_619 = arith.addi %parallel_loop3A_618, %parallel_loop3A_617 : i32
        %parallel_loop3A_620 = arith.index_cast %parallel_loop3A_619 : i32 to index
        %parallel_loop3A_621 = tpu.vector_load %arg8[%parallel_loop3A_620] {strides = array<i32>} : memref<4096xi32, #tpu.memory_space<vmem>>, vector<16xi32>,
        %parallel_loop3A_622 = arith.addi %parallel_loop3A_615, %parallel_loop3A_621 : vector<16xi32>
        %parallel_loop3A_623 = arith.constant 15 : i32
        %parallel_loop3A_624 = vector.broadcast %parallel_loop3A_623 : i32 to vector<16xi32>
        %parallel_loop3A_625 = tpu.iota {dimensions = array<i32: 0>} : vector<16xi32>
        %parallel_loop3A_626 = arith.subi %parallel_loop3A_624, %parallel_loop3A_625 : vector<16xi32>
        %parallel_loop3A_627 = tpu.dynamic_gather %parallel_loop3A_622[%parallel_loop3A_626] in [0] : vector<16xi32>, vector<16xi32> -> vector<16xi32>
        %parallel_loop3A_628 = arith.constant true
        %parallel_loop3A_629 = vector.broadcast %parallel_loop3A_628 : i1 to vector<16xi1>
        %parallel_loop3A_630 = tpu.scan <sum>, %parallel_loop3A_627 masked %parallel_loop3A_629 : vector<16xi32>, vector<16xi1> -> vector<16xi32>
        %parallel_loop3A_631 = arith.constant 15 : i32
        %parallel_loop3A_632 = vector.broadcast %parallel_loop3A_631 : i32 to vector<16xi32>
        %parallel_loop3A_633 = tpu.iota {dimensions = array<i32: 0>} : vector<16xi32>
        %parallel_loop3A_634 = arith.subi %parallel_loop3A_632, %parallel_loop3A_633 : vector<16xi32>
        %parallel_loop3A_635 = tpu.dynamic_gather %parallel_loop3A_630[%parallel_loop3A_634] in [0] : vector<16xi32>, vector<16xi32> -> vector<16xi32>
        %parallel_loop3A_636 = arith.constant 16 : i32
        %parallel_loop3A_637 = arith.muli %parallel_loop3A_513, %parallel_loop3A_636 : i32
        %parallel_loop3A_638 = arith.index_cast %parallel_loop3A_637 : i32 to index
        %parallel_loop3A_639 = tpu.vector_load %arg9[%parallel_loop3A_638] {strides = array<i32>} : memref<256xi32, #tpu.memory_space<vmem>>, vector<16xi32>,
        tpu.vector_store %arg9[%parallel_loop3A_638], %parallel_loop3A_635 {strides = array<i32>} : memref<256xi32, #tpu.memory_space<vmem>>, vector<16xi32>,
      } {sc.loop_unroll_factor = 2 : i64, sc.parallel_access}
      %broadcast_in_dim3A_162 = vector.broadcast %sub3A_137 : i32 to vector<16xi32>
      %mul3A_163 = arith.constant 16 : i32
      %mul3A_164 = vector.broadcast %mul3A_163 : i32 to vector<16xi32>
      %mul3A_165 = arith.muli %iota3A, %mul3A_164 : vector<16xi32>
      %gather3A_166 = tpu.vector_load_idx %arg9[%mul3A_165] : memref<256xi32, #tpu.memory_space<vmem>>[vector<16xi32>], vector<16xi32>,
      %rev3A_167 = arith.constant 15 : i32
      %rev3A_168 = vector.broadcast %rev3A_167 : i32 to vector<16xi32>
      %rev3A_169 = tpu.iota {dimensions = array<i32: 0>} : vector<16xi32>
      %rev3A_170 = arith.subi %rev3A_168, %rev3A_169 : vector<16xi32>
      %rev3A_171 = tpu.dynamic_gather %gather3A_166[%rev3A_170] in [0] : vector<16xi32>, vector<16xi32> -> vector<16xi32>
      %cumsum3A_172 = arith.constant true
      %cumsum3A_173 = vector.broadcast %cumsum3A_172 : i1 to vector<16xi1>
      %cumsum3A_174 = tpu.scan <sum>, %rev3A_171 masked %cumsum3A_173 : vector<16xi32>, vector<16xi1> -> vector<16xi32>
      %rev3A_175 = arith.constant 15 : i32
      %rev3A_176 = vector.broadcast %rev3A_175 : i32 to vector<16xi32>
      %rev3A_177 = tpu.iota {dimensions = array<i32: 0>} : vector<16xi32>
      %rev3A_178 = arith.subi %rev3A_176, %rev3A_177 : vector<16xi32>
      %rev3A_179 = tpu.dynamic_gather %cumsum3A_174[%rev3A_178] in [0] : vector<16xi32>, vector<16xi32> -> vector<16xi32>
      %lt3A_180 = arith.cmpi slt, %rev3A_179, %broadcast_in_dim3A_162 : vector<16xi32>
      %jit3A_181 = arith.constant 0 : i32
      %broadcast_in_dim3A_182 = vector.broadcast %jit3A_181 : i32 to vector<16xi32>
      %select_n3A_183 = arith.select %lt3A_180, %rev3A_179, %broadcast_in_dim3A_182 : vector<16xi1>, vector<16xi32>
      %reduce_max3A_184 = arith.constant true
      %reduce_max3A_185 = vector.broadcast %reduce_max3A_184 : i1 to vector<16xi1>
      %reduce_max3A_186 = arith.constant -2147483648 : i32
      %reduce_max3A_187 = vector.broadcast %reduce_max3A_186 : i32 to vector<16xi32>
      %reduce_max3A_188 = arith.xori %select_n3A_183, %reduce_max3A_187 : vector<16xi32>
      %reduce_max3A_189 = tpu.scan <max>, %reduce_max3A_188 masked %reduce_max3A_185 : vector<16xi32>, vector<16xi1> -> vector<16xi32>
      %reduce_max3A_190 = arith.xori %reduce_max3A_189, %reduce_max3A_187 : vector<16xi32>
      %reduce_max3A_191 = vector.extract %reduce_max3A_190[15] : i32 from vector<16xi32>
      %ge3A_192 = arith.cmpi sge, %rev3A_179, %broadcast_in_dim3A_162 : vector<16xi32>
      %jit3A_193 = arith.constant 1 : i32
      %jit3A_194 = arith.constant 0 : i32
      %broadcast_in_dim3A_195 = vector.broadcast %jit3A_193 : i32 to vector<16xi32>
      %broadcast_in_dim3A_196 = vector.broadcast %jit3A_194 : i32 to vector<16xi32>
      %select_n3A_197 = arith.select %ge3A_192, %broadcast_in_dim3A_195, %broadcast_in_dim3A_196 : vector<16xi1>, vector<16xi32>
      %reduce_sum3A_198 = arith.constant true
      %reduce_sum3A_199 = vector.broadcast %reduce_sum3A_198 : i1 to vector<16xi1>
      %reduce_sum3A_200 = tpu.scan <sum>, %select_n3A_197 masked %reduce_sum3A_199 : vector<16xi32>, vector<16xi1> -> vector<16xi32>
      %reduce_sum3A_201 = vector.extract %reduce_sum3A_200[15] : i32 from vector<16xi32>
      %sub3A_202 = arith.constant 1 : i32
      %sub3A_203 = arith.subi %reduce_sum3A_201, %sub3A_202 : i32
      %mul3A_204 = arith.constant 16 : i32
      %mul3A_205 = arith.muli %sub3A_203, %mul3A_204 : i32
      %get3A_206 = arith.index_cast %mul3A_205 : i32 to index
      %get3A_207 = tpu.vector_load %arg9[%get3A_206] {strides = array<i32>} : memref<256xi32, #tpu.memory_space<vmem>>, vector<16xi32>,
      %add3A_208 = vector.broadcast %reduce_max3A_191 : i32 to vector<16xi32>
      %add3A_209 = arith.addi %get3A_207, %add3A_208 : vector<16xi32>
      %ge3A_210 = arith.cmpi sge, %add3A_209, %broadcast_in_dim3A_162 : vector<16xi32>
      %jit3A_211 = arith.constant 1 : i32
      %jit3A_212 = arith.constant 0 : i32
      %broadcast_in_dim3A_213 = vector.broadcast %jit3A_211 : i32 to vector<16xi32>
      %broadcast_in_dim3A_214 = vector.broadcast %jit3A_212 : i32 to vector<16xi32>
      %select_n3A_215 = arith.select %ge3A_210, %broadcast_in_dim3A_213, %broadcast_in_dim3A_214 : vector<16xi1>, vector<16xi32>
      %reduce_sum3A_216 = arith.constant true
      %reduce_sum3A_217 = vector.broadcast %reduce_sum3A_216 : i1 to vector<16xi1>
      %reduce_sum3A_218 = tpu.scan <sum>, %select_n3A_215 masked %reduce_sum3A_217 : vector<16xi32>, vector<16xi1> -> vector<16xi32>
      %reduce_sum3A_219 = vector.extract %reduce_sum3A_218[15] : i32 from vector<16xi32>
      %mul3A_220 = arith.constant 16 : i32
      %mul3A_221 = arith.muli %sub3A_203, %mul3A_220 : i32
      %add3A_222 = arith.addi %mul3A_221, %reduce_sum3A_219 : i32
      %sub3A_223 = arith.constant 1 : i32
      %sub3A_224 = arith.subi %add3A_222, %sub3A_223 : i32
      %lt3A_225 = arith.cmpi slt, %add3A_209, %broadcast_in_dim3A_162 : vector<16xi32>
      %jit3A_226 = arith.constant 0 : i32
      %broadcast_in_dim3A_227 = vector.broadcast %jit3A_226 : i32 to vector<16xi32>
      %select_n3A_228 = arith.select %lt3A_225, %add3A_209, %broadcast_in_dim3A_227 : vector<16xi1>, vector<16xi32>
      %reduce_max3A_229 = arith.constant true
      %reduce_max3A_230 = vector.broadcast %reduce_max3A_229 : i1 to vector<16xi1>
      %reduce_max3A_231 = arith.constant -2147483648 : i32
      %reduce_max3A_232 = vector.broadcast %reduce_max3A_231 : i32 to vector<16xi32>
      %reduce_max3A_233 = arith.xori %select_n3A_228, %reduce_max3A_232 : vector<16xi32>
      %reduce_max3A_234 = tpu.scan <max>, %reduce_max3A_233 masked %reduce_max3A_230 : vector<16xi32>, vector<16xi1> -> vector<16xi32>
      %reduce_max3A_235 = arith.xori %reduce_max3A_234, %reduce_max3A_232 : vector<16xi32>
      %reduce_max3A_236 = vector.extract %reduce_max3A_235[15] : i32 from vector<16xi32>
      %max3A_237 = arith.maxsi %reduce_max3A_191, %reduce_max3A_236 : i32
      %shift_left3A_238 = arith.constant 16 : i32
      %shift_left3A_239 = arith.shli %sub3A_224, %shift_left3A_238 : i32
      %or3A = arith.ori %shift_left3A_135, %shift_left3A_239 : i32
      %sub3A_240 = arith.subi %sub3A_137, %max3A_237 : i32
      %scan3A_241 = arith.constant 2 : i32
      %scan3A_242 = arith.constant 2 : i32
      %scan3A_243 = arith.addi %scan3A_241, %scan3A_242 : i32
      %scan3A_244 = arith.constant 1 : i32
      %scan3A_245:2 = scf.for %scan3A_513 = %scan3A_241 to %scan3A_243 step %scan3A_244 iter_args(%scan3A_514 = %or3A, %scan3A_515 = %sub3A_240) -> (i32, i32)  : i32 {
        %mul3A_516 = arith.constant 8 : i32
        %mul3A_517 = arith.muli %mul3A_516, %scan3A_513 : i32
        %sub3A_518 = arith.constant 24 : i32
        %sub3A_519 = arith.subi %sub3A_518, %mul3A_517 : i32
        %add3A_520 = arith.constant 8 : i32
        %add3A_521 = arith.addi %sub3A_519, %add3A_520 : i32
        %shift_left3A_522 = arith.constant -1 : i32
        %shift_left3A_523 = arith.shli %shift_left3A_522, %add3A_521 : i32
        %broadcast_in_dim3A_524 = vector.broadcast %scan3A_514 : i32 to vector<16xi32>
        %broadcast_in_dim3A_525 = vector.broadcast %sub3A_519 : i32 to vector<16xi32>
        %broadcast_in_dim3A_526 = vector.broadcast %shift_left3A_523 : i32 to vector<16xi32>
        %parallel_loop3A_527 = arith.constant 0 : i32
        %parallel_loop3A_528 = arith.constant 256 : i32
        %parallel_loop3A_529 = arith.constant 1 : i32
        scf.for %parallel_loop3A_615 = %parallel_loop3A_527 to %parallel_loop3A_528 step %parallel_loop3A_529  : i32 {
          %parallel_loop3A_616 = arith.constant 16 : i32
          %parallel_loop3A_617 = arith.muli %parallel_loop3A_615, %parallel_loop3A_616 : i32
          %parallel_loop3A_618 = arith.index_cast %parallel_loop3A_617 : i32 to index
          %parallel_loop3A_619 = tpu.vector_load %arg8[%parallel_loop3A_618] {strides = array<i32>} : memref<4096xi32, #tpu.memory_space<vmem>>, vector<16xi32>,
          tpu.vector_store %arg8[%parallel_loop3A_618], %broadcast_in_dim3A_6 {strides = array<i32>} : memref<4096xi32, #tpu.memory_space<vmem>>, vector<16xi32>,
        } {sc.loop_unroll_factor = 16 : i64, sc.parallel_access}
        %parallel_loop3A_530 = arith.constant 0 : i32
        %parallel_loop3A_531 = arith.constant 2048 : i32
        %parallel_loop3A_532 = arith.constant 1 : i32
        scf.for %parallel_loop3A_615 = %parallel_loop3A_530 to %parallel_loop3A_531 step %parallel_loop3A_532  : i32 {
          %parallel_loop3A_616 = arith.constant 16 : i32
          %parallel_loop3A_617 = arith.muli %parallel_loop3A_615, %parallel_loop3A_616 : i32
          %parallel_loop3A_618 = arith.index_cast %parallel_loop3A_617 : i32 to index
          %parallel_loop3A_619 = tpu.vector_load %arg5[%parallel_loop3A_618] {strides = array<i32>} : memref<32768xf32, #tpu.memory_space<vmem>>, vector<16xf32>,
          %parallel_loop3A_620 = tpu.bitcast %parallel_loop3A_619 : vector<16xf32> -> vector<16xi32>
          %parallel_loop3A_621 = arith.shrui %parallel_loop3A_620, %broadcast_in_dim3A_525 : vector<16xi32>
          %parallel_loop3A_622 = arith.constant 255 : i32
          %parallel_loop3A_623 = vector.broadcast %parallel_loop3A_622 : i32 to vector<16xi32>
          %parallel_loop3A_624 = arith.andi %parallel_loop3A_621, %parallel_loop3A_623 : vector<16xi32>
          %parallel_loop3A_625 = arith.andi %parallel_loop3A_620, %broadcast_in_dim3A_526 : vector<16xi32>
          %parallel_loop3A_626 = arith.cmpi eq, %parallel_loop3A_625, %broadcast_in_dim3A_524 : vector<16xi32>
          %parallel_loop3A_627 = arith.addi %mul3A_3, %parallel_loop3A_624 : vector<16xi32>
          tpu.vector_store_idx %arg8[%parallel_loop3A_627], %broadcast_in_dim3A_4 masked %parallel_loop3A_626 {add = true} : memref<4096xi32, #tpu.memory_space<vmem>>[vector<16xi32>], vector<16xi32>, vector<16xi1>
        } {sc.loop_unroll_factor = 16 : i64, sc.parallel_access}
        %parallel_loop3A_533 = arith.constant 0 : i32
        %parallel_loop3A_534 = arith.constant 16 : i32
        %parallel_loop3A_535 = arith.constant 1 : i32
        scf.for %parallel_loop3A_615 = %parallel_loop3A_533 to %parallel_loop3A_534 step %parallel_loop3A_535  : i32 {
          %parallel_loop3A_616 = arith.constant 16 : i32
          %parallel_loop3A_617 = arith.muli %parallel_loop3A_615, %parallel_loop3A_616 : i32
          %parallel_loop3A_618 = arith.index_cast %parallel_loop3A_617 : i32 to index
          %parallel_loop3A_619 = tpu.vector_load %arg8[%parallel_loop3A_618] {strides = array<i32>} : memref<4096xi32, #tpu.memory_space<vmem>>, vector<16xi32>,
          %parallel_loop3A_620 = arith.constant 16 : i32
          %parallel_loop3A_621 = arith.muli %parallel_loop3A_615, %parallel_loop3A_620 : i32
          %parallel_loop3A_622 = arith.constant 256 : i32
          %parallel_loop3A_623 = arith.addi %parallel_loop3A_622, %parallel_loop3A_621 : i32
          %parallel_loop3A_624 = arith.index_cast %parallel_loop3A_623 : i32 to index
          %parallel_loop3A_625 = tpu.vector_load %arg8[%parallel_loop3A_624] {strides = array<i32>} : memref<4096xi32, #tpu.memory_space<vmem>>, vector<16xi32>,
          %parallel_loop3A_626 = arith.addi %parallel_loop3A_619, %parallel_loop3A_625 : vector<16xi32>
          %parallel_loop3A_627 = arith.constant 16 : i32
          %parallel_loop3A_628 = arith.muli %parallel_loop3A_615, %parallel_loop3A_627 : i32
          %parallel_loop3A_629 = arith.constant 512 : i32
          %parallel_loop3A_630 = arith.addi %parallel_loop3A_629, %parallel_loop3A_628 : i32
          %parallel_loop3A_631 = arith.index_cast %parallel_loop3A_630 : i32 to index
          %parallel_loop3A_632 = tpu.vector_load %arg8[%parallel_loop3A_631] {strides = array<i32>} : memref<4096xi32, #tpu.memory_space<vmem>>, vector<16xi32>,
          %parallel_loop3A_633 = arith.addi %parallel_loop3A_626, %parallel_loop3A_632 : vector<16xi32>
          %parallel_loop3A_634 = arith.constant 16 : i32
          %parallel_loop3A_635 = arith.muli %parallel_loop3A_615, %parallel_loop3A_634 : i32
          %parallel_loop3A_636 = arith.constant 768 : i32
          %parallel_loop3A_637 = arith.addi %parallel_loop3A_636, %parallel_loop3A_635 : i32
          %parallel_loop3A_638 = arith.index_cast %parallel_loop3A_637 : i32 to index
          %parallel_loop3A_639 = tpu.vector_load %arg8[%parallel_loop3A_638] {strides = array<i32>} : memref<4096xi32, #tpu.memory_space<vmem>>, vector<16xi32>,
          %parallel_loop3A_640 = arith.addi %parallel_loop3A_633, %parallel_loop3A_639 : vector<16xi32>
          %parallel_loop3A_641 = arith.constant 16 : i32
          %parallel_loop3A_642 = arith.muli %parallel_loop3A_615, %parallel_loop3A_641 : i32
          %parallel_loop3A_643 = arith.constant 1024 : i32
          %parallel_loop3A_644 = arith.addi %parallel_loop3A_643, %parallel_loop3A_642 : i32
          %parallel_loop3A_645 = arith.index_cast %parallel_loop3A_644 : i32 to index
          %parallel_loop3A_646 = tpu.vector_load %arg8[%parallel_loop3A_645] {strides = array<i32>} : memref<4096xi32, #tpu.memory_space<vmem>>, vector<16xi32>,
          %parallel_loop3A_647 = arith.addi %parallel_loop3A_640, %parallel_loop3A_646 : vector<16xi32>
          %parallel_loop3A_648 = arith.constant 16 : i32
          %parallel_loop3A_649 = arith.muli %parallel_loop3A_615, %parallel_loop3A_648 : i32
          %parallel_loop3A_650 = arith.constant 1280 : i32
          %parallel_loop3A_651 = arith.addi %parallel_loop3A_650, %parallel_loop3A_649 : i32
          %parallel_loop3A_652 = arith.index_cast %parallel_loop3A_651 : i32 to index
          %parallel_loop3A_653 = tpu.vector_load %arg8[%parallel_loop3A_652] {strides = array<i32>} : memref<4096xi32, #tpu.memory_space<vmem>>, vector<16xi32>,
          %parallel_loop3A_654 = arith.addi %parallel_loop3A_647, %parallel_loop3A_653 : vector<16xi32>
          %parallel_loop3A_655 = arith.constant 16 : i32
          %parallel_loop3A_656 = arith.muli %parallel_loop3A_615, %parallel_loop3A_655 : i32
          %parallel_loop3A_657 = arith.constant 1536 : i32
          %parallel_loop3A_658 = arith.addi %parallel_loop3A_657, %parallel_loop3A_656 : i32
          %parallel_loop3A_659 = arith.index_cast %parallel_loop3A_658 : i32 to index
          %parallel_loop3A_660 = tpu.vector_load %arg8[%parallel_loop3A_659] {strides = array<i32>} : memref<4096xi32, #tpu.memory_space<vmem>>, vector<16xi32>,
          %parallel_loop3A_661 = arith.addi %parallel_loop3A_654, %parallel_loop3A_660 : vector<16xi32>
          %parallel_loop3A_662 = arith.constant 16 : i32
          %parallel_loop3A_663 = arith.muli %parallel_loop3A_615, %parallel_loop3A_662 : i32
          %parallel_loop3A_664 = arith.constant 1792 : i32
          %parallel_loop3A_665 = arith.addi %parallel_loop3A_664, %parallel_loop3A_663 : i32
          %parallel_loop3A_666 = arith.index_cast %parallel_loop3A_665 : i32 to index
          %parallel_loop3A_667 = tpu.vector_load %arg8[%parallel_loop3A_666] {strides = array<i32>} : memref<4096xi32, #tpu.memory_space<vmem>>, vector<16xi32>,
          %parallel_loop3A_668 = arith.addi %parallel_loop3A_661, %parallel_loop3A_667 : vector<16xi32>
          %parallel_loop3A_669 = arith.constant 16 : i32
          %parallel_loop3A_670 = arith.muli %parallel_loop3A_615, %parallel_loop3A_669 : i32
          %parallel_loop3A_671 = arith.constant 2048 : i32
          %parallel_loop3A_672 = arith.addi %parallel_loop3A_671, %parallel_loop3A_670 : i32
          %parallel_loop3A_673 = arith.index_cast %parallel_loop3A_672 : i32 to index
          %parallel_loop3A_674 = tpu.vector_load %arg8[%parallel_loop3A_673] {strides = array<i32>} : memref<4096xi32, #tpu.memory_space<vmem>>, vector<16xi32>,
          %parallel_loop3A_675 = arith.addi %parallel_loop3A_668, %parallel_loop3A_674 : vector<16xi32>
          %parallel_loop3A_676 = arith.constant 16 : i32
          %parallel_loop3A_677 = arith.muli %parallel_loop3A_615, %parallel_loop3A_676 : i32
          %parallel_loop3A_678 = arith.constant 2304 : i32
          %parallel_loop3A_679 = arith.addi %parallel_loop3A_678, %parallel_loop3A_677 : i32
          %parallel_loop3A_680 = arith.index_cast %parallel_loop3A_679 : i32 to index
          %parallel_loop3A_681 = tpu.vector_load %arg8[%parallel_loop3A_680] {strides = array<i32>} : memref<4096xi32, #tpu.memory_space<vmem>>, vector<16xi32>,
          %parallel_loop3A_682 = arith.addi %parallel_loop3A_675, %parallel_loop3A_681 : vector<16xi32>
          %parallel_loop3A_683 = arith.constant 16 : i32
          %parallel_loop3A_684 = arith.muli %parallel_loop3A_615, %parallel_loop3A_683 : i32
          %parallel_loop3A_685 = arith.constant 2560 : i32
          %parallel_loop3A_686 = arith.addi %parallel_loop3A_685, %parallel_loop3A_684 : i32
          %parallel_loop3A_687 = arith.index_cast %parallel_loop3A_686 : i32 to index
          %parallel_loop3A_688 = tpu.vector_load %arg8[%parallel_loop3A_687] {strides = array<i32>} : memref<4096xi32, #tpu.memory_space<vmem>>, vector<16xi32>,
          %parallel_loop3A_689 = arith.addi %parallel_loop3A_682, %parallel_loop3A_688 : vector<16xi32>
          %parallel_loop3A_690 = arith.constant 16 : i32
          %parallel_loop3A_691 = arith.muli %parallel_loop3A_615, %parallel_loop3A_690 : i32
          %parallel_loop3A_692 = arith.constant 2816 : i32
          %parallel_loop3A_693 = arith.addi %parallel_loop3A_692, %parallel_loop3A_691 : i32
          %parallel_loop3A_694 = arith.index_cast %parallel_loop3A_693 : i32 to index
          %parallel_loop3A_695 = tpu.vector_load %arg8[%parallel_loop3A_694] {strides = array<i32>} : memref<4096xi32, #tpu.memory_space<vmem>>, vector<16xi32>,
          %parallel_loop3A_696 = arith.addi %parallel_loop3A_689, %parallel_loop3A_695 : vector<16xi32>
          %parallel_loop3A_697 = arith.constant 16 : i32
          %parallel_loop3A_698 = arith.muli %parallel_loop3A_615, %parallel_loop3A_697 : i32
          %parallel_loop3A_699 = arith.constant 3072 : i32
          %parallel_loop3A_700 = arith.addi %parallel_loop3A_699, %parallel_loop3A_698 : i32
          %parallel_loop3A_701 = arith.index_cast %parallel_loop3A_700 : i32 to index
          %parallel_loop3A_702 = tpu.vector_load %arg8[%parallel_loop3A_701] {strides = array<i32>} : memref<4096xi32, #tpu.memory_space<vmem>>, vector<16xi32>,
          %parallel_loop3A_703 = arith.addi %parallel_loop3A_696, %parallel_loop3A_702 : vector<16xi32>
          %parallel_loop3A_704 = arith.constant 16 : i32
          %parallel_loop3A_705 = arith.muli %parallel_loop3A_615, %parallel_loop3A_704 : i32
          %parallel_loop3A_706 = arith.constant 3328 : i32
          %parallel_loop3A_707 = arith.addi %parallel_loop3A_706, %parallel_loop3A_705 : i32
          %parallel_loop3A_708 = arith.index_cast %parallel_loop3A_707 : i32 to index
          %parallel_loop3A_709 = tpu.vector_load %arg8[%parallel_loop3A_708] {strides = array<i32>} : memref<4096xi32, #tpu.memory_space<vmem>>, vector<16xi32>,
          %parallel_loop3A_710 = arith.addi %parallel_loop3A_703, %parallel_loop3A_709 : vector<16xi32>
          %parallel_loop3A_711 = arith.constant 16 : i32
          %parallel_loop3A_712 = arith.muli %parallel_loop3A_615, %parallel_loop3A_711 : i32
          %parallel_loop3A_713 = arith.constant 3584 : i32
          %parallel_loop3A_714 = arith.addi %parallel_loop3A_713, %parallel_loop3A_712 : i32
          %parallel_loop3A_715 = arith.index_cast %parallel_loop3A_714 : i32 to index
          %parallel_loop3A_716 = tpu.vector_load %arg8[%parallel_loop3A_715] {strides = array<i32>} : memref<4096xi32, #tpu.memory_space<vmem>>, vector<16xi32>,
          %parallel_loop3A_717 = arith.addi %parallel_loop3A_710, %parallel_loop3A_716 : vector<16xi32>
          %parallel_loop3A_718 = arith.constant 16 : i32
          %parallel_loop3A_719 = arith.muli %parallel_loop3A_615, %parallel_loop3A_718 : i32
          %parallel_loop3A_720 = arith.constant 3840 : i32
          %parallel_loop3A_721 = arith.addi %parallel_loop3A_720, %parallel_loop3A_719 : i32
          %parallel_loop3A_722 = arith.index_cast %parallel_loop3A_721 : i32 to index
          %parallel_loop3A_723 = tpu.vector_load %arg8[%parallel_loop3A_722] {strides = array<i32>} : memref<4096xi32, #tpu.memory_space<vmem>>, vector<16xi32>,
          %parallel_loop3A_724 = arith.addi %parallel_loop3A_717, %parallel_loop3A_723 : vector<16xi32>
          %parallel_loop3A_725 = arith.constant 15 : i32
          %parallel_loop3A_726 = vector.broadcast %parallel_loop3A_725 : i32 to vector<16xi32>
          %parallel_loop3A_727 = tpu.iota {dimensions = array<i32: 0>} : vector<16xi32>
          %parallel_loop3A_728 = arith.subi %parallel_loop3A_726, %parallel_loop3A_727 : vector<16xi32>
          %parallel_loop3A_729 = tpu.dynamic_gather %parallel_loop3A_724[%parallel_loop3A_728] in [0] : vector<16xi32>, vector<16xi32> -> vector<16xi32>
          %parallel_loop3A_730 = arith.constant true
          %parallel_loop3A_731 = vector.broadcast %parallel_loop3A_730 : i1 to vector<16xi1>
          %parallel_loop3A_732 = tpu.scan <sum>, %parallel_loop3A_729 masked %parallel_loop3A_731 : vector<16xi32>, vector<16xi1> -> vector<16xi32>
          %parallel_loop3A_733 = arith.constant 15 : i32
          %parallel_loop3A_734 = vector.broadcast %parallel_loop3A_733 : i32 to vector<16xi32>
          %parallel_loop3A_735 = tpu.iota {dimensions = array<i32: 0>} : vector<16xi32>
          %parallel_loop3A_736 = arith.subi %parallel_loop3A_734, %parallel_loop3A_735 : vector<16xi32>
          %parallel_loop3A_737 = tpu.dynamic_gather %parallel_loop3A_732[%parallel_loop3A_736] in [0] : vector<16xi32>, vector<16xi32> -> vector<16xi32>
          %parallel_loop3A_738 = arith.constant 16 : i32
          %parallel_loop3A_739 = arith.muli %parallel_loop3A_615, %parallel_loop3A_738 : i32
          %parallel_loop3A_740 = arith.index_cast %parallel_loop3A_739 : i32 to index
          %parallel_loop3A_741 = tpu.vector_load %arg9[%parallel_loop3A_740] {strides = array<i32>} : memref<256xi32, #tpu.memory_space<vmem>>, vector<16xi32>,
          tpu.vector_store %arg9[%parallel_loop3A_740], %parallel_loop3A_737 {strides = array<i32>} : memref<256xi32, #tpu.memory_space<vmem>>, vector<16xi32>,
        } {sc.loop_unroll_factor = 2 : i64, sc.parallel_access}
        %broadcast_in_dim3A_536 = vector.broadcast %scan3A_515 : i32 to vector<16xi32>
        %mul3A_537 = arith.constant 16 : i32
        %mul3A_538 = vector.broadcast %mul3A_537 : i32 to vector<16xi32>
        %mul3A_539 = arith.muli %iota3A, %mul3A_538 : vector<16xi32>
        %gather3A_540 = tpu.vector_load_idx %arg9[%mul3A_539] : memref<256xi32, #tpu.memory_space<vmem>>[vector<16xi32>], vector<16xi32>,
        %rev3A_541 = arith.constant 15 : i32
        %rev3A_542 = vector.broadcast %rev3A_541 : i32 to vector<16xi32>
        %rev3A_543 = tpu.iota {dimensions = array<i32: 0>} : vector<16xi32>
        %rev3A_544 = arith.subi %rev3A_542, %rev3A_543 : vector<16xi32>
        %rev3A_545 = tpu.dynamic_gather %gather3A_540[%rev3A_544] in [0] : vector<16xi32>, vector<16xi32> -> vector<16xi32>
        %cumsum3A_546 = arith.constant true
        %cumsum3A_547 = vector.broadcast %cumsum3A_546 : i1 to vector<16xi1>
        %cumsum3A_548 = tpu.scan <sum>, %rev3A_545 masked %cumsum3A_547 : vector<16xi32>, vector<16xi1> -> vector<16xi32>
        %rev3A_549 = arith.constant 15 : i32
        %rev3A_550 = vector.broadcast %rev3A_549 : i32 to vector<16xi32>
        %rev3A_551 = tpu.iota {dimensions = array<i32: 0>} : vector<16xi32>
        %rev3A_552 = arith.subi %rev3A_550, %rev3A_551 : vector<16xi32>
        %rev3A_553 = tpu.dynamic_gather %cumsum3A_548[%rev3A_552] in [0] : vector<16xi32>, vector<16xi32> -> vector<16xi32>
        %lt3A_554 = arith.cmpi slt, %rev3A_553, %broadcast_in_dim3A_536 : vector<16xi32>
        %jit3A_555 = arith.constant 0 : i32
        %broadcast_in_dim3A_556 = vector.broadcast %jit3A_555 : i32 to vector<16xi32>
        %select_n3A_557 = arith.select %lt3A_554, %rev3A_553, %broadcast_in_dim3A_556 : vector<16xi1>, vector<16xi32>
        %reduce_max3A_558 = arith.constant true
        %reduce_max3A_559 = vector.broadcast %reduce_max3A_558 : i1 to vector<16xi1>
        %reduce_max3A_560 = arith.constant -2147483648 : i32
        %reduce_max3A_561 = vector.broadcast %reduce_max3A_560 : i32 to vector<16xi32>
        %reduce_max3A_562 = arith.xori %select_n3A_557, %reduce_max3A_561 : vector<16xi32>
        %reduce_max3A_563 = tpu.scan <max>, %reduce_max3A_562 masked %reduce_max3A_559 : vector<16xi32>, vector<16xi1> -> vector<16xi32>
        %reduce_max3A_564 = arith.xori %reduce_max3A_563, %reduce_max3A_561 : vector<16xi32>
        %reduce_max3A_565 = vector.extract %reduce_max3A_564[15] : i32 from vector<16xi32>
        %ge3A_566 = arith.cmpi sge, %rev3A_553, %broadcast_in_dim3A_536 : vector<16xi32>
        %jit3A_567 = arith.constant 1 : i32
        %jit3A_568 = arith.constant 0 : i32
        %broadcast_in_dim3A_569 = vector.broadcast %jit3A_567 : i32 to vector<16xi32>
        %broadcast_in_dim3A_570 = vector.broadcast %jit3A_568 : i32 to vector<16xi32>
        %select_n3A_571 = arith.select %ge3A_566, %broadcast_in_dim3A_569, %broadcast_in_dim3A_570 : vector<16xi1>, vector<16xi32>
        %reduce_sum3A_572 = arith.constant true
        %reduce_sum3A_573 = vector.broadcast %reduce_sum3A_572 : i1 to vector<16xi1>
        %reduce_sum3A_574 = tpu.scan <sum>, %select_n3A_571 masked %reduce_sum3A_573 : vector<16xi32>, vector<16xi1> -> vector<16xi32>
        %reduce_sum3A_575 = vector.extract %reduce_sum3A_574[15] : i32 from vector<16xi32>
        %sub3A_576 = arith.constant 1 : i32
        %sub3A_577 = arith.subi %reduce_sum3A_575, %sub3A_576 : i32
        %mul3A_578 = arith.constant 16 : i32
        %mul3A_579 = arith.muli %sub3A_577, %mul3A_578 : i32
        %get3A_580 = arith.index_cast %mul3A_579 : i32 to index
        %get3A_581 = tpu.vector_load %arg9[%get3A_580] {strides = array<i32>} : memref<256xi32, #tpu.memory_space<vmem>>, vector<16xi32>,
        %add3A_582 = vector.broadcast %reduce_max3A_565 : i32 to vector<16xi32>
        %add3A_583 = arith.addi %get3A_581, %add3A_582 : vector<16xi32>
        %ge3A_584 = arith.cmpi sge, %add3A_583, %broadcast_in_dim3A_536 : vector<16xi32>
        %jit3A_585 = arith.constant 1 : i32
        %jit3A_586 = arith.constant 0 : i32
        %broadcast_in_dim3A_587 = vector.broadcast %jit3A_585 : i32 to vector<16xi32>
        %broadcast_in_dim3A_588 = vector.broadcast %jit3A_586 : i32 to vector<16xi32>
        %select_n3A_589 = arith.select %ge3A_584, %broadcast_in_dim3A_587, %broadcast_in_dim3A_588 : vector<16xi1>, vector<16xi32>
        %reduce_sum3A_590 = arith.constant true
        %reduce_sum3A_591 = vector.broadcast %reduce_sum3A_590 : i1 to vector<16xi1>
        %reduce_sum3A_592 = tpu.scan <sum>, %select_n3A_589 masked %reduce_sum3A_591 : vector<16xi32>, vector<16xi1> -> vector<16xi32>
        %reduce_sum3A_593 = vector.extract %reduce_sum3A_592[15] : i32 from vector<16xi32>
        %mul3A_594 = arith.constant 16 : i32
        %mul3A_595 = arith.muli %sub3A_577, %mul3A_594 : i32
        %add3A_596 = arith.addi %mul3A_595, %reduce_sum3A_593 : i32
        %sub3A_597 = arith.constant 1 : i32
        %sub3A_598 = arith.subi %add3A_596, %sub3A_597 : i32
        %lt3A_599 = arith.cmpi slt, %add3A_583, %broadcast_in_dim3A_536 : vector<16xi32>
        %jit3A_600 = arith.constant 0 : i32
        %broadcast_in_dim3A_601 = vector.broadcast %jit3A_600 : i32 to vector<16xi32>
        %select_n3A_602 = arith.select %lt3A_599, %add3A_583, %broadcast_in_dim3A_601 : vector<16xi1>, vector<16xi32>
        %reduce_max3A_603 = arith.constant true
        %reduce_max3A_604 = vector.broadcast %reduce_max3A_603 : i1 to vector<16xi1>
        %reduce_max3A_605 = arith.constant -2147483648 : i32
        %reduce_max3A_606 = vector.broadcast %reduce_max3A_605 : i32 to vector<16xi32>
        %reduce_max3A_607 = arith.xori %select_n3A_602, %reduce_max3A_606 : vector<16xi32>
        %reduce_max3A_608 = tpu.scan <max>, %reduce_max3A_607 masked %reduce_max3A_604 : vector<16xi32>, vector<16xi1> -> vector<16xi32>
        %reduce_max3A_609 = arith.xori %reduce_max3A_608, %reduce_max3A_606 : vector<16xi32>
        %reduce_max3A_610 = vector.extract %reduce_max3A_609[15] : i32 from vector<16xi32>
        %max3A_611 = arith.maxsi %reduce_max3A_565, %reduce_max3A_610 : i32
        %shift_left3A_612 = arith.shli %sub3A_598, %sub3A_519 : i32
        %or3A_613 = arith.ori %scan3A_514, %shift_left3A_612 : i32
        %sub3A_614 = arith.subi %scan3A_515, %max3A_611 : i32
        scf.yield %or3A_613, %sub3A_614 : i32, i32
      }
      %scan3A_246 = arith.constant 2 : i32
      %broadcast_in_dim3A_247 = vector.broadcast %scan3A_245#0 : i32 to vector<16xi32>
      %bitcast_convert_type3A = tpu.bitcast %broadcast_in_dim3A_247 : vector<16xi32> -> vector<16xf32>
      %reduce_max3A_248 = arith.constant true
      %reduce_max3A_249 = vector.broadcast %reduce_max3A_248 : i1 to vector<16xi1>
      %reduce_max3A_250 = tpu.scan <max>, %bitcast_convert_type3A masked %reduce_max3A_249 : vector<16xf32>, vector<16xi1> -> vector<16xf32>
      %reduce_max3A_251 = vector.extract %reduce_max3A_250[15] : f32 from vector<16xf32>
      %broadcast_in_dim3A_252 = arith.constant 0.000000e+00 : f32
      %broadcast_in_dim3A_253 = vector.broadcast %broadcast_in_dim3A_252 : f32 to vector<16xf32>
      %parallel_loop3A_254 = arith.constant 0 : i32
      %parallel_loop3A_255 = arith.constant 2048 : i32
      %parallel_loop3A_256 = arith.constant 1 : i32
      %parallel_loop3A_257:2 = scf.for %parallel_loop3A_513 = %parallel_loop3A_254 to %parallel_loop3A_255 step %parallel_loop3A_256 iter_args(%parallel_loop3A_514 = %broadcast_in_dim3A_253, %parallel_loop3A_515 = %broadcast_in_dim3A_6) -> (vector<16xf32>, vector<16xi32>)  : i32 {
        %parallel_loop3A_516 = arith.constant 16 : i32
        %parallel_loop3A_517 = arith.muli %parallel_loop3A_513, %parallel_loop3A_516 : i32
        %parallel_loop3A_518 = arith.index_cast %parallel_loop3A_517 : i32 to index
        %parallel_loop3A_519 = tpu.vector_load %arg5[%parallel_loop3A_518] {strides = array<i32>} : memref<32768xf32, #tpu.memory_space<vmem>>, vector<16xf32>,
        %parallel_loop3A_520 = arith.cmpf ogt, %parallel_loop3A_519, %bitcast_convert_type3A : vector<16xf32>
        %parallel_loop3A_521 = arith.constant 0.000000e+00 : f32
        %parallel_loop3A_522 = vector.broadcast %parallel_loop3A_521 : f32 to vector<16xf32>
        %parallel_loop3A_523 = arith.select %parallel_loop3A_520, %parallel_loop3A_519, %parallel_loop3A_522 : vector<16xi1>, vector<16xf32>
        %parallel_loop3A_524 = arith.addf %parallel_loop3A_514, %parallel_loop3A_523 : vector<16xf32>
        %parallel_loop3A_525 = arith.constant 1 : i32
        %parallel_loop3A_526 = arith.constant 0 : i32
        %parallel_loop3A_527 = vector.broadcast %parallel_loop3A_525 : i32 to vector<16xi32>
        %parallel_loop3A_528 = vector.broadcast %parallel_loop3A_526 : i32 to vector<16xi32>
        %parallel_loop3A_529 = arith.select %parallel_loop3A_520, %parallel_loop3A_527, %parallel_loop3A_528 : vector<16xi1>, vector<16xi32>
        %parallel_loop3A_530 = arith.addi %parallel_loop3A_515, %parallel_loop3A_529 : vector<16xi32>
        scf.yield %parallel_loop3A_524, %parallel_loop3A_530 : vector<16xf32>, vector<16xi32>
      } {sc.loop_unroll_factor = 16 : i64, sc.parallel_access}
      %reduce_sum3A_258 = arith.constant true
      %reduce_sum3A_259 = vector.broadcast %reduce_sum3A_258 : i1 to vector<16xi1>
      %reduce_sum3A_260 = tpu.scan <sum>, %parallel_loop3A_257#0 masked %reduce_sum3A_259 : vector<16xf32>, vector<16xi1> -> vector<16xf32>
      %reduce_sum3A_261 = vector.extract %reduce_sum3A_260[15] : f32 from vector<16xf32>
      %reduce_sum3A_262 = arith.constant true
      %reduce_sum3A_263 = vector.broadcast %reduce_sum3A_262 : i1 to vector<16xi1>
      %reduce_sum3A_264 = tpu.scan <sum>, %parallel_loop3A_257#1 masked %reduce_sum3A_263 : vector<16xi32>, vector<16xi1> -> vector<16xi32>
      %reduce_sum3A_265 = vector.extract %reduce_sum3A_264[15] : i32 from vector<16xi32>
      %sub3A_266 = arith.constant 3276 : i32
      %sub3A_267 = arith.subi %sub3A_266, %reduce_sum3A_265 : i32
      %convert_element_type3A = arith.sitofp %sub3A_267 : i32 to f32
      %mul3A_268 = arith.mulf %convert_element_type3A, %reduce_max3A_251 : f32
      %add3A_269 = arith.addf %reduce_sum3A_261, %mul3A_268 : f32
      %dma_wait3A_270 = arith.constant 0 : i32
      %dma_wait3A_271 = arith.constant 0 : i32
      %dma_wait3A_272 = tpu.memref_slice %arg2[%dma_wait3A_270, %dma_wait3A_271] : memref<128x32768xf32, #tpu.memory_space<hbm>> -> memref<1x32768xf32, #tpu.memory_space<hbm>>
      %dma_wait3A_273 = tpu.memref_squeeze %dma_wait3A_272 : memref<1x32768xf32, #tpu.memory_space<hbm>> -> memref<32768xf32, #tpu.memory_space<hbm>>
      %dma_wait3A_274 = arith.constant 0 : i32
      %dma_wait3A_275 = tpu.memref_slice %arg2[%dma_wait3A_270, %dma_wait3A_274] : memref<128x32768xf32, #tpu.memory_space<hbm>> -> memref<1x32768xf32, #tpu.memory_space<hbm>>
      %dma_wait3A_276 = tpu.memref_squeeze %dma_wait3A_275 : memref<1x32768xf32, #tpu.memory_space<hbm>> -> memref<32768xf32, #tpu.memory_space<hbm>>
      tpu.wait_dma2 semaphore(%arg11 : memref<!tpu.dma_semaphore, #tpu.memory_space<semaphore_mem>>) src(%dma_wait3A_276 : memref<32768xf32, #tpu.memory_space<hbm>>) dst(%arg5 : memref<32768xf32, #tpu.memory_space<vmem>>)
      %dma_wait3A_277 = arith.constant 0 : i32
      %dma_wait3A_278 = arith.constant 0 : i32
      %dma_wait3A_279 = tpu.memref_slice %arg3[%dma_wait3A_277, %dma_wait3A_278] : memref<128x32768xf32, #tpu.memory_space<hbm>> -> memref<1x32768xf32, #tpu.memory_space<hbm>>
      %dma_wait3A_280 = tpu.memref_squeeze %dma_wait3A_279 : memref<1x32768xf32, #tpu.memory_space<hbm>> -> memref<32768xf32, #tpu.memory_space<hbm>>
      %dma_wait3A_281 = arith.constant 0 : i32
      %dma_wait3A_282 = tpu.memref_slice %arg3[%dma_wait3A_277, %dma_wait3A_281] : memref<128x32768xf32, #tpu.memory_space<hbm>> -> memref<1x32768xf32, #tpu.memory_space<hbm>>
      %dma_wait3A_283 = tpu.memref_squeeze %dma_wait3A_282 : memref<1x32768xf32, #tpu.memory_space<hbm>> -> memref<32768xf32, #tpu.memory_space<hbm>>
      tpu.wait_dma2 semaphore(%arg12 : memref<!tpu.dma_semaphore, #tpu.memory_space<semaphore_mem>>) src(%dma_wait3A_283 : memref<32768xf32, #tpu.memory_space<hbm>>) dst(%arg7 : memref<32768xf32, #tpu.memory_space<vmem>>)
      %parallel_loop3A_284 = arith.constant 0 : i32
      %parallel_loop3A_285 = arith.constant 256 : i32
      %parallel_loop3A_286 = arith.constant 1 : i32
      scf.for %parallel_loop3A_513 = %parallel_loop3A_284 to %parallel_loop3A_285 step %parallel_loop3A_286  : i32 {
        %parallel_loop3A_514 = arith.constant 16 : i32
        %parallel_loop3A_515 = arith.muli %parallel_loop3A_513, %parallel_loop3A_514 : i32
        %parallel_loop3A_516 = arith.index_cast %parallel_loop3A_515 : i32 to index
        %parallel_loop3A_517 = tpu.vector_load %arg8[%parallel_loop3A_516] {strides = array<i32>} : memref<4096xi32, #tpu.memory_space<vmem>>, vector<16xi32>,
        tpu.vector_store %arg8[%parallel_loop3A_516], %broadcast_in_dim3A_6 {strides = array<i32>} : memref<4096xi32, #tpu.memory_space<vmem>>, vector<16xi32>,
      } {sc.loop_unroll_factor = 16 : i64, sc.parallel_access}
      %parallel_loop3A_287 = arith.constant 0 : i32
      %parallel_loop3A_288 = arith.constant 2048 : i32
      %parallel_loop3A_289 = arith.constant 1 : i32
      scf.for %parallel_loop3A_513 = %parallel_loop3A_287 to %parallel_loop3A_288 step %parallel_loop3A_289  : i32 {
        %parallel_loop3A_514 = arith.constant 16 : i32
        %parallel_loop3A_515 = arith.muli %parallel_loop3A_513, %parallel_loop3A_514 : i32
        %parallel_loop3A_516 = arith.index_cast %parallel_loop3A_515 : i32 to index
        %parallel_loop3A_517 = tpu.vector_load %arg6[%parallel_loop3A_516] {strides = array<i32>} : memref<32768xf32, #tpu.memory_space<vmem>>, vector<16xf32>,
        %parallel_loop3A_518 = arith.index_cast %parallel_loop3A_515 : i32 to index
        %parallel_loop3A_519 = tpu.vector_load %arg7[%parallel_loop3A_518] {strides = array<i32>} : memref<32768xf32, #tpu.memory_space<vmem>>, vector<16xf32>,
        %parallel_loop3A_520 = arith.subf %parallel_loop3A_517, %parallel_loop3A_519 : vector<16xf32>
        %parallel_loop3A_521 = math.absf %parallel_loop3A_520 : vector<16xf32>
        %parallel_loop3A_522 = arith.index_cast %parallel_loop3A_515 : i32 to index
        %parallel_loop3A_523 = tpu.vector_load %arg6[%parallel_loop3A_522] {strides = array<i32>} : memref<32768xf32, #tpu.memory_space<vmem>>, vector<16xf32>,
        tpu.vector_store %arg6[%parallel_loop3A_522], %parallel_loop3A_521 {strides = array<i32>} : memref<32768xf32, #tpu.memory_space<vmem>>, vector<16xf32>,
        %parallel_loop3A_524 = tpu.bitcast %parallel_loop3A_521 : vector<16xf32> -> vector<16xi32>
        %parallel_loop3A_525 = arith.constant 24 : i32
        %parallel_loop3A_526 = vector.broadcast %parallel_loop3A_525 : i32 to vector<16xi32>
        %parallel_loop3A_527 = arith.shrui %parallel_loop3A_524, %parallel_loop3A_526 : vector<16xi32>
        %parallel_loop3A_528 = arith.addi %mul3A_3, %parallel_loop3A_527 : vector<16xi32>
        tpu.vector_store_idx %arg8[%parallel_loop3A_528], %broadcast_in_dim3A_4 {add = true} : memref<4096xi32, #tpu.memory_space<vmem>>[vector<16xi32>], vector<16xi32>,
      } {sc.loop_unroll_factor = 16 : i64, sc.parallel_access}
      %parallel_loop3A_290 = arith.constant 0 : i32
      %parallel_loop3A_291 = arith.constant 16 : i32
      %parallel_loop3A_292 = arith.constant 1 : i32
      scf.for %parallel_loop3A_513 = %parallel_loop3A_290 to %parallel_loop3A_291 step %parallel_loop3A_292  : i32 {
        %parallel_loop3A_514 = arith.constant 16 : i32
        %parallel_loop3A_515 = arith.muli %parallel_loop3A_513, %parallel_loop3A_514 : i32
        %parallel_loop3A_516 = arith.index_cast %parallel_loop3A_515 : i32 to index
        %parallel_loop3A_517 = tpu.vector_load %arg8[%parallel_loop3A_516] {strides = array<i32>} : memref<4096xi32, #tpu.memory_space<vmem>>, vector<16xi32>,
        %parallel_loop3A_518 = arith.constant 16 : i32
        %parallel_loop3A_519 = arith.muli %parallel_loop3A_513, %parallel_loop3A_518 : i32
        %parallel_loop3A_520 = arith.constant 256 : i32
        %parallel_loop3A_521 = arith.addi %parallel_loop3A_520, %parallel_loop3A_519 : i32
        %parallel_loop3A_522 = arith.index_cast %parallel_loop3A_521 : i32 to index
        %parallel_loop3A_523 = tpu.vector_load %arg8[%parallel_loop3A_522] {strides = array<i32>} : memref<4096xi32, #tpu.memory_space<vmem>>, vector<16xi32>,
        %parallel_loop3A_524 = arith.addi %parallel_loop3A_517, %parallel_loop3A_523 : vector<16xi32>
        %parallel_loop3A_525 = arith.constant 16 : i32
        %parallel_loop3A_526 = arith.muli %parallel_loop3A_513, %parallel_loop3A_525 : i32
        %parallel_loop3A_527 = arith.constant 512 : i32
        %parallel_loop3A_528 = arith.addi %parallel_loop3A_527, %parallel_loop3A_526 : i32
        %parallel_loop3A_529 = arith.index_cast %parallel_loop3A_528 : i32 to index
        %parallel_loop3A_530 = tpu.vector_load %arg8[%parallel_loop3A_529] {strides = array<i32>} : memref<4096xi32, #tpu.memory_space<vmem>>, vector<16xi32>,
        %parallel_loop3A_531 = arith.addi %parallel_loop3A_524, %parallel_loop3A_530 : vector<16xi32>
        %parallel_loop3A_532 = arith.constant 16 : i32
        %parallel_loop3A_533 = arith.muli %parallel_loop3A_513, %parallel_loop3A_532 : i32
        %parallel_loop3A_534 = arith.constant 768 : i32
        %parallel_loop3A_535 = arith.addi %parallel_loop3A_534, %parallel_loop3A_533 : i32
        %parallel_loop3A_536 = arith.index_cast %parallel_loop3A_535 : i32 to index
        %parallel_loop3A_537 = tpu.vector_load %arg8[%parallel_loop3A_536] {strides = array<i32>} : memref<4096xi32, #tpu.memory_space<vmem>>, vector<16xi32>,
        %parallel_loop3A_538 = arith.addi %parallel_loop3A_531, %parallel_loop3A_537 : vector<16xi32>
        %parallel_loop3A_539 = arith.constant 16 : i32
        %parallel_loop3A_540 = arith.muli %parallel_loop3A_513, %parallel_loop3A_539 : i32
        %parallel_loop3A_541 = arith.constant 1024 : i32
        %parallel_loop3A_542 = arith.addi %parallel_loop3A_541, %parallel_loop3A_540 : i32
        %parallel_loop3A_543 = arith.index_cast %parallel_loop3A_542 : i32 to index
        %parallel_loop3A_544 = tpu.vector_load %arg8[%parallel_loop3A_543] {strides = array<i32>} : memref<4096xi32, #tpu.memory_space<vmem>>, vector<16xi32>,
        %parallel_loop3A_545 = arith.addi %parallel_loop3A_538, %parallel_loop3A_544 : vector<16xi32>
        %parallel_loop3A_546 = arith.constant 16 : i32
        %parallel_loop3A_547 = arith.muli %parallel_loop3A_513, %parallel_loop3A_546 : i32
        %parallel_loop3A_548 = arith.constant 1280 : i32
        %parallel_loop3A_549 = arith.addi %parallel_loop3A_548, %parallel_loop3A_547 : i32
        %parallel_loop3A_550 = arith.index_cast %parallel_loop3A_549 : i32 to index
        %parallel_loop3A_551 = tpu.vector_load %arg8[%parallel_loop3A_550] {strides = array<i32>} : memref<4096xi32, #tpu.memory_space<vmem>>, vector<16xi32>,
        %parallel_loop3A_552 = arith.addi %parallel_loop3A_545, %parallel_loop3A_551 : vector<16xi32>
        %parallel_loop3A_553 = arith.constant 16 : i32
        %parallel_loop3A_554 = arith.muli %parallel_loop3A_513, %parallel_loop3A_553 : i32
        %parallel_loop3A_555 = arith.constant 1536 : i32
        %parallel_loop3A_556 = arith.addi %parallel_loop3A_555, %parallel_loop3A_554 : i32
        %parallel_loop3A_557 = arith.index_cast %parallel_loop3A_556 : i32 to index
        %parallel_loop3A_558 = tpu.vector_load %arg8[%parallel_loop3A_557] {strides = array<i32>} : memref<4096xi32, #tpu.memory_space<vmem>>, vector<16xi32>,
        %parallel_loop3A_559 = arith.addi %parallel_loop3A_552, %parallel_loop3A_558 : vector<16xi32>
        %parallel_loop3A_560 = arith.constant 16 : i32
        %parallel_loop3A_561 = arith.muli %parallel_loop3A_513, %parallel_loop3A_560 : i32
        %parallel_loop3A_562 = arith.constant 1792 : i32
        %parallel_loop3A_563 = arith.addi %parallel_loop3A_562, %parallel_loop3A_561 : i32
        %parallel_loop3A_564 = arith.index_cast %parallel_loop3A_563 : i32 to index
        %parallel_loop3A_565 = tpu.vector_load %arg8[%parallel_loop3A_564] {strides = array<i32>} : memref<4096xi32, #tpu.memory_space<vmem>>, vector<16xi32>,
        %parallel_loop3A_566 = arith.addi %parallel_loop3A_559, %parallel_loop3A_565 : vector<16xi32>
        %parallel_loop3A_567 = arith.constant 16 : i32
        %parallel_loop3A_568 = arith.muli %parallel_loop3A_513, %parallel_loop3A_567 : i32
        %parallel_loop3A_569 = arith.constant 2048 : i32
        %parallel_loop3A_570 = arith.addi %parallel_loop3A_569, %parallel_loop3A_568 : i32
        %parallel_loop3A_571 = arith.index_cast %parallel_loop3A_570 : i32 to index
        %parallel_loop3A_572 = tpu.vector_load %arg8[%parallel_loop3A_571] {strides = array<i32>} : memref<4096xi32, #tpu.memory_space<vmem>>, vector<16xi32>,
        %parallel_loop3A_573 = arith.addi %parallel_loop3A_566, %parallel_loop3A_572 : vector<16xi32>
        %parallel_loop3A_574 = arith.constant 16 : i32
        %parallel_loop3A_575 = arith.muli %parallel_loop3A_513, %parallel_loop3A_574 : i32
        %parallel_loop3A_576 = arith.constant 2304 : i32
        %parallel_loop3A_577 = arith.addi %parallel_loop3A_576, %parallel_loop3A_575 : i32
        %parallel_loop3A_578 = arith.index_cast %parallel_loop3A_577 : i32 to index
        %parallel_loop3A_579 = tpu.vector_load %arg8[%parallel_loop3A_578] {strides = array<i32>} : memref<4096xi32, #tpu.memory_space<vmem>>, vector<16xi32>,
        %parallel_loop3A_580 = arith.addi %parallel_loop3A_573, %parallel_loop3A_579 : vector<16xi32>
        %parallel_loop3A_581 = arith.constant 16 : i32
        %parallel_loop3A_582 = arith.muli %parallel_loop3A_513, %parallel_loop3A_581 : i32
        %parallel_loop3A_583 = arith.constant 2560 : i32
        %parallel_loop3A_584 = arith.addi %parallel_loop3A_583, %parallel_loop3A_582 : i32
        %parallel_loop3A_585 = arith.index_cast %parallel_loop3A_584 : i32 to index
        %parallel_loop3A_586 = tpu.vector_load %arg8[%parallel_loop3A_585] {strides = array<i32>} : memref<4096xi32, #tpu.memory_space<vmem>>, vector<16xi32>,
        %parallel_loop3A_587 = arith.addi %parallel_loop3A_580, %parallel_loop3A_586 : vector<16xi32>
        %parallel_loop3A_588 = arith.constant 16 : i32
        %parallel_loop3A_589 = arith.muli %parallel_loop3A_513, %parallel_loop3A_588 : i32
        %parallel_loop3A_590 = arith.constant 2816 : i32
        %parallel_loop3A_591 = arith.addi %parallel_loop3A_590, %parallel_loop3A_589 : i32
        %parallel_loop3A_592 = arith.index_cast %parallel_loop3A_591 : i32 to index
        %parallel_loop3A_593 = tpu.vector_load %arg8[%parallel_loop3A_592] {strides = array<i32>} : memref<4096xi32, #tpu.memory_space<vmem>>, vector<16xi32>,
        %parallel_loop3A_594 = arith.addi %parallel_loop3A_587, %parallel_loop3A_593 : vector<16xi32>
        %parallel_loop3A_595 = arith.constant 16 : i32
        %parallel_loop3A_596 = arith.muli %parallel_loop3A_513, %parallel_loop3A_595 : i32
        %parallel_loop3A_597 = arith.constant 3072 : i32
        %parallel_loop3A_598 = arith.addi %parallel_loop3A_597, %parallel_loop3A_596 : i32
        %parallel_loop3A_599 = arith.index_cast %parallel_loop3A_598 : i32 to index
        %parallel_loop3A_600 = tpu.vector_load %arg8[%parallel_loop3A_599] {strides = array<i32>} : memref<4096xi32, #tpu.memory_space<vmem>>, vector<16xi32>,
        %parallel_loop3A_601 = arith.addi %parallel_loop3A_594, %parallel_loop3A_600 : vector<16xi32>
        %parallel_loop3A_602 = arith.constant 16 : i32
        %parallel_loop3A_603 = arith.muli %parallel_loop3A_513, %parallel_loop3A_602 : i32
        %parallel_loop3A_604 = arith.constant 3328 : i32
        %parallel_loop3A_605 = arith.addi %parallel_loop3A_604, %parallel_loop3A_603 : i32
        %parallel_loop3A_606 = arith.index_cast %parallel_loop3A_605 : i32 to index
        %parallel_loop3A_607 = tpu.vector_load %arg8[%parallel_loop3A_606] {strides = array<i32>} : memref<4096xi32, #tpu.memory_space<vmem>>, vector<16xi32>,
        %parallel_loop3A_608 = arith.addi %parallel_loop3A_601, %parallel_loop3A_607 : vector<16xi32>
        %parallel_loop3A_609 = arith.constant 16 : i32
        %parallel_loop3A_610 = arith.muli %parallel_loop3A_513, %parallel_loop3A_609 : i32
        %parallel_loop3A_611 = arith.constant 3584 : i32
        %parallel_loop3A_612 = arith.addi %parallel_loop3A_611, %parallel_loop3A_610 : i32
        %parallel_loop3A_613 = arith.index_cast %parallel_loop3A_612 : i32 to index
        %parallel_loop3A_614 = tpu.vector_load %arg8[%parallel_loop3A_613] {strides = array<i32>} : memref<4096xi32, #tpu.memory_space<vmem>>, vector<16xi32>,
        %parallel_loop3A_615 = arith.addi %parallel_loop3A_608, %parallel_loop3A_614 : vector<16xi32>
        %parallel_loop3A_616 = arith.constant 16 : i32
        %parallel_loop3A_617 = arith.muli %parallel_loop3A_513, %parallel_loop3A_616 : i32
        %parallel_loop3A_618 = arith.constant 3840 : i32
        %parallel_loop3A_619 = arith.addi %parallel_loop3A_618, %parallel_loop3A_617 : i32
        %parallel_loop3A_620 = arith.index_cast %parallel_loop3A_619 : i32 to index
        %parallel_loop3A_621 = tpu.vector_load %arg8[%parallel_loop3A_620] {strides = array<i32>} : memref<4096xi32, #tpu.memory_space<vmem>>, vector<16xi32>,
        %parallel_loop3A_622 = arith.addi %parallel_loop3A_615, %parallel_loop3A_621 : vector<16xi32>
        %parallel_loop3A_623 = arith.constant 15 : i32
        %parallel_loop3A_624 = vector.broadcast %parallel_loop3A_623 : i32 to vector<16xi32>
        %parallel_loop3A_625 = tpu.iota {dimensions = array<i32: 0>} : vector<16xi32>
        %parallel_loop3A_626 = arith.subi %parallel_loop3A_624, %parallel_loop3A_625 : vector<16xi32>
        %parallel_loop3A_627 = tpu.dynamic_gather %parallel_loop3A_622[%parallel_loop3A_626] in [0] : vector<16xi32>, vector<16xi32> -> vector<16xi32>
        %parallel_loop3A_628 = arith.constant true
        %parallel_loop3A_629 = vector.broadcast %parallel_loop3A_628 : i1 to vector<16xi1>
        %parallel_loop3A_630 = tpu.scan <sum>, %parallel_loop3A_627 masked %parallel_loop3A_629 : vector<16xi32>, vector<16xi1> -> vector<16xi32>
        %parallel_loop3A_631 = arith.constant 15 : i32
        %parallel_loop3A_632 = vector.broadcast %parallel_loop3A_631 : i32 to vector<16xi32>
        %parallel_loop3A_633 = tpu.iota {dimensions = array<i32: 0>} : vector<16xi32>
        %parallel_loop3A_634 = arith.subi %parallel_loop3A_632, %parallel_loop3A_633 : vector<16xi32>
        %parallel_loop3A_635 = tpu.dynamic_gather %parallel_loop3A_630[%parallel_loop3A_634] in [0] : vector<16xi32>, vector<16xi32> -> vector<16xi32>
        %parallel_loop3A_636 = arith.constant 16 : i32
        %parallel_loop3A_637 = arith.muli %parallel_loop3A_513, %parallel_loop3A_636 : i32
        %parallel_loop3A_638 = arith.index_cast %parallel_loop3A_637 : i32 to index
        %parallel_loop3A_639 = tpu.vector_load %arg9[%parallel_loop3A_638] {strides = array<i32>} : memref<256xi32, #tpu.memory_space<vmem>>, vector<16xi32>,
        tpu.vector_store %arg9[%parallel_loop3A_638], %parallel_loop3A_635 {strides = array<i32>} : memref<256xi32, #tpu.memory_space<vmem>>, vector<16xi32>,
      } {sc.loop_unroll_factor = 2 : i64, sc.parallel_access}
      %broadcast_in_dim3A_293 = arith.constant 3276 : i32
      %broadcast_in_dim3A_294 = vector.broadcast %broadcast_in_dim3A_293 : i32 to vector<16xi32>
      %mul3A_295 = arith.constant 16 : i32
      %mul3A_296 = vector.broadcast %mul3A_295 : i32 to vector<16xi32>
      %mul3A_297 = arith.muli %iota3A, %mul3A_296 : vector<16xi32>
      %gather3A_298 = tpu.vector_load_idx %arg9[%mul3A_297] : memref<256xi32, #tpu.memory_space<vmem>>[vector<16xi32>], vector<16xi32>,
      %rev3A_299 = arith.constant 15 : i32
      %rev3A_300 = vector.broadcast %rev3A_299 : i32 to vector<16xi32>
      %rev3A_301 = tpu.iota {dimensions = array<i32: 0>} : vector<16xi32>
      %rev3A_302 = arith.subi %rev3A_300, %rev3A_301 : vector<16xi32>
      %rev3A_303 = tpu.dynamic_gather %gather3A_298[%rev3A_302] in [0] : vector<16xi32>, vector<16xi32> -> vector<16xi32>
      %cumsum3A_304 = arith.constant true
      %cumsum3A_305 = vector.broadcast %cumsum3A_304 : i1 to vector<16xi1>
      %cumsum3A_306 = tpu.scan <sum>, %rev3A_303 masked %cumsum3A_305 : vector<16xi32>, vector<16xi1> -> vector<16xi32>
      %rev3A_307 = arith.constant 15 : i32
      %rev3A_308 = vector.broadcast %rev3A_307 : i32 to vector<16xi32>
      %rev3A_309 = tpu.iota {dimensions = array<i32: 0>} : vector<16xi32>
      %rev3A_310 = arith.subi %rev3A_308, %rev3A_309 : vector<16xi32>
      %rev3A_311 = tpu.dynamic_gather %cumsum3A_306[%rev3A_310] in [0] : vector<16xi32>, vector<16xi32> -> vector<16xi32>
      %lt3A_312 = arith.cmpi slt, %rev3A_311, %broadcast_in_dim3A_294 : vector<16xi32>
      %jit3A_313 = arith.constant 0 : i32
      %broadcast_in_dim3A_314 = vector.broadcast %jit3A_313 : i32 to vector<16xi32>
      %select_n3A_315 = arith.select %lt3A_312, %rev3A_311, %broadcast_in_dim3A_314 : vector<16xi1>, vector<16xi32>
      %reduce_max3A_316 = arith.constant true
      %reduce_max3A_317 = vector.broadcast %reduce_max3A_316 : i1 to vector<16xi1>
      %reduce_max3A_318 = arith.constant -2147483648 : i32
      %reduce_max3A_319 = vector.broadcast %reduce_max3A_318 : i32 to vector<16xi32>
      %reduce_max3A_320 = arith.xori %select_n3A_315, %reduce_max3A_319 : vector<16xi32>
      %reduce_max3A_321 = tpu.scan <max>, %reduce_max3A_320 masked %reduce_max3A_317 : vector<16xi32>, vector<16xi1> -> vector<16xi32>
      %reduce_max3A_322 = arith.xori %reduce_max3A_321, %reduce_max3A_319 : vector<16xi32>
      %reduce_max3A_323 = vector.extract %reduce_max3A_322[15] : i32 from vector<16xi32>
      %ge3A_324 = arith.cmpi sge, %rev3A_311, %broadcast_in_dim3A_294 : vector<16xi32>
      %jit3A_325 = arith.constant 1 : i32
      %jit3A_326 = arith.constant 0 : i32
      %broadcast_in_dim3A_327 = vector.broadcast %jit3A_325 : i32 to vector<16xi32>
      %broadcast_in_dim3A_328 = vector.broadcast %jit3A_326 : i32 to vector<16xi32>
      %select_n3A_329 = arith.select %ge3A_324, %broadcast_in_dim3A_327, %broadcast_in_dim3A_328 : vector<16xi1>, vector<16xi32>
      %reduce_sum3A_330 = arith.constant true
      %reduce_sum3A_331 = vector.broadcast %reduce_sum3A_330 : i1 to vector<16xi1>
      %reduce_sum3A_332 = tpu.scan <sum>, %select_n3A_329 masked %reduce_sum3A_331 : vector<16xi32>, vector<16xi1> -> vector<16xi32>
      %reduce_sum3A_333 = vector.extract %reduce_sum3A_332[15] : i32 from vector<16xi32>
      %sub3A_334 = arith.constant 1 : i32
      %sub3A_335 = arith.subi %reduce_sum3A_333, %sub3A_334 : i32
      %mul3A_336 = arith.constant 16 : i32
      %mul3A_337 = arith.muli %sub3A_335, %mul3A_336 : i32
      %get3A_338 = arith.index_cast %mul3A_337 : i32 to index
      %get3A_339 = tpu.vector_load %arg9[%get3A_338] {strides = array<i32>} : memref<256xi32, #tpu.memory_space<vmem>>, vector<16xi32>,
      %add3A_340 = vector.broadcast %reduce_max3A_323 : i32 to vector<16xi32>
      %add3A_341 = arith.addi %get3A_339, %add3A_340 : vector<16xi32>
      %ge3A_342 = arith.cmpi sge, %add3A_341, %broadcast_in_dim3A_294 : vector<16xi32>
      %jit3A_343 = arith.constant 1 : i32
      %jit3A_344 = arith.constant 0 : i32
      %broadcast_in_dim3A_345 = vector.broadcast %jit3A_343 : i32 to vector<16xi32>
      %broadcast_in_dim3A_346 = vector.broadcast %jit3A_344 : i32 to vector<16xi32>
      %select_n3A_347 = arith.select %ge3A_342, %broadcast_in_dim3A_345, %broadcast_in_dim3A_346 : vector<16xi1>, vector<16xi32>
      %reduce_sum3A_348 = arith.constant true
      %reduce_sum3A_349 = vector.broadcast %reduce_sum3A_348 : i1 to vector<16xi1>
      %reduce_sum3A_350 = tpu.scan <sum>, %select_n3A_347 masked %reduce_sum3A_349 : vector<16xi32>, vector<16xi1> -> vector<16xi32>
      %reduce_sum3A_351 = vector.extract %reduce_sum3A_350[15] : i32 from vector<16xi32>
      %mul3A_352 = arith.constant 16 : i32
      %mul3A_353 = arith.muli %sub3A_335, %mul3A_352 : i32
      %add3A_354 = arith.addi %mul3A_353, %reduce_sum3A_351 : i32
      %sub3A_355 = arith.constant 1 : i32
      %sub3A_356 = arith.subi %add3A_354, %sub3A_355 : i32
      %lt3A_357 = arith.cmpi slt, %add3A_341, %broadcast_in_dim3A_294 : vector<16xi32>
      %jit3A_358 = arith.constant 0 : i32
      %broadcast_in_dim3A_359 = vector.broadcast %jit3A_358 : i32 to vector<16xi32>
      %select_n3A_360 = arith.select %lt3A_357, %add3A_341, %broadcast_in_dim3A_359 : vector<16xi1>, vector<16xi32>
      %reduce_max3A_361 = arith.constant true
      %reduce_max3A_362 = vector.broadcast %reduce_max3A_361 : i1 to vector<16xi1>
      %reduce_max3A_363 = arith.constant -2147483648 : i32
      %reduce_max3A_364 = vector.broadcast %reduce_max3A_363 : i32 to vector<16xi32>
      %reduce_max3A_365 = arith.xori %select_n3A_360, %reduce_max3A_364 : vector<16xi32>
      %reduce_max3A_366 = tpu.scan <max>, %reduce_max3A_365 masked %reduce_max3A_362 : vector<16xi32>, vector<16xi1> -> vector<16xi32>
      %reduce_max3A_367 = arith.xori %reduce_max3A_366, %reduce_max3A_364 : vector<16xi32>
      %reduce_max3A_368 = vector.extract %reduce_max3A_367[15] : i32 from vector<16xi32>
      %max3A_369 = arith.maxsi %reduce_max3A_323, %reduce_max3A_368 : i32
      %shift_left3A_370 = arith.constant 24 : i32
      %shift_left3A_371 = arith.shli %sub3A_356, %shift_left3A_370 : i32
      %sub3A_372 = arith.constant 3276 : i32
      %sub3A_373 = arith.subi %sub3A_372, %max3A_369 : i32
      %broadcast_in_dim3A_374 = vector.broadcast %shift_left3A_371 : i32 to vector<16xi32>
      %parallel_loop3A_375 = arith.constant 0 : i32
      %parallel_loop3A_376 = arith.constant 256 : i32
      %parallel_loop3A_377 = arith.constant 1 : i32
      scf.for %parallel_loop3A_513 = %parallel_loop3A_375 to %parallel_loop3A_376 step %parallel_loop3A_377  : i32 {
        %parallel_loop3A_514 = arith.constant 16 : i32
        %parallel_loop3A_515 = arith.muli %parallel_loop3A_513, %parallel_loop3A_514 : i32
        %parallel_loop3A_516 = arith.index_cast %parallel_loop3A_515 : i32 to index
        %parallel_loop3A_517 = tpu.vector_load %arg8[%parallel_loop3A_516] {strides = array<i32>} : memref<4096xi32, #tpu.memory_space<vmem>>, vector<16xi32>,
        tpu.vector_store %arg8[%parallel_loop3A_516], %broadcast_in_dim3A_6 {strides = array<i32>} : memref<4096xi32, #tpu.memory_space<vmem>>, vector<16xi32>,
      } {sc.loop_unroll_factor = 16 : i64, sc.parallel_access}
      %parallel_loop3A_378 = arith.constant 0 : i32
      %parallel_loop3A_379 = arith.constant 2048 : i32
      %parallel_loop3A_380 = arith.constant 1 : i32
      scf.for %parallel_loop3A_513 = %parallel_loop3A_378 to %parallel_loop3A_379 step %parallel_loop3A_380  : i32 {
        %parallel_loop3A_514 = arith.constant 16 : i32
        %parallel_loop3A_515 = arith.muli %parallel_loop3A_513, %parallel_loop3A_514 : i32
        %parallel_loop3A_516 = arith.index_cast %parallel_loop3A_515 : i32 to index
        %parallel_loop3A_517 = tpu.vector_load %arg6[%parallel_loop3A_516] {strides = array<i32>} : memref<32768xf32, #tpu.memory_space<vmem>>, vector<16xf32>,
        %parallel_loop3A_518 = tpu.bitcast %parallel_loop3A_517 : vector<16xf32> -> vector<16xi32>
        %parallel_loop3A_519 = arith.constant 16 : i32
        %parallel_loop3A_520 = vector.broadcast %parallel_loop3A_519 : i32 to vector<16xi32>
        %parallel_loop3A_521 = arith.shrui %parallel_loop3A_518, %parallel_loop3A_520 : vector<16xi32>
        %parallel_loop3A_522 = arith.constant 255 : i32
        %parallel_loop3A_523 = vector.broadcast %parallel_loop3A_522 : i32 to vector<16xi32>
        %parallel_loop3A_524 = arith.andi %parallel_loop3A_521, %parallel_loop3A_523 : vector<16xi32>
        %parallel_loop3A_525 = arith.constant -16777216 : i32
        %parallel_loop3A_526 = vector.broadcast %parallel_loop3A_525 : i32 to vector<16xi32>
        %parallel_loop3A_527 = arith.andi %parallel_loop3A_518, %parallel_loop3A_526 : vector<16xi32>
        %parallel_loop3A_528 = arith.cmpi eq, %parallel_loop3A_527, %broadcast_in_dim3A_374 : vector<16xi32>
        %parallel_loop3A_529 = arith.addi %mul3A_3, %parallel_loop3A_524 : vector<16xi32>
        tpu.vector_store_idx %arg8[%parallel_loop3A_529], %broadcast_in_dim3A_4 masked %parallel_loop3A_528 {add = true} : memref<4096xi32, #tpu.memory_space<vmem>>[vector<16xi32>], vector<16xi32>, vector<16xi1>
      } {sc.loop_unroll_factor = 16 : i64, sc.parallel_access}
      %add3A_381 = arith.constant 2 : i32
      %add3A_382 = arith.addi %add3A_47, %add3A_381 : i32
      %min3A = arith.constant 127 : i32
      %min3A_383 = arith.minsi %add3A_382, %min3A : i32
      %dma_start3A_384 = arith.constant 0 : i32
      %dma_start3A_385 = tpu.memref_slice %arg2[%min3A_383, %dma_start3A_384] : memref<128x32768xf32, #tpu.memory_space<hbm>> -> memref<1x32768xf32, #tpu.memory_space<hbm>>
      %dma_start3A_386 = tpu.memref_squeeze %dma_start3A_385 : memref<1x32768xf32, #tpu.memory_space<hbm>> -> memref<32768xf32, #tpu.memory_space<hbm>>
      %dma_start3A_387 = arith.constant 0 : i32
      %dma_start3A_388 = tpu.memref_slice %arg2[%min3A_383, %dma_start3A_387] : memref<128x32768xf32, #tpu.memory_space<hbm>> -> memref<1x32768xf32, #tpu.memory_space<hbm>>
      %dma_start3A_389 = tpu.memref_squeeze %dma_start3A_388 : memref<1x32768xf32, #tpu.memory_space<hbm>> -> memref<32768xf32, #tpu.memory_space<hbm>>
      tpu.enqueue_dma source(%dma_start3A_389 : memref<32768xf32, #tpu.memory_space<hbm>>) target(%arg5 : memref<32768xf32, #tpu.memory_space<vmem>>) target_semaphore(%arg11 : memref<!tpu.dma_semaphore, #tpu.memory_space<semaphore_mem>>)
      %dma_start3A_390 = arith.constant 0 : i32
      %dma_start3A_391 = tpu.memref_slice %arg3[%min3A_383, %dma_start3A_390] : memref<128x32768xf32, #tpu.memory_space<hbm>> -> memref<1x32768xf32, #tpu.memory_space<hbm>>
      %dma_start3A_392 = tpu.memref_squeeze %dma_start3A_391 : memref<1x32768xf32, #tpu.memory_space<hbm>> -> memref<32768xf32, #tpu.memory_space<hbm>>
      %dma_start3A_393 = arith.constant 0 : i32
      %dma_start3A_394 = tpu.memref_slice %arg3[%min3A_383, %dma_start3A_393] : memref<128x32768xf32, #tpu.memory_space<hbm>> -> memref<1x32768xf32, #tpu.memory_space<hbm>>
      %dma_start3A_395 = tpu.memref_squeeze %dma_start3A_394 : memref<1x32768xf32, #tpu.memory_space<hbm>> -> memref<32768xf32, #tpu.memory_space<hbm>>
      tpu.enqueue_dma source(%dma_start3A_395 : memref<32768xf32, #tpu.memory_space<hbm>>) target(%arg7 : memref<32768xf32, #tpu.memory_space<vmem>>) target_semaphore(%arg12 : memref<!tpu.dma_semaphore, #tpu.memory_space<semaphore_mem>>)
      %parallel_loop3A_396 = arith.constant 0 : i32
      %parallel_loop3A_397 = arith.constant 16 : i32
      %parallel_loop3A_398 = arith.constant 1 : i32
      scf.for %parallel_loop3A_513 = %parallel_loop3A_396 to %parallel_loop3A_397 step %parallel_loop3A_398  : i32 {
        %parallel_loop3A_514 = arith.constant 16 : i32
        %parallel_loop3A_515 = arith.muli %parallel_loop3A_513, %parallel_loop3A_514 : i32
        %parallel_loop3A_516 = arith.index_cast %parallel_loop3A_515 : i32 to index
        %parallel_loop3A_517 = tpu.vector_load %arg8[%parallel_loop3A_516] {strides = array<i32>} : memref<4096xi32, #tpu.memory_space<vmem>>, vector<16xi32>,
        %parallel_loop3A_518 = arith.constant 16 : i32
        %parallel_loop3A_519 = arith.muli %parallel_loop3A_513, %parallel_loop3A_518 : i32
        %parallel_loop3A_520 = arith.constant 256 : i32
        %parallel_loop3A_521 = arith.addi %parallel_loop3A_520, %parallel_loop3A_519 : i32
        %parallel_loop3A_522 = arith.index_cast %parallel_loop3A_521 : i32 to index
        %parallel_loop3A_523 = tpu.vector_load %arg8[%parallel_loop3A_522] {strides = array<i32>} : memref<4096xi32, #tpu.memory_space<vmem>>, vector<16xi32>,
        %parallel_loop3A_524 = arith.addi %parallel_loop3A_517, %parallel_loop3A_523 : vector<16xi32>
        %parallel_loop3A_525 = arith.constant 16 : i32
        %parallel_loop3A_526 = arith.muli %parallel_loop3A_513, %parallel_loop3A_525 : i32
        %parallel_loop3A_527 = arith.constant 512 : i32
        %parallel_loop3A_528 = arith.addi %parallel_loop3A_527, %parallel_loop3A_526 : i32
        %parallel_loop3A_529 = arith.index_cast %parallel_loop3A_528 : i32 to index
        %parallel_loop3A_530 = tpu.vector_load %arg8[%parallel_loop3A_529] {strides = array<i32>} : memref<4096xi32, #tpu.memory_space<vmem>>, vector<16xi32>,
        %parallel_loop3A_531 = arith.addi %parallel_loop3A_524, %parallel_loop3A_530 : vector<16xi32>
        %parallel_loop3A_532 = arith.constant 16 : i32
        %parallel_loop3A_533 = arith.muli %parallel_loop3A_513, %parallel_loop3A_532 : i32
        %parallel_loop3A_534 = arith.constant 768 : i32
        %parallel_loop3A_535 = arith.addi %parallel_loop3A_534, %parallel_loop3A_533 : i32
        %parallel_loop3A_536 = arith.index_cast %parallel_loop3A_535 : i32 to index
        %parallel_loop3A_537 = tpu.vector_load %arg8[%parallel_loop3A_536] {strides = array<i32>} : memref<4096xi32, #tpu.memory_space<vmem>>, vector<16xi32>,
        %parallel_loop3A_538 = arith.addi %parallel_loop3A_531, %parallel_loop3A_537 : vector<16xi32>
        %parallel_loop3A_539 = arith.constant 16 : i32
        %parallel_loop3A_540 = arith.muli %parallel_loop3A_513, %parallel_loop3A_539 : i32
        %parallel_loop3A_541 = arith.constant 1024 : i32
        %parallel_loop3A_542 = arith.addi %parallel_loop3A_541, %parallel_loop3A_540 : i32
        %parallel_loop3A_543 = arith.index_cast %parallel_loop3A_542 : i32 to index
        %parallel_loop3A_544 = tpu.vector_load %arg8[%parallel_loop3A_543] {strides = array<i32>} : memref<4096xi32, #tpu.memory_space<vmem>>, vector<16xi32>,
        %parallel_loop3A_545 = arith.addi %parallel_loop3A_538, %parallel_loop3A_544 : vector<16xi32>
        %parallel_loop3A_546 = arith.constant 16 : i32
        %parallel_loop3A_547 = arith.muli %parallel_loop3A_513, %parallel_loop3A_546 : i32
        %parallel_loop3A_548 = arith.constant 1280 : i32
        %parallel_loop3A_549 = arith.addi %parallel_loop3A_548, %parallel_loop3A_547 : i32
        %parallel_loop3A_550 = arith.index_cast %parallel_loop3A_549 : i32 to index
        %parallel_loop3A_551 = tpu.vector_load %arg8[%parallel_loop3A_550] {strides = array<i32>} : memref<4096xi32, #tpu.memory_space<vmem>>, vector<16xi32>,
        %parallel_loop3A_552 = arith.addi %parallel_loop3A_545, %parallel_loop3A_551 : vector<16xi32>
        %parallel_loop3A_553 = arith.constant 16 : i32
        %parallel_loop3A_554 = arith.muli %parallel_loop3A_513, %parallel_loop3A_553 : i32
        %parallel_loop3A_555 = arith.constant 1536 : i32
        %parallel_loop3A_556 = arith.addi %parallel_loop3A_555, %parallel_loop3A_554 : i32
        %parallel_loop3A_557 = arith.index_cast %parallel_loop3A_556 : i32 to index
        %parallel_loop3A_558 = tpu.vector_load %arg8[%parallel_loop3A_557] {strides = array<i32>} : memref<4096xi32, #tpu.memory_space<vmem>>, vector<16xi32>,
        %parallel_loop3A_559 = arith.addi %parallel_loop3A_552, %parallel_loop3A_558 : vector<16xi32>
        %parallel_loop3A_560 = arith.constant 16 : i32
        %parallel_loop3A_561 = arith.muli %parallel_loop3A_513, %parallel_loop3A_560 : i32
        %parallel_loop3A_562 = arith.constant 1792 : i32
        %parallel_loop3A_563 = arith.addi %parallel_loop3A_562, %parallel_loop3A_561 : i32
        %parallel_loop3A_564 = arith.index_cast %parallel_loop3A_563 : i32 to index
        %parallel_loop3A_565 = tpu.vector_load %arg8[%parallel_loop3A_564] {strides = array<i32>} : memref<4096xi32, #tpu.memory_space<vmem>>, vector<16xi32>,
        %parallel_loop3A_566 = arith.addi %parallel_loop3A_559, %parallel_loop3A_565 : vector<16xi32>
        %parallel_loop3A_567 = arith.constant 16 : i32
        %parallel_loop3A_568 = arith.muli %parallel_loop3A_513, %parallel_loop3A_567 : i32
        %parallel_loop3A_569 = arith.constant 2048 : i32
        %parallel_loop3A_570 = arith.addi %parallel_loop3A_569, %parallel_loop3A_568 : i32
        %parallel_loop3A_571 = arith.index_cast %parallel_loop3A_570 : i32 to index
        %parallel_loop3A_572 = tpu.vector_load %arg8[%parallel_loop3A_571] {strides = array<i32>} : memref<4096xi32, #tpu.memory_space<vmem>>, vector<16xi32>,
        %parallel_loop3A_573 = arith.addi %parallel_loop3A_566, %parallel_loop3A_572 : vector<16xi32>
        %parallel_loop3A_574 = arith.constant 16 : i32
        %parallel_loop3A_575 = arith.muli %parallel_loop3A_513, %parallel_loop3A_574 : i32
        %parallel_loop3A_576 = arith.constant 2304 : i32
        %parallel_loop3A_577 = arith.addi %parallel_loop3A_576, %parallel_loop3A_575 : i32
        %parallel_loop3A_578 = arith.index_cast %parallel_loop3A_577 : i32 to index
        %parallel_loop3A_579 = tpu.vector_load %arg8[%parallel_loop3A_578] {strides = array<i32>} : memref<4096xi32, #tpu.memory_space<vmem>>, vector<16xi32>,
        %parallel_loop3A_580 = arith.addi %parallel_loop3A_573, %parallel_loop3A_579 : vector<16xi32>
        %parallel_loop3A_581 = arith.constant 16 : i32
        %parallel_loop3A_582 = arith.muli %parallel_loop3A_513, %parallel_loop3A_581 : i32
        %parallel_loop3A_583 = arith.constant 2560 : i32
        %parallel_loop3A_584 = arith.addi %parallel_loop3A_583, %parallel_loop3A_582 : i32
        %parallel_loop3A_585 = arith.index_cast %parallel_loop3A_584 : i32 to index
        %parallel_loop3A_586 = tpu.vector_load %arg8[%parallel_loop3A_585] {strides = array<i32>} : memref<4096xi32, #tpu.memory_space<vmem>>, vector<16xi32>,
        %parallel_loop3A_587 = arith.addi %parallel_loop3A_580, %parallel_loop3A_586 : vector<16xi32>
        %parallel_loop3A_588 = arith.constant 16 : i32
        %parallel_loop3A_589 = arith.muli %parallel_loop3A_513, %parallel_loop3A_588 : i32
        %parallel_loop3A_590 = arith.constant 2816 : i32
        %parallel_loop3A_591 = arith.addi %parallel_loop3A_590, %parallel_loop3A_589 : i32
        %parallel_loop3A_592 = arith.index_cast %parallel_loop3A_591 : i32 to index
        %parallel_loop3A_593 = tpu.vector_load %arg8[%parallel_loop3A_592] {strides = array<i32>} : memref<4096xi32, #tpu.memory_space<vmem>>, vector<16xi32>,
        %parallel_loop3A_594 = arith.addi %parallel_loop3A_587, %parallel_loop3A_593 : vector<16xi32>
        %parallel_loop3A_595 = arith.constant 16 : i32
        %parallel_loop3A_596 = arith.muli %parallel_loop3A_513, %parallel_loop3A_595 : i32
        %parallel_loop3A_597 = arith.constant 3072 : i32
        %parallel_loop3A_598 = arith.addi %parallel_loop3A_597, %parallel_loop3A_596 : i32
        %parallel_loop3A_599 = arith.index_cast %parallel_loop3A_598 : i32 to index
        %parallel_loop3A_600 = tpu.vector_load %arg8[%parallel_loop3A_599] {strides = array<i32>} : memref<4096xi32, #tpu.memory_space<vmem>>, vector<16xi32>,
        %parallel_loop3A_601 = arith.addi %parallel_loop3A_594, %parallel_loop3A_600 : vector<16xi32>
        %parallel_loop3A_602 = arith.constant 16 : i32
        %parallel_loop3A_603 = arith.muli %parallel_loop3A_513, %parallel_loop3A_602 : i32
        %parallel_loop3A_604 = arith.constant 3328 : i32
        %parallel_loop3A_605 = arith.addi %parallel_loop3A_604, %parallel_loop3A_603 : i32
        %parallel_loop3A_606 = arith.index_cast %parallel_loop3A_605 : i32 to index
        %parallel_loop3A_607 = tpu.vector_load %arg8[%parallel_loop3A_606] {strides = array<i32>} : memref<4096xi32, #tpu.memory_space<vmem>>, vector<16xi32>,
        %parallel_loop3A_608 = arith.addi %parallel_loop3A_601, %parallel_loop3A_607 : vector<16xi32>
        %parallel_loop3A_609 = arith.constant 16 : i32
        %parallel_loop3A_610 = arith.muli %parallel_loop3A_513, %parallel_loop3A_609 : i32
        %parallel_loop3A_611 = arith.constant 3584 : i32
        %parallel_loop3A_612 = arith.addi %parallel_loop3A_611, %parallel_loop3A_610 : i32
        %parallel_loop3A_613 = arith.index_cast %parallel_loop3A_612 : i32 to index
        %parallel_loop3A_614 = tpu.vector_load %arg8[%parallel_loop3A_613] {strides = array<i32>} : memref<4096xi32, #tpu.memory_space<vmem>>, vector<16xi32>,
        %parallel_loop3A_615 = arith.addi %parallel_loop3A_608, %parallel_loop3A_614 : vector<16xi32>
        %parallel_loop3A_616 = arith.constant 16 : i32
        %parallel_loop3A_617 = arith.muli %parallel_loop3A_513, %parallel_loop3A_616 : i32
        %parallel_loop3A_618 = arith.constant 3840 : i32
        %parallel_loop3A_619 = arith.addi %parallel_loop3A_618, %parallel_loop3A_617 : i32
        %parallel_loop3A_620 = arith.index_cast %parallel_loop3A_619 : i32 to index
        %parallel_loop3A_621 = tpu.vector_load %arg8[%parallel_loop3A_620] {strides = array<i32>} : memref<4096xi32, #tpu.memory_space<vmem>>, vector<16xi32>,
        %parallel_loop3A_622 = arith.addi %parallel_loop3A_615, %parallel_loop3A_621 : vector<16xi32>
        %parallel_loop3A_623 = arith.constant 15 : i32
        %parallel_loop3A_624 = vector.broadcast %parallel_loop3A_623 : i32 to vector<16xi32>
        %parallel_loop3A_625 = tpu.iota {dimensions = array<i32: 0>} : vector<16xi32>
        %parallel_loop3A_626 = arith.subi %parallel_loop3A_624, %parallel_loop3A_625 : vector<16xi32>
        %parallel_loop3A_627 = tpu.dynamic_gather %parallel_loop3A_622[%parallel_loop3A_626] in [0] : vector<16xi32>, vector<16xi32> -> vector<16xi32>
        %parallel_loop3A_628 = arith.constant true
        %parallel_loop3A_629 = vector.broadcast %parallel_loop3A_628 : i1 to vector<16xi1>
        %parallel_loop3A_630 = tpu.scan <sum>, %parallel_loop3A_627 masked %parallel_loop3A_629 : vector<16xi32>, vector<16xi1> -> vector<16xi32>
        %parallel_loop3A_631 = arith.constant 15 : i32
        %parallel_loop3A_632 = vector.broadcast %parallel_loop3A_631 : i32 to vector<16xi32>
        %parallel_loop3A_633 = tpu.iota {dimensions = array<i32: 0>} : vector<16xi32>
        %parallel_loop3A_634 = arith.subi %parallel_loop3A_632, %parallel_loop3A_633 : vector<16xi32>
        %parallel_loop3A_635 = tpu.dynamic_gather %parallel_loop3A_630[%parallel_loop3A_634] in [0] : vector<16xi32>, vector<16xi32> -> vector<16xi32>
        %parallel_loop3A_636 = arith.constant 16 : i32
        %parallel_loop3A_637 = arith.muli %parallel_loop3A_513, %parallel_loop3A_636 : i32
        %parallel_loop3A_638 = arith.index_cast %parallel_loop3A_637 : i32 to index
        %parallel_loop3A_639 = tpu.vector_load %arg9[%parallel_loop3A_638] {strides = array<i32>} : memref<256xi32, #tpu.memory_space<vmem>>, vector<16xi32>,
        tpu.vector_store %arg9[%parallel_loop3A_638], %parallel_loop3A_635 {strides = array<i32>} : memref<256xi32, #tpu.memory_space<vmem>>, vector<16xi32>,
      } {sc.loop_unroll_factor = 2 : i64, sc.parallel_access}
      %broadcast_in_dim3A_399 = vector.broadcast %sub3A_373 : i32 to vector<16xi32>
      %mul3A_400 = arith.constant 16 : i32
      %mul3A_401 = vector.broadcast %mul3A_400 : i32 to vector<16xi32>
      %mul3A_402 = arith.muli %iota3A, %mul3A_401 : vector<16xi32>
      %gather3A_403 = tpu.vector_load_idx %arg9[%mul3A_402] : memref<256xi32, #tpu.memory_space<vmem>>[vector<16xi32>], vector<16xi32>,
      %rev3A_404 = arith.constant 15 : i32
      %rev3A_405 = vector.broadcast %rev3A_404 : i32 to vector<16xi32>
      %rev3A_406 = tpu.iota {dimensions = array<i32: 0>} : vector<16xi32>
      %rev3A_407 = arith.subi %rev3A_405, %rev3A_406 : vector<16xi32>
      %rev3A_408 = tpu.dynamic_gather %gather3A_403[%rev3A_407] in [0] : vector<16xi32>, vector<16xi32> -> vector<16xi32>
      %cumsum3A_409 = arith.constant true
      %cumsum3A_410 = vector.broadcast %cumsum3A_409 : i1 to vector<16xi1>
      %cumsum3A_411 = tpu.scan <sum>, %rev3A_408 masked %cumsum3A_410 : vector<16xi32>, vector<16xi1> -> vector<16xi32>
      %rev3A_412 = arith.constant 15 : i32
      %rev3A_413 = vector.broadcast %rev3A_412 : i32 to vector<16xi32>
      %rev3A_414 = tpu.iota {dimensions = array<i32: 0>} : vector<16xi32>
      %rev3A_415 = arith.subi %rev3A_413, %rev3A_414 : vector<16xi32>
      %rev3A_416 = tpu.dynamic_gather %cumsum3A_411[%rev3A_415] in [0] : vector<16xi32>, vector<16xi32> -> vector<16xi32>
      %lt3A_417 = arith.cmpi slt, %rev3A_416, %broadcast_in_dim3A_399 : vector<16xi32>
      %jit3A_418 = arith.constant 0 : i32
      %broadcast_in_dim3A_419 = vector.broadcast %jit3A_418 : i32 to vector<16xi32>
      %select_n3A_420 = arith.select %lt3A_417, %rev3A_416, %broadcast_in_dim3A_419 : vector<16xi1>, vector<16xi32>
      %reduce_max3A_421 = arith.constant true
      %reduce_max3A_422 = vector.broadcast %reduce_max3A_421 : i1 to vector<16xi1>
      %reduce_max3A_423 = arith.constant -2147483648 : i32
      %reduce_max3A_424 = vector.broadcast %reduce_max3A_423 : i32 to vector<16xi32>
      %reduce_max3A_425 = arith.xori %select_n3A_420, %reduce_max3A_424 : vector<16xi32>
      %reduce_max3A_426 = tpu.scan <max>, %reduce_max3A_425 masked %reduce_max3A_422 : vector<16xi32>, vector<16xi1> -> vector<16xi32>
      %reduce_max3A_427 = arith.xori %reduce_max3A_426, %reduce_max3A_424 : vector<16xi32>
      %reduce_max3A_428 = vector.extract %reduce_max3A_427[15] : i32 from vector<16xi32>
      %ge3A_429 = arith.cmpi sge, %rev3A_416, %broadcast_in_dim3A_399 : vector<16xi32>
      %jit3A_430 = arith.constant 1 : i32
      %jit3A_431 = arith.constant 0 : i32
      %broadcast_in_dim3A_432 = vector.broadcast %jit3A_430 : i32 to vector<16xi32>
      %broadcast_in_dim3A_433 = vector.broadcast %jit3A_431 : i32 to vector<16xi32>
      %select_n3A_434 = arith.select %ge3A_429, %broadcast_in_dim3A_432, %broadcast_in_dim3A_433 : vector<16xi1>, vector<16xi32>
      %reduce_sum3A_435 = arith.constant true
      %reduce_sum3A_436 = vector.broadcast %reduce_sum3A_435 : i1 to vector<16xi1>
      %reduce_sum3A_437 = tpu.scan <sum>, %select_n3A_434 masked %reduce_sum3A_436 : vector<16xi32>, vector<16xi1> -> vector<16xi32>
      %reduce_sum3A_438 = vector.extract %reduce_sum3A_437[15] : i32 from vector<16xi32>
      %sub3A_439 = arith.constant 1 : i32
      %sub3A_440 = arith.subi %reduce_sum3A_438, %sub3A_439 : i32
      %mul3A_441 = arith.constant 16 : i32
      %mul3A_442 = arith.muli %sub3A_440, %mul3A_441 : i32
      %get3A_443 = arith.index_cast %mul3A_442 : i32 to index
      %get3A_444 = tpu.vector_load %arg9[%get3A_443] {strides = array<i32>} : memref<256xi32, #tpu.memory_space<vmem>>, vector<16xi32>,
      %add3A_445 = vector.broadcast %reduce_max3A_428 : i32 to vector<16xi32>
      %add3A_446 = arith.addi %get3A_444, %add3A_445 : vector<16xi32>
      %ge3A_447 = arith.cmpi sge, %add3A_446, %broadcast_in_dim3A_399 : vector<16xi32>
      %jit3A_448 = arith.constant 1 : i32
      %jit3A_449 = arith.constant 0 : i32
      %broadcast_in_dim3A_450 = vector.broadcast %jit3A_448 : i32 to vector<16xi32>
      %broadcast_in_dim3A_451 = vector.broadcast %jit3A_449 : i32 to vector<16xi32>
      %select_n3A_452 = arith.select %ge3A_447, %broadcast_in_dim3A_450, %broadcast_in_dim3A_451 : vector<16xi1>, vector<16xi32>
      %reduce_sum3A_453 = arith.constant true
      %reduce_sum3A_454 = vector.broadcast %reduce_sum3A_453 : i1 to vector<16xi1>
      %reduce_sum3A_455 = tpu.scan <sum>, %select_n3A_452 masked %reduce_sum3A_454 : vector<16xi32>, vector<16xi1> -> vector<16xi32>
      %reduce_sum3A_456 = vector.extract %reduce_sum3A_455[15] : i32 from vector<16xi32>
      %mul3A_457 = arith.constant 16 : i32
      %mul3A_458 = arith.muli %sub3A_440, %mul3A_457 : i32
      %add3A_459 = arith.addi %mul3A_458, %reduce_sum3A_456 : i32
      %sub3A_460 = arith.constant 1 : i32
      %sub3A_461 = arith.subi %add3A_459, %sub3A_460 : i32
      %lt3A_462 = arith.cmpi slt, %add3A_446, %broadcast_in_dim3A_399 : vector<16xi32>
      %jit3A_463 = arith.constant 0 : i32
      %broadcast_in_dim3A_464 = vector.broadcast %jit3A_463 : i32 to vector<16xi32>
      %select_n3A_465 = arith.select %lt3A_462, %add3A_446, %broadcast_in_dim3A_464 : vector<16xi1>, vector<16xi32>
      %reduce_max3A_466 = arith.constant true
      %reduce_max3A_467 = vector.broadcast %reduce_max3A_466 : i1 to vector<16xi1>
      %reduce_max3A_468 = arith.constant -2147483648 : i32
      %reduce_max3A_469 = vector.broadcast %reduce_max3A_468 : i32 to vector<16xi32>
      %reduce_max3A_470 = arith.xori %select_n3A_465, %reduce_max3A_469 : vector<16xi32>
      %reduce_max3A_471 = tpu.scan <max>, %reduce_max3A_470 masked %reduce_max3A_467 : vector<16xi32>, vector<16xi1> -> vector<16xi32>
      %reduce_max3A_472 = arith.xori %reduce_max3A_471, %reduce_max3A_469 : vector<16xi32>
      %reduce_max3A_473 = vector.extract %reduce_max3A_472[15] : i32 from vector<16xi32>
      %max3A_474 = arith.maxsi %reduce_max3A_428, %reduce_max3A_473 : i32
      %shift_left3A_475 = arith.constant 16 : i32
      %shift_left3A_476 = arith.shli %sub3A_461, %shift_left3A_475 : i32
      %or3A_477 = arith.ori %shift_left3A_371, %shift_left3A_476 : i32
      %sub3A_478 = arith.subi %sub3A_373, %max3A_474 : i32
      %scan3A_479 = arith.constant 2 : i32
      %scan3A_480 = arith.constant 2 : i32
      %scan3A_481 = arith.addi %scan3A_479, %scan3A_480 : i32
      %scan3A_482 = arith.constant 1 : i32
      %scan3A_483:2 = scf.for %scan3A_513 = %scan3A_479 to %scan3A_481 step %scan3A_482 iter_args(%scan3A_514 = %or3A_477, %scan3A_515 = %sub3A_478) -> (i32, i32)  : i32 {
        %mul3A_516 = arith.constant 8 : i32
        %mul3A_517 = arith.muli %mul3A_516, %scan3A_513 : i32
        %sub3A_518 = arith.constant 24 : i32
        %sub3A_519 = arith.subi %sub3A_518, %mul3A_517 : i32
        %add3A_520 = arith.constant 8 : i32
        %add3A_521 = arith.addi %sub3A_519, %add3A_520 : i32
        %shift_left3A_522 = arith.constant -1 : i32
        %shift_left3A_523 = arith.shli %shift_left3A_522, %add3A_521 : i32
        %broadcast_in_dim3A_524 = vector.broadcast %scan3A_514 : i32 to vector<16xi32>
        %broadcast_in_dim3A_525 = vector.broadcast %sub3A_519 : i32 to vector<16xi32>
        %broadcast_in_dim3A_526 = vector.broadcast %shift_left3A_523 : i32 to vector<16xi32>
        %parallel_loop3A_527 = arith.constant 0 : i32
        %parallel_loop3A_528 = arith.constant 256 : i32
        %parallel_loop3A_529 = arith.constant 1 : i32
        scf.for %parallel_loop3A_615 = %parallel_loop3A_527 to %parallel_loop3A_528 step %parallel_loop3A_529  : i32 {
          %parallel_loop3A_616 = arith.constant 16 : i32
          %parallel_loop3A_617 = arith.muli %parallel_loop3A_615, %parallel_loop3A_616 : i32
          %parallel_loop3A_618 = arith.index_cast %parallel_loop3A_617 : i32 to index
          %parallel_loop3A_619 = tpu.vector_load %arg8[%parallel_loop3A_618] {strides = array<i32>} : memref<4096xi32, #tpu.memory_space<vmem>>, vector<16xi32>,
          tpu.vector_store %arg8[%parallel_loop3A_618], %broadcast_in_dim3A_6 {strides = array<i32>} : memref<4096xi32, #tpu.memory_space<vmem>>, vector<16xi32>,
        } {sc.loop_unroll_factor = 16 : i64, sc.parallel_access}
        %parallel_loop3A_530 = arith.constant 0 : i32
        %parallel_loop3A_531 = arith.constant 2048 : i32
        %parallel_loop3A_532 = arith.constant 1 : i32
        scf.for %parallel_loop3A_615 = %parallel_loop3A_530 to %parallel_loop3A_531 step %parallel_loop3A_532  : i32 {
          %parallel_loop3A_616 = arith.constant 16 : i32
          %parallel_loop3A_617 = arith.muli %parallel_loop3A_615, %parallel_loop3A_616 : i32
          %parallel_loop3A_618 = arith.index_cast %parallel_loop3A_617 : i32 to index
          %parallel_loop3A_619 = tpu.vector_load %arg6[%parallel_loop3A_618] {strides = array<i32>} : memref<32768xf32, #tpu.memory_space<vmem>>, vector<16xf32>,
          %parallel_loop3A_620 = tpu.bitcast %parallel_loop3A_619 : vector<16xf32> -> vector<16xi32>
          %parallel_loop3A_621 = arith.shrui %parallel_loop3A_620, %broadcast_in_dim3A_525 : vector<16xi32>
          %parallel_loop3A_622 = arith.constant 255 : i32
          %parallel_loop3A_623 = vector.broadcast %parallel_loop3A_622 : i32 to vector<16xi32>
          %parallel_loop3A_624 = arith.andi %parallel_loop3A_621, %parallel_loop3A_623 : vector<16xi32>
          %parallel_loop3A_625 = arith.andi %parallel_loop3A_620, %broadcast_in_dim3A_526 : vector<16xi32>
          %parallel_loop3A_626 = arith.cmpi eq, %parallel_loop3A_625, %broadcast_in_dim3A_524 : vector<16xi32>
          %parallel_loop3A_627 = arith.addi %mul3A_3, %parallel_loop3A_624 : vector<16xi32>
          tpu.vector_store_idx %arg8[%parallel_loop3A_627], %broadcast_in_dim3A_4 masked %parallel_loop3A_626 {add = true} : memref<4096xi32, #tpu.memory_space<vmem>>[vector<16xi32>], vector<16xi32>, vector<16xi1>
        } {sc.loop_unroll_factor = 16 : i64, sc.parallel_access}
        %parallel_loop3A_533 = arith.constant 0 : i32
        %parallel_loop3A_534 = arith.constant 16 : i32
        %parallel_loop3A_535 = arith.constant 1 : i32
        scf.for %parallel_loop3A_615 = %parallel_loop3A_533 to %parallel_loop3A_534 step %parallel_loop3A_535  : i32 {
          %parallel_loop3A_616 = arith.constant 16 : i32
          %parallel_loop3A_617 = arith.muli %parallel_loop3A_615, %parallel_loop3A_616 : i32
          %parallel_loop3A_618 = arith.index_cast %parallel_loop3A_617 : i32 to index
          %parallel_loop3A_619 = tpu.vector_load %arg8[%parallel_loop3A_618] {strides = array<i32>} : memref<4096xi32, #tpu.memory_space<vmem>>, vector<16xi32>,
          %parallel_loop3A_620 = arith.constant 16 : i32
          %parallel_loop3A_621 = arith.muli %parallel_loop3A_615, %parallel_loop3A_620 : i32
          %parallel_loop3A_622 = arith.constant 256 : i32
          %parallel_loop3A_623 = arith.addi %parallel_loop3A_622, %parallel_loop3A_621 : i32
          %parallel_loop3A_624 = arith.index_cast %parallel_loop3A_623 : i32 to index
          %parallel_loop3A_625 = tpu.vector_load %arg8[%parallel_loop3A_624] {strides = array<i32>} : memref<4096xi32, #tpu.memory_space<vmem>>, vector<16xi32>,
          %parallel_loop3A_626 = arith.addi %parallel_loop3A_619, %parallel_loop3A_625 : vector<16xi32>
          %parallel_loop3A_627 = arith.constant 16 : i32
          %parallel_loop3A_628 = arith.muli %parallel_loop3A_615, %parallel_loop3A_627 : i32
          %parallel_loop3A_629 = arith.constant 512 : i32
          %parallel_loop3A_630 = arith.addi %parallel_loop3A_629, %parallel_loop3A_628 : i32
          %parallel_loop3A_631 = arith.index_cast %parallel_loop3A_630 : i32 to index
          %parallel_loop3A_632 = tpu.vector_load %arg8[%parallel_loop3A_631] {strides = array<i32>} : memref<4096xi32, #tpu.memory_space<vmem>>, vector<16xi32>,
          %parallel_loop3A_633 = arith.addi %parallel_loop3A_626, %parallel_loop3A_632 : vector<16xi32>
          %parallel_loop3A_634 = arith.constant 16 : i32
          %parallel_loop3A_635 = arith.muli %parallel_loop3A_615, %parallel_loop3A_634 : i32
          %parallel_loop3A_636 = arith.constant 768 : i32
          %parallel_loop3A_637 = arith.addi %parallel_loop3A_636, %parallel_loop3A_635 : i32
          %parallel_loop3A_638 = arith.index_cast %parallel_loop3A_637 : i32 to index
          %parallel_loop3A_639 = tpu.vector_load %arg8[%parallel_loop3A_638] {strides = array<i32>} : memref<4096xi32, #tpu.memory_space<vmem>>, vector<16xi32>,
          %parallel_loop3A_640 = arith.addi %parallel_loop3A_633, %parallel_loop3A_639 : vector<16xi32>
          %parallel_loop3A_641 = arith.constant 16 : i32
          %parallel_loop3A_642 = arith.muli %parallel_loop3A_615, %parallel_loop3A_641 : i32
          %parallel_loop3A_643 = arith.constant 1024 : i32
          %parallel_loop3A_644 = arith.addi %parallel_loop3A_643, %parallel_loop3A_642 : i32
          %parallel_loop3A_645 = arith.index_cast %parallel_loop3A_644 : i32 to index
          %parallel_loop3A_646 = tpu.vector_load %arg8[%parallel_loop3A_645] {strides = array<i32>} : memref<4096xi32, #tpu.memory_space<vmem>>, vector<16xi32>,
          %parallel_loop3A_647 = arith.addi %parallel_loop3A_640, %parallel_loop3A_646 : vector<16xi32>
          %parallel_loop3A_648 = arith.constant 16 : i32
          %parallel_loop3A_649 = arith.muli %parallel_loop3A_615, %parallel_loop3A_648 : i32
          %parallel_loop3A_650 = arith.constant 1280 : i32
          %parallel_loop3A_651 = arith.addi %parallel_loop3A_650, %parallel_loop3A_649 : i32
          %parallel_loop3A_652 = arith.index_cast %parallel_loop3A_651 : i32 to index
          %parallel_loop3A_653 = tpu.vector_load %arg8[%parallel_loop3A_652] {strides = array<i32>} : memref<4096xi32, #tpu.memory_space<vmem>>, vector<16xi32>,
          %parallel_loop3A_654 = arith.addi %parallel_loop3A_647, %parallel_loop3A_653 : vector<16xi32>
          %parallel_loop3A_655 = arith.constant 16 : i32
          %parallel_loop3A_656 = arith.muli %parallel_loop3A_615, %parallel_loop3A_655 : i32
          %parallel_loop3A_657 = arith.constant 1536 : i32
          %parallel_loop3A_658 = arith.addi %parallel_loop3A_657, %parallel_loop3A_656 : i32
          %parallel_loop3A_659 = arith.index_cast %parallel_loop3A_658 : i32 to index
          %parallel_loop3A_660 = tpu.vector_load %arg8[%parallel_loop3A_659] {strides = array<i32>} : memref<4096xi32, #tpu.memory_space<vmem>>, vector<16xi32>,
          %parallel_loop3A_661 = arith.addi %parallel_loop3A_654, %parallel_loop3A_660 : vector<16xi32>
          %parallel_loop3A_662 = arith.constant 16 : i32
          %parallel_loop3A_663 = arith.muli %parallel_loop3A_615, %parallel_loop3A_662 : i32
          %parallel_loop3A_664 = arith.constant 1792 : i32
          %parallel_loop3A_665 = arith.addi %parallel_loop3A_664, %parallel_loop3A_663 : i32
          %parallel_loop3A_666 = arith.index_cast %parallel_loop3A_665 : i32 to index
          %parallel_loop3A_667 = tpu.vector_load %arg8[%parallel_loop3A_666] {strides = array<i32>} : memref<4096xi32, #tpu.memory_space<vmem>>, vector<16xi32>,
          %parallel_loop3A_668 = arith.addi %parallel_loop3A_661, %parallel_loop3A_667 : vector<16xi32>
          %parallel_loop3A_669 = arith.constant 16 : i32
          %parallel_loop3A_670 = arith.muli %parallel_loop3A_615, %parallel_loop3A_669 : i32
          %parallel_loop3A_671 = arith.constant 2048 : i32
          %parallel_loop3A_672 = arith.addi %parallel_loop3A_671, %parallel_loop3A_670 : i32
          %parallel_loop3A_673 = arith.index_cast %parallel_loop3A_672 : i32 to index
          %parallel_loop3A_674 = tpu.vector_load %arg8[%parallel_loop3A_673] {strides = array<i32>} : memref<4096xi32, #tpu.memory_space<vmem>>, vector<16xi32>,
          %parallel_loop3A_675 = arith.addi %parallel_loop3A_668, %parallel_loop3A_674 : vector<16xi32>
          %parallel_loop3A_676 = arith.constant 16 : i32
          %parallel_loop3A_677 = arith.muli %parallel_loop3A_615, %parallel_loop3A_676 : i32
          %parallel_loop3A_678 = arith.constant 2304 : i32
          %parallel_loop3A_679 = arith.addi %parallel_loop3A_678, %parallel_loop3A_677 : i32
          %parallel_loop3A_680 = arith.index_cast %parallel_loop3A_679 : i32 to index
          %parallel_loop3A_681 = tpu.vector_load %arg8[%parallel_loop3A_680] {strides = array<i32>} : memref<4096xi32, #tpu.memory_space<vmem>>, vector<16xi32>,
          %parallel_loop3A_682 = arith.addi %parallel_loop3A_675, %parallel_loop3A_681 : vector<16xi32>
          %parallel_loop3A_683 = arith.constant 16 : i32
          %parallel_loop3A_684 = arith.muli %parallel_loop3A_615, %parallel_loop3A_683 : i32
          %parallel_loop3A_685 = arith.constant 2560 : i32
          %parallel_loop3A_686 = arith.addi %parallel_loop3A_685, %parallel_loop3A_684 : i32
          %parallel_loop3A_687 = arith.index_cast %parallel_loop3A_686 : i32 to index
          %parallel_loop3A_688 = tpu.vector_load %arg8[%parallel_loop3A_687] {strides = array<i32>} : memref<4096xi32, #tpu.memory_space<vmem>>, vector<16xi32>,
          %parallel_loop3A_689 = arith.addi %parallel_loop3A_682, %parallel_loop3A_688 : vector<16xi32>
          %parallel_loop3A_690 = arith.constant 16 : i32
          %parallel_loop3A_691 = arith.muli %parallel_loop3A_615, %parallel_loop3A_690 : i32
          %parallel_loop3A_692 = arith.constant 2816 : i32
          %parallel_loop3A_693 = arith.addi %parallel_loop3A_692, %parallel_loop3A_691 : i32
          %parallel_loop3A_694 = arith.index_cast %parallel_loop3A_693 : i32 to index
          %parallel_loop3A_695 = tpu.vector_load %arg8[%parallel_loop3A_694] {strides = array<i32>} : memref<4096xi32, #tpu.memory_space<vmem>>, vector<16xi32>,
          %parallel_loop3A_696 = arith.addi %parallel_loop3A_689, %parallel_loop3A_695 : vector<16xi32>
          %parallel_loop3A_697 = arith.constant 16 : i32
          %parallel_loop3A_698 = arith.muli %parallel_loop3A_615, %parallel_loop3A_697 : i32
          %parallel_loop3A_699 = arith.constant 3072 : i32
          %parallel_loop3A_700 = arith.addi %parallel_loop3A_699, %parallel_loop3A_698 : i32
          %parallel_loop3A_701 = arith.index_cast %parallel_loop3A_700 : i32 to index
          %parallel_loop3A_702 = tpu.vector_load %arg8[%parallel_loop3A_701] {strides = array<i32>} : memref<4096xi32, #tpu.memory_space<vmem>>, vector<16xi32>,
          %parallel_loop3A_703 = arith.addi %parallel_loop3A_696, %parallel_loop3A_702 : vector<16xi32>
          %parallel_loop3A_704 = arith.constant 16 : i32
          %parallel_loop3A_705 = arith.muli %parallel_loop3A_615, %parallel_loop3A_704 : i32
          %parallel_loop3A_706 = arith.constant 3328 : i32
          %parallel_loop3A_707 = arith.addi %parallel_loop3A_706, %parallel_loop3A_705 : i32
          %parallel_loop3A_708 = arith.index_cast %parallel_loop3A_707 : i32 to index
          %parallel_loop3A_709 = tpu.vector_load %arg8[%parallel_loop3A_708] {strides = array<i32>} : memref<4096xi32, #tpu.memory_space<vmem>>, vector<16xi32>,
          %parallel_loop3A_710 = arith.addi %parallel_loop3A_703, %parallel_loop3A_709 : vector<16xi32>
          %parallel_loop3A_711 = arith.constant 16 : i32
          %parallel_loop3A_712 = arith.muli %parallel_loop3A_615, %parallel_loop3A_711 : i32
          %parallel_loop3A_713 = arith.constant 3584 : i32
          %parallel_loop3A_714 = arith.addi %parallel_loop3A_713, %parallel_loop3A_712 : i32
          %parallel_loop3A_715 = arith.index_cast %parallel_loop3A_714 : i32 to index
          %parallel_loop3A_716 = tpu.vector_load %arg8[%parallel_loop3A_715] {strides = array<i32>} : memref<4096xi32, #tpu.memory_space<vmem>>, vector<16xi32>,
          %parallel_loop3A_717 = arith.addi %parallel_loop3A_710, %parallel_loop3A_716 : vector<16xi32>
          %parallel_loop3A_718 = arith.constant 16 : i32
          %parallel_loop3A_719 = arith.muli %parallel_loop3A_615, %parallel_loop3A_718 : i32
          %parallel_loop3A_720 = arith.constant 3840 : i32
          %parallel_loop3A_721 = arith.addi %parallel_loop3A_720, %parallel_loop3A_719 : i32
          %parallel_loop3A_722 = arith.index_cast %parallel_loop3A_721 : i32 to index
          %parallel_loop3A_723 = tpu.vector_load %arg8[%parallel_loop3A_722] {strides = array<i32>} : memref<4096xi32, #tpu.memory_space<vmem>>, vector<16xi32>,
          %parallel_loop3A_724 = arith.addi %parallel_loop3A_717, %parallel_loop3A_723 : vector<16xi32>
          %parallel_loop3A_725 = arith.constant 15 : i32
          %parallel_loop3A_726 = vector.broadcast %parallel_loop3A_725 : i32 to vector<16xi32>
          %parallel_loop3A_727 = tpu.iota {dimensions = array<i32: 0>} : vector<16xi32>
          %parallel_loop3A_728 = arith.subi %parallel_loop3A_726, %parallel_loop3A_727 : vector<16xi32>
          %parallel_loop3A_729 = tpu.dynamic_gather %parallel_loop3A_724[%parallel_loop3A_728] in [0] : vector<16xi32>, vector<16xi32> -> vector<16xi32>
          %parallel_loop3A_730 = arith.constant true
          %parallel_loop3A_731 = vector.broadcast %parallel_loop3A_730 : i1 to vector<16xi1>
          %parallel_loop3A_732 = tpu.scan <sum>, %parallel_loop3A_729 masked %parallel_loop3A_731 : vector<16xi32>, vector<16xi1> -> vector<16xi32>
          %parallel_loop3A_733 = arith.constant 15 : i32
          %parallel_loop3A_734 = vector.broadcast %parallel_loop3A_733 : i32 to vector<16xi32>
          %parallel_loop3A_735 = tpu.iota {dimensions = array<i32: 0>} : vector<16xi32>
          %parallel_loop3A_736 = arith.subi %parallel_loop3A_734, %parallel_loop3A_735 : vector<16xi32>
          %parallel_loop3A_737 = tpu.dynamic_gather %parallel_loop3A_732[%parallel_loop3A_736] in [0] : vector<16xi32>, vector<16xi32> -> vector<16xi32>
          %parallel_loop3A_738 = arith.constant 16 : i32
          %parallel_loop3A_739 = arith.muli %parallel_loop3A_615, %parallel_loop3A_738 : i32
          %parallel_loop3A_740 = arith.index_cast %parallel_loop3A_739 : i32 to index
          %parallel_loop3A_741 = tpu.vector_load %arg9[%parallel_loop3A_740] {strides = array<i32>} : memref<256xi32, #tpu.memory_space<vmem>>, vector<16xi32>,
          tpu.vector_store %arg9[%parallel_loop3A_740], %parallel_loop3A_737 {strides = array<i32>} : memref<256xi32, #tpu.memory_space<vmem>>, vector<16xi32>,
        } {sc.loop_unroll_factor = 2 : i64, sc.parallel_access}
        %broadcast_in_dim3A_536 = vector.broadcast %scan3A_515 : i32 to vector<16xi32>
        %mul3A_537 = arith.constant 16 : i32
        %mul3A_538 = vector.broadcast %mul3A_537 : i32 to vector<16xi32>
        %mul3A_539 = arith.muli %iota3A, %mul3A_538 : vector<16xi32>
        %gather3A_540 = tpu.vector_load_idx %arg9[%mul3A_539] : memref<256xi32, #tpu.memory_space<vmem>>[vector<16xi32>], vector<16xi32>,
        %rev3A_541 = arith.constant 15 : i32
        %rev3A_542 = vector.broadcast %rev3A_541 : i32 to vector<16xi32>
        %rev3A_543 = tpu.iota {dimensions = array<i32: 0>} : vector<16xi32>
        %rev3A_544 = arith.subi %rev3A_542, %rev3A_543 : vector<16xi32>
        %rev3A_545 = tpu.dynamic_gather %gather3A_540[%rev3A_544] in [0] : vector<16xi32>, vector<16xi32> -> vector<16xi32>
        %cumsum3A_546 = arith.constant true
        %cumsum3A_547 = vector.broadcast %cumsum3A_546 : i1 to vector<16xi1>
        %cumsum3A_548 = tpu.scan <sum>, %rev3A_545 masked %cumsum3A_547 : vector<16xi32>, vector<16xi1> -> vector<16xi32>
        %rev3A_549 = arith.constant 15 : i32
        %rev3A_550 = vector.broadcast %rev3A_549 : i32 to vector<16xi32>
        %rev3A_551 = tpu.iota {dimensions = array<i32: 0>} : vector<16xi32>
        %rev3A_552 = arith.subi %rev3A_550, %rev3A_551 : vector<16xi32>
        %rev3A_553 = tpu.dynamic_gather %cumsum3A_548[%rev3A_552] in [0] : vector<16xi32>, vector<16xi32> -> vector<16xi32>
        %lt3A_554 = arith.cmpi slt, %rev3A_553, %broadcast_in_dim3A_536 : vector<16xi32>
        %jit3A_555 = arith.constant 0 : i32
        %broadcast_in_dim3A_556 = vector.broadcast %jit3A_555 : i32 to vector<16xi32>
        %select_n3A_557 = arith.select %lt3A_554, %rev3A_553, %broadcast_in_dim3A_556 : vector<16xi1>, vector<16xi32>
        %reduce_max3A_558 = arith.constant true
        %reduce_max3A_559 = vector.broadcast %reduce_max3A_558 : i1 to vector<16xi1>
        %reduce_max3A_560 = arith.constant -2147483648 : i32
        %reduce_max3A_561 = vector.broadcast %reduce_max3A_560 : i32 to vector<16xi32>
        %reduce_max3A_562 = arith.xori %select_n3A_557, %reduce_max3A_561 : vector<16xi32>
        %reduce_max3A_563 = tpu.scan <max>, %reduce_max3A_562 masked %reduce_max3A_559 : vector<16xi32>, vector<16xi1> -> vector<16xi32>
        %reduce_max3A_564 = arith.xori %reduce_max3A_563, %reduce_max3A_561 : vector<16xi32>
        %reduce_max3A_565 = vector.extract %reduce_max3A_564[15] : i32 from vector<16xi32>
        %ge3A_566 = arith.cmpi sge, %rev3A_553, %broadcast_in_dim3A_536 : vector<16xi32>
        %jit3A_567 = arith.constant 1 : i32
        %jit3A_568 = arith.constant 0 : i32
        %broadcast_in_dim3A_569 = vector.broadcast %jit3A_567 : i32 to vector<16xi32>
        %broadcast_in_dim3A_570 = vector.broadcast %jit3A_568 : i32 to vector<16xi32>
        %select_n3A_571 = arith.select %ge3A_566, %broadcast_in_dim3A_569, %broadcast_in_dim3A_570 : vector<16xi1>, vector<16xi32>
        %reduce_sum3A_572 = arith.constant true
        %reduce_sum3A_573 = vector.broadcast %reduce_sum3A_572 : i1 to vector<16xi1>
        %reduce_sum3A_574 = tpu.scan <sum>, %select_n3A_571 masked %reduce_sum3A_573 : vector<16xi32>, vector<16xi1> -> vector<16xi32>
        %reduce_sum3A_575 = vector.extract %reduce_sum3A_574[15] : i32 from vector<16xi32>
        %sub3A_576 = arith.constant 1 : i32
        %sub3A_577 = arith.subi %reduce_sum3A_575, %sub3A_576 : i32
        %mul3A_578 = arith.constant 16 : i32
        %mul3A_579 = arith.muli %sub3A_577, %mul3A_578 : i32
        %get3A_580 = arith.index_cast %mul3A_579 : i32 to index
        %get3A_581 = tpu.vector_load %arg9[%get3A_580] {strides = array<i32>} : memref<256xi32, #tpu.memory_space<vmem>>, vector<16xi32>,
        %add3A_582 = vector.broadcast %reduce_max3A_565 : i32 to vector<16xi32>
        %add3A_583 = arith.addi %get3A_581, %add3A_582 : vector<16xi32>
        %ge3A_584 = arith.cmpi sge, %add3A_583, %broadcast_in_dim3A_536 : vector<16xi32>
        %jit3A_585 = arith.constant 1 : i32
        %jit3A_586 = arith.constant 0 : i32
        %broadcast_in_dim3A_587 = vector.broadcast %jit3A_585 : i32 to vector<16xi32>
        %broadcast_in_dim3A_588 = vector.broadcast %jit3A_586 : i32 to vector<16xi32>
        %select_n3A_589 = arith.select %ge3A_584, %broadcast_in_dim3A_587, %broadcast_in_dim3A_588 : vector<16xi1>, vector<16xi32>
        %reduce_sum3A_590 = arith.constant true
        %reduce_sum3A_591 = vector.broadcast %reduce_sum3A_590 : i1 to vector<16xi1>
        %reduce_sum3A_592 = tpu.scan <sum>, %select_n3A_589 masked %reduce_sum3A_591 : vector<16xi32>, vector<16xi1> -> vector<16xi32>
        %reduce_sum3A_593 = vector.extract %reduce_sum3A_592[15] : i32 from vector<16xi32>
        %mul3A_594 = arith.constant 16 : i32
        %mul3A_595 = arith.muli %sub3A_577, %mul3A_594 : i32
        %add3A_596 = arith.addi %mul3A_595, %reduce_sum3A_593 : i32
        %sub3A_597 = arith.constant 1 : i32
        %sub3A_598 = arith.subi %add3A_596, %sub3A_597 : i32
        %lt3A_599 = arith.cmpi slt, %add3A_583, %broadcast_in_dim3A_536 : vector<16xi32>
        %jit3A_600 = arith.constant 0 : i32
        %broadcast_in_dim3A_601 = vector.broadcast %jit3A_600 : i32 to vector<16xi32>
        %select_n3A_602 = arith.select %lt3A_599, %add3A_583, %broadcast_in_dim3A_601 : vector<16xi1>, vector<16xi32>
        %reduce_max3A_603 = arith.constant true
        %reduce_max3A_604 = vector.broadcast %reduce_max3A_603 : i1 to vector<16xi1>
        %reduce_max3A_605 = arith.constant -2147483648 : i32
        %reduce_max3A_606 = vector.broadcast %reduce_max3A_605 : i32 to vector<16xi32>
        %reduce_max3A_607 = arith.xori %select_n3A_602, %reduce_max3A_606 : vector<16xi32>
        %reduce_max3A_608 = tpu.scan <max>, %reduce_max3A_607 masked %reduce_max3A_604 : vector<16xi32>, vector<16xi1> -> vector<16xi32>
        %reduce_max3A_609 = arith.xori %reduce_max3A_608, %reduce_max3A_606 : vector<16xi32>
        %reduce_max3A_610 = vector.extract %reduce_max3A_609[15] : i32 from vector<16xi32>
        %max3A_611 = arith.maxsi %reduce_max3A_565, %reduce_max3A_610 : i32
        %shift_left3A_612 = arith.shli %sub3A_598, %sub3A_519 : i32
        %or3A_613 = arith.ori %scan3A_514, %shift_left3A_612 : i32
        %sub3A_614 = arith.subi %scan3A_515, %max3A_611 : i32
        scf.yield %or3A_613, %sub3A_614 : i32, i32
      }
      %scan3A_484 = arith.constant 2 : i32
      %broadcast_in_dim3A_485 = vector.broadcast %scan3A_483#0 : i32 to vector<16xi32>
      %bitcast_convert_type3A_486 = tpu.bitcast %broadcast_in_dim3A_485 : vector<16xi32> -> vector<16xf32>
      %reduce_max3A_487 = arith.constant true
      %reduce_max3A_488 = vector.broadcast %reduce_max3A_487 : i1 to vector<16xi1>
      %reduce_max3A_489 = tpu.scan <max>, %bitcast_convert_type3A_486 masked %reduce_max3A_488 : vector<16xf32>, vector<16xi1> -> vector<16xf32>
      %reduce_max3A_490 = vector.extract %reduce_max3A_489[15] : f32 from vector<16xf32>
      %broadcast_in_dim3A_491 = arith.constant 0.000000e+00 : f32
      %broadcast_in_dim3A_492 = vector.broadcast %broadcast_in_dim3A_491 : f32 to vector<16xf32>
      %parallel_loop3A_493 = arith.constant 0 : i32
      %parallel_loop3A_494 = arith.constant 2048 : i32
      %parallel_loop3A_495 = arith.constant 1 : i32
      %parallel_loop3A_496:2 = scf.for %parallel_loop3A_513 = %parallel_loop3A_493 to %parallel_loop3A_494 step %parallel_loop3A_495 iter_args(%parallel_loop3A_514 = %broadcast_in_dim3A_492, %parallel_loop3A_515 = %broadcast_in_dim3A_6) -> (vector<16xf32>, vector<16xi32>)  : i32 {
        %parallel_loop3A_516 = arith.constant 16 : i32
        %parallel_loop3A_517 = arith.muli %parallel_loop3A_513, %parallel_loop3A_516 : i32
        %parallel_loop3A_518 = arith.index_cast %parallel_loop3A_517 : i32 to index
        %parallel_loop3A_519 = tpu.vector_load %arg6[%parallel_loop3A_518] {strides = array<i32>} : memref<32768xf32, #tpu.memory_space<vmem>>, vector<16xf32>,
        %parallel_loop3A_520 = arith.cmpf ogt, %parallel_loop3A_519, %bitcast_convert_type3A_486 : vector<16xf32>
        %parallel_loop3A_521 = arith.constant 0.000000e+00 : f32
        %parallel_loop3A_522 = vector.broadcast %parallel_loop3A_521 : f32 to vector<16xf32>
        %parallel_loop3A_523 = arith.select %parallel_loop3A_520, %parallel_loop3A_519, %parallel_loop3A_522 : vector<16xi1>, vector<16xf32>
        %parallel_loop3A_524 = arith.addf %parallel_loop3A_514, %parallel_loop3A_523 : vector<16xf32>
        %parallel_loop3A_525 = arith.constant 1 : i32
        %parallel_loop3A_526 = arith.constant 0 : i32
        %parallel_loop3A_527 = vector.broadcast %parallel_loop3A_525 : i32 to vector<16xi32>
        %parallel_loop3A_528 = vector.broadcast %parallel_loop3A_526 : i32 to vector<16xi32>
        %parallel_loop3A_529 = arith.select %parallel_loop3A_520, %parallel_loop3A_527, %parallel_loop3A_528 : vector<16xi1>, vector<16xi32>
        %parallel_loop3A_530 = arith.addi %parallel_loop3A_515, %parallel_loop3A_529 : vector<16xi32>
        scf.yield %parallel_loop3A_524, %parallel_loop3A_530 : vector<16xf32>, vector<16xi32>
      } {sc.loop_unroll_factor = 16 : i64, sc.parallel_access}
      %reduce_sum3A_497 = arith.constant true
      %reduce_sum3A_498 = vector.broadcast %reduce_sum3A_497 : i1 to vector<16xi1>
      %reduce_sum3A_499 = tpu.scan <sum>, %parallel_loop3A_496#0 masked %reduce_sum3A_498 : vector<16xf32>, vector<16xi1> -> vector<16xf32>
      %reduce_sum3A_500 = vector.extract %reduce_sum3A_499[15] : f32 from vector<16xf32>
      %reduce_sum3A_501 = arith.constant true
      %reduce_sum3A_502 = vector.broadcast %reduce_sum3A_501 : i1 to vector<16xi1>
      %reduce_sum3A_503 = tpu.scan <sum>, %parallel_loop3A_496#1 masked %reduce_sum3A_502 : vector<16xi32>, vector<16xi1> -> vector<16xi32>
      %reduce_sum3A_504 = vector.extract %reduce_sum3A_503[15] : i32 from vector<16xi32>
      %sub3A_505 = arith.constant 3276 : i32
      %sub3A_506 = arith.subi %sub3A_505, %reduce_sum3A_504 : i32
      %convert_element_type3A_507 = arith.sitofp %sub3A_506 : i32 to f32
      %mul3A_508 = arith.mulf %convert_element_type3A_507, %reduce_max3A_490 : f32
      %add3A_509 = arith.addf %reduce_sum3A_500, %mul3A_508 : f32
      %add3A_510 = arith.addf %add3A_269, %add3A_509 : f32
      %broadcast_in_dim3A_511 = vector.broadcast %add3A_510 : f32 to vector<16xf32>
      %add3A_512 = arith.addf %scan3A_42, %broadcast_in_dim3A_511 : vector<16xf32>
      scf.yield %add3A_512 : vector<16xf32>
    }
    %scan3A_26 = arith.constant 2 : i32
    %dma_wait3A = arith.constant 0 : i32
    %dma_wait3A_27 = arith.constant 0 : i32
    %dma_wait3A_28 = tpu.memref_slice %arg2[%dma_wait3A, %dma_wait3A_27] : memref<128x32768xf32, #tpu.memory_space<hbm>> -> memref<1x32768xf32, #tpu.memory_space<hbm>>
    %dma_wait3A_29 = tpu.memref_squeeze %dma_wait3A_28 : memref<1x32768xf32, #tpu.memory_space<hbm>> -> memref<32768xf32, #tpu.memory_space<hbm>>
    %dma_wait3A_30 = arith.constant 0 : i32
    %dma_wait3A_31 = tpu.memref_slice %arg2[%dma_wait3A, %dma_wait3A_30] : memref<128x32768xf32, #tpu.memory_space<hbm>> -> memref<1x32768xf32, #tpu.memory_space<hbm>>
    %dma_wait3A_32 = tpu.memref_squeeze %dma_wait3A_31 : memref<1x32768xf32, #tpu.memory_space<hbm>> -> memref<32768xf32, #tpu.memory_space<hbm>>
    tpu.wait_dma2 semaphore(%arg11 : memref<!tpu.dma_semaphore, #tpu.memory_space<semaphore_mem>>) src(%dma_wait3A_32 : memref<32768xf32, #tpu.memory_space<hbm>>) dst(%arg5 : memref<32768xf32, #tpu.memory_space<vmem>>)
    %dma_wait3A_33 = arith.constant 0 : i32
    %dma_wait3A_34 = arith.constant 0 : i32
    %dma_wait3A_35 = tpu.memref_slice %arg3[%dma_wait3A_33, %dma_wait3A_34] : memref<128x32768xf32, #tpu.memory_space<hbm>> -> memref<1x32768xf32, #tpu.memory_space<hbm>>
    %dma_wait3A_36 = tpu.memref_squeeze %dma_wait3A_35 : memref<1x32768xf32, #tpu.memory_space<hbm>> -> memref<32768xf32, #tpu.memory_space<hbm>>
    %dma_wait3A_37 = arith.constant 0 : i32
    %dma_wait3A_38 = tpu.memref_slice %arg3[%dma_wait3A_33, %dma_wait3A_37] : memref<128x32768xf32, #tpu.memory_space<hbm>> -> memref<1x32768xf32, #tpu.memory_space<hbm>>
    %dma_wait3A_39 = tpu.memref_squeeze %dma_wait3A_38 : memref<1x32768xf32, #tpu.memory_space<hbm>> -> memref<32768xf32, #tpu.memory_space<hbm>>
    tpu.wait_dma2 semaphore(%arg12 : memref<!tpu.dma_semaphore, #tpu.memory_space<semaphore_mem>>) src(%dma_wait3A_39 : memref<32768xf32, #tpu.memory_space<hbm>>) dst(%arg7 : memref<32768xf32, #tpu.memory_space<vmem>>)
    %swap3A = arith.constant 0 : index
    %swap3A_40 = tpu.vector_load %arg10[%swap3A] {strides = array<i32>} : memref<16xf32, #tpu.memory_space<vmem>>, vector<16xf32>,
    tpu.vector_store %arg10[%swap3A], %scan3A_25 {strides = array<i32>} : memref<16xf32, #tpu.memory_space<vmem>>, vector<16xf32>,
    "tpu.region"() ({
      %run_scoped3A = tpu.sem_alloc : memref<!tpu.dma_semaphore, #tpu.memory_space<semaphore_mem>>
      %dma_start3A_41 = arith.constant 0 : i32
      %dma_start3A_42 = tpu.memref_slice %arg4[%add3A, %dma_start3A_41] : memref<32x16xf32, #tpu.memory_space<hbm>> -> memref<1x16xf32, #tpu.memory_space<hbm>>
      %dma_start3A_43 = tpu.memref_squeeze %dma_start3A_42 : memref<1x16xf32, #tpu.memory_space<hbm>> -> memref<16xf32, #tpu.memory_space<hbm>>
      %dma_start3A_44 = arith.constant 0 : i32
      %dma_start3A_45 = tpu.memref_slice %arg4[%add3A, %dma_start3A_44] : memref<32x16xf32, #tpu.memory_space<hbm>> -> memref<1x16xf32, #tpu.memory_space<hbm>>
      %dma_start3A_46 = tpu.memref_squeeze %dma_start3A_45 : memref<1x16xf32, #tpu.memory_space<hbm>> -> memref<16xf32, #tpu.memory_space<hbm>>
      tpu.enqueue_dma source(%arg10 : memref<16xf32, #tpu.memory_space<vmem>>) target(%dma_start3A_46 : memref<16xf32, #tpu.memory_space<hbm>>) target_semaphore(%run_scoped3A : memref<!tpu.dma_semaphore, #tpu.memory_space<semaphore_mem>>)
      %dma_wait3A_47 = arith.constant 0 : i32
      %dma_wait3A_48 = tpu.memref_slice %arg4[%add3A, %dma_wait3A_47] : memref<32x16xf32, #tpu.memory_space<hbm>> -> memref<1x16xf32, #tpu.memory_space<hbm>>
      %dma_wait3A_49 = tpu.memref_squeeze %dma_wait3A_48 : memref<1x16xf32, #tpu.memory_space<hbm>> -> memref<16xf32, #tpu.memory_space<hbm>>
      %dma_wait3A_50 = arith.constant 0 : i32
      %dma_wait3A_51 = tpu.memref_slice %arg4[%add3A, %dma_wait3A_50] : memref<32x16xf32, #tpu.memory_space<hbm>> -> memref<1x16xf32, #tpu.memory_space<hbm>>
      %dma_wait3A_52 = tpu.memref_squeeze %dma_wait3A_51 : memref<1x16xf32, #tpu.memory_space<hbm>> -> memref<16xf32, #tpu.memory_space<hbm>>
      tpu.wait_dma2 semaphore(%run_scoped3A : memref<!tpu.dma_semaphore, #tpu.memory_space<semaphore_mem>>) src(%arg10 : memref<16xf32, #tpu.memory_space<vmem>>) dst(%dma_wait3A_52 : memref<16xf32, #tpu.memory_space<hbm>>)
      tpu.yield
    }) : () -> ()
    return
  }
}

</mosaic_0001>

<sc_bundles>
// kernel: _topk_partials.3.cloned.1.call-start
scs
__scs_entry_jumppad:
0x0: {  	(pc) =	sbr.rel $0x88, $3  }
0x1: {  	(tag) =	ssettag $0x0;
	lr =	simm.s32 $0x1  }
0x2: {  	[smem:$0x3F9F] =	sst lr;
	_ =	strace $0xD0000000  }
0x3: {  	_ = 	snop  }
0x4: {  	_ = 	snop  }
0x5: {  	_ = 	snop  }
0x6: {  	_ = 	snop  }
0x7: {  	_ = 	snop  }
__scs_overlays_trampoline_lowered:
0x8: {  	[smem:$0x3FAE] =	sst s0  }
0x9: {  	[smem:$0x3FAF] =	sst s1  }
0xa: {  	[smem:$0x3FB0] =	sst s2  }
0xb: {  	[smem:$0x3FB1] =	sst s3  }
0xc: {  	[smem:$0x3FB2] =	sst s4  }
0xd: {  	[smem:$0x3FB3] =	sst s5  }
0xe: {  	[smem:$0x3FB4] =	sst s6  }
0xf: {  	[smem:$0x3FB5] =	sst s7  }
0x10: {  	[smem:$0x3FB6] =	sst s8  }
0x11: {  	[smem:$0x3FB7] =	sst s9;
	s0 =	simm.s32 @!p0 $0x0  }
0x12: {  	s1 =	sld [smem:$0x3F9D];
	s0 =	simm.s32 @p0 $0x1  }
0x13: {  	[smem:$0x3FB8] =	sst s0;
	s0 =	simm.s32 @!p1 $0x0  }
0x14: {  	s2 =	sld [smem:$0x3F9C];
	s0 =	simm.s32 @p1 $0x1  }
0x15: {  	[smem:$0x3FB9] =	sst s0;
	s0 =	simm.s32 @!p2 $0x0  }
0x16: {  	s3 =	sld [smem:$0x3FDB];
	s0 =	simm.s32 @p2 $0x1  }
0x17: {  	s4 =	simm.s32 $0x1BF5;
	[smem:$0x3FBB] =	sst s0  }
0x18: {  	s0 =	sld [smem:$0x3F9E];
	_ =	swait.ge [sflag:s4], $0x0  }
0x19: {  	s7 =	sld [smem:$0x3F9F]  }
0x1a: {  	s8 =	sadd.s32 $0xFFFFE003, lr  }
0x1b: {  	s9 =	sadd.s32 $0xFFFFFEF7, lr;
	s5 =	simm.s32 $0xFFFFFFFF;
	p2 =	slt.u32 s8, $0xFFFFF086  }
0x1c: {  	p1 =	slt.u32 s9, $0xF7A;
	s5 =	simm.s32 @!p2 $0x0  }
0x1d: {  	s5 =	simm.s32 @p1 $0x1;
	p0 =	seq.s32 s7, s2  }
0x1e: {  	s7 =	smul.u32 @!p0 $0xF7A, s2;
	p2 =	seq.s32 @!p0 s5, $0x0  }
0x1f: {  	s9 =	smul.u32 $0xF7A, s1;
	s8 =	simm.s32 @!p0 $0x1BF5;
	p2 =	por !p2, p0  }
0x20: {  	[sflag:s8] =	ssyncset.s32 @!p0 $0xFFFFF086;
	s6 =	sadd.s32 @!p0 s3, s7;
	s7 =	simm.s32 @!p0 $0x108  }
0x21: {  	s3 =	sadd.s32 s3, s9;
	s6 =	sadd.s32 @!p0 $0x88, s6;
	s7 =	simm.s32 @p2 $0x1082  }
0x22: {  	[simem:s7], [sflag:s8] =	dma.local @!p0 [hbm:s6], $0xF7A  }
0x23: {  	s9 =	sor.u32 $0xD0000000, s2;
	s6 =	simm.s32 $0x108;
	_ =	swait.ge @!p0 [sflag:s8], $0x0  }
0x24: {  	s3 =	sadd.s32 $0x88, s3;
	s6 =	simm.s32 @!p1 $0x1082;
	[sflag:s4] =	ssyncset.s32 $0xFFFFF086  }
0x25: {  	[simem:s6], [sflag:s4] =	dma.local [hbm:s3], $0xF7A  }
0x26: {  	[smem:$0x3F9F] =	sst s1;
	(tag) =	ssettag s2;
	_ =	strace s9  }
0x27: {  	s1 =	sld [smem:$0x3FAF]  }
0x28: {  	s2 =	sld [smem:$0x3FB0]  }
0x29: {  	s4 =	sld [smem:$0x3FB2]  }
0x2a: {  	p0 =	seq.s32 s5, $0x0;
	s5 =	sld [smem:$0x3FB3]  }
0x2b: {  	s6 =	sld [smem:$0x3FB4]  }
0x2c: {  	s7 =	sld [smem:$0x3FB5]  }
0x2d: {  	s3 =	simm.s32 $0x108;
	s8 =	sld [smem:$0x3FB6]  }
0x2e: {  	s3 =	simm.s32 @!p0 $0x1082;
	s9 =	sld [smem:$0x3FB7]  }
0x2f: {  	lr =	sadd.s32 s0, s3;
	s0 =	sld [smem:$0x3FAE]  }
0x30: {  	s3 =	sld [smem:$0x3FB1]  }
0x31: {  	[smem:$0x3FBA] =	sst s10  }
0x32: {  	s10 =	sld [smem:$0x3FB8];
	_ =	sdelay $0x3  }
0x33: {  	p0 =	seq.s32 s10, $0x1;
	s10 =	sld [smem:$0x3FBA];
	_ =	sdelay $0x3  }
0x34: {  	[smem:$0x3FBA] =	sst s10  }
0x35: {  	s10 =	sld [smem:$0x3FB9];
	_ =	sdelay $0x3  }
0x36: {  	p1 =	seq.s32 s10, $0x1;
	s10 =	sld [smem:$0x3FBA];
	_ =	sdelay $0x3  }
0x37: {  	[smem:$0x3FBA] =	sst s10  }
0x38: {  	s10 =	sld [smem:$0x3FBB]  }
0x39: {  	_ = 	snop;
	(pc) =	sbr.ind lr, $3  }
0x3a: {  	_ = 	snop  }
0x3b: {  	_ = 	snop  }
0x3c: {  	p2 =	seq.s32 s10, $0x1;
	s10 =	sld [smem:$0x3FBA]  }
0x3d: {  	_ =	shalt  }
0x3e: {  	_ =	shalt  }
0x3f: {  	_ =	shalt  }
0x40: {  	_ =	shalt  }
0x41: {  	_ =	shalt  }
0x42: {  	_ =	shalt  }
0x43: {  	_ =	shalt  }
0x44: {  	_ =	shalt  }
0x45: {  	_ =	shalt  }
0x46: {  	_ =	shalt  }
0x47: {  	_ =	shalt  }
0x48: {  	_ =	shalt  }
0x49: {  	_ =	shalt  }
0x4a: {  	_ =	shalt  }
0x4b: {  	_ =	shalt  }
0x4c: {  	_ =	shalt  }
0x4d: {  	_ =	shalt  }
0x4e: {  	_ =	shalt  }
0x4f: {  	_ =	shalt  }
0x50: {  	_ =	shalt  }
0x51: {  	_ =	shalt  }
0x52: {  	_ =	shalt  }
0x53: {  	_ =	shalt  }
0x54: {  	_ =	shalt  }
0x55: {  	_ =	shalt  }
0x56: {  	_ =	shalt  }
0x57: {  	_ =	shalt  }
0x58: {  	_ =	shalt  }
0x59: {  	_ =	shalt  }
0x5a: {  	_ =	shalt  }
0x5b: {  	_ =	shalt  }
0x5c: {  	_ =	shalt  }
0x5d: {  	_ =	shalt  }
0x5e: {  	_ =	shalt  }
0x5f: {  	_ =	shalt  }
0x60: {  	_ =	shalt  }
0x61: {  	_ =	shalt  }
0x62: {  	_ =	shalt  }
0x63: {  	_ =	shalt  }
0x64: {  	_ =	shalt  }
0x65: {  	_ =	shalt  }
0x66: {  	_ =	shalt  }
0x67: {  	_ =	shalt  }
0x68: {  	_ =	shalt  }
0x69: {  	_ =	shalt  }
0x6a: {  	_ =	shalt  }
0x6b: {  	_ =	shalt  }
0x6c: {  	_ =	shalt  }
0x6d: {  	_ =	shalt  }
0x6e: {  	_ =	shalt  }
0x6f: {  	_ =	shalt  }
0x70: {  	_ =	shalt  }
0x71: {  	_ =	shalt  }
0x72: {  	_ =	shalt  }
0x73: {  	_ =	shalt  }
0x74: {  	_ =	shalt  }
0x75: {  	_ =	shalt  }
0x76: {  	_ =	shalt  }
0x77: {  	_ =	shalt  }
0x78: {  	_ =	shalt  }
0x79: {  	_ =	shalt  }
0x7a: {  	_ =	shalt  }
0x7b: {  	_ =	shalt  }
0x7c: {  	_ =	shalt  }
0x7d: {  	_ =	shalt  }
0x7e: {  	_ =	shalt  }
0x7f: {  	_ =	shalt  }
0x80: {  	_ =	shalt  }
0x81: {  	_ =	shalt  }
0x82: {  	_ =	shalt  }
0x83: {  	_ =	shalt  }
0x84: {  	_ =	shalt  }
0x85: {  	_ =	shalt  }
0x86: {  	_ =	shalt  }
0x87: {  	_ =	shalt  }
.Lfunc_end0:
.L_simem_size_0:
called_computation_lowered:
.L_overlay_start_0:
0x88: {  	s2 =	sld [smem:$0x3FD9]  }
0x89: {  	s3 =	sld [smem:$0x3FFE];
	_ =	sdelay $0x1  }
0x8a: {  	s1 =	srdreg.scid  }
0x8b: {  	s0 =	sand.u32 $0x1, s1  }
0x8c: {  	s17 =	sshll.u32 s0, $0xA;
	s2 =	sadd.s32 s3, s2  }
0x8d: {  	s2 =	sadd.s32 s2, s17  }
0x8e: {  	[smem:$0x3FC6] =	sst s2  }
0x8f: {  	_ = 	snop  }
0x90: {  	s2 =	sld [smem:$0x3FC9]  }
0x91: {  	s18 =	sld [smem:$0x3FC8];
	(tm) =	ssettm $0x1  }
0x92: {  	s4 =	sld [smem:$0x3FFB];
	_ =	sdelay $0x3  }
0x93: {  	_ =	strace s4  }
0x94: {  	s4 =	sld [smem:$0x3FFC];
	_ =	sdelay $0x3  }
0x95: {  	_ =	strace s4  }
0x96: {  	s4 =	sld [smem:$0x3FFD];
	_ =	sdelay $0x3  }
0x97: {  	_ =	strace s4  }
0x98: {  	_ =	strace $0x8FFFFFFF  }
0x99: {  	s19 =	sld [smem:$0x3FDB];
	_ =	sdelay $0x1  }
0x9a: {  	s5 =	simm.s32 $_scs_section_size  }
0x9b: {  	s6 =	simm.s32 $_size__tile_overlayer_lowered;
	s7 =	simm.s32 $_tile_overlayer_lowered  }
0x9c: {  	s22 =	simm.s32 $0x1BFF;
	s21 =	sshll.u32 s7, $0x1;
	s4 =	sadd.s32 s5, s19  }
0x9d: {  	s8 =	simm.s32 $0x0;
	s20 =	sshll.u32 s6, $0x1;
	s6 =	sadd.s32 s21, s4  }
0x9e: {  	[timem:s8], [sflag:s22] =	dma.local [hbm:s6], s20  }
0x9f: {  	_ =	swait.ge [sflag:s22], s20  }
0xa0: {  	s5 =	ssub.s32 $0x0, s20;
	[sflag:s22] =	ssyncset.done $0x0  }
0xa1: {  	[sflag:s22] =	ssyncadd.s32 s5;
	_ =	sdelay $0x1  }
0xa2: {  	s23 =	simm.s32 $0x1B8B  }
0xa3: {  	_ =	swait.ge [sflag:s23], $0x1  }
0xa4: {  	[sflag:s23] =	ssyncset.done $0x0  }
0xa5: {  	s25 =	simm.s32 $0x1B8E;
	s24 =	sld [smem:$0x3FFE];
	[sflag:s23] =	ssyncadd.s32 $0xFFFFFFFF  }
0xa6: {  	s26 =	simm.s32 $execute0_lowered;
	[smem:$0x3FD2] =	sst s25  }
0xa7: {  	s6 =	sshll.u32 s26, $0x1;
	_ =	strace $0x80000046;
	[dreg:$0x1] =	wrdreg $0xFFFFFFFF  }
0xa8: {  	s28 =	simm.s32 $_size_execute0_lowered;
	s4 =	sadd.s32 s4, s6;
	[dreg:$0x0] =	wrdreg $0x0  }
0xa9: {  	s6 =	sshll.u32 s28, $0x1;
	[dreg:$0x2] =	wrdreg s4  }
0xaa: {  	[dreg:$0x3] =	wrdreg s6  }
0xab: {  	[dreg:$0x4] =	wrdreg $0xC0  }
0xac: {  	_ =	task [dreg:s8], $0x5FFFF  }
0xad: {  	[dreg:$0x1] =	wrdreg $0xFFFFFFFF  }
0xae: {  	[dreg:$0x0] =	wrdreg $0x60  }
0xaf: {  	[dreg:$0x2] =	wrdreg s2  }
0xb0: {  	[dreg:$0x3] =	wrdreg s18  }
0xb1: {  	[dreg:$0x4] =	wrdreg s24  }
0xb2: {  	[dreg:$0x5] =	wrdreg $0x9  }
0xb3: {  	_ =	task.clear_ibuf [dreg:s8], $0x6FFFF;
	_ =	strace $0x90000046  }
0xb4: {  	s29 =	simm.s32 $0x9;
	_ =	strace $0x80000048  }
0xb5: {  	_ =	swait.ge [sflag:s29], $0x1  }
0xb6: {  	[sflag:s29] =	ssyncadd.s32 $0xFFFFFFFF  }
0xb7: {  	_ =	strace $0x90000048  }
0xb8: {  	_ =	sfence  }
0xb9: {  	s30 =	sld [smem:$0x0];
	_ =	sdelay $0x2  }
0xba: {  	s31 =	sshll.u32 s1, $0xD;
	s1 =	sshrl.u32 s1, $0x2  }
0xbb: {  	s3 =	sand.u32 $0x4000, s31;
	s1 =	sadd.s32 s1, s30  }
0xbc: {  	s0 =	sor.u32 s3, s0;
	s1 =	sshll.u32 s1, $0x11  }
0xbd: {  	s0 =	sor.u32 s1, s0  }
0xbe: {  	s0 =	sadd.s32 $0x8F2B, s0  }
0xbf: {  	[sflag:s0] =	ssyncadd.remote.s32 $0x1  }
0xc0: {  	_ =	sfence.sel $0xFFFF  }
0xc1: {  	[dreg:$0x0] =	wrdreg $0xFFFFFFFF;
	(pc) =	sbr.abs _section_cstart, $3  }
0xc2: {  	[dreg:$0x1] =	wrdreg $0xFFFFFFFF  }
0xc3: {  	_ =	task.clear_ibuf [dreg:s8], $0x2FFFF;
	_ =	strace $0x9FFFFFFF  }
0xc4: {  	(tm) =	ssettm $0x7FFFFFFF  }
0xc5: {  	_ =	shalt  }
tec
execute0_lowered:
.L_overlay_start_1:
0x0: {  	(tag) =	ssettag $0x1  }
0x1: {  	s1 =	rddreg [dreg:$0x0]  }
0x2: {  	s3 =	rddreg [dreg:$0x1]  }
0x3: {  	s5 =	rddreg [dreg:$0x2];
	s6 =	srdreg.scid  }
0x4: {  	s2 =	stileid.u32;
	s4 =	simm.s32 $0x0;
	s12 =	simm.s32 $0x400  }
0x5: {  	s13 =	simm.s32 $0x10000;
	s14 =	simm.s32 $0x1;
	s15 =	simm.s32 $0x2  }
0x6: {  	s16 =	simm.s32 $0x18000;
	s17 =	simm.s32 $0x19000;
	s18 =	simm.s32 $0x8000  }
0x7: {  	s19 =	simm.s32 $0xFFFFFFFF;
	s20 =	simm.s32 $0x19100;
	s21 =	simm.s32 $0x3  }
0x8: {  	s22 =	simm.s32 $0x0;
	s6 =	sand.u32 $0x1, s6;
	s7 =	sshll.u32 s2, $0x1  }
0x9: {  	[smem:$0x7FF] =	sst s4;
	s11 =	sshll.u32 s2, $0xF;
	s7 =	sor.u32 s6, s7  }
0xa: {  	_ =	strace $0x80000047;
	s9 =	ssub.s32 $0x2, s6;
	s6 =	sshll.u32 s6, $0x6  }
0xb: {  	v4 =	vlaneseq.u32;
	s8 =	sshll.u32 s7, $0x4;
	s10 =	sshrl.u32 s9, $0x1;
	s31 =	sor.u32 s6, s11  }
0xc: {  	v3 =	vmul.u32 $0xFFFFFFFF, v4;
	s8 =	sadd.s32 s8, s5;
	s9 =	ssub.s32 s9, s10;
	s5 =	sshll.u32 s7, $0x2  }
0xd: {  	v0 =	vimm.s32 $0x0;
	v1 =	vmul.u32 $0x100, v4;
	s6 =	sadd.s32 s1, s31;
	s7 =	sadd.s32 s3, s31;
	s10 =	sor.u32 $0x10, s11  }
0xe: {  	v2 =	vimm.s32 $0x1;
	v4 =	vmul.u32 $0x10, v4;
	v3 =	vadd.s32 $0xF, v3;
	s11 =	simm.s32 $0x80;
	s8 =	sadd.s32 $0x400, s8;
	s9 =	smax.u32 s9, $0x1  }
.LBB2_1:
0xf: {  	[tilespmem:s4], [sflag:$0x1] =	stream.strided.gather [hbm4b:s6+s11], $0x8000, s12, s11, $0x38;
	[tilespmem:$0x19180] =	vst v63  }
0x10: {  	p1 =	por $0x1, $0x1;
	s23 =	simm.s32 $0x0  }
0x11: {  	v5 =	vimm.f32 $0.0e+00;
	[tilespmem:s13], [sflag:$0x2] =	stream.strided.gather [hbm4b:s7+s11], $0x8000, s12, s11, $0x38;
	[tilespmem:$0x19180] =	vst v63  }
.LBB2_2:
0x12: {  	_ =	swait.ge [sflag:s14], $0x8000  }
0x13: {  	[sflag:s14] =	ssyncset.done $0x0  }
0x14: {  	[sflag:s14] =	ssyncadd.s32 $0xFFFF8000  }
0x15: {  	_ =	swait.ge [sflag:s15], $0x8000  }
0x16: {  	[sflag:s15] =	ssyncset.done $0x0  }
0x17: {  	s24 =	simm.s32 $0x18080;
	[sflag:s15] =	ssyncadd.s32 $0xFFFF8000  }
0x18: {  	[tilespmem:s24+$0xFFFFFF80] =	vst v0  }
0x19: {  	[tilespmem:s24+$0x70] =	vst v0  }
0x1a: {  	[tilespmem:s24+$0x60] =	vst v0  }
0x1b: {  	[tilespmem:s24+$0x50] =	vst v0  }
0x1c: {  	[tilespmem:s24+$0x40] =	vst v0  }
0x1d: {  	[tilespmem:s24+$0x30] =	vst v0  }
0x1e: {  	[tilespmem:s24+$0x20] =	vst v0  }
0x1f: {  	[tilespmem:s24+$0x10] =	vst v0  }
0x20: {  	[tilespmem:s24+$0x0] =	vst v0  }
0x21: {  	[tilespmem:s24+$0xFFFFFFF0] =	vst v0  }
0x22: {  	[tilespmem:s24+$0xFFFFFFE0] =	vst v0  }
0x23: {  	[tilespmem:s24+$0xFFFFFFD0] =	vst v0  }
0x24: {  	[tilespmem:s24+$0xFFFFFFC0] =	vst v0  }
0x25: {  	[tilespmem:s24+$0xFFFFFFB0] =	vst v0  }
0x26: {  	p0 =	por p1, p1;
	s28 =	simm.s32 $0x0;
	[tilespmem:s24+$0xFFFFFFA0] =	vst v0  }
.LBB2_3:
0x27: {  	s28 =	sadd.s32 $0x10, s28;
	[tilespmem:s24+$0xFFFFFF90] =	vst v0;
	s24 =	sadd.s32 $0x100, s24;
	s25 =	simm.s32 $0x10080  }
0x28: {  	[tilespmem:s24+$0xFFFFFF80] =	vst v0;
	p1 =	slt.u32 s28, $0xF0  }
0x29: {  	[tilespmem:s24+$0x70] =	vst v0  }
0x2a: {  	[tilespmem:s24+$0x60] =	vst v0  }
0x2b: {  	[tilespmem:s24+$0x50] =	vst v0  }
0x2c: {  	[tilespmem:s24+$0x40] =	vst v0  }
0x2d: {  	[tilespmem:s24+$0x30] =	vst v0  }
0x2e: {  	[tilespmem:s24+$0x20] =	vst v0  }
0x2f: {  	[tilespmem:s24+$0x10] =	vst v0  }
0x30: {  	[tilespmem:s24+$0x0] =	vst v0  }
0x31: {  	[tilespmem:s24+$0xFFFFFFF0] =	vst v0  }
.Ltmp0:
0x32: {  	[tilespmem:s24+$0xFFFFFFE0] =	vst v0;
	(pc) =	sbr.rel @p1 .LBB2_3-.Ltmp0, $4  }
0x33: {  	[tilespmem:s24+$0xFFFFFFD0] =	vst v0  }
0x34: {  	[tilespmem:s24+$0xFFFFFFC0] =	vst v0  }
0x35: {  	[tilespmem:s24+$0xFFFFFFB0] =	vst v0  }
0x36: {  	s26 =	simm.s32 $0x80;
	[tilespmem:s24+$0xFFFFFFA0] =	vst v0  }
0x37: {  	[tilespmem:s24+$0xFFFFFF90] =	vst v0  }
0x38: {  	v6 =	vld [tilespmem:s26+$0x30]  }
0x39: {  	v7 =	vld [tilespmem:s25+$0x70]  }
0x3a: {  	v8 =	vld [tilespmem:s26+$0x70]  }
0x3b: {  	v9 =	vld [tilespmem:s26+$0xFFFFFF90]  }
0x3c: {  	v10 =	vld [tilespmem:s26+$0xFFFFFFA0]  }
0x3d: {  	v11 =	vld [tilespmem:s26+$0xFFFFFFB0]  }
0x3e: {  	v13 =	vld [tilespmem:s26+$0xFFFFFFE0]  }
0x3f: {  	v14 =	vld [tilespmem:s25+$0x60]  }
0x40: {  	v15 =	vld [tilespmem:s26+$0x60]  }
0x41: {  	v17 =	vld [tilespmem:s25+$0x50]  }
0x42: {  	v18 =	vld [tilespmem:s26+$0x50]  }
0x43: {  	v33 =	vld [tilespmem:s25+$0x20]  }
0x44: {  	v35 =	vld [tilespmem:s26+$0x20]  }
0x45: {  	v21 =	vld [tilespmem:s25+$0x10]  }
0x46: {  	v22 =	vld [tilespmem:s26+$0x10]  }
0x47: {  	v39 =	vld [tilespmem:s25+$0xFFFFFFF0];
	v7 =	vsub.f32 v8, v7  }
0x48: {  	v41 =	vld [tilespmem:s25+$0xFFFFFFE0]  }
0x49: {  	v51 =	vld [tilespmem:s25+$0xFFFFFFB0];
	v7 =	vand.u32 $0x7FFFFFFF, v7  }
0x4a: {  	v16 =	vshrl.u32 v7, $0x18;
	[tilespmem:s26+$0x70] =	vst v7;
	v7 =	vld [tilespmem:s25+$0x30]  }
0x4b: {  	v53 =	vld [tilespmem:s25+$0xFFFFFFA0];
	v14 =	vsub.f32 v15, v14  }
0x4c: {  	v55 =	vld [tilespmem:s25+$0xFFFFFF90];
	v15 =	vsub.f32 v35, v33  }
0x4d: {  	v8 =	vld [tilespmem:s26+$0xFFFFFFF0];
	v42 =	vsub.f32 v22, v21;
	v14 =	vand.u32 $0x7FFFFFFF, v14  }
0x4e: {  	v38 =	vld [tilespmem:s26+$0x0];
	v13 =	vsub.f32 v13, v41;
	v15 =	vand.u32 $0x7FFFFFFF, v15;
	[tilespmem:s26+$0x60] =	vst v14  }
0x4f: {  	v11 =	vsub.f32 v11, v51;
	v44 =	vand.u32 $0x7FFFFFFF, v42;
	[tilespmem:s26+$0x20] =	vst v15;
	v6 =	vsub.f32 v6, v7;
	v7 =	vld [tilespmem:s25+$0x0]  }
0x50: {  	v10 =	vsub.f32 v10, v53;
	v13 =	vand.u32 $0x7FFFFFFF, v13;
	[tilespmem:s26+$0x10] =	vst v44  }
0x51: {  	v12 =	vld [tilespmem:s26+$0xFFFFFFC0];
	v34 =	vsub.f32 v18, v17;
	v9 =	vsub.f32 v9, v55;
	v11 =	vand.u32 $0x7FFFFFFF, v11;
	[tilespmem:s26+$0xFFFFFFE0] =	vst v13  }
0x52: {  	v19 =	vld [tilespmem:s25+$0x40];
	v10 =	vand.u32 $0x7FFFFFFF, v10;
	[tilespmem:s26+$0xFFFFFFB0] =	vst v11;
	v16 =	vor.u32 v1, v16;
	v8 =	vsub.f32 v8, v39  }
0x53: {  	v20 =	vld [tilespmem:s26+$0x40];
	v9 =	vand.u32 $0x7FFFFFFF, v9;
	v36 =	vshrl.u32 v14, $0x18;
	v43 =	vshrl.u32 v15, $0x18;
	[tilespmem:s26+$0xFFFFFFA0] =	vst v10  }
0x54: {  	v46 =	vld [tilespmem:s26+$0xFFFFFFD0];
	[tilespmem:s26+$0xFFFFFF90] =	vst v9;
	v18 =	vor.u32 v1, v36;
	v8 =	vand.u32 $0x7FFFFFFF, v8;
	v7 =	vsub.f32 v38, v7  }
0x55: {  	v48 =	vld [tilespmem:s25+$0xFFFFFFC0];
	v45 =	vor.u32 v1, v43;
	v52 =	vshrl.u32 v8, $0x18;
	[tilespmem:s26+$0xFFFFFFF0] =	vst v8;
	v6 =	vand.u32 $0x7FFFFFFF, v6  }
0x56: {  	v8 =	vor.u32 v1, v52;
	v40 =	vshrl.u32 v6, $0x18;
	[tilespmem:s26+$0x30] =	vst v6;
	v6 =	vld [tilespmem:s25+$0xFFFFFFD0];
	v7 =	vand.u32 $0x7FFFFFFF, v7  }
0x57: {  	[tilespmem:v16+s16+$0x0] =	vst.idx.add.s32.msk $0xffff, v2;
	v50 =	vshrl.u32 v7, $0x18  }
0x58: {  	[tilespmem:s26+$0x0] =	vst v7;
	v7 =	vor.u32 v1, v50  }
0x59: {  	v37 =	vsub.f32 v20, v19;
	v47 =	vshrl.u32 v44, $0x18;
	[tilespmem:v18+s16+$0x0] =	vst.idx.add.s32.msk $0xffff, v2  }
0x5a: {  	v49 =	vor.u32 v1, v47;
	[tilespmem:v45+s16+$0x0] =	vst.idx.add.s32.msk $0xffff, v2  }
0x5b: {  	v14 =	vand.u32 $0x7FFFFFFF, v37;
	v54 =	vshrl.u32 v13, $0x18;
	[tilespmem:v8+s16+$0x0] =	vst.idx.add.s32.msk $0xffff, v2;
	v6 =	vsub.f32 v46, v6  }
0x5c: {  	v12 =	vsub.f32 v12, v48;
	v60 =	vshrl.u32 v11, $0x18;
	[tilespmem:s26+$0x40] =	vst v14;
	v56 =	vor.u32 v1, v54;
	v8 =	vld [tilespmem:s25+$0xFFFFFF80]  }
0x5d: {  	v10 =	vshrl.u32 v10, $0x18;
	v61 =	vor.u32 v1, v60;
	v6 =	vand.u32 $0x7FFFFFFF, v6;
	[tilespmem:v7+s16+$0x0] =	vst.idx.add.s32.msk $0xffff, v2  }
0x5e: {  	v10 =	vor.u32 v1, v10;
	v57 =	vshrl.u32 v6, $0x18;
	[tilespmem:s26+$0xFFFFFFD0] =	vst v6;
	v6 =	vand.u32 $0x7FFFFFFF, v12;
	v7 =	vld [tilespmem:s26+$0xFFFFFF80]  }
0x5f: {  	[tilespmem:v49+s16+$0x0] =	vst.idx.add.s32.msk $0xffff, v2;
	v59 =	vshrl.u32 v6, $0x18  }
0x60: {  	[tilespmem:s26+$0xFFFFFFC0] =	vst v6;
	v6 =	vor.u32 v1, v59  }
0x61: {  	v62 =	vshrl.u32 v14, $0x18;
	v16 =	vand.u32 $0x7FFFFFFF, v34;
	[tilespmem:v56+s16+$0x0] =	vst.idx.add.s32.msk $0xffff, v2  }
0x62: {  	v63 =	vor.u32 v1, v62;
	[tilespmem:v61+s16+$0x0] =	vst.idx.add.s32.msk $0xffff, v2;
	v23 =	vshrl.u32 v16, $0x18  }
0x63: {  	[tilespmem:v10+s16+$0x0] =	vst.idx.add.s32.msk $0xffff, v2;
	v23 =	vor.u32 v1, v23;
	v7 =	vsub.f32 v7, v8  }
0x64: {  	[tilespmem:s26+$0x50] =	vst v16;
	v17 =	vor.u32 v1, v40  }
0x65: {  	v58 =	vor.u32 v1, v57;
	[tilespmem:v6+s16+$0x0] =	vst.idx.add.s32.msk $0xffff, v2;
	v8 =	vshrl.u32 v9, $0x18;
	v6 =	vand.u32 $0x7FFFFFFF, v7  }
0x66: {  	v8 =	vor.u32 v1, v8;
	[tilespmem:s26+$0xFFFFFF80] =	vst v6;
	v6 =	vshrl.u32 v6, $0x18  }
0x67: {  	[tilespmem:v63+s16+$0x0] =	vst.idx.add.s32.msk $0xffff, v2;
	v6 =	vor.u32 v1, v6  }
0x68: {  	[tilespmem:v23+s16+$0x0] =	vst.idx.add.s32.msk $0xffff, v2  }
0x69: {  	[tilespmem:v17+s16+$0x0] =	vst.idx.add.s32.msk $0xffff, v2  }
0x6a: {  	[tilespmem:v58+s16+$0x0] =	vst.idx.add.s32.msk $0xffff, v2  }
0x6b: {  	s29 =	simm.s32 $0x0;
	s28 =	simm.s32 $0x18810;
	s24 =	simm.s32 $0x19010;
	[tilespmem:v8+s16+$0x0] =	vst.idx.add.s32.msk $0xffff, v2  }
.LBB2_5:
0x6c: {  	s29 =	sadd.s32 $0x10, s29;
	[tilespmem:v6+s16+$0x0] =	vst.idx.add.s32.msk $0xffff, v2;
	s25 =	sadd.s32 $0x100, s25;
	s26 =	sadd.s32 $0x100, s26  }
0x6d: {  	v6 =	vld [tilespmem:s26+$0xFFFFFF80];
	p1 =	slt.u32 s29, $0x7F0  }
0x6e: {  	v8 =	vld [tilespmem:s26+$0x30]  }
0x6f: {  	v9 =	vld [tilespmem:s25+$0x70]  }
0x70: {  	v10 =	vld [tilespmem:s26+$0x70]  }
0x71: {  	v7 =	vld [tilespmem:s26+$0xFFFFFF90]  }
0x72: {  	v11 =	vld [tilespmem:s26+$0xFFFFFFA0]  }
0x73: {  	v12 =	vld [tilespmem:s26+$0xFFFFFFB0]  }
0x74: {  	v13 =	vld [tilespmem:s26+$0xFFFFFFC0]  }
0x75: {  	v14 =	vld [tilespmem:s26+$0xFFFFFFE0];
	v9 =	vsub.f32 v10, v9  }
0x76: {  	v10 =	vld [tilespmem:s26+$0xFFFFFFF0]  }
0x77: {  	v15 =	vld [tilespmem:s25+$0x60];
	v9 =	vand.u32 $0x7FFFFFFF, v9  }
0x78: {  	v16 =	vld [tilespmem:s26+$0x60];
	[tilespmem:s26+$0x70] =	vst v9;
	v9 =	vshrl.u32 v9, $0x18  }
0x79: {  	v17 =	vld [tilespmem:s25+$0x50];
	v9 =	vor.u32 v1, v9  }
0x7a: {  	v18 =	vld [tilespmem:s26+$0x50]  }
0x7b: {  	v19 =	vld [tilespmem:s25+$0x40]  }
0x7c: {  	v20 =	vld [tilespmem:s26+$0x40]  }
0x7d: {  	v21 =	vld [tilespmem:s25+$0x30];
	v15 =	vsub.f32 v16, v15  }
0x7e: {  	[tilespmem:v9+s16+$0x0] =	vst.idx.add.s32.msk $0xffff, v2  }
0x7f: {  	v9 =	vld [tilespmem:s25+$0x20];
	v16 =	vsub.f32 v18, v17;
	v15 =	vand.u32 $0x7FFFFFFF, v15  }
0x80: {  	v17 =	vld [tilespmem:s26+$0x20];
	[tilespmem:s26+$0x60] =	vst v15;
	v15 =	vshrl.u32 v15, $0x18  }
0x81: {  	v18 =	vld [tilespmem:s25+$0x10];
	v19 =	vsub.f32 v20, v19;
	v16 =	vand.u32 $0x7FFFFFFF, v16;
	v15 =	vor.u32 v1, v15  }
0x82: {  	v20 =	vld [tilespmem:s26+$0x10];
	[tilespmem:s26+$0x50] =	vst v16;
	v16 =	vshrl.u32 v16, $0x18  }
0x83: {  	v8 =	vsub.f32 v8, v21;
	v22 =	vld [tilespmem:s25+$0x0];
	v19 =	vand.u32 $0x7FFFFFFF, v19;
	v16 =	vor.u32 v1, v16  }
0x84: {  	v21 =	vld [tilespmem:s26+$0x0];
	[tilespmem:s26+$0x40] =	vst v19;
	v19 =	vshrl.u32 v19, $0x18  }
0x85: {  	v8 =	vand.u32 $0x7FFFFFFF, v8;
	v23 =	vld [tilespmem:s25+$0xFFFFFFF0];
	v9 =	vsub.f32 v17, v9  }
0x86: {  	v17 =	vshrl.u32 v8, $0x18;
	[tilespmem:v15+s16+$0x0] =	vst.idx.add.s32.msk $0xffff, v2  }
0x87: {  	v15 =	vld [tilespmem:s25+$0xFFFFFFE0];
	v18 =	vsub.f32 v20, v18;
	v9 =	vand.u32 $0x7FFFFFFF, v9;
	[tilespmem:s26+$0x30] =	vst v8;
	v8 =	vor.u32 v1, v17  }
0x88: {  	v17 =	vshrl.u32 v9, $0x18;
	[tilespmem:v16+s16+$0x0] =	vst.idx.add.s32.msk $0xffff, v2  }
0x89: {  	v16 =	vld [tilespmem:s25+$0xFFFFFFD0];
	v20 =	vsub.f32 v21, v22;
	v18 =	vand.u32 $0x7FFFFFFF, v18;
	[tilespmem:s26+$0x20] =	vst v9;
	v9 =	vor.u32 v1, v17  }
0x8a: {  	v17 =	vld [tilespmem:s26+$0xFFFFFFD0];
	[tilespmem:s26+$0x10] =	vst v18;
	v18 =	vshrl.u32 v18, $0x18  }
0x8b: {  	v10 =	vsub.f32 v10, v23;
	v21 =	vld [tilespmem:s25+$0xFFFFFFC0];
	v20 =	vand.u32 $0x7FFFFFFF, v20;
	v18 =	vor.u32 v1, v18  }
0x8c: {  	v22 =	vshrl.u32 v20, $0x18;
	[tilespmem:v8+s16+$0x0] =	vst.idx.add.s32.msk $0xffff, v2  }
0x8d: {  	v14 =	vsub.f32 v14, v15;
	v10 =	vand.u32 $0x7FFFFFFF, v10;
	v8 =	vld [tilespmem:s25+$0xFFFFFFB0];
	[tilespmem:s26+$0x0] =	vst v20;
	v15 =	vor.u32 v1, v22  }
0x8e: {  	v20 =	vshrl.u32 v10, $0x18;
	[tilespmem:v9+s16+$0x0] =	vst.idx.add.s32.msk $0xffff, v2  }
0x8f: {  	v14 =	vand.u32 $0x7FFFFFFF, v14;
	v9 =	vld [tilespmem:s25+$0xFFFFFFA0];
	v16 =	vsub.f32 v17, v16;
	[tilespmem:s26+$0xFFFFFFF0] =	vst v10;
	v10 =	vor.u32 v1, v20  }
0x90: {  	v17 =	vshrl.u32 v14, $0x18;
	[tilespmem:v18+s16+$0x0] =	vst.idx.add.s32.msk $0xffff, v2  }
0x91: {  	v13 =	vsub.f32 v13, v21;
	v18 =	vld [tilespmem:s25+$0xFFFFFF90];
	v16 =	vand.u32 $0x7FFFFFFF, v16;
	[tilespmem:s26+$0xFFFFFFE0] =	vst v14;
	v14 =	vor.u32 v1, v17  }
0x92: {  	v17 =	vshrl.u32 v16, $0x18;
	[tilespmem:v15+s16+$0x0] =	vst.idx.add.s32.msk $0xffff, v2  }
0x93: {  	v8 =	vsub.f32 v12, v8;
	v12 =	vand.u32 $0x7FFFFFFF, v13;
	v15 =	vld [tilespmem:s25+$0xFFFFFF80];
	[tilespmem:s26+$0xFFFFFFD0] =	vst v16;
	v13 =	vor.u32 v1, v17  }
0x94: {  	v16 =	vshrl.u32 v12, $0x18;
	[tilespmem:v10+s16+$0x0] =	vst.idx.add.s32.msk $0xffff, v2  }
0x95: {  	v9 =	vsub.f32 v11, v9;
	v8 =	vand.u32 $0x7FFFFFFF, v8;
	v10 =	vor.u32 v1, v16;
	[tilespmem:s26+$0xFFFFFFC0] =	vst v12  }
0x96: {  	v11 =	vshrl.u32 v8, $0x18;
	[tilespmem:v14+s16+$0x0] =	vst.idx.add.s32.msk $0xffff, v2  }
0x97: {  	v7 =	vsub.f32 v7, v18;
	v9 =	vand.u32 $0x7FFFFFFF, v9;
	[tilespmem:s26+$0xFFFFFFB0] =	vst v8;
	v8 =	vor.u32 v1, v11  }
0x98: {  	v6 =	vsub.f32 v6, v15;
	[tilespmem:s26+$0xFFFFFFA0] =	vst v9;
	v9 =	vshrl.u32 v9, $0x18  }
0x99: {  	v7 =	vand.u32 $0x7FFFFFFF, v7;
	v9 =	vor.u32 v1, v9;
	[tilespmem:v13+s16+$0x0] =	vst.idx.add.s32.msk $0xffff, v2  }
0x9a: {  	v11 =	vand.u32 $0x7FFFFFFF, v6;
	[tilespmem:s26+$0xFFFFFF90] =	vst v7;
	v6 =	vshrl.u32 v7, $0x18;
	v7 =	vor.u32 v1, v19  }
0x9b: {  	v12 =	vshrl.u32 v11, $0x18;
	v13 =	vor.u32 v1, v6;
	[tilespmem:v10+s16+$0x0] =	vst.idx.add.s32.msk $0xffff, v2  }
.Ltmp1:
0x9c: {  	v6 =	vor.u32 v1, v12;
	[tilespmem:v8+s16+$0x0] =	vst.idx.add.s32.msk $0xffff, v2;
	(pc) =	sbr.rel @p1 .LBB2_5-.Ltmp1, $4  }
0x9d: {  	[tilespmem:s26+$0xFFFFFF80] =	vst v11  }
0x9e: {  	[tilespmem:v9+s16+$0x0] =	vst.idx.add.s32.msk $0xffff, v2  }
0x9f: {  	s30 =	simm.s32 $0x0;
	[tilespmem:v7+s16+$0x0] =	vst.idx.add.s32.msk $0xffff, v2  }
0xa0: {  	[tilespmem:v13+s16+$0x0] =	vst.idx.add.s32.msk $0xffff, v2  }
0xa1: {  	_ =	sdelay $0x3  }
0xa2: {  	[tilespmem:v6+s16+$0x0] =	vst.idx.add.s32.msk $0xffff, v2  }
0xa3: {  	s25 =	sand.u32 $0xE0, s30;
	v6 =	vld [tilespmem:s28+$0xFFFFF7F0]  }
0xa4: {  	v7 =	vld [tilespmem:s25+$0x18100]  }
0xa5: {  	v8 =	vld [tilespmem:s25+$0x18200]  }
0xa6: {  	v9 =	vld [tilespmem:s25+$0x18300]  }
0xa7: {  	v10 =	vld [tilespmem:s25+$0x18400]  }
0xa8: {  	v11 =	vld [tilespmem:s25+$0x18500]  }
0xa9: {  	v12 =	vld [tilespmem:s25+$0x18600];
	v6 =	vadd.s32 v6, v7  }
0xaa: {  	v7 =	vld [tilespmem:s25+$0x18700];
	v6 =	vadd.s32 v8, v6  }
0xab: {  	v8 =	vld [tilespmem:s25+$0x18800];
	v6 =	vadd.s32 v9, v6  }
0xac: {  	v9 =	vld [tilespmem:s25+$0x18900];
	v6 =	vadd.s32 v10, v6  }
0xad: {  	v10 =	vld [tilespmem:s25+$0x18A00];
	v6 =	vadd.s32 v11, v6  }
0xae: {  	v11 =	vld [tilespmem:s25+$0x18B00];
	v6 =	vadd.s32 v12, v6  }
0xaf: {  	v12 =	vld [tilespmem:s25+$0x18C00];
	v6 =	vadd.s32 v7, v6  }
0xb0: {  	v7 =	vld [tilespmem:s25+$0x18D00];
	v6 =	vadd.s32 v8, v6  }
0xb1: {  	v8 =	vld [tilespmem:s25+$0x18E00];
	v6 =	vadd.s32 v9, v6  }
0xb2: {  	v9 =	vld [tilespmem:s25+$0x18F00];
	v6 =	vadd.s32 v10, v6  }
0xb3: {  	v10 =	vld [tilespmem:s28+$0xFFFFF800];
	v6 =	vadd.s32 v11, v6  }
0xb4: {  	v11 =	vld [tilespmem:s28+$0xFFFFF900];
	v6 =	vadd.s32 v12, v6  }
0xb5: {  	v12 =	vld [tilespmem:s28+$0xFFFFFA00];
	v6 =	vadd.s32 v7, v6  }
0xb6: {  	v7 =	vld [tilespmem:s28+$0xFFFFFB00];
	v6 =	vadd.s32 v8, v6  }
0xb7: {  	v8 =	vld [tilespmem:s28+$0xFFFFFC00];
	v6 =	vadd.s32 v9, v6  }
0xb8: {  	v9 =	vld [tilespmem:s28+$0xFFFFFD00];
	v6 =	vperm.xlane v6, v3  }
0xb9: {  	v10 =	vadd.s32 v10, v11;
	v11 =	vld [tilespmem:s28+$0xFFFFFE00]  }
0xba: {  	v10 =	vadd.s32 v12, v10;
	v12 =	vld [tilespmem:s28+$0xFFFFFF00];
	(xrf0) =	vadd.scan.msk.s32 $0xffff, v6  }
0xbb: {  	v6 =	vadd.s32 v7, v10;
	v10 =	vld [tilespmem:s28+$0x0]  }
0xbc: {  	v13 =	vld [tilespmem:s28+$0x100];
	v6 =	vadd.s32 v8, v6  }
0xbd: {  	v14 =	vld [tilespmem:s28+$0x200];
	v6 =	vadd.s32 v9, v6  }
0xbe: {  	v7 =	vadd.s32 v11, v6;
	v6 =	vld [tilespmem:s28+$0x300]  }
0xbf: {  	v8 =	vadd.s32 v12, v7;
	v7 =	vld [tilespmem:s28+$0x400]  }
0xc0: {  	v9 =	vadd.s32 v10, v8;
	v8 =	vld [tilespmem:s28+$0x500];
	v10, _, _ =	vpop (xrf0)  }
0xc1: {  	v12 =	vadd.s32 v13, v9;
	v9 =	vld [tilespmem:s28+$0x600];
	v11 =	vperm.xlane v10, v3  }
0xc2: {  	s26 =	simm.s32 $0x18830;
	s25 =	simm.s32 $0x0;
	v12 =	vadd.s32 v14, v12;
	v10 =	vld [tilespmem:s28+$0x700];
	s28 =	simm.s32 $0x20  }
.LBB2_7:
0xc3: {  	v13 =	vld [tilespmem:s26+$0xFFFFF7F0];
	s29 =	sand.u32 $0xE0, s28;
	s25 =	sadd.s32 $0x2, s25;
	[tilespmem:s24+$0xFFFFFFF0] =	vst v11;
	v6 =	vadd.s32 v6, v12  }
0xc4: {  	v11 =	vld [tilespmem:s29+$0x18100];
	p1 =	slt.u32 s25, $0xE;
	v6 =	vadd.s32 v7, v6  }
0xc5: {  	v7 =	vld [tilespmem:s29+$0x18200];
	v6 =	vadd.s32 v8, v6  }
0xc6: {  	v8 =	vld [tilespmem:s29+$0x18300];
	v6 =	vadd.s32 v9, v6  }
0xc7: {  	v9 =	vld [tilespmem:s29+$0x18400];
	v6 =	vadd.s32 v10, v6  }
0xc8: {  	v10 =	vld [tilespmem:s29+$0x18500];
	v6 =	vperm.xlane v6, v3  }
0xc9: {  	v11 =	vadd.s32 v13, v11;
	v12 =	vld [tilespmem:s29+$0x18600]  }
0xca: {  	v7 =	vadd.s32 v7, v11;
	v11 =	vld [tilespmem:s29+$0x18700];
	(xrf0) =	vadd.scan.msk.s32 $0xffff, v6  }
0xcb: {  	v6 =	vadd.s32 v8, v7;
	v7 =	vld [tilespmem:s29+$0x18800]  }
0xcc: {  	v6 =	vadd.s32 v9, v6;
	v8 =	vld [tilespmem:s29+$0x18900]  }
0xcd: {  	v6 =	vadd.s32 v10, v6;
	v9 =	vld [tilespmem:s29+$0x18A00]  }
0xce: {  	v6 =	vadd.s32 v12, v6;
	v10 =	vld [tilespmem:s29+$0x18B00]  }
0xcf: {  	v6 =	vadd.s32 v11, v6;
	v11 =	vld [tilespmem:s29+$0x18C00]  }
0xd0: {  	v6 =	vadd.s32 v7, v6;
	v7 =	vld [tilespmem:s29+$0x18D00];
	v12, _, _ =	vpop (xrf0)  }
0xd1: {  	v6 =	vadd.s32 v8, v6;
	v8 =	vld [tilespmem:s29+$0x18E00];
	v12 =	vperm.xlane v12, v3  }
0xd2: {  	v6 =	vadd.s32 v9, v6;
	v9 =	vld [tilespmem:s29+$0x18F00]  }
0xd3: {  	v6 =	vadd.s32 v10, v6;
	v10 =	vld [tilespmem:s26+$0xFFFFF800];
	[tilespmem:s24+$0x0] =	vst v12  }
0xd4: {  	v6 =	vadd.s32 v11, v6;
	v11 =	vld [tilespmem:s26+$0xFFFFF900]  }
0xd5: {  	v6 =	vadd.s32 v7, v6;
	v7 =	vld [tilespmem:s26+$0xFFFFFA00]  }
0xd6: {  	v6 =	vadd.s32 v8, v6;
	v8 =	vld [tilespmem:s26+$0xFFFFFB00]  }
0xd7: {  	v6 =	vadd.s32 v9, v6;
	v9 =	vld [tilespmem:s26+$0xFFFFFC00]  }
0xd8: {  	v6 =	vperm.xlane v6, v3;
	v12 =	vld [tilespmem:s26+$0xFFFFFD00]  }
0xd9: {  	v10 =	vadd.s32 v10, v11;
	v11 =	vld [tilespmem:s26+$0xFFFFFE00]  }
0xda: {  	v7 =	vadd.s32 v7, v10;
	v10 =	vld [tilespmem:s26+$0xFFFFFF00];
	(xrf0) =	vadd.scan.msk.s32 $0xffff, v6  }
0xdb: {  	v6 =	vadd.s32 v8, v7;
	v8 =	vld [tilespmem:s26+$0x0]  }
0xdc: {  	v6 =	vadd.s32 v9, v6;
	v9 =	vld [tilespmem:s26+$0x100]  }
0xdd: {  	v6 =	vadd.s32 v12, v6;
	v12 =	vld [tilespmem:s26+$0x200]  }
.Ltmp2:
0xde: {  	v7 =	vadd.s32 v11, v6;
	v6 =	vld [tilespmem:s26+$0x300];
	(pc) =	sbr.rel @p1 .LBB2_7-.Ltmp2, $4  }
0xdf: {  	v10 =	vadd.s32 v10, v7;
	v7 =	vld [tilespmem:s26+$0x400]  }
0xe0: {  	v10 =	vadd.s32 v8, v10;
	v8 =	vld [tilespmem:s26+$0x500];
	v11, _, _ =	vpop (xrf0)  }
0xe1: {  	v11 =	vperm.xlane v11, v3;
	v10 =	vadd.s32 v9, v10;
	v9 =	vld [tilespmem:s26+$0x600]  }
0xe2: {  	s28 =	sadd.s32 $0x20, s28;
	s24 =	sadd.s32 $0x20, s24;
	v12 =	vadd.s32 v12, v10;
	v10 =	vld [tilespmem:s26+$0x700];
	s26 =	sadd.s32 $0x20, s26  }
0xe3: {  	v6 =	vadd.s32 v6, v12  }
0xe4: {  	v6 =	vadd.s32 v7, v6  }
0xe5: {  	v6 =	vadd.s32 v8, v6  }
0xe6: {  	v6 =	vadd.s32 v9, v6  }
0xe7: {  	v6 =	vadd.s32 v10, v6  }
0xe8: {  	v6 =	vperm.xlane v6, v3;
	_ =	sdelay $0x1  }
0xe9: {  	(xrf0) =	vadd.scan.msk.s32 $0xffff, v6;
	_ =	sdelay $0x5  }
0xea: {  	v6, _, _ =	vpop (xrf0)  }
0xeb: {  	v6 =	vperm.xlane v6, v3  }
0xec: {  	[tilespmem:s24+$0xFFFFFFF0] =	vst v11  }
0xed: {  	[tilespmem:s24+$0x0] =	vst v6  }
0xee: {  	v6 =	vld.idx.msk [tilespmem:v4+s17+$0x0], $0xffff;
	_ =	sdelay $0x4  }
0xef: {  	v6 =	vperm.xlane v6, v3;
	_ =	sdelay $0x1  }
0xf0: {  	(xrf0) =	vadd.scan.msk.s32 $0xffff, v6;
	_ =	sdelay $0x5  }
0xf1: {  	v6, _, _ =	vpop (xrf0)  }
0xf2: {  	v6 =	vperm.xlane v6, v3;
	_ =	sdelay $0x1  }
0xf3: {  	vm0 =	vgt.s32 v6, $0xCCB  }
0xf4: {  	v7 =	vsel vm0, $0x1, v0  }
0xf5: {  	(xrf0) =	vadd.scan.msk.s32 $0xffff, v7;
	_ =	sdelay $0x5  }
0xf6: {  	v7, _, _ =	vpop (xrf0)  }
0xf7: {  	(v2sf) =	vpush v7, $0xF;
	_ =	sdelay $0xe  }
0xf8: {  	s31 =	spop (v2sf)  }
0xf9: {  	s24 =	simm.s32 $0x18080;
	s25 =	sshll.u32 s31, $0x4  }
0xfa: {  	v7 =	vld [tilespmem:s25+$0x18FF0];
	[tilespmem:s24+$0xFFFFFF80] =	vst v0  }
0xfb: {  	[tilespmem:s24+$0x70] =	vst v0  }
0xfc: {  	[tilespmem:s24+$0x60] =	vst v0  }
0xfd: {  	[tilespmem:s24+$0x50] =	vst v0  }
0xfe: {  	[tilespmem:s24+$0x40] =	vst v0  }
0xff: {  	[tilespmem:s24+$0x30] =	vst v0  }
0x100: {  	[tilespmem:s24+$0x20] =	vst v0  }
0x101: {  	[tilespmem:s24+$0x10] =	vst v0  }
0x102: {  	[tilespmem:s24+$0x0] =	vst v0  }
0x103: {  	[tilespmem:s24+$0xFFFFFFF0] =	vst v0  }
0x104: {  	[tilespmem:s24+$0xFFFFFFE0] =	vst v0  }
0x105: {  	[tilespmem:s24+$0xFFFFFFD0] =	vst v0  }
0x106: {  	[tilespmem:s24+$0xFFFFFFC0] =	vst v0  }
0x107: {  	[tilespmem:s24+$0xFFFFFFB0] =	vst v0  }
0x108: {  	s26 =	sadd.s32 $0xFFFFFFF0, s25;
	s25 =	simm.s32 $0x0;
	[tilespmem:s24+$0xFFFFFFA0] =	vst v0  }
.LBB2_9:
0x109: {  	s25 =	sadd.s32 $0x10, s25;
	[tilespmem:s24+$0xFFFFFF90] =	vst v0;
	s24 =	sadd.s32 $0x100, s24  }
0x10a: {  	[tilespmem:s24+$0xFFFFFF80] =	vst v0;
	p1 =	slt.u32 s25, $0xF0  }
0x10b: {  	[tilespmem:s24+$0x70] =	vst v0  }
0x10c: {  	[tilespmem:s24+$0x60] =	vst v0  }
0x10d: {  	[tilespmem:s24+$0x50] =	vst v0  }
0x10e: {  	[tilespmem:s24+$0x40] =	vst v0  }
0x10f: {  	[tilespmem:s24+$0x30] =	vst v0  }
0x110: {  	[tilespmem:s24+$0x20] =	vst v0  }
0x111: {  	[tilespmem:s24+$0x10] =	vst v0  }
0x112: {  	[tilespmem:s24+$0x0] =	vst v0  }
0x113: {  	[tilespmem:s24+$0xFFFFFFF0] =	vst v0  }
.Ltmp3:
0x114: {  	[tilespmem:s24+$0xFFFFFFE0] =	vst v0;
	(pc) =	sbr.rel @p1 .LBB2_9-.Ltmp3, $4  }
0x115: {  	[tilespmem:s24+$0xFFFFFFD0] =	vst v0  }
0x116: {  	[tilespmem:s24+$0xFFFFFFC0] =	vst v0  }
0x117: {  	[tilespmem:s24+$0xFFFFFFB0] =	vst v0  }
0x118: {  	[tilespmem:s24+$0xFFFFFFA0] =	vst v0  }
0x119: {  	vm0 =	vlt.s32 v6, $0xCCC;
	v6 =	vxor.u32 $0x80000000, v6  }
0x11a: {  	v6 =	vnsel vm0, $0x80000000, v6  }
0x11b: {  	(xrf0) =	vmax.scan.msk.u32 $0xffff, v6;
	_ =	sdelay $0x5  }
0x11c: {  	v6, _, _ =	vpop (xrf0)  }
0x11d: {  	(v2sf) =	vpush v6, $0xF;
	_ =	sdelay $0xe  }
0x11e: {  	s25 =	spop (v2sf)  }
0x11f: {  	s25 =	sxor.u32 $0x80000000, s25  }
0x120: {  	v6 =	vadd.s32 s25, v7  }
0x121: {  	vm0 =	vgt.s32 v6, $0xCCB  }
0x122: {  	v7 =	vsel vm0, $0x1, v0  }
0x123: {  	(xrf0) =	vadd.scan.msk.s32 $0xffff, v7;
	_ =	sdelay $0x5  }
0x124: {  	v7, _, _ =	vpop (xrf0)  }
0x125: {  	(v2sf) =	vpush v7, $0xF;
	_ =	sdelay $0x6  }
0x126: {  	[tilespmem:s24+$0xFFFFFF90] =	vst v0;
	s28 =	simm.s32 $0x80  }
0x127: {  	v8 =	vld [tilespmem:s28+$0x50]  }
0x128: {  	v9 =	vld [tilespmem:s28+$0x40]  }
0x129: {  	v11 =	vld [tilespmem:s28+$0xFFFFFFF0]  }
0x12a: {  	v19 =	vld [tilespmem:s28+$0x30]  }
0x12b: {  	v16 =	vld [tilespmem:s28+$0x0]  }
0x12c: {  	v10 =	vld [tilespmem:s28+$0x70];
	_ =	sdelay $0x1  }
0x12d: {  	v13 =	vld [tilespmem:s28+$0x10];
	v12 =	vshrl.u32 v8, $0x10;
	v8 =	vand.u32 $0xFF000000, v8;
	v14 =	vshrl.u32 v9, $0x10;
	s31 =	spop (v2sf)  }
0x12e: {  	v9 =	vand.u32 $0xFF000000, v9;
	v20 =	vshrl.u32 v11, $0x10;
	v25 =	vshrl.u32 v19, $0x10;
	s24 =	sadd.s32 s26, s31  }
0x12f: {  	v15 =	vld [tilespmem:s28+$0x20];
	v26 =	vshrl.u32 v16, $0x10;
	v11 =	vand.u32 $0xFF000000, v11;
	v12 =	vand.u32 $0xFF, v12;
	s24 =	sshll.u32 s24, $0x18  }
0x130: {  	v22 =	vld [tilespmem:s28+$0xFFFFFFC0];
	v14 =	vand.u32 $0xFF, v14;
	v18 =	vor.u32 v1, v12;
	v12 =	vshrl.u32 v10, $0x10;
	s24 =	sadd.s32 $0xFF000000, s24  }
0x131: {  	v10 =	vand.u32 $0xFF000000, v10;
	v12 =	vand.u32 $0xFF, v12;
	v7 =	vmov s24  }
0x132: {  	v21 =	vor.u32 v1, v12;
	v12 =	vshrl.u32 v13, $0x10;
	vm1 =	veq.s32 v8, v7;
	v8 =	vld [tilespmem:s28+$0xFFFFFFE0]  }
0x133: {  	v23 =	vand.u32 $0xFF, v12;
	vm0 =	veq.s32 v9, v7;
	v9 =	vor.u32 v1, v14;
	v14 =	vld [tilespmem:s28+$0xFFFFFFD0]  }
0x134: {  	v12 =	vand.u32 $0xFF000000, v15;
	vm2 =	veq.s32 v10, v7;
	v10 =	vshrl.u32 v15, $0x10;
	v15 =	vld [tilespmem:s28+$0xFFFFFFA0]  }
0x135: {  	v24 =	vld [tilespmem:s28+$0xFFFFFF90];
	v29 =	vshrl.u32 v22, $0x10;
	v13 =	vand.u32 $0xFF000000, v13;
	v23 =	vor.u32 v1, v23  }
0x136: {  	v27 =	vld [tilespmem:s28+$0xFFFFFFB0];
	vm4 =	veq.s32 v13, v7;
	vm3 =	veq.s32 v12, v7;
	v13 =	vand.u32 $0xFF, v10  }
0x137: {  	v10 =	vand.u32 $0xFF000000, v16;
	v16 =	vand.u32 $0xFF000000, v22;
	v13 =	vor.u32 v1, v13  }
0x138: {  	v17 =	vand.u32 $0xFF000000, v8;
	v12 =	vshrl.u32 v14, $0x10;
	v28 =	vand.u32 $0xFF000000, v14  }
0x139: {  	v14 =	vand.u32 $0xFF000000, v19;
	v22 =	vshrl.u32 v8, $0x10;
	v8 =	vshrl.u32 v15, $0x10  }
0x13a: {  	v19 =	vand.u32 $0xFF, v20;
	vm5 =	veq.s32 v14, v7;
	v12 =	vand.u32 $0xFF, v12;
	[tilespmem:v18+s16+$0x0] =	vst.idx.add.s32.msk vm1, v2  }
0x13b: {  	v14 =	vand.u32 $0xFF, v25;
	[tilespmem:v9+s16+$0x0] =	vst.idx.add.s32.msk vm0, v2;
	v9 =	vand.u32 $0xFF000000, v27;
	v18 =	vshrl.u32 v24, $0x10  }
0x13c: {  	[tilespmem:v21+s16+$0x0] =	vst.idx.add.s32.msk vm2, v2;
	v21 =	vand.u32 $0xFF, v26;
	v24 =	vand.u32 $0xFF000000, v24;
	v25 =	vor.u32 v1, v14  }
0x13d: {  	[tilespmem:v23+s16+$0x0] =	vst.idx.add.s32.msk vm4, v2;
	v14 =	vand.u32 $0xFF, v8;
	v8 =	vand.u32 $0xFF, v18;
	v18 =	vand.u32 $0xFF000000, v15  }
0x13e: {  	vm1 =	veq.s32 v9, v7;
	[tilespmem:v13+s16+$0x0] =	vst.idx.add.s32.msk vm3, v2;
	v9 =	vshrl.u32 v27, $0x10;
	v13 =	vand.u32 $0xFF, v29  }
0x13f: {  	v20 =	vld [tilespmem:s28+$0x60];
	vm2 =	veq.s32 v24, v7;
	vm3 =	veq.s32 v28, v7;
	v8 =	vor.u32 v1, v8  }
0x140: {  	v15 =	vld [tilespmem:s28+$0xFFFFFF80];
	vm0 =	veq.s32 v18, v7;
	v18 =	vor.u32 v1, v21;
	v9 =	vand.u32 $0xFF, v9  }
0x141: {  	s26 =	simm.s32 $0x0;
	s28 =	simm.s32 $0x180;
	v13 =	vor.u32 v1, v13;
	v21 =	vand.u32 $0xFF, v22;
	v9 =	vor.u32 v1, v9;
	[tilespmem:v25+s16+$0x0] =	vst.idx.add.s32.msk vm5, v2  }
.LBB2_11:
0x142: {  	v22 =	vld [tilespmem:s28+$0x50];
	s26 =	sadd.s32 $0x10, s26;
	vm5 =	veq.s32 v17, v7;
	v17 =	vor.u32 v1, v21;
	v19 =	vor.u32 v1, v19  }
0x143: {  	v21 =	vld [tilespmem:s28+$0xFFFFFF90];
	p1 =	slt.u32 s26, $0x7F0  }
0x144: {  	vm4 =	veq.s32 v16, v7;
	v23 =	vld [tilespmem:s28+$0xFFFFFFA0]  }
0x145: {  	v16 =	vshrl.u32 v15, $0x10;
	v15 =	vand.u32 $0xFF000000, v15;
	v24 =	vld [tilespmem:s28+$0xFFFFFFB0]  }
0x146: {  	vm6 =	veq.s32 v15, v7;
	v25 =	vld [tilespmem:s28+$0xFFFFFFC0];
	v15 =	vshrl.u32 v20, $0x10;
	v20 =	vand.u32 $0xFF000000, v20  }
0x147: {  	v16 =	vand.u32 $0xFF, v16;
	v26 =	vld [tilespmem:s28+$0xFFFFFFD0];
	v27 =	vshrl.u32 v22, $0x10;
	v22 =	vand.u32 $0xFF000000, v22  }
0x148: {  	v16 =	vor.u32 v1, v16;
	v15 =	vand.u32 $0xFF, v15;
	v28 =	vld [tilespmem:s28+$0x40];
	v27 =	vand.u32 $0xFF, v27  }
0x149: {  	vm7 =	veq.s32 v20, v7;
	v20 =	vor.u32 v1, v15;
	v29 =	vld [tilespmem:s28+$0xFFFFFFE0]  }
0x14a: {  	vm8 =	veq.s32 v10, v7;
	v15 =	vld [tilespmem:s28+$0x70]  }
0x14b: {  	v30 =	vld [tilespmem:s28+$0xFFFFFFF0]  }
0x14c: {  	vm9 =	veq.s32 v11, v7;
	v10 =	vld [tilespmem:s28+$0x0]  }
0x14d: {  	v11 =	vld [tilespmem:s28+$0x10];
	v31 =	vshrl.u32 v28, $0x10;
	v28 =	vand.u32 $0xFF000000, v28  }
0x14e: {  	v33 =	vor.u32 v1, v14;
	v14 =	vor.u32 v1, v12;
	v32 =	vld [tilespmem:s28+$0x20];
	v31 =	vand.u32 $0xFF, v31  }
0x14f: {  	v27 =	vor.u32 v1, v27;
	v12 =	vld [tilespmem:s28+$0x30];
	v34 =	vshrl.u32 v15, $0x10;
	v35 =	vand.u32 $0xFF000000, v15  }
0x150: {  	vm10 =	veq.s32 v22, v7;
	v36 =	vshrl.u32 v30, $0x10;
	v22 =	vand.u32 $0xFF, v34;
	[tilespmem:v18+s16+$0x0] =	vst.idx.add.s32.msk vm8, v2  }
0x151: {  	vm8 =	veq.s32 v28, v7;
	v18 =	vor.u32 v1, v31;
	v15 =	vld [tilespmem:s28+$0xFFFFFF80];
	v22 =	vor.u32 v1, v22  }
0x152: {  	vm11 =	veq.s32 v35, v7;
	v28 =	vshrl.u32 v11, $0x10;
	v11 =	vand.u32 $0xFF000000, v11;
	[tilespmem:v19+s16+$0x0] =	vst.idx.add.s32.msk vm9, v2  }
0x153: {  	v19 =	vand.u32 $0xFF, v28;
	v28 =	vshrl.u32 v32, $0x10;
	v31 =	vand.u32 $0xFF000000, v32;
	[tilespmem:v16+s16+$0x0] =	vst.idx.add.s32.msk vm6, v2  }
0x154: {  	vm6 =	veq.s32 v11, v7;
	v11 =	vand.u32 $0xFF, v28;
	v28 =	vshrl.u32 v12, $0x10;
	[tilespmem:v17+s16+$0x0] =	vst.idx.add.s32.msk vm5, v2  }
0x155: {  	v32 =	vshrl.u32 v10, $0x10;
	v10 =	vand.u32 $0xFF000000, v10;
	v34 =	vor.u32 v1, v11;
	[tilespmem:v20+s16+$0x0] =	vst.idx.add.s32.msk vm7, v2  }
0x156: {  	v17 =	vand.u32 $0xFF000000, v29;
	vm5 =	veq.s32 v31, v7;
	v11 =	vand.u32 $0xFF000000, v30;
	[tilespmem:v27+s16+$0x0] =	vst.idx.add.s32.msk vm10, v2  }
0x157: {  	v12 =	vand.u32 $0xFF000000, v12;
	v20 =	vshrl.u32 v26, $0x10;
	v26 =	vand.u32 $0xFF000000, v26;
	[tilespmem:v18+s16+$0x0] =	vst.idx.add.s32.msk vm8, v2  }
0x158: {  	v16 =	vand.u32 $0xFF000000, v25;
	vm7 =	veq.s32 v12, v7;
	v18 =	vshrl.u32 v25, $0x10;
	[tilespmem:v22+s16+$0x0] =	vst.idx.add.s32.msk vm11, v2  }
0x159: {  	v12 =	vand.u32 $0xFF, v20;
	v20 =	vshrl.u32 v29, $0x10;
	v22 =	vand.u32 $0xFF, v28;
	[tilespmem:v14+s16+$0x0] =	vst.idx.add.s32.msk vm3, v2  }
0x15a: {  	v25 =	vand.u32 $0xFF000000, v24;
	v14 =	vshrl.u32 v23, $0x10;
	v22 =	vor.u32 v1, v22;
	[tilespmem:v13+s16+$0x0] =	vst.idx.add.s32.msk vm4, v2  }
0x15b: {  	v27 =	vor.u32 v1, v19;
	v13 =	vshrl.u32 v21, $0x10;
	v14 =	vand.u32 $0xFF, v14;
	[tilespmem:v9+s16+$0x0] =	vst.idx.add.s32.msk vm1, v2  }
0x15c: {  	v9 =	vand.u32 $0xFF, v13;
	v13 =	vand.u32 $0xFF000000, v23;
	v23 =	vand.u32 $0xFF, v32;
	[tilespmem:v8+s16+$0x0] =	vst.idx.add.s32.msk vm2, v2  }
.Ltmp4:
0x15d: {  	v19 =	vand.u32 $0xFF, v36;
	v21 =	vand.u32 $0xFF000000, v21;
	v8 =	vor.u32 v1, v9;
	[tilespmem:v33+s16+$0x0] =	vst.idx.add.s32.msk vm0, v2;
	(pc) =	sbr.rel @p1 .LBB2_11-.Ltmp4, $4  }
0x15e: {  	vm1 =	veq.s32 v25, v7;
	vm0 =	veq.s32 v13, v7;
	[tilespmem:v34+s16+$0x0] =	vst.idx.add.s32.msk vm5, v2  }
0x15f: {  	v9 =	vshrl.u32 v24, $0x10;
	v13 =	vand.u32 $0xFF, v18;
	v18 =	vor.u32 v1, v23;
	[tilespmem:v22+s16+$0x0] =	vst.idx.add.s32.msk vm7, v2  }
0x160: {  	vm3 =	veq.s32 v26, v7;
	vm2 =	veq.s32 v21, v7;
	v9 =	vand.u32 $0xFF, v9;
	[tilespmem:v27+s16+$0x0] =	vst.idx.add.s32.msk vm6, v2  }
0x161: {  	v21 =	vand.u32 $0xFF, v20;
	v9 =	vor.u32 v1, v9;
	v13 =	vor.u32 v1, v13;
	v20 =	vld [tilespmem:s28+$0x60];
	s28 =	sadd.s32 $0x100, s28  }
0x162: {  	_ = 	snop  }
0x163: {  	vm5 =	veq.s32 v10, v7  }
0x164: {  	v10 =	vshrl.u32 v15, $0x10;
	v15 =	vand.u32 $0xFF000000, v15;
	vm6 =	veq.s32 v11, v7  }
0x165: {  	v11 =	vor.u32 v1, v19;
	vm7 =	veq.s32 v15, v7;
	v10 =	vand.u32 $0xFF, v10  }
0x166: {  	vm4 =	veq.s32 v17, v7;
	v10 =	vor.u32 v1, v10  }
0x167: {  	v63 =	vor.u32 v1, v21;
	vm9 =	veq.s32 v16, v7;
	[tilespmem:v9+s16+$0x0] =	vst.idx.add.s32.msk vm1, v2  }
0x168: {  	[tilespmem:v8+s16+$0x0] =	vst.idx.add.s32.msk vm2, v2;
	v15 =	vshrl.u32 v20, $0x10;
	v62 =	vand.u32 $0xFF000000, v20  }
0x169: {  	v15 =	vand.u32 $0xFF, v15;
	vm8 =	veq.s32 v62, v7;
	v7 =	vor.u32 v1, v12;
	[tilespmem:v18+s16+$0x0] =	vst.idx.add.s32.msk vm5, v2  }
0x16a: {  	v15 =	vor.u32 v1, v15;
	[tilespmem:v11+s16+$0x0] =	vst.idx.add.s32.msk vm6, v2  }
0x16b: {  	[tilespmem:v10+s16+$0x0] =	vst.idx.add.s32.msk vm7, v2;
	v10 =	vor.u32 v1, v14  }
0x16c: {  	s23 =	sor.u32 s5, s23;
	[tilespmem:v63+s16+$0x0] =	vst.idx.add.s32.msk vm4, v2  }
0x16d: {  	s26 =	sshll.u32 s23, $0x4;
	[tilespmem:v13+s16+$0x0] =	vst.idx.add.s32.msk vm9, v2  }
0x16e: {  	s26 =	sand.u32 $0x60, s26;
	[tilespmem:v7+s16+$0x0] =	vst.idx.add.s32.msk vm3, v2  }
0x16f: {  	s26 =	sor.u32 s10, s26;
	[tilespmem:v15+s16+$0x0] =	vst.idx.add.s32.msk vm8, v2  }
0x170: {  	s28 =	sadd.s32 s1, s26;
	[tilespmem:v10+s16+$0x0] =	vst.idx.add.s32.msk vm0, v2  }
0x171: {  	[tilespmem:s18], [sflag:$0x1] =	stream.strided.gather [hbm4b:s28+s11], $0x8000, s12, s11, $0x38;
	[tilespmem:$0x19180] =	vst v63  }
0x172: {  	s29 =	simm.s32 $0x18810;
	s31 =	simm.s32 $0x0;
	s26 =	sadd.s32 s3, s26  }
0x173: {  	[tilespmem:s13], [sflag:$0x2] =	stream.strided.gather [hbm4b:s26+s11], $0x8000, s12, s11, $0x38;
	[tilespmem:$0x19180] =	vst v63  }
0x174: {  	s26 =	sand.u32 $0xE0, s31;
	v7 =	vld [tilespmem:s29+$0xFFFFF7F0]  }
0x175: {  	v8 =	vld [tilespmem:s26+$0x18100]  }
0x176: {  	v9 =	vld [tilespmem:s26+$0x18200]  }
0x177: {  	v10 =	vld [tilespmem:s26+$0x18300]  }
0x178: {  	v11 =	vld [tilespmem:s26+$0x18400]  }
0x179: {  	v12 =	vld [tilespmem:s26+$0x18500]  }
0x17a: {  	v13 =	vld [tilespmem:s26+$0x18600];
	v7 =	vadd.s32 v7, v8  }
0x17b: {  	v8 =	vld [tilespmem:s26+$0x18700];
	v7 =	vadd.s32 v9, v7  }
0x17c: {  	v9 =	vld [tilespmem:s26+$0x18800];
	v7 =	vadd.s32 v10, v7  }
0x17d: {  	v10 =	vld [tilespmem:s26+$0x18900];
	v7 =	vadd.s32 v11, v7  }
0x17e: {  	v11 =	vld [tilespmem:s26+$0x18A00];
	v7 =	vadd.s32 v12, v7  }
0x17f: {  	v12 =	vld [tilespmem:s26+$0x18B00];
	v7 =	vadd.s32 v13, v7  }
0x180: {  	v13 =	vld [tilespmem:s26+$0x18C00];
	v7 =	vadd.s32 v8, v7  }
0x181: {  	v8 =	vld [tilespmem:s26+$0x18D00];
	v7 =	vadd.s32 v9, v7  }
0x182: {  	v9 =	vld [tilespmem:s26+$0x18E00];
	v7 =	vadd.s32 v10, v7  }
0x183: {  	v10 =	vld [tilespmem:s26+$0x18F00];
	v7 =	vadd.s32 v11, v7  }
0x184: {  	v11 =	vld [tilespmem:s29+$0xFFFFF800];
	v7 =	vadd.s32 v12, v7  }
0x185: {  	v12 =	vld [tilespmem:s29+$0xFFFFF900];
	v7 =	vadd.s32 v13, v7  }
0x186: {  	v13 =	vld [tilespmem:s29+$0xFFFFFA00];
	v7 =	vadd.s32 v8, v7  }
0x187: {  	v8 =	vld [tilespmem:s29+$0xFFFFFB00];
	v7 =	vadd.s32 v9, v7  }
0x188: {  	v9 =	vld [tilespmem:s29+$0xFFFFFC00];
	v7 =	vadd.s32 v10, v7  }
0x189: {  	v10 =	vld [tilespmem:s29+$0xFFFFFD00];
	v7 =	vperm.xlane v7, v3  }
0x18a: {  	v11 =	vadd.s32 v11, v12;
	v12 =	vld [tilespmem:s29+$0xFFFFFE00]  }
0x18b: {  	v11 =	vadd.s32 v13, v11;
	v13 =	vld [tilespmem:s29+$0xFFFFFF00];
	(xrf0) =	vadd.scan.msk.s32 $0xffff, v7  }
0x18c: {  	v7 =	vadd.s32 v8, v11;
	v11 =	vld [tilespmem:s29+$0x0]  }
0x18d: {  	v14 =	vld [tilespmem:s29+$0x100];
	v7 =	vadd.s32 v9, v7  }
0x18e: {  	v15 =	vld [tilespmem:s29+$0x200];
	v7 =	vadd.s32 v10, v7  }
0x18f: {  	v8 =	vadd.s32 v12, v7;
	v7 =	vld [tilespmem:s29+$0x300]  }
0x190: {  	v9 =	vadd.s32 v13, v8;
	v8 =	vld [tilespmem:s29+$0x400]  }
0x191: {  	v10 =	vadd.s32 v11, v9;
	v9 =	vld [tilespmem:s29+$0x500];
	v12, _, _ =	vpop (xrf0)  }
0x192: {  	s30 =	simm.s32 $0x20;
	v11 =	vld [tilespmem:s29+$0x600];
	v13 =	vadd.s32 v14, v10;
	v10 =	vperm.xlane v12, v3  }
0x193: {  	s28 =	simm.s32 $0x0;
	s26 =	simm.s32 $0x19010;
	v13 =	vadd.s32 v15, v13;
	v12 =	vld [tilespmem:s29+$0x700];
	s29 =	simm.s32 $0x18830  }
.LBB2_13:
0x194: {  	v14 =	vld [tilespmem:s29+$0xFFFFF7F0];
	s31 =	sand.u32 $0xE0, s30;
	s28 =	sadd.s32 $0x2, s28;
	[tilespmem:s26+$0xFFFFFFF0] =	vst v10;
	v7 =	vadd.s32 v7, v13  }
0x195: {  	v10 =	vld [tilespmem:s31+$0x18100];
	p1 =	slt.u32 s28, $0xE;
	v7 =	vadd.s32 v8, v7  }
0x196: {  	v8 =	vld [tilespmem:s31+$0x18200];
	v7 =	vadd.s32 v9, v7  }
0x197: {  	v9 =	vld [tilespmem:s31+$0x18300];
	v7 =	vadd.s32 v11, v7  }
0x198: {  	v11 =	vld [tilespmem:s31+$0x18400];
	v7 =	vadd.s32 v12, v7  }
0x199: {  	v12 =	vld [tilespmem:s31+$0x18500];
	v7 =	vperm.xlane v7, v3  }
0x19a: {  	v10 =	vadd.s32 v14, v10;
	v13 =	vld [tilespmem:s31+$0x18600]  }
0x19b: {  	v8 =	vadd.s32 v8, v10;
	v10 =	vld [tilespmem:s31+$0x18700];
	(xrf0) =	vadd.scan.msk.s32 $0xffff, v7  }
0x19c: {  	v7 =	vadd.s32 v9, v8;
	v8 =	vld [tilespmem:s31+$0x18800]  }
0x19d: {  	v7 =	vadd.s32 v11, v7;
	v9 =	vld [tilespmem:s31+$0x18900]  }
0x19e: {  	v7 =	vadd.s32 v12, v7;
	v11 =	vld [tilespmem:s31+$0x18A00]  }
0x19f: {  	v7 =	vadd.s32 v13, v7;
	v12 =	vld [tilespmem:s31+$0x18B00]  }
0x1a0: {  	v7 =	vadd.s32 v10, v7;
	v10 =	vld [tilespmem:s31+$0x18C00]  }
0x1a1: {  	v7 =	vadd.s32 v8, v7;
	v8 =	vld [tilespmem:s31+$0x18D00];
	v13, _, _ =	vpop (xrf0)  }
0x1a2: {  	v7 =	vadd.s32 v9, v7;
	v9 =	vld [tilespmem:s31+$0x18E00];
	v13 =	vperm.xlane v13, v3  }
0x1a3: {  	v7 =	vadd.s32 v11, v7;
	v11 =	vld [tilespmem:s31+$0x18F00]  }
0x1a4: {  	v7 =	vadd.s32 v12, v7;
	v12 =	vld [tilespmem:s29+$0xFFFFF800];
	[tilespmem:s26+$0x0] =	vst v13  }
0x1a5: {  	v7 =	vadd.s32 v10, v7;
	v10 =	vld [tilespmem:s29+$0xFFFFF900]  }
0x1a6: {  	v7 =	vadd.s32 v8, v7;
	v8 =	vld [tilespmem:s29+$0xFFFFFA00]  }
0x1a7: {  	v7 =	vadd.s32 v9, v7;
	v9 =	vld [tilespmem:s29+$0xFFFFFB00]  }
0x1a8: {  	v7 =	vadd.s32 v11, v7;
	v11 =	vld [tilespmem:s29+$0xFFFFFC00]  }
0x1a9: {  	v7 =	vperm.xlane v7, v3;
	v13 =	vld [tilespmem:s29+$0xFFFFFD00]  }
0x1aa: {  	v10 =	vadd.s32 v12, v10;
	v12 =	vld [tilespmem:s29+$0xFFFFFE00]  }
0x1ab: {  	v8 =	vadd.s32 v8, v10;
	v10 =	vld [tilespmem:s29+$0xFFFFFF00];
	(xrf0) =	vadd.scan.msk.s32 $0xffff, v7  }
0x1ac: {  	v7 =	vadd.s32 v9, v8;
	v9 =	vld [tilespmem:s29+$0x0]  }
0x1ad: {  	v7 =	vadd.s32 v11, v7;
	v11 =	vld [tilespmem:s29+$0x100]  }
0x1ae: {  	v7 =	vadd.s32 v13, v7;
	v13 =	vld [tilespmem:s29+$0x200]  }
.Ltmp5:
0x1af: {  	v8 =	vadd.s32 v12, v7;
	v7 =	vld [tilespmem:s29+$0x300];
	(pc) =	sbr.rel @p1 .LBB2_13-.Ltmp5, $4  }
0x1b0: {  	v14 =	vadd.s32 v10, v8;
	v8 =	vld [tilespmem:s29+$0x400]  }
0x1b1: {  	v12 =	vadd.s32 v9, v14;
	v9 =	vld [tilespmem:s29+$0x500];
	v10, _, _ =	vpop (xrf0)  }
0x1b2: {  	v10 =	vperm.xlane v10, v3;
	v12 =	vadd.s32 v11, v12;
	v11 =	vld [tilespmem:s29+$0x600]  }
0x1b3: {  	s30 =	sadd.s32 $0x20, s30;
	s26 =	sadd.s32 $0x20, s26;
	v13 =	vadd.s32 v13, v12;
	v12 =	vld [tilespmem:s29+$0x700];
	s29 =	sadd.s32 $0x20, s29  }
0x1b4: {  	v7 =	vadd.s32 v7, v13  }
0x1b5: {  	v7 =	vadd.s32 v8, v7  }
0x1b6: {  	v7 =	vadd.s32 v9, v7  }
0x1b7: {  	v7 =	vadd.s32 v11, v7  }
0x1b8: {  	v7 =	vadd.s32 v12, v7  }
0x1b9: {  	v7 =	vperm.xlane v7, v3  }
0x1ba: {  	vm0 =	vlt.s32 v6, $0xCCC;
	v6 =	vxor.u32 $0x80000000, v6  }
0x1bb: {  	v6 =	vnsel vm0, $0x80000000, v6;
	(xrf0) =	vadd.scan.msk.s32 $0xffff, v7  }
0x1bc: {  	(xrf0) =	vmax.scan.msk.u32 $0xffff, v6;
	_ =	sdelay $0x4  }
0x1bd: {  	v6, _, _ =	vpop (xrf0)  }
0x1be: {  	v7, _, _ =	vpop (xrf0)  }
0x1bf: {  	(v2sf) =	vpush v7, $0xF  }
0x1c0: {  	v6 =	vperm.xlane v6, v3  }
0x1c1: {  	[tilespmem:s26+$0xFFFFFFF0] =	vst v10  }
0x1c2: {  	[tilespmem:s26+$0x0] =	vst v6  }
0x1c3: {  	v6 =	vld.idx.msk [tilespmem:v4+s17+$0x0], $0xffff;
	_ =	sdelay $0x4  }
0x1c4: {  	v6 =	vperm.xlane v6, v3;
	_ =	sdelay $0x1  }
0x1c5: {  	(xrf0) =	vadd.scan.msk.s32 $0xffff, v6;
	_ =	sdelay $0x3  }
0x1c6: {  	s29 =	spop (v2sf)  }
0x1c7: {  	s26 =	sxor.u32 $0x80000000, s29  }
0x1c8: {  	v6, _, _ =	vpop (xrf0);
	p1 =	sgt.s32 s25, s26  }
0x1c9: {  	v6 =	vperm.xlane v6, v3;
	s26 =	smov.u32 @p1 s25  }
0x1ca: {  	s25 =	ssub.s32 $0xCCC, s26  }
0x1cb: {  	v7 =	vxor.u32 $0x80000000, v6;
	vm12 =	vlt.s32 v6, s25  }
0x1cc: {  	vm13 =	vge.s32 v6, s25;
	v7 =	vnsel vm12, $0x80000000, v7  }
0x1cd: {  	v6 =	vsel vm13, $0x1, v0;
	(xrf0) =	vmax.scan.msk.u32 $0xffff, v7  }
0x1ce: {  	(xrf0) =	vadd.scan.msk.s32 $0xffff, v6;
	_ =	sdelay $0x4  }
0x1cf: {  	v6, _, _ =	vpop (xrf0)  }
0x1d0: {  	(v2sf) =	vpush v6, $0xF;
	v6, _, _ =	vpop (xrf0)  }
0x1d1: {  	(v2sf) =	vpush v6, $0xF;
	_ =	sdelay $0xd  }
0x1d2: {  	s30 =	spop (v2sf)  }
0x1d3: {  	s28 =	spop (v2sf)  }
0x1d4: {  	s28 =	sshll.u32 s28, $0x4  }
0x1d5: {  	v6 =	vld [tilespmem:s28+$0x18FF0];
	_ =	sdelay $0x3  }
0x1d6: {  	s26 =	sxor.u32 $0x80000000, s30  }
0x1d7: {  	v6 =	vadd.s32 s26, v6  }
0x1d8: {  	vm14 =	vge.s32 v6, s25  }
0x1d9: {  	vm15 =	vlt.s32 v6, s25;
	v6 =	vxor.u32 $0x80000000, v6;
	v7 =	vsel vm14, $0x1, v0  }
0x1da: {  	v6 =	vnsel vm15, $0x80000000, v6;
	(xrf0) =	vadd.scan.msk.s32 $0xffff, v7  }
0x1db: {  	(xrf0) =	vmax.scan.msk.u32 $0xffff, v6;
	_ =	sdelay $0x4  }
0x1dc: {  	v6, _, _ =	vpop (xrf0)  }
0x1dd: {  	(v2sf) =	vpush v6, $0xF;
	v6, _, _ =	vpop (xrf0)  }
0x1de: {  	(v2sf) =	vpush v6, $0xF;
	_ =	sdelay $0xd  }
0x1df: {  	s29 =	spop (v2sf)  }
0x1e0: {  	s31 =	spop (v2sf)  }
0x1e1: {  	s28 =	sadd.s32 s29, s28;
	s29 =	sxor.u32 $0x80000000, s31  }
0x1e2: {  	s28 =	sshll.u32 s28, $0x10;
	p1 =	sgt.s32 s26, s29  }
0x1e3: {  	p2 =	por $0x0, $0x0;
	s28 =	sadd.s32 $0xFFEF0000, s28;
	s29 =	smov.u32 @p1 s26  }
0x1e4: {  	s24 =	sor.u32 s24, s28;
	s26 =	simm.s32 $0x10;
	s25 =	ssub.s32 s25, s29  }
.LBB2_15:
0x1e5: {  	s28 =	simm.s32 $0x18080  }
0x1e6: {  	[tilespmem:s28+$0xFFFFFF80] =	vst v0  }
0x1e7: {  	[tilespmem:s28+$0x70] =	vst v0  }
0x1e8: {  	[tilespmem:s28+$0x60] =	vst v0  }
0x1e9: {  	[tilespmem:s28+$0x50] =	vst v0  }
0x1ea: {  	[tilespmem:s28+$0x40] =	vst v0  }
0x1eb: {  	[tilespmem:s28+$0x30] =	vst v0  }
0x1ec: {  	[tilespmem:s28+$0x20] =	vst v0  }
0x1ed: {  	[tilespmem:s28+$0x10] =	vst v0  }
0x1ee: {  	[tilespmem:s28+$0x0] =	vst v0  }
0x1ef: {  	[tilespmem:s28+$0xFFFFFFF0] =	vst v0  }
0x1f0: {  	[tilespmem:s28+$0xFFFFFFE0] =	vst v0  }
0x1f1: {  	[tilespmem:s28+$0xFFFFFFD0] =	vst v0  }
0x1f2: {  	[tilespmem:s28+$0xFFFFFFC0] =	vst v0  }
0x1f3: {  	[tilespmem:s28+$0xFFFFFFB0] =	vst v0  }
0x1f4: {  	p1 =	por p2, p2;
	s29 =	simm.s32 $0x0;
	[tilespmem:s28+$0xFFFFFFA0] =	vst v0  }
.LBB2_16:
0x1f5: {  	s29 =	sadd.s32 $0x10, s29;
	[tilespmem:s28+$0xFFFFFF90] =	vst v0;
	s28 =	sadd.s32 $0x100, s28  }
0x1f6: {  	[tilespmem:s28+$0xFFFFFF80] =	vst v0;
	p2 =	slt.u32 s29, $0xF0  }
0x1f7: {  	[tilespmem:s28+$0x70] =	vst v0  }
0x1f8: {  	[tilespmem:s28+$0x60] =	vst v0  }
0x1f9: {  	[tilespmem:s28+$0x50] =	vst v0  }
0x1fa: {  	[tilespmem:s28+$0x40] =	vst v0  }
0x1fb: {  	[tilespmem:s28+$0x30] =	vst v0  }
0x1fc: {  	[tilespmem:s28+$0x20] =	vst v0  }
0x1fd: {  	[tilespmem:s28+$0x10] =	vst v0  }
0x1fe: {  	[tilespmem:s28+$0x0] =	vst v0  }
0x1ff: {  	[tilespmem:s28+$0xFFFFFFF0] =	vst v0  }
.Ltmp6:
0x200: {  	[tilespmem:s28+$0xFFFFFFE0] =	vst v0;
	(pc) =	sbr.rel @p2 .LBB2_16-.Ltmp6, $4  }
0x201: {  	[tilespmem:s28+$0xFFFFFFD0] =	vst v0  }
0x202: {  	[tilespmem:s28+$0xFFFFFFC0] =	vst v0  }
0x203: {  	[tilespmem:s28+$0xFFFFFFB0] =	vst v0  }
0x204: {  	[tilespmem:s28+$0xFFFFFFA0] =	vst v0  }
0x205: {  	[tilespmem:s28+$0xFFFFFF90] =	vst v0;
	s31 =	simm.s32 $0x80  }
0x206: {  	v9 =	vld [tilespmem:s31+$0x70]  }
0x207: {  	v10 =	vld [tilespmem:s31+$0x60]  }
0x208: {  	v11 =	vld [tilespmem:s31+$0x10]  }
0x209: {  	v17 =	vld [tilespmem:s31+$0xFFFFFFC0]  }
0x20a: {  	s29 =	ssub.s32 $0x20, s26;
	v19 =	vld [tilespmem:s31+$0xFFFFFFB0]  }
0x20b: {  	s26 =	ssub.s32 $0x18, s26;
	s29 =	sshll.u32 s19, s29;
	v21 =	vld [tilespmem:s31+$0xFFFFFFA0]  }
0x20c: {  	v7 =	vmov s26;
	v8 =	vmov s29  }
0x20d: {  	v6 =	vmov s24;
	v13 =	vld [tilespmem:s31+$0xFFFFFFF0];
	v14 =	vshrl.u32 v9, v7;
	v9 =	vand.u32 v8, v9  }
0x20e: {  	v15 =	vld [tilespmem:s31+$0x20];
	v16 =	vshrl.u32 v10, v7;
	v10 =	vand.u32 v8, v10;
	v18 =	vshrl.u32 v11, v7  }
0x20f: {  	v26 =	vld [tilespmem:s31+$0xFFFFFFE0];
	v11 =	vand.u32 v8, v11;
	v23 =	vand.u32 v8, v17;
	v22 =	vshrl.u32 v19, v7  }
0x210: {  	v12 =	vld [tilespmem:s31+$0xFFFFFFD0];
	v24 =	vshrl.u32 v21, v7;
	v14 =	vand.u32 $0xFF, v14;
	v16 =	vand.u32 $0xFF, v16  }
0x211: {  	vm0 =	veq.s32 v11, v6;
	v11 =	vand.u32 $0xFF, v18;
	vm1 =	veq.s32 v10, v6  }
0x212: {  	vm2 =	veq.s32 v9, v6;
	v9 =	vshrl.u32 v13, v7;
	v10 =	vor.u32 v1, v11  }
0x213: {  	v13 =	vand.u32 v8, v13;
	v18 =	vshrl.u32 v15, v7;
	v16 =	vor.u32 v1, v16  }
0x214: {  	v28 =	vand.u32 $0xFF, v22;
	v22 =	vand.u32 v8, v26;
	v20 =	vor.u32 v1, v14;
	v11 =	vld [tilespmem:s31+$0xFFFFFF90]  }
0x215: {  	v25 =	vand.u32 $0xFF, v9;
	v9 =	vshrl.u32 v12, v7;
	v14 =	vand.u32 v8, v12  }
0x216: {  	v12 =	vshrl.u32 v17, v7;
	v17 =	vand.u32 v8, v19;
	v19 =	vand.u32 $0xFF, v18;
	v18 =	vld [tilespmem:s31+$0x0]  }
0x217: {  	vm3 =	veq.s32 v23, v6;
	v27 =	vand.u32 $0xFF, v12;
	v12 =	vand.u32 v8, v15;
	[tilespmem:v10+s16+$0x0] =	vst.idx.add.s32.msk vm0, v2  }
0x218: {  	v9 =	vand.u32 $0xFF, v9;
	v19 =	vor.u32 v1, v19;
	v15 =	vshrl.u32 v26, v7;
	[tilespmem:v16+s16+$0x0] =	vst.idx.add.s32.msk vm1, v2  }
0x219: {  	vm6 =	veq.s32 v12, v6;
	v23 =	vand.u32 $0xFF, v15;
	v10 =	vshrl.u32 v11, v7;
	[tilespmem:v20+s16+$0x0] =	vst.idx.add.s32.msk vm2, v2  }
0x21a: {  	vm0 =	veq.s32 v13, v6;
	v11 =	vand.u32 v8, v11;
	v13 =	vand.u32 $0xFF, v24;
	v20 =	vld [tilespmem:s31+$0x30]  }
0x21b: {  	v24 =	vld [tilespmem:s31+$0xFFFFFF80];
	v16 =	vor.u32 v1, v25;
	v10 =	vand.u32 $0xFF, v10;
	vm1 =	veq.s32 v11, v6  }
0x21c: {  	v25 =	vld [tilespmem:s31+$0x50];
	v11 =	vand.u32 v8, v21;
	v12 =	vor.u32 v1, v13;
	v13 =	vor.u32 v1, v27  }
0x21d: {  	s30 =	simm.s32 $0x180;
	s29 =	simm.s32 $0x0;
	v21 =	vld [tilespmem:s31+$0x40];
	v10 =	vor.u32 v1, v10;
	vm2 =	veq.s32 v11, v6;
	v11 =	vor.u32 v1, v28  }
.LBB2_18:
0x21e: {  	v26 =	vld [tilespmem:s30+$0xFFFFFFC0];
	s29 =	sadd.s32 $0x10, s29;
	vm4 =	veq.s32 v17, v6;
	vm7 =	veq.s32 v22, v6  }
0x21f: {  	vm5 =	veq.s32 v14, v6;
	v14 =	vor.u32 v1, v23;
	v15 =	vld [tilespmem:s30+$0xFFFFFFE0];
	p2 =	slt.u32 s29, $0x7F0  }
0x220: {  	v22 =	vld [tilespmem:s30+$0xFFFFFF90];
	v17 =	vshrl.u32 v24, v7;
	v23 =	vand.u32 v8, v24  }
0x221: {  	vm8 =	veq.s32 v23, v6;
	v17 =	vand.u32 $0xFF, v17;
	[tilespmem:v19+s16+$0x0] =	vst.idx.add.s32.msk vm6, v2;
	v19 =	vand.u32 v8, v20  }
0x222: {  	v24 =	vand.u32 v8, v21;
	v23 =	vld [tilespmem:s30+$0xFFFFFFA0];
	v17 =	vor.u32 v1, v17;
	v27 =	vshrl.u32 v25, v7  }
0x223: {  	vm9 =	veq.s32 v24, v6;
	v24 =	vand.u32 v8, v25;
	v28 =	vld [tilespmem:s30+$0xFFFFFFB0];
	v25 =	vand.u32 $0xFF, v27  }
0x224: {  	vm6 =	veq.s32 v19, v6;
	v19 =	vshrl.u32 v21, v7;
	v27 =	vld [tilespmem:s30+$0xFFFFFFD0];
	v21 =	vor.u32 v1, v25  }
0x225: {  	v20 =	vshrl.u32 v20, v7;
	v19 =	vand.u32 $0xFF, v19;
	vm10 =	veq.s32 v24, v6;
	v25 =	vld [tilespmem:s30+$0xFFFFFFF0]  }
0x226: {  	v20 =	vand.u32 $0xFF, v20;
	v19 =	vor.u32 v1, v19;
	v24 =	vld [tilespmem:s30+$0x70]  }
0x227: {  	v30 =	vshrl.u32 v18, v7;
	v18 =	vand.u32 v8, v18;
	v20 =	vor.u32 v1, v20;
	v29 =	vld [tilespmem:s30+$0x60]  }
0x228: {  	[tilespmem:v17+s16+$0x0] =	vst.idx.add.s32.msk vm8, v2;
	vm8 =	veq.s32 v18, v6;
	v17 =	vand.u32 $0xFF, v30  }
0x229: {  	v18 =	vld [tilespmem:s30+$0x10];
	v17 =	vor.u32 v1, v17  }
0x22a: {  	v30 =	vld [tilespmem:s30+$0x20]  }
0x22b: {  	v31 =	vshrl.u32 v24, v7;
	v24 =	vand.u32 v8, v24;
	[tilespmem:v19+s16+$0x0] =	vst.idx.add.s32.msk vm9, v2  }
0x22c: {  	v19 =	vshrl.u32 v29, v7;
	v29 =	vand.u32 v8, v29;
	v31 =	vand.u32 $0xFF, v31;
	[tilespmem:v20+s16+$0x0] =	vst.idx.add.s32.msk vm6, v2  }
0x22d: {  	v9 =	vor.u32 v1, v9;
	v19 =	vand.u32 $0xFF, v19;
	v20 =	vor.u32 v1, v31;
	[tilespmem:v21+s16+$0x0] =	vst.idx.add.s32.msk vm10, v2  }
0x22e: {  	vm6 =	veq.s32 v24, v6;
	v19 =	vor.u32 v1, v19;
	[tilespmem:v17+s16+$0x0] =	vst.idx.add.s32.msk vm8, v2  }
0x22f: {  	v17 =	vshrl.u32 v18, v7;
	v18 =	vand.u32 v8, v18;
	[tilespmem:v16+s16+$0x0] =	vst.idx.add.s32.msk vm0, v2  }
0x230: {  	vm8 =	veq.s32 v29, v6;
	vm0 =	veq.s32 v18, v6;
	v16 =	vand.u32 $0xFF, v17;
	[tilespmem:v14+s16+$0x0] =	vst.idx.add.s32.msk vm7, v2  }
0x231: {  	v14 =	vshrl.u32 v25, v7;
	v16 =	vor.u32 v1, v16;
	[tilespmem:v10+s16+$0x0] =	vst.idx.add.s32.msk vm1, v2  }
0x232: {  	v18 =	vshrl.u32 v30, v7;
	v10 =	vand.u32 v8, v25;
	v25 =	vand.u32 $0xFF, v14;
	[tilespmem:v13+s16+$0x0] =	vst.idx.add.s32.msk vm3, v2  }
0x233: {  	v14 =	vand.u32 v8, v27;
	v13 =	vshrl.u32 v27, v7;
	[tilespmem:v9+s16+$0x0] =	vst.idx.add.s32.msk vm5, v2  }
0x234: {  	v21 =	vshrl.u32 v26, v7;
	v26 =	vand.u32 v8, v26;
	v9 =	vand.u32 $0xFF, v13;
	[tilespmem:v12+s16+$0x0] =	vst.idx.add.s32.msk vm2, v2  }
0x235: {  	v17 =	vand.u32 v8, v28;
	v13 =	vand.u32 $0xFF, v18;
	v12 =	vshrl.u32 v28, v7;
	[tilespmem:v11+s16+$0x0] =	vst.idx.add.s32.msk vm4, v2  }
0x236: {  	v21 =	vand.u32 $0xFF, v21;
	v11 =	vshrl.u32 v23, v7;
	[tilespmem:v16+s16+$0x0] =	vst.idx.add.s32.msk vm0, v2  }
0x237: {  	v27 =	vand.u32 $0xFF, v12;
	v16 =	vshrl.u32 v22, v7;
	vm0 =	veq.s32 v10, v6;
	[tilespmem:v19+s16+$0x0] =	vst.idx.add.s32.msk vm8, v2  }
0x238: {  	v10 =	vand.u32 v8, v22;
	v12 =	vand.u32 $0xFF, v16;
	v16 =	vand.u32 v8, v30;
	[tilespmem:v20+s16+$0x0] =	vst.idx.add.s32.msk vm6, v2  }
.Ltmp7:
0x239: {  	vm1 =	veq.s32 v10, v6;
	v19 =	vor.u32 v1, v13;
	v10 =	vor.u32 v1, v12;
	v18 =	vld [tilespmem:s30+$0x0];
	(pc) =	sbr.rel @p2 .LBB2_18-.Ltmp7, $4  }
0x23a: {  	v11 =	vand.u32 $0xFF, v11;
	v12 =	vand.u32 v8, v23;
	vm6 =	veq.s32 v16, v6;
	v20 =	vld [tilespmem:s30+$0x30]  }
0x23b: {  	v22 =	vand.u32 v8, v15;
	vm2 =	veq.s32 v12, v6;
	v12 =	vor.u32 v1, v11;
	v24 =	vld [tilespmem:s30+$0xFFFFFF80]  }
0x23c: {  	v15 =	vshrl.u32 v15, v7;
	v13 =	vor.u32 v1, v21;
	v11 =	vor.u32 v1, v27;
	v21 =	vld [tilespmem:s30+$0x40]  }
0x23d: {  	s28 =	simm.s32 $0x19010;
	s31 =	simm.s32 $0x0;
	vm3 =	veq.s32 v26, v6;
	v23 =	vand.u32 $0xFF, v15;
	v16 =	vor.u32 v1, v25;
	v25 =	vld [tilespmem:s30+$0x50];
	s30 =	sadd.s32 $0x100, s30  }
0x23e: {  	_ =	sdelay $0x4  }
0x23f: {  	[tilespmem:v19+s16+$0x0] =	vst.idx.add.s32.msk vm6, v2;
	vm13 =	veq.s32 v22, v6  }
0x240: {  	vm14 =	veq.s32 v14, v6;
	v9 =	vor.u32 v1, v9;
	vm15 =	veq.s32 v17, v6  }
0x241: {  	v56 =	vand.u32 v8, v20;
	v60 =	vshrl.u32 v20, v7;
	v15 =	vand.u32 v8, v24  }
0x242: {  	[tilespmem:v16+s16+$0x0] =	vst.idx.add.s32.msk vm0, v2;
	v55 =	vshrl.u32 v24, v7;
	vm7 =	veq.s32 v56, v6;
	v61 =	vand.u32 $0xFF, v60  }
0x243: {  	[tilespmem:v10+s16+$0x0] =	vst.idx.add.s32.msk vm1, v2;
	vm4 =	veq.s32 v15, v6;
	v15 =	vand.u32 $0xFF, v55;
	v26 =	vand.u32 v8, v21  }
0x244: {  	v59 =	vshrl.u32 v21, v7;
	vm5 =	veq.s32 v26, v6;
	v15 =	vor.u32 v1, v15  }
0x245: {  	[tilespmem:v13+s16+$0x0] =	vst.idx.add.s32.msk vm3, v2;
	v57 =	vshrl.u32 v25, v7;
	v58 =	vand.u32 v8, v25;
	v21 =	vand.u32 $0xFF, v59  }
0x246: {  	v7 =	vshrl.u32 v18, v7;
	v8 =	vand.u32 v8, v18;
	v18 =	vor.u32 v1, v61  }
0x247: {  	[tilespmem:v12+s16+$0x0] =	vst.idx.add.s32.msk vm2, v2;
	v62 =	vor.u32 v1, v21;
	vm8 =	veq.s32 v58, v6  }
0x248: {  	v63 =	vand.u32 $0xFF, v57;
	vm9 =	veq.s32 v8, v6;
	v8 =	vor.u32 v1, v23;
	[tilespmem:v9+s16+$0x0] =	vst.idx.add.s32.msk vm14, v2  }
0x249: {  	v7 =	vand.u32 $0xFF, v7;
	v21 =	vor.u32 v1, v63;
	[tilespmem:v11+s16+$0x0] =	vst.idx.add.s32.msk vm15, v2  }
0x24a: {  	v7 =	vor.u32 v1, v7;
	[tilespmem:v15+s16+$0x0] =	vst.idx.add.s32.msk vm4, v2  }
0x24b: {  	[tilespmem:v18+s16+$0x0] =	vst.idx.add.s32.msk vm7, v2  }
0x24c: {  	[tilespmem:v62+s16+$0x0] =	vst.idx.add.s32.msk vm5, v2  }
0x24d: {  	[tilespmem:v8+s16+$0x0] =	vst.idx.add.s32.msk vm13, v2  }
0x24e: {  	[tilespmem:v21+s16+$0x0] =	vst.idx.add.s32.msk vm8, v2  }
0x24f: {  	s30 =	simm.s32 $0x18810;
	[tilespmem:v7+s16+$0x0] =	vst.idx.add.s32.msk vm9, v2  }
0x250: {  	s29 =	sand.u32 $0xE0, s31;
	v6 =	vld [tilespmem:s30+$0xFFFFF7F0]  }
0x251: {  	v7 =	vld [tilespmem:s29+$0x18100]  }
0x252: {  	v8 =	vld [tilespmem:s29+$0x18200]  }
0x253: {  	v9 =	vld [tilespmem:s29+$0x18300]  }
0x254: {  	v10 =	vld [tilespmem:s29+$0x18400]  }
0x255: {  	v11 =	vld [tilespmem:s29+$0x18500]  }
0x256: {  	v12 =	vld [tilespmem:s29+$0x18600];
	v6 =	vadd.s32 v6, v7  }
0x257: {  	v7 =	vld [tilespmem:s29+$0x18700];
	v6 =	vadd.s32 v8, v6  }
0x258: {  	v8 =	vld [tilespmem:s29+$0x18800];
	v6 =	vadd.s32 v9, v6  }
0x259: {  	v9 =	vld [tilespmem:s29+$0x18900];
	v6 =	vadd.s32 v10, v6  }
0x25a: {  	v10 =	vld [tilespmem:s29+$0x18A00];
	v6 =	vadd.s32 v11, v6  }
0x25b: {  	v11 =	vld [tilespmem:s29+$0x18B00];
	v6 =	vadd.s32 v12, v6  }
0x25c: {  	v12 =	vld [tilespmem:s29+$0x18C00];
	v6 =	vadd.s32 v7, v6  }
0x25d: {  	v7 =	vld [tilespmem:s29+$0x18D00];
	v6 =	vadd.s32 v8, v6  }
0x25e: {  	v8 =	vld [tilespmem:s29+$0x18E00];
	v6 =	vadd.s32 v9, v6  }
0x25f: {  	v9 =	vld [tilespmem:s29+$0x18F00];
	v6 =	vadd.s32 v10, v6  }
0x260: {  	v10 =	vld [tilespmem:s30+$0xFFFFF800];
	v6 =	vadd.s32 v11, v6  }
0x261: {  	v11 =	vld [tilespmem:s30+$0xFFFFF900];
	v6 =	vadd.s32 v12, v6  }
0x262: {  	v12 =	vld [tilespmem:s30+$0xFFFFFA00];
	v6 =	vadd.s32 v7, v6  }
0x263: {  	v7 =	vld [tilespmem:s30+$0xFFFFFB00];
	v6 =	vadd.s32 v8, v6  }
0x264: {  	v8 =	vld [tilespmem:s30+$0xFFFFFC00];
	v6 =	vadd.s32 v9, v6  }
0x265: {  	v9 =	vld [tilespmem:s30+$0xFFFFFD00];
	v6 =	vperm.xlane v6, v3  }
0x266: {  	v10 =	vadd.s32 v10, v11;
	v11 =	vld [tilespmem:s30+$0xFFFFFE00]  }
0x267: {  	v10 =	vadd.s32 v12, v10;
	v12 =	vld [tilespmem:s30+$0xFFFFFF00];
	(xrf0) =	vadd.scan.msk.s32 $0xffff, v6  }
0x268: {  	v6 =	vadd.s32 v7, v10;
	v10 =	vld [tilespmem:s30+$0x0]  }
0x269: {  	v13 =	vld [tilespmem:s30+$0x100];
	v6 =	vadd.s32 v8, v6  }
0x26a: {  	v14 =	vld [tilespmem:s30+$0x200];
	v6 =	vadd.s32 v9, v6  }
0x26b: {  	v7 =	vadd.s32 v11, v6;
	v6 =	vld [tilespmem:s30+$0x300]  }
0x26c: {  	v8 =	vadd.s32 v12, v7;
	v7 =	vld [tilespmem:s30+$0x400]  }
0x26d: {  	v9 =	vadd.s32 v10, v8;
	v8 =	vld [tilespmem:s30+$0x500];
	v10, _, _ =	vpop (xrf0)  }
0x26e: {  	v12 =	vadd.s32 v13, v9;
	v9 =	vld [tilespmem:s30+$0x600];
	v11 =	vperm.xlane v10, v3  }
0x26f: {  	s31 =	simm.s32 $0x20;
	s29 =	simm.s32 $0x0;
	v12 =	vadd.s32 v14, v12;
	v10 =	vld [tilespmem:s30+$0x700];
	s30 =	simm.s32 $0x18830  }
.LBB2_20:
0x270: {  	v13 =	vld [tilespmem:s30+$0xFFFFF7F0];
	s0 =	sand.u32 $0xE0, s31;
	s29 =	sadd.s32 $0x2, s29;
	[tilespmem:s28+$0xFFFFFFF0] =	vst v11;
	v6 =	vadd.s32 v6, v12  }
0x271: {  	v11 =	vld [tilespmem:s0+$0x18100];
	p2 =	slt.u32 s29, $0xE;
	v6 =	vadd.s32 v7, v6  }
0x272: {  	v7 =	vld [tilespmem:s0+$0x18200];
	v6 =	vadd.s32 v8, v6  }
0x273: {  	v8 =	vld [tilespmem:s0+$0x18300];
	v6 =	vadd.s32 v9, v6  }
0x274: {  	v9 =	vld [tilespmem:s0+$0x18400];
	v6 =	vadd.s32 v10, v6  }
0x275: {  	v10 =	vld [tilespmem:s0+$0x18500];
	v6 =	vperm.xlane v6, v3  }
0x276: {  	v11 =	vadd.s32 v13, v11;
	v12 =	vld [tilespmem:s0+$0x18600]  }
0x277: {  	v7 =	vadd.s32 v7, v11;
	v11 =	vld [tilespmem:s0+$0x18700];
	(xrf0) =	vadd.scan.msk.s32 $0xffff, v6  }
0x278: {  	v6 =	vadd.s32 v8, v7;
	v7 =	vld [tilespmem:s0+$0x18800]  }
0x279: {  	v6 =	vadd.s32 v9, v6;
	v8 =	vld [tilespmem:s0+$0x18900]  }
0x27a: {  	v6 =	vadd.s32 v10, v6;
	v9 =	vld [tilespmem:s0+$0x18A00]  }
0x27b: {  	v6 =	vadd.s32 v12, v6;
	v10 =	vld [tilespmem:s0+$0x18B00]  }
0x27c: {  	v6 =	vadd.s32 v11, v6;
	v11 =	vld [tilespmem:s0+$0x18C00]  }
0x27d: {  	v6 =	vadd.s32 v7, v6;
	v7 =	vld [tilespmem:s0+$0x18D00];
	v12, _, _ =	vpop (xrf0)  }
0x27e: {  	v6 =	vadd.s32 v8, v6;
	v8 =	vld [tilespmem:s0+$0x18E00];
	v12 =	vperm.xlane v12, v3  }
0x27f: {  	v6 =	vadd.s32 v9, v6;
	v9 =	vld [tilespmem:s0+$0x18F00]  }
0x280: {  	v6 =	vadd.s32 v10, v6;
	v10 =	vld [tilespmem:s30+$0xFFFFF800];
	[tilespmem:s28+$0x0] =	vst v12  }
0x281: {  	v6 =	vadd.s32 v11, v6;
	v11 =	vld [tilespmem:s30+$0xFFFFF900]  }
0x282: {  	v6 =	vadd.s32 v7, v6;
	v7 =	vld [tilespmem:s30+$0xFFFFFA00]  }
0x283: {  	v6 =	vadd.s32 v8, v6;
	v8 =	vld [tilespmem:s30+$0xFFFFFB00]  }
0x284: {  	v6 =	vadd.s32 v9, v6;
	v9 =	vld [tilespmem:s30+$0xFFFFFC00]  }
0x285: {  	v6 =	vperm.xlane v6, v3;
	v12 =	vld [tilespmem:s30+$0xFFFFFD00]  }
0x286: {  	v10 =	vadd.s32 v10, v11;
	v11 =	vld [tilespmem:s30+$0xFFFFFE00]  }
0x287: {  	v7 =	vadd.s32 v7, v10;
	v10 =	vld [tilespmem:s30+$0xFFFFFF00];
	(xrf0) =	vadd.scan.msk.s32 $0xffff, v6  }
0x288: {  	v6 =	vadd.s32 v8, v7;
	v8 =	vld [tilespmem:s30+$0x0]  }
0x289: {  	v6 =	vadd.s32 v9, v6;
	v9 =	vld [tilespmem:s30+$0x100]  }
0x28a: {  	v6 =	vadd.s32 v12, v6;
	v12 =	vld [tilespmem:s30+$0x200]  }
.Ltmp8:
0x28b: {  	v7 =	vadd.s32 v11, v6;
	v6 =	vld [tilespmem:s30+$0x300];
	(pc) =	sbr.rel @p2 .LBB2_20-.Ltmp8, $4  }
0x28c: {  	v10 =	vadd.s32 v10, v7;
	v7 =	vld [tilespmem:s30+$0x400]  }
0x28d: {  	v10 =	vadd.s32 v8, v10;
	v8 =	vld [tilespmem:s30+$0x500];
	v11, _, _ =	vpop (xrf0)  }
0x28e: {  	v11 =	vperm.xlane v11, v3;
	v10 =	vadd.s32 v9, v10;
	v9 =	vld [tilespmem:s30+$0x600]  }
0x28f: {  	s31 =	sadd.s32 $0x20, s31;
	s28 =	sadd.s32 $0x20, s28;
	v12 =	vadd.s32 v12, v10;
	v10 =	vld [tilespmem:s30+$0x700];
	s30 =	sadd.s32 $0x20, s30  }
0x290: {  	v6 =	vadd.s32 v6, v12  }
0x291: {  	v6 =	vadd.s32 v7, v6  }
0x292: {  	v6 =	vadd.s32 v8, v6  }
0x293: {  	v6 =	vadd.s32 v9, v6  }
0x294: {  	v6 =	vadd.s32 v10, v6  }
0x295: {  	v6 =	vperm.xlane v6, v3;
	_ =	sdelay $0x1  }
0x296: {  	(xrf0) =	vadd.scan.msk.s32 $0xffff, v6;
	_ =	sdelay $0x5  }
0x297: {  	v6, _, _ =	vpop (xrf0)  }
0x298: {  	v6 =	vperm.xlane v6, v3  }
0x299: {  	[tilespmem:s28+$0xFFFFFFF0] =	vst v11  }
0x29a: {  	[tilespmem:s28+$0x0] =	vst v6  }
0x29b: {  	v6 =	vld.idx.msk [tilespmem:v4+s17+$0x0], $0xffff;
	_ =	sdelay $0x4  }
0x29c: {  	v6 =	vperm.xlane v6, v3;
	_ =	sdelay $0x1  }
0x29d: {  	(xrf0) =	vadd.scan.msk.s32 $0xffff, v6;
	_ =	sdelay $0x5  }
0x29e: {  	v6, _, _ =	vpop (xrf0)  }
0x29f: {  	v6 =	vperm.xlane v6, v3;
	_ =	sdelay $0x1  }
0x2a0: {  	vm0 =	vlt.s32 v6, s25;
	v7 =	vxor.u32 $0x80000000, v6  }
0x2a1: {  	vm13 =	vge.s32 v6, s25;
	v7 =	vnsel vm0, $0x80000000, v7  }
0x2a2: {  	v6 =	vsel vm13, $0x1, v0;
	(xrf0) =	vmax.scan.msk.u32 $0xffff, v7  }
0x2a3: {  	(xrf0) =	vadd.scan.msk.s32 $0xffff, v6;
	_ =	sdelay $0x4  }
0x2a4: {  	v6, _, _ =	vpop (xrf0)  }
0x2a5: {  	(v2sf) =	vpush v6, $0xF;
	v6, _, _ =	vpop (xrf0)  }
0x2a6: {  	(v2sf) =	vpush v6, $0xF;
	_ =	sdelay $0xd  }
0x2a7: {  	s0 =	spop (v2sf)  }
0x2a8: {  	s30 =	spop (v2sf)  }
0x2a9: {  	s28 =	sshll.u32 s30, $0x4  }
0x2aa: {  	v6 =	vld [tilespmem:s28+$0x18FF0];
	_ =	sdelay $0x3  }
0x2ab: {  	s0 =	sxor.u32 $0x80000000, s0  }
0x2ac: {  	v6 =	vadd.s32 s0, v6  }
0x2ad: {  	vm14 =	vge.s32 v6, s25  }
0x2ae: {  	vm15 =	vlt.s32 v6, s25;
	v6 =	vxor.u32 $0x80000000, v6;
	v7 =	vsel vm14, $0x1, v0  }
0x2af: {  	v6 =	vnsel vm15, $0x80000000, v6;
	(xrf0) =	vadd.scan.msk.s32 $0xffff, v7  }
0x2b0: {  	(xrf0) =	vmax.scan.msk.u32 $0xffff, v6;
	_ =	sdelay $0x4  }
0x2b1: {  	v6, _, _ =	vpop (xrf0)  }
0x2b2: {  	(v2sf) =	vpush v6, $0xF;
	v6, _, _ =	vpop (xrf0)  }
0x2b3: {  	(v2sf) =	vpush v6, $0xF;
	_ =	sdelay $0xd  }
0x2b4: {  	s29 =	spop (v2sf)  }
.Ltmp9:
0x2b5: {  	s28 =	sadd.s32 s29, s28;
	s31 =	spop (v2sf);
	(pc) =	sbr.rel @!p1 .LBB2_15-.Ltmp9, $4  }
0x2b6: {  	s28 =	sadd.s32 $0xFFFFFFEF, s28;
	s29 =	sxor.u32 $0x80000000, s31  }
0x2b7: {  	p2 =	sgt.s32 s0, s29;
	s26 =	sshll.u32 s28, s26  }
0x2b8: {  	s29 =	smov.u32 @p2 s0;
	s24 =	sor.u32 s24, s26  }
0x2b9: {  	s26 =	simm.s32 $0x18;
	p2 =	por $0x1, $0x1;
	s25 =	ssub.s32 s25, s29  }
0x2ba: {  	s0 =	simm.s32 $0x80  }
0x2bb: {  	v9 =	vld [tilespmem:s0+$0xFFFFFF80];
	_ =	sdelay $0x1  }
0x2bc: {  	v6 =	vmov s24;
	v10 =	vld [tilespmem:s0+$0xFFFFFF90]  }
0x2bd: {  	v6 =	vbroadcast v6, $0x0  }
0x2be: {  	v11 =	vld [tilespmem:s0+$0xFFFFFFA0]  }
0x2bf: {  	vm5 =	vgt.f32 v9, v6  }
0x2c0: {  	v12 =	vimm.f32 $0.0e+00;
	v13 =	vld [tilespmem:s0+$0xFFFFFFB0];
	v9 =	vnsel vm5, $0x0, v9  }
0x2c1: {  	vm6 =	vgt.f32 v10, v6;
	v12 =	vadd.f32 v9, v12  }
0x2c2: {  	v14 =	vld [tilespmem:s0+$0xFFFFFFC0];
	v10 =	vnsel vm6, $0x0, v10  }
0x2c3: {  	v7 =	vld [tilespmem:s0+$0x70];
	vm7 =	vgt.f32 v11, v6;
	v10 =	vadd.f32 v10, v12  }
0x2c4: {  	v15 =	vld [tilespmem:s0+$0xFFFFFFD0];
	v11 =	vnsel vm7, $0x0, v11  }
0x2c5: {  	v8 =	vld [tilespmem:s0+$0x60];
	vm8 =	vgt.f32 v13, v6;
	v10 =	vadd.f32 v11, v10  }
0x2c6: {  	v16 =	vld [tilespmem:s0+$0xFFFFFFE0];
	v13 =	vnsel vm8, $0x0, v13  }
0x2c7: {  	v17 =	vld [tilespmem:s0+$0xFFFFFFF0];
	vm9 =	vgt.f32 v14, v6;
	v10 =	vadd.f32 v13, v10  }
0x2c8: {  	v19 =	vld [tilespmem:s0+$0x0];
	v14 =	vnsel vm9, $0x0, v14  }
0x2c9: {  	vm10 =	vgt.f32 v15, v6;
	v10 =	vadd.f32 v14, v10  }
0x2ca: {  	v18 =	vimm.s32 $0x0;
	vm0 =	vgt.f32 v7, v6;
	v15 =	vnsel vm10, $0x0, v15;
	v9 =	vld [tilespmem:s0+$0x50]  }
0x2cb: {  	vm12 =	vgt.f32 v16, v6;
	vm1 =	vgt.f32 v8, v6;
	v12 =	vld [tilespmem:s0+$0x40];
	v10 =	vadd.f32 v15, v10  }
0x2cc: {  	vm13 =	vgt.f32 v17, v6;
	v58 =	vsel vm5, $0x1, v0;
	v14 =	vld [tilespmem:s0+$0x10];
	v15 =	vnsel vm12, $0x0, v16  }
0x2cd: {  	vm5 =	vgt.f32 v19, v6;
	v59 =	vsel vm6, $0x1, v0;
	v11 =	vld [tilespmem:s0+$0x30];
	v10 =	vadd.f32 v15, v10  }
0x2ce: {  	v61 =	vsel vm7, $0x1, v0;
	v62 =	vsel vm8, $0x1, v0;
	v13 =	vld [tilespmem:s0+$0x20];
	v15 =	vnsel vm13, $0x0, v17  }
0x2cf: {  	v63 =	vsel vm9, $0x1, v0;
	v60 =	vnsel vm5, $0x0, v19;
	v10 =	vadd.f32 v15, v10  }
0x2d0: {  	vm2 =	vgt.f32 v9, v6;
	vm3 =	vgt.f32 v12, v6;
	v15 =	vadd.s32 v58, v18  }
0x2d1: {  	vm14 =	vgt.f32 v14, v6;
	v15 =	vadd.s32 v59, v15;
	v10 =	vadd.f32 v60, v10  }
0x2d2: {  	vm4 =	vgt.f32 v11, v6;
	v14 =	vnsel vm14, $0x0, v14;
	v15 =	vadd.s32 v61, v15  }
0x2d3: {  	vm11 =	vgt.f32 v13, v6;
	v15 =	vadd.s32 v62, v15;
	v10 =	vadd.f32 v14, v10  }
0x2d4: {  	v13 =	vnsel vm11, $0x0, v13;
	v14 =	vadd.s32 v63, v15;
	v15 =	vsel vm10, $0x1, v0  }
0x2d5: {  	v14 =	vadd.s32 v15, v14;
	v15 =	vsel vm12, $0x1, v0;
	v10 =	vadd.f32 v13, v10  }
0x2d6: {  	v11 =	vnsel vm4, $0x0, v11;
	v13 =	vadd.s32 v15, v14;
	v14 =	vsel vm13, $0x1, v0  }
0x2d7: {  	v13 =	vadd.s32 v14, v13;
	v14 =	vsel vm5, $0x1, v0;
	v10 =	vadd.f32 v11, v10  }
0x2d8: {  	v11 =	vadd.s32 v14, v13;
	v13 =	vsel vm14, $0x1, v0;
	v14 =	vnsel vm3, $0x0, v12  }
0x2d9: {  	s24 =	simm.s32 $0x0;
	s25 =	simm.s32 $0x180;
	v12 =	vsel vm11, $0x1, v0;
	v11 =	vadd.s32 v13, v11;
	v10 =	vadd.f32 v14, v10  }
.LBB2_23:
0x2da: {  	v13 =	vld [tilespmem:s25+$0xFFFFFF80];
	s24 =	sadd.s32 $0x10, s24;
	v11 =	vadd.s32 v12, v11;
	v12 =	vsel vm4, $0x1, v0;
	v9 =	vnsel vm2, $0x0, v9  }
0x2db: {  	p1 =	slt.u32 s24, $0x7F0;
	v11 =	vadd.s32 v12, v11;
	v12 =	vsel vm3, $0x1, v0;
	v9 =	vadd.f32 v9, v10  }
0x2dc: {  	v8 =	vnsel vm1, $0x0, v8;
	v10 =	vld [tilespmem:s25+$0xFFFFFF90];
	v11 =	vadd.s32 v12, v11;
	v12 =	vsel vm2, $0x1, v0  }
0x2dd: {  	v14 =	vld [tilespmem:s25+$0x70];
	v11 =	vadd.s32 v12, v11;
	v9 =	vadd.f32 v8, v9;
	v8 =	vsel vm1, $0x1, v0  }
0x2de: {  	v7 =	vnsel vm0, $0x0, v7;
	v15 =	vsel vm0, $0x1, v0;
	v12 =	vld [tilespmem:s25+$0xFFFFFFA0];
	v11 =	vadd.s32 v8, v11  }
0x2df: {  	vm5 =	vgt.f32 v13, v6;
	v8 =	vld [tilespmem:s25+$0x60];
	v17 =	vadd.f32 v7, v9;
	v11 =	vadd.s32 v15, v11  }
0x2e0: {  	v9 =	vnsel vm5, $0x0, v13;
	v13 =	vld [tilespmem:s25+$0xFFFFFFB0]  }
0x2e1: {  	v15 =	vadd.f32 v9, v17;
	vm6 =	vgt.f32 v10, v6;
	v9 =	vld [tilespmem:s25+$0x50]  }
0x2e2: {  	v10 =	vnsel vm6, $0x0, v10;
	v16 =	vld [tilespmem:s25+$0xFFFFFFC0];
	v7 =	vmov v14  }
0x2e3: {  	v10 =	vadd.f32 v10, v15;
	vm7 =	vgt.f32 v12, v6;
	v14 =	vld [tilespmem:s25+$0x40]  }
0x2e4: {  	v12 =	vnsel vm7, $0x0, v12;
	v15 =	vld [tilespmem:s25+$0xFFFFFFD0]  }
0x2e5: {  	v10 =	vadd.f32 v12, v10;
	vm8 =	vgt.f32 v13, v6;
	v12 =	vld [tilespmem:s25+$0x30]  }
0x2e6: {  	v13 =	vnsel vm8, $0x0, v13;
	v17 =	vld [tilespmem:s25+$0xFFFFFFE0]  }
0x2e7: {  	v10 =	vadd.f32 v13, v10;
	vm9 =	vgt.f32 v16, v6;
	v13 =	vld [tilespmem:s25+$0x20]  }
0x2e8: {  	v16 =	vnsel vm9, $0x0, v16;
	v18 =	vld [tilespmem:s25+$0xFFFFFFF0]  }
0x2e9: {  	v10 =	vadd.f32 v16, v10;
	vm10 =	vgt.f32 v15, v6;
	v16 =	vld [tilespmem:s25+$0x10]  }
0x2ea: {  	vm0 =	vgt.f32 v7, v6;
	v15 =	vnsel vm10, $0x0, v15;
	v19 =	vld [tilespmem:s25+$0x0]  }
0x2eb: {  	vm1 =	vgt.f32 v8, v6;
	v10 =	vadd.f32 v15, v10;
	vm12 =	vgt.f32 v17, v6  }
0x2ec: {  	vm2 =	vgt.f32 v9, v6;
	vm3 =	vgt.f32 v14, v6;
	v15 =	vnsel vm12, $0x0, v17  }
0x2ed: {  	vm4 =	vgt.f32 v12, v6;
	v10 =	vadd.f32 v15, v10;
	vm14 =	vgt.f32 v18, v6  }
0x2ee: {  	vm11 =	vgt.f32 v13, v6;
	v15 =	vnsel vm14, $0x0, v18;
	vm13 =	vgt.f32 v16, v6  }
0x2ef: {  	v17 =	vsel vm5, $0x1, v0;
	v10 =	vadd.f32 v15, v10;
	vm5 =	vgt.f32 v19, v6  }
0x2f0: {  	v11 =	vadd.s32 v17, v11;
	v15 =	vsel vm6, $0x1, v0;
	v17 =	vnsel vm5, $0x0, v19  }
0x2f1: {  	v11 =	vadd.s32 v15, v11;
	v15 =	vsel vm7, $0x1, v0;
	v10 =	vadd.f32 v17, v10  }
0x2f2: {  	v16 =	vnsel vm13, $0x0, v16;
	v11 =	vadd.s32 v15, v11;
	v15 =	vsel vm8, $0x1, v0  }
0x2f3: {  	v11 =	vadd.s32 v15, v11;
	v15 =	vsel vm9, $0x1, v0;
	v10 =	vadd.f32 v16, v10  }
0x2f4: {  	v13 =	vnsel vm11, $0x0, v13;
	v11 =	vadd.s32 v15, v11;
	v15 =	vsel vm10, $0x1, v0  }
.Ltmp10:
0x2f5: {  	v11 =	vadd.s32 v15, v11;
	v15 =	vsel vm12, $0x1, v0;
	v10 =	vadd.f32 v13, v10;
	(pc) =	sbr.rel @p1 .LBB2_23-.Ltmp10, $4  }
0x2f6: {  	v12 =	vnsel vm4, $0x0, v12;
	v11 =	vadd.s32 v15, v11;
	v13 =	vsel vm14, $0x1, v0  }
0x2f7: {  	v11 =	vadd.s32 v13, v11;
	v13 =	vsel vm5, $0x1, v0;
	v10 =	vadd.f32 v12, v10  }
0x2f8: {  	v11 =	vadd.s32 v13, v11;
	v12 =	vsel vm13, $0x1, v0;
	v13 =	vnsel vm3, $0x0, v14  }
0x2f9: {  	s25 =	sadd.s32 $0x100, s25;
	v11 =	vadd.s32 v12, v11;
	v12 =	vsel vm11, $0x1, v0;
	v10 =	vadd.f32 v13, v10  }
0x2fa: {  	_ =	swait.ge [sflag:s14], $0x8000  }
0x2fb: {  	[sflag:s14] =	ssyncset.done $0x0  }
0x2fc: {  	[sflag:s14] =	ssyncadd.s32 $0xFFFF8000  }
0x2fd: {  	_ =	swait.ge [sflag:s15], $0x8000  }
0x2fe: {  	[sflag:s15] =	ssyncset.done $0x0  }
0x2ff: {  	s25 =	simm.s32 $0x18080;
	[sflag:s15] =	ssyncadd.s32 $0xFFFF8000  }
0x300: {  	[tilespmem:s25+$0xFFFFFF80] =	vst v0  }
0x301: {  	[tilespmem:s25+$0x70] =	vst v0  }
0x302: {  	[tilespmem:s25+$0x60] =	vst v0  }
0x303: {  	[tilespmem:s25+$0x50] =	vst v0  }
0x304: {  	[tilespmem:s25+$0x40] =	vst v0  }
0x305: {  	[tilespmem:s25+$0x30] =	vst v0  }
0x306: {  	[tilespmem:s25+$0x20] =	vst v0  }
0x307: {  	[tilespmem:s25+$0x10] =	vst v0  }
0x308: {  	[tilespmem:s25+$0x0] =	vst v0  }
0x309: {  	v11 =	vadd.s32 v12, v11;
	v62 =	vsel vm4, $0x1, v0;
	v9 =	vnsel vm2, $0x0, v9;
	[tilespmem:s25+$0xFFFFFFF0] =	vst v0  }
0x30a: {  	v63 =	vsel vm3, $0x1, v0;
	v11 =	vadd.s32 v62, v11;
	v9 =	vadd.f32 v9, v10;
	[tilespmem:s25+$0xFFFFFFE0] =	vst v0  }
0x30b: {  	v8 =	vnsel vm1, $0x0, v8;
	v10 =	vadd.s32 v63, v11;
	v11 =	vsel vm2, $0x1, v0;
	[tilespmem:s25+$0xFFFFFFD0] =	vst v0  }
0x30c: {  	v10 =	vadd.s32 v11, v10;
	v8 =	vadd.f32 v8, v9;
	v9 =	vsel vm1, $0x1, v0;
	[tilespmem:s25+$0xFFFFFFC0] =	vst v0  }
0x30d: {  	v7 =	vnsel vm0, $0x0, v7;
	v9 =	vadd.s32 v9, v10;
	v10 =	vsel vm0, $0x1, v0;
	[tilespmem:s25+$0xFFFFFFB0] =	vst v0  }
0x30e: {  	s26 =	simm.s32 $0x0;
	s24 =	simm.s32 $0x8080;
	v8 =	vadd.f32 v7, v8;
	v7 =	vadd.s32 v10, v9;
	[tilespmem:s25+$0xFFFFFFA0] =	vst v0  }
.LBB2_25:
0x30f: {  	s26 =	sadd.s32 $0x10, s26;
	[tilespmem:s25+$0xFFFFFF90] =	vst v0;
	s25 =	sadd.s32 $0x100, s25  }
0x310: {  	[tilespmem:s25+$0xFFFFFF80] =	vst v0;
	p1 =	slt.u32 s26, $0xF0  }
0x311: {  	[tilespmem:s25+$0x70] =	vst v0  }
0x312: {  	[tilespmem:s25+$0x60] =	vst v0  }
0x313: {  	[tilespmem:s25+$0x50] =	vst v0  }
0x314: {  	[tilespmem:s25+$0x40] =	vst v0  }
0x315: {  	[tilespmem:s25+$0x30] =	vst v0  }
0x316: {  	[tilespmem:s25+$0x20] =	vst v0  }
0x317: {  	[tilespmem:s25+$0x10] =	vst v0  }
0x318: {  	[tilespmem:s25+$0x0] =	vst v0  }
0x319: {  	[tilespmem:s25+$0xFFFFFFF0] =	vst v0  }
.Ltmp11:
0x31a: {  	[tilespmem:s25+$0xFFFFFFE0] =	vst v0;
	(pc) =	sbr.rel @p1 .LBB2_25-.Ltmp11, $4  }
0x31b: {  	[tilespmem:s25+$0xFFFFFFD0] =	vst v0  }
0x31c: {  	[tilespmem:s25+$0xFFFFFFC0] =	vst v0  }
0x31d: {  	[tilespmem:s25+$0xFFFFFFB0] =	vst v0  }
0x31e: {  	[tilespmem:s25+$0xFFFFFFA0] =	vst v0  }
0x31f: {  	[tilespmem:s25+$0xFFFFFF90] =	vst v0  }
0x320: {  	s25 =	simm.s32 $0x10080;
	v9 =	vld [tilespmem:s24+$0x30]  }
0x321: {  	v10 =	vld [tilespmem:s25+$0x70]  }
0x322: {  	v11 =	vld [tilespmem:s24+$0x70]  }
0x323: {  	v12 =	vld [tilespmem:s24+$0xFFFFFF90]  }
0x324: {  	v13 =	vld [tilespmem:s24+$0xFFFFFFA0]  }
0x325: {  	v14 =	vld [tilespmem:s24+$0xFFFFFFB0]  }
0x326: {  	v16 =	vld [tilespmem:s24+$0xFFFFFFE0]  }
0x327: {  	v17 =	vld [tilespmem:s25+$0x60]  }
0x328: {  	v18 =	vld [tilespmem:s24+$0x60]  }
0x329: {  	v20 =	vld [tilespmem:s25+$0x50]  }
0x32a: {  	v21 =	vld [tilespmem:s24+$0x50]  }
0x32b: {  	v33 =	vld [tilespmem:s25+$0x20]  }
0x32c: {  	v35 =	vld [tilespmem:s24+$0x20]  }
0x32d: {  	v24 =	vld [tilespmem:s25+$0x10]  }
0x32e: {  	v25 =	vld [tilespmem:s24+$0x10]  }
0x32f: {  	v39 =	vld [tilespmem:s25+$0xFFFFFFF0];
	v10 =	vsub.f32 v11, v10  }
0x330: {  	v41 =	vld [tilespmem:s25+$0xFFFFFFE0]  }
0x331: {  	v51 =	vld [tilespmem:s25+$0xFFFFFFB0];
	v10 =	vand.u32 $0x7FFFFFFF, v10  }
0x332: {  	v19 =	vshrl.u32 v10, $0x18;
	[tilespmem:s24+$0x70] =	vst v10;
	v10 =	vld [tilespmem:s25+$0x30]  }
0x333: {  	v53 =	vld [tilespmem:s25+$0xFFFFFFA0];
	v17 =	vsub.f32 v18, v17  }
0x334: {  	v55 =	vld [tilespmem:s25+$0xFFFFFF90];
	v18 =	vsub.f32 v35, v33  }
0x335: {  	v11 =	vld [tilespmem:s24+$0xFFFFFFF0];
	v42 =	vsub.f32 v25, v24;
	v17 =	vand.u32 $0x7FFFFFFF, v17  }
0x336: {  	v38 =	vld [tilespmem:s24+$0x0];
	v16 =	vsub.f32 v16, v41;
	v18 =	vand.u32 $0x7FFFFFFF, v18;
	[tilespmem:s24+$0x60] =	vst v17  }
0x337: {  	v14 =	vsub.f32 v14, v51;
	v44 =	vand.u32 $0x7FFFFFFF, v42;
	[tilespmem:s24+$0x20] =	vst v18;
	v9 =	vsub.f32 v9, v10;
	v10 =	vld [tilespmem:s25+$0x0]  }
0x338: {  	v13 =	vsub.f32 v13, v53;
	v16 =	vand.u32 $0x7FFFFFFF, v16;
	[tilespmem:s24+$0x10] =	vst v44  }
0x339: {  	v15 =	vld [tilespmem:s24+$0xFFFFFFC0];
	v34 =	vsub.f32 v21, v20;
	v12 =	vsub.f32 v12, v55;
	v14 =	vand.u32 $0x7FFFFFFF, v14;
	[tilespmem:s24+$0xFFFFFFE0] =	vst v16  }
0x33a: {  	v22 =	vld [tilespmem:s25+$0x40];
	v13 =	vand.u32 $0x7FFFFFFF, v13;
	[tilespmem:s24+$0xFFFFFFB0] =	vst v14;
	v19 =	vor.u32 v1, v19;
	v11 =	vsub.f32 v11, v39  }
0x33b: {  	v23 =	vld [tilespmem:s24+$0x40];
	v12 =	vand.u32 $0x7FFFFFFF, v12;
	v36 =	vshrl.u32 v17, $0x18;
	v43 =	vshrl.u32 v18, $0x18;
	[tilespmem:s24+$0xFFFFFFA0] =	vst v13  }
0x33c: {  	v46 =	vld [tilespmem:s24+$0xFFFFFFD0];
	[tilespmem:s24+$0xFFFFFF90] =	vst v12;
	v21 =	vor.u32 v1, v36;
	v11 =	vand.u32 $0x7FFFFFFF, v11;
	v10 =	vsub.f32 v38, v10  }
0x33d: {  	v48 =	vld [tilespmem:s25+$0xFFFFFFC0];
	v45 =	vor.u32 v1, v43;
	v52 =	vshrl.u32 v11, $0x18;
	[tilespmem:s24+$0xFFFFFFF0] =	vst v11;
	v9 =	vand.u32 $0x7FFFFFFF, v9  }
0x33e: {  	v11 =	vor.u32 v1, v52;
	v40 =	vshrl.u32 v9, $0x18;
	[tilespmem:s24+$0x30] =	vst v9;
	v9 =	vld [tilespmem:s25+$0xFFFFFFD0];
	v10 =	vand.u32 $0x7FFFFFFF, v10  }
0x33f: {  	[tilespmem:v19+s16+$0x0] =	vst.idx.add.s32.msk $0xffff, v2;
	v50 =	vshrl.u32 v10, $0x18  }
0x340: {  	[tilespmem:s24+$0x0] =	vst v10;
	v10 =	vor.u32 v1, v50  }
0x341: {  	v37 =	vsub.f32 v23, v22;
	v47 =	vshrl.u32 v44, $0x18;
	[tilespmem:v21+s16+$0x0] =	vst.idx.add.s32.msk $0xffff, v2  }
0x342: {  	v49 =	vor.u32 v1, v47;
	[tilespmem:v45+s16+$0x0] =	vst.idx.add.s32.msk $0xffff, v2  }
0x343: {  	v17 =	vand.u32 $0x7FFFFFFF, v37;
	v54 =	vshrl.u32 v16, $0x18;
	[tilespmem:v11+s16+$0x0] =	vst.idx.add.s32.msk $0xffff, v2;
	v9 =	vsub.f32 v46, v9  }
0x344: {  	v15 =	vsub.f32 v15, v48;
	v60 =	vshrl.u32 v14, $0x18;
	[tilespmem:s24+$0x40] =	vst v17;
	v56 =	vor.u32 v1, v54;
	v11 =	vld [tilespmem:s25+$0xFFFFFF80]  }
0x345: {  	v13 =	vshrl.u32 v13, $0x18;
	v61 =	vor.u32 v1, v60;
	v9 =	vand.u32 $0x7FFFFFFF, v9;
	[tilespmem:v10+s16+$0x0] =	vst.idx.add.s32.msk $0xffff, v2  }
0x346: {  	v13 =	vor.u32 v1, v13;
	v57 =	vshrl.u32 v9, $0x18;
	[tilespmem:s24+$0xFFFFFFD0] =	vst v9;
	v9 =	vand.u32 $0x7FFFFFFF, v15;
	v10 =	vld [tilespmem:s24+$0xFFFFFF80]  }
0x347: {  	[tilespmem:v49+s16+$0x0] =	vst.idx.add.s32.msk $0xffff, v2;
	v59 =	vshrl.u32 v9, $0x18  }
0x348: {  	[tilespmem:s24+$0xFFFFFFC0] =	vst v9;
	v9 =	vor.u32 v1, v59  }
0x349: {  	v62 =	vshrl.u32 v17, $0x18;
	v19 =	vand.u32 $0x7FFFFFFF, v34;
	[tilespmem:v56+s16+$0x0] =	vst.idx.add.s32.msk $0xffff, v2  }
0x34a: {  	v63 =	vor.u32 v1, v62;
	[tilespmem:v61+s16+$0x0] =	vst.idx.add.s32.msk $0xffff, v2;
	v26 =	vshrl.u32 v19, $0x18  }
0x34b: {  	[tilespmem:v13+s16+$0x0] =	vst.idx.add.s32.msk $0xffff, v2;
	v26 =	vor.u32 v1, v26;
	v10 =	vsub.f32 v10, v11  }
0x34c: {  	[tilespmem:s24+$0x50] =	vst v19;
	v20 =	vor.u32 v1, v40  }
0x34d: {  	v58 =	vor.u32 v1, v57;
	[tilespmem:v9+s16+$0x0] =	vst.idx.add.s32.msk $0xffff, v2;
	v11 =	vshrl.u32 v12, $0x18;
	v9 =	vand.u32 $0x7FFFFFFF, v10  }
0x34e: {  	v11 =	vor.u32 v1, v11;
	[tilespmem:s24+$0xFFFFFF80] =	vst v9;
	v9 =	vshrl.u32 v9, $0x18  }
0x34f: {  	[tilespmem:v63+s16+$0x0] =	vst.idx.add.s32.msk $0xffff, v2;
	v9 =	vor.u32 v1, v9  }
0x350: {  	[tilespmem:v26+s16+$0x0] =	vst.idx.add.s32.msk $0xffff, v2  }
0x351: {  	[tilespmem:v20+s16+$0x0] =	vst.idx.add.s32.msk $0xffff, v2  }
0x352: {  	[tilespmem:v58+s16+$0x0] =	vst.idx.add.s32.msk $0xffff, v2  }
0x353: {  	s28 =	simm.s32 $0x0;
	[tilespmem:v11+s16+$0x0] =	vst.idx.add.s32.msk $0xffff, v2  }
.LBB2_27:
0x354: {  	s28 =	sadd.s32 $0x10, s28;
	[tilespmem:v9+s16+$0x0] =	vst.idx.add.s32.msk $0xffff, v2;
	s25 =	sadd.s32 $0x100, s25;
	s24 =	sadd.s32 $0x100, s24  }
0x355: {  	v9 =	vld [tilespmem:s24+$0xFFFFFF80];
	p1 =	slt.u32 s28, $0x7F0  }
0x356: {  	v11 =	vld [tilespmem:s24+$0x30]  }
0x357: {  	v12 =	vld [tilespmem:s25+$0x70]  }
0x358: {  	v13 =	vld [tilespmem:s24+$0x70]  }
0x359: {  	v10 =	vld [tilespmem:s24+$0xFFFFFF90]  }
0x35a: {  	v14 =	vld [tilespmem:s24+$0xFFFFFFA0]  }
0x35b: {  	v15 =	vld [tilespmem:s24+$0xFFFFFFB0]  }
0x35c: {  	v16 =	vld [tilespmem:s24+$0xFFFFFFC0]  }
0x35d: {  	v17 =	vld [tilespmem:s24+$0xFFFFFFE0];
	v12 =	vsub.f32 v13, v12  }
0x35e: {  	v13 =	vld [tilespmem:s24+$0xFFFFFFF0]  }
0x35f: {  	v18 =	vld [tilespmem:s25+$0x60];
	v12 =	vand.u32 $0x7FFFFFFF, v12  }
0x360: {  	v19 =	vld [tilespmem:s24+$0x60];
	[tilespmem:s24+$0x70] =	vst v12;
	v12 =	vshrl.u32 v12, $0x18  }
0x361: {  	v20 =	vld [tilespmem:s25+$0x50];
	v12 =	vor.u32 v1, v12  }
0x362: {  	v21 =	vld [tilespmem:s24+$0x50]  }
0x363: {  	v22 =	vld [tilespmem:s25+$0x40]  }
0x364: {  	v23 =	vld [tilespmem:s24+$0x40]  }
0x365: {  	v24 =	vld [tilespmem:s25+$0x30];
	v18 =	vsub.f32 v19, v18  }
0x366: {  	[tilespmem:v12+s16+$0x0] =	vst.idx.add.s32.msk $0xffff, v2  }
0x367: {  	v12 =	vld [tilespmem:s25+$0x20];
	v19 =	vsub.f32 v21, v20;
	v18 =	vand.u32 $0x7FFFFFFF, v18  }
0x368: {  	v20 =	vld [tilespmem:s24+$0x20];
	[tilespmem:s24+$0x60] =	vst v18;
	v18 =	vshrl.u32 v18, $0x18  }
0x369: {  	v21 =	vld [tilespmem:s25+$0x10];
	v22 =	vsub.f32 v23, v22;
	v19 =	vand.u32 $0x7FFFFFFF, v19;
	v18 =	vor.u32 v1, v18  }
0x36a: {  	v23 =	vld [tilespmem:s24+$0x10];
	[tilespmem:s24+$0x50] =	vst v19;
	v19 =	vshrl.u32 v19, $0x18  }
0x36b: {  	v11 =	vsub.f32 v11, v24;
	v25 =	vld [tilespmem:s25+$0x0];
	v22 =	vand.u32 $0x7FFFFFFF, v22;
	v19 =	vor.u32 v1, v19  }
0x36c: {  	v24 =	vld [tilespmem:s24+$0x0];
	[tilespmem:s24+$0x40] =	vst v22;
	v22 =	vshrl.u32 v22, $0x18  }
0x36d: {  	v11 =	vand.u32 $0x7FFFFFFF, v11;
	v26 =	vld [tilespmem:s25+$0xFFFFFFF0];
	v12 =	vsub.f32 v20, v12  }
0x36e: {  	v20 =	vshrl.u32 v11, $0x18;
	[tilespmem:v18+s16+$0x0] =	vst.idx.add.s32.msk $0xffff, v2  }
0x36f: {  	v18 =	vld [tilespmem:s25+$0xFFFFFFE0];
	v21 =	vsub.f32 v23, v21;
	v12 =	vand.u32 $0x7FFFFFFF, v12;
	[tilespmem:s24+$0x30] =	vst v11;
	v11 =	vor.u32 v1, v20  }
0x370: {  	v20 =	vshrl.u32 v12, $0x18;
	[tilespmem:v19+s16+$0x0] =	vst.idx.add.s32.msk $0xffff, v2  }
0x371: {  	v19 =	vld [tilespmem:s25+$0xFFFFFFD0];
	v23 =	vsub.f32 v24, v25;
	v21 =	vand.u32 $0x7FFFFFFF, v21;
	[tilespmem:s24+$0x20] =	vst v12;
	v12 =	vor.u32 v1, v20  }
0x372: {  	v20 =	vld [tilespmem:s24+$0xFFFFFFD0];
	[tilespmem:s24+$0x10] =	vst v21;
	v21 =	vshrl.u32 v21, $0x18  }
0x373: {  	v13 =	vsub.f32 v13, v26;
	v24 =	vld [tilespmem:s25+$0xFFFFFFC0];
	v23 =	vand.u32 $0x7FFFFFFF, v23;
	v21 =	vor.u32 v1, v21  }
0x374: {  	v25 =	vshrl.u32 v23, $0x18;
	[tilespmem:v11+s16+$0x0] =	vst.idx.add.s32.msk $0xffff, v2  }
0x375: {  	v17 =	vsub.f32 v17, v18;
	v13 =	vand.u32 $0x7FFFFFFF, v13;
	v11 =	vld [tilespmem:s25+$0xFFFFFFB0];
	[tilespmem:s24+$0x0] =	vst v23;
	v18 =	vor.u32 v1, v25  }
0x376: {  	v23 =	vshrl.u32 v13, $0x18;
	[tilespmem:v12+s16+$0x0] =	vst.idx.add.s32.msk $0xffff, v2  }
0x377: {  	v17 =	vand.u32 $0x7FFFFFFF, v17;
	v12 =	vld [tilespmem:s25+$0xFFFFFFA0];
	v19 =	vsub.f32 v20, v19;
	[tilespmem:s24+$0xFFFFFFF0] =	vst v13;
	v13 =	vor.u32 v1, v23  }
0x378: {  	v20 =	vshrl.u32 v17, $0x18;
	[tilespmem:v21+s16+$0x0] =	vst.idx.add.s32.msk $0xffff, v2  }
0x379: {  	v16 =	vsub.f32 v16, v24;
	v21 =	vld [tilespmem:s25+$0xFFFFFF90];
	v19 =	vand.u32 $0x7FFFFFFF, v19;
	[tilespmem:s24+$0xFFFFFFE0] =	vst v17;
	v17 =	vor.u32 v1, v20  }
0x37a: {  	v20 =	vshrl.u32 v19, $0x18;
	[tilespmem:v18+s16+$0x0] =	vst.idx.add.s32.msk $0xffff, v2  }
0x37b: {  	v11 =	vsub.f32 v15, v11;
	v15 =	vand.u32 $0x7FFFFFFF, v16;
	v18 =	vld [tilespmem:s25+$0xFFFFFF80];
	[tilespmem:s24+$0xFFFFFFD0] =	vst v19;
	v16 =	vor.u32 v1, v20  }
0x37c: {  	v19 =	vshrl.u32 v15, $0x18;
	[tilespmem:v13+s16+$0x0] =	vst.idx.add.s32.msk $0xffff, v2  }
0x37d: {  	v12 =	vsub.f32 v14, v12;
	v11 =	vand.u32 $0x7FFFFFFF, v11;
	v13 =	vor.u32 v1, v19;
	[tilespmem:s24+$0xFFFFFFC0] =	vst v15  }
0x37e: {  	v14 =	vshrl.u32 v11, $0x18;
	[tilespmem:v17+s16+$0x0] =	vst.idx.add.s32.msk $0xffff, v2  }
0x37f: {  	v10 =	vsub.f32 v10, v21;
	v12 =	vand.u32 $0x7FFFFFFF, v12;
	[tilespmem:s24+$0xFFFFFFB0] =	vst v11;
	v11 =	vor.u32 v1, v14  }
0x380: {  	v9 =	vsub.f32 v9, v18;
	[tilespmem:s24+$0xFFFFFFA0] =	vst v12;
	v12 =	vshrl.u32 v12, $0x18  }
0x381: {  	v10 =	vand.u32 $0x7FFFFFFF, v10;
	v12 =	vor.u32 v1, v12;
	[tilespmem:v16+s16+$0x0] =	vst.idx.add.s32.msk $0xffff, v2  }
0x382: {  	v14 =	vand.u32 $0x7FFFFFFF, v9;
	[tilespmem:s24+$0xFFFFFF90] =	vst v10;
	v9 =	vshrl.u32 v10, $0x18;
	v10 =	vor.u32 v1, v22  }
0x383: {  	v15 =	vshrl.u32 v14, $0x18;
	v16 =	vor.u32 v1, v9;
	[tilespmem:v13+s16+$0x0] =	vst.idx.add.s32.msk $0xffff, v2  }
.Ltmp12:
0x384: {  	v9 =	vor.u32 v1, v15;
	[tilespmem:v11+s16+$0x0] =	vst.idx.add.s32.msk $0xffff, v2;
	(pc) =	sbr.rel @p1 .LBB2_27-.Ltmp12, $4  }
0x385: {  	[tilespmem:s24+$0xFFFFFF80] =	vst v14  }
0x386: {  	[tilespmem:v12+s16+$0x0] =	vst.idx.add.s32.msk $0xffff, v2  }
0x387: {  	s30 =	simm.s32 $0x0;
	[tilespmem:v10+s16+$0x0] =	vst.idx.add.s32.msk $0xffff, v2  }
0x388: {  	s29 =	simm.s32 $0x18810;
	s26 =	simm.s32 $0x19010;
	[tilespmem:v16+s16+$0x0] =	vst.idx.add.s32.msk $0xffff, v2  }
0x389: {  	_ =	sdelay $0x3  }
0x38a: {  	[tilespmem:v9+s16+$0x0] =	vst.idx.add.s32.msk $0xffff, v2  }
0x38b: {  	s0 =	sand.u32 $0xE0, s30;
	v9 =	vld [tilespmem:s29+$0xFFFFF7F0]  }
0x38c: {  	v10 =	vld [tilespmem:s0+$0x18100]  }
0x38d: {  	v11 =	vld [tilespmem:s0+$0x18200]  }
0x38e: {  	v12 =	vld [tilespmem:s0+$0x18300]  }
0x38f: {  	v13 =	vld [tilespmem:s0+$0x18400]  }
0x390: {  	v14 =	vld [tilespmem:s0+$0x18500]  }
0x391: {  	v15 =	vld [tilespmem:s0+$0x18600];
	v9 =	vadd.s32 v9, v10  }
0x392: {  	v10 =	vld [tilespmem:s0+$0x18700];
	v9 =	vadd.s32 v11, v9  }
0x393: {  	v11 =	vld [tilespmem:s0+$0x18800];
	v9 =	vadd.s32 v12, v9  }
0x394: {  	v12 =	vld [tilespmem:s0+$0x18900];
	v9 =	vadd.s32 v13, v9  }
0x395: {  	v13 =	vld [tilespmem:s0+$0x18A00];
	v9 =	vadd.s32 v14, v9  }
0x396: {  	v14 =	vld [tilespmem:s0+$0x18B00];
	v9 =	vadd.s32 v15, v9  }
0x397: {  	v15 =	vld [tilespmem:s0+$0x18C00];
	v9 =	vadd.s32 v10, v9  }
0x398: {  	v10 =	vld [tilespmem:s0+$0x18D00];
	v9 =	vadd.s32 v11, v9  }
0x399: {  	v11 =	vld [tilespmem:s0+$0x18E00];
	v9 =	vadd.s32 v12, v9  }
0x39a: {  	v12 =	vld [tilespmem:s0+$0x18F00];
	v9 =	vadd.s32 v13, v9  }
0x39b: {  	v13 =	vld [tilespmem:s29+$0xFFFFF800];
	v9 =	vadd.s32 v14, v9  }
0x39c: {  	v14 =	vld [tilespmem:s29+$0xFFFFF900];
	v9 =	vadd.s32 v15, v9  }
0x39d: {  	v15 =	vld [tilespmem:s29+$0xFFFFFA00];
	v9 =	vadd.s32 v10, v9  }
0x39e: {  	v10 =	vld [tilespmem:s29+$0xFFFFFB00];
	v9 =	vadd.s32 v11, v9  }
0x39f: {  	v11 =	vld [tilespmem:s29+$0xFFFFFC00];
	v9 =	vadd.s32 v12, v9  }
0x3a0: {  	v12 =	vld [tilespmem:s29+$0xFFFFFD00];
	v9 =	vperm.xlane v9, v3  }
0x3a1: {  	v13 =	vadd.s32 v13, v14;
	v14 =	vld [tilespmem:s29+$0xFFFFFE00]  }
0x3a2: {  	v13 =	vadd.s32 v15, v13;
	v15 =	vld [tilespmem:s29+$0xFFFFFF00];
	(xrf0) =	vadd.scan.msk.s32 $0xffff, v9  }
0x3a3: {  	v9 =	vadd.s32 v10, v13;
	v13 =	vld [tilespmem:s29+$0x0]  }
0x3a4: {  	v16 =	vld [tilespmem:s29+$0x100];
	v9 =	vadd.s32 v11, v9  }
0x3a5: {  	v17 =	vld [tilespmem:s29+$0x200];
	v9 =	vadd.s32 v12, v9  }
0x3a6: {  	v10 =	vadd.s32 v14, v9;
	v9 =	vld [tilespmem:s29+$0x300]  }
0x3a7: {  	v11 =	vadd.s32 v15, v10;
	v10 =	vld [tilespmem:s29+$0x400]  }
0x3a8: {  	v12 =	vadd.s32 v13, v11;
	v11 =	vld [tilespmem:s29+$0x500];
	v13, _, _ =	vpop (xrf0)  }
0x3a9: {  	v15 =	vadd.s32 v16, v12;
	v12 =	vld [tilespmem:s29+$0x600];
	v14 =	vperm.xlane v13, v3  }
0x3aa: {  	s24 =	simm.s32 $0x0;
	s25 =	simm.s32 $0x18830;
	s28 =	simm.s32 $0x20;
	v15 =	vadd.s32 v17, v15;
	v13 =	vld [tilespmem:s29+$0x700]  }
.LBB2_29:
0x3ab: {  	v16 =	vld [tilespmem:s25+$0xFFFFF7F0];
	s0 =	sand.u32 $0xE0, s28;
	s24 =	sadd.s32 $0x2, s24;
	[tilespmem:s26+$0xFFFFFFF0] =	vst v14;
	v9 =	vadd.s32 v9, v15  }
0x3ac: {  	v14 =	vld [tilespmem:s0+$0x18100];
	p1 =	slt.u32 s24, $0xE;
	v9 =	vadd.s32 v10, v9  }
0x3ad: {  	v10 =	vld [tilespmem:s0+$0x18200];
	v9 =	vadd.s32 v11, v9  }
0x3ae: {  	v11 =	vld [tilespmem:s0+$0x18300];
	v9 =	vadd.s32 v12, v9  }
0x3af: {  	v12 =	vld [tilespmem:s0+$0x18400];
	v9 =	vadd.s32 v13, v9  }
0x3b0: {  	v13 =	vld [tilespmem:s0+$0x18500];
	v9 =	vperm.xlane v9, v3  }
0x3b1: {  	v14 =	vadd.s32 v16, v14;
	v15 =	vld [tilespmem:s0+$0x18600]  }
0x3b2: {  	v10 =	vadd.s32 v10, v14;
	v14 =	vld [tilespmem:s0+$0x18700];
	(xrf0) =	vadd.scan.msk.s32 $0xffff, v9  }
0x3b3: {  	v9 =	vadd.s32 v11, v10;
	v10 =	vld [tilespmem:s0+$0x18800]  }
0x3b4: {  	v9 =	vadd.s32 v12, v9;
	v11 =	vld [tilespmem:s0+$0x18900]  }
0x3b5: {  	v9 =	vadd.s32 v13, v9;
	v12 =	vld [tilespmem:s0+$0x18A00]  }
0x3b6: {  	v9 =	vadd.s32 v15, v9;
	v13 =	vld [tilespmem:s0+$0x18B00]  }
0x3b7: {  	v9 =	vadd.s32 v14, v9;
	v14 =	vld [tilespmem:s0+$0x18C00]  }
0x3b8: {  	v9 =	vadd.s32 v10, v9;
	v10 =	vld [tilespmem:s0+$0x18D00];
	v15, _, _ =	vpop (xrf0)  }
0x3b9: {  	v9 =	vadd.s32 v11, v9;
	v11 =	vld [tilespmem:s0+$0x18E00];
	v15 =	vperm.xlane v15, v3  }
0x3ba: {  	v9 =	vadd.s32 v12, v9;
	v12 =	vld [tilespmem:s0+$0x18F00]  }
0x3bb: {  	v9 =	vadd.s32 v13, v9;
	v13 =	vld [tilespmem:s25+$0xFFFFF800];
	[tilespmem:s26+$0x0] =	vst v15  }
0x3bc: {  	v9 =	vadd.s32 v14, v9;
	v14 =	vld [tilespmem:s25+$0xFFFFF900]  }
0x3bd: {  	v9 =	vadd.s32 v10, v9;
	v10 =	vld [tilespmem:s25+$0xFFFFFA00]  }
0x3be: {  	v9 =	vadd.s32 v11, v9;
	v11 =	vld [tilespmem:s25+$0xFFFFFB00]  }
0x3bf: {  	v9 =	vadd.s32 v12, v9;
	v12 =	vld [tilespmem:s25+$0xFFFFFC00]  }
0x3c0: {  	v9 =	vperm.xlane v9, v3;
	v15 =	vld [tilespmem:s25+$0xFFFFFD00]  }
0x3c1: {  	v13 =	vadd.s32 v13, v14;
	v14 =	vld [tilespmem:s25+$0xFFFFFE00]  }
0x3c2: {  	v10 =	vadd.s32 v10, v13;
	v13 =	vld [tilespmem:s25+$0xFFFFFF00];
	(xrf0) =	vadd.scan.msk.s32 $0xffff, v9  }
0x3c3: {  	v9 =	vadd.s32 v11, v10;
	v11 =	vld [tilespmem:s25+$0x0]  }
0x3c4: {  	v9 =	vadd.s32 v12, v9;
	v12 =	vld [tilespmem:s25+$0x100]  }
0x3c5: {  	v9 =	vadd.s32 v15, v9;
	v15 =	vld [tilespmem:s25+$0x200]  }
.Ltmp13:
0x3c6: {  	v10 =	vadd.s32 v14, v9;
	v9 =	vld [tilespmem:s25+$0x300];
	(pc) =	sbr.rel @p1 .LBB2_29-.Ltmp13, $4  }
0x3c7: {  	v13 =	vadd.s32 v13, v10;
	v10 =	vld [tilespmem:s25+$0x400]  }
0x3c8: {  	v13 =	vadd.s32 v11, v13;
	v11 =	vld [tilespmem:s25+$0x500];
	v14, _, _ =	vpop (xrf0)  }
0x3c9: {  	v14 =	vperm.xlane v14, v3;
	v13 =	vadd.s32 v12, v13;
	v12 =	vld [tilespmem:s25+$0x600]  }
0x3ca: {  	s28 =	sadd.s32 $0x20, s28;
	s26 =	sadd.s32 $0x20, s26;
	v15 =	vadd.s32 v15, v13;
	v13 =	vld [tilespmem:s25+$0x700];
	s25 =	sadd.s32 $0x20, s25  }
0x3cb: {  	v9 =	vadd.s32 v9, v15  }
0x3cc: {  	v9 =	vadd.s32 v10, v9  }
0x3cd: {  	v9 =	vadd.s32 v11, v9  }
0x3ce: {  	v9 =	vadd.s32 v12, v9  }
0x3cf: {  	v9 =	vadd.s32 v13, v9  }
0x3d0: {  	v9 =	vperm.xlane v9, v3;
	_ =	sdelay $0x1  }
0x3d1: {  	(xrf0) =	vadd.scan.msk.s32 $0xffff, v9;
	_ =	sdelay $0x5  }
0x3d2: {  	v9, _, _ =	vpop (xrf0)  }
0x3d3: {  	v9 =	vperm.xlane v9, v3  }
0x3d4: {  	[tilespmem:s26+$0xFFFFFFF0] =	vst v14  }
0x3d5: {  	[tilespmem:s26+$0x0] =	vst v9  }
0x3d6: {  	v9 =	vld.idx.msk [tilespmem:v4+s17+$0x0], $0xffff;
	_ =	sdelay $0x4  }
0x3d7: {  	v9 =	vperm.xlane v9, v3;
	_ =	sdelay $0x1  }
0x3d8: {  	(xrf0) =	vadd.scan.msk.s32 $0xffff, v9;
	_ =	sdelay $0x5  }
0x3d9: {  	v9, _, _ =	vpop (xrf0)  }
0x3da: {  	v9 =	vperm.xlane v9, v3;
	_ =	sdelay $0x1  }
0x3db: {  	vm0 =	vgt.s32 v9, $0xCCB  }
0x3dc: {  	v10 =	vsel vm0, $0x1, v0  }
0x3dd: {  	(xrf0) =	vadd.scan.msk.s32 $0xffff, v10;
	_ =	sdelay $0x5  }
0x3de: {  	v10, _, _ =	vpop (xrf0)  }
0x3df: {  	(v2sf) =	vpush v10, $0xF;
	_ =	sdelay $0xe  }
0x3e0: {  	s0 =	spop (v2sf)  }
0x3e1: {  	s24 =	simm.s32 $0x18080;
	s0 =	sshll.u32 s0, $0x4  }
0x3e2: {  	v10 =	vld [tilespmem:s0+$0x18FF0];
	[tilespmem:s24+$0xFFFFFF80] =	vst v0  }
0x3e3: {  	[tilespmem:s24+$0x70] =	vst v0  }
0x3e4: {  	[tilespmem:s24+$0x60] =	vst v0  }
0x3e5: {  	[tilespmem:s24+$0x50] =	vst v0  }
0x3e6: {  	[tilespmem:s24+$0x40] =	vst v0  }
0x3e7: {  	[tilespmem:s24+$0x30] =	vst v0  }
0x3e8: {  	[tilespmem:s24+$0x20] =	vst v0  }
0x3e9: {  	[tilespmem:s24+$0x10] =	vst v0  }
0x3ea: {  	[tilespmem:s24+$0x0] =	vst v0  }
0x3eb: {  	[tilespmem:s24+$0xFFFFFFF0] =	vst v0  }
0x3ec: {  	[tilespmem:s24+$0xFFFFFFE0] =	vst v0  }
0x3ed: {  	[tilespmem:s24+$0xFFFFFFD0] =	vst v0  }
0x3ee: {  	[tilespmem:s24+$0xFFFFFFC0] =	vst v0  }
0x3ef: {  	[tilespmem:s24+$0xFFFFFFB0] =	vst v0  }
0x3f0: {  	s25 =	simm.s32 $0x0;
	s26 =	sadd.s32 $0xFFFFFFF0, s0;
	[tilespmem:s24+$0xFFFFFFA0] =	vst v0  }
.LBB2_31:
0x3f1: {  	s25 =	sadd.s32 $0x10, s25;
	[tilespmem:s24+$0xFFFFFF90] =	vst v0;
	s24 =	sadd.s32 $0x100, s24  }
0x3f2: {  	[tilespmem:s24+$0xFFFFFF80] =	vst v0;
	p1 =	slt.u32 s25, $0xF0  }
0x3f3: {  	[tilespmem:s24+$0x70] =	vst v0  }
0x3f4: {  	[tilespmem:s24+$0x60] =	vst v0  }
0x3f5: {  	[tilespmem:s24+$0x50] =	vst v0  }
0x3f6: {  	[tilespmem:s24+$0x40] =	vst v0  }
0x3f7: {  	[tilespmem:s24+$0x30] =	vst v0  }
0x3f8: {  	[tilespmem:s24+$0x20] =	vst v0  }
0x3f9: {  	[tilespmem:s24+$0x10] =	vst v0  }
0x3fa: {  	[tilespmem:s24+$0x0] =	vst v0  }
0x3fb: {  	[tilespmem:s24+$0xFFFFFFF0] =	vst v0  }
.Ltmp14:
0x3fc: {  	[tilespmem:s24+$0xFFFFFFE0] =	vst v0;
	(pc) =	sbr.rel @p1 .LBB2_31-.Ltmp14, $4  }
0x3fd: {  	[tilespmem:s24+$0xFFFFFFD0] =	vst v0  }
0x3fe: {  	[tilespmem:s24+$0xFFFFFFC0] =	vst v0  }
0x3ff: {  	[tilespmem:s24+$0xFFFFFFB0] =	vst v0  }
0x400: {  	[tilespmem:s24+$0xFFFFFFA0] =	vst v0  }
0x401: {  	vm0 =	vlt.s32 v9, $0xCCC;
	v9 =	vxor.u32 $0x80000000, v9  }
0x402: {  	v9 =	vnsel vm0, $0x80000000, v9  }
0x403: {  	(xrf0) =	vmax.scan.msk.u32 $0xffff, v9;
	_ =	sdelay $0x5  }
0x404: {  	v9, _, _ =	vpop (xrf0)  }
0x405: {  	(v2sf) =	vpush v9, $0xF;
	_ =	sdelay $0xe  }
0x406: {  	s0 =	spop (v2sf)  }
0x407: {  	s25 =	sxor.u32 $0x80000000, s0  }
0x408: {  	v9 =	vadd.s32 s25, v10  }
0x409: {  	vm0 =	vgt.s32 v9, $0xCCB  }
0x40a: {  	v10 =	vsel vm0, $0x1, v0  }
0x40b: {  	(xrf0) =	vadd.scan.msk.s32 $0xffff, v10;
	_ =	sdelay $0x5  }
0x40c: {  	v10, _, _ =	vpop (xrf0)  }
0x40d: {  	(v2sf) =	vpush v10, $0xF;
	_ =	sdelay $0x6  }
0x40e: {  	[tilespmem:s24+$0xFFFFFF90] =	vst v0;
	s28 =	simm.s32 $0x8080  }
0x40f: {  	v11 =	vld [tilespmem:s28+$0x50]  }
0x410: {  	v12 =	vld [tilespmem:s28+$0x40]  }
0x411: {  	v14 =	vld [tilespmem:s28+$0xFFFFFFF0]  }
0x412: {  	v22 =	vld [tilespmem:s28+$0x30]  }
0x413: {  	v19 =	vld [tilespmem:s28+$0x0]  }
0x414: {  	v13 =	vld [tilespmem:s28+$0x70];
	_ =	sdelay $0x1  }
0x415: {  	v16 =	vld [tilespmem:s28+$0x10];
	v15 =	vshrl.u32 v11, $0x10;
	v11 =	vand.u32 $0xFF000000, v11;
	v17 =	vshrl.u32 v12, $0x10;
	s31 =	spop (v2sf)  }
0x416: {  	v12 =	vand.u32 $0xFF000000, v12;
	v23 =	vshrl.u32 v14, $0x10;
	v28 =	vshrl.u32 v22, $0x10;
	s0 =	sadd.s32 s26, s31  }
0x417: {  	v18 =	vld [tilespmem:s28+$0x20];
	v29 =	vshrl.u32 v19, $0x10;
	v14 =	vand.u32 $0xFF000000, v14;
	v15 =	vand.u32 $0xFF, v15;
	s0 =	sshll.u32 s0, $0x18  }
0x418: {  	v25 =	vld [tilespmem:s28+$0xFFFFFFC0];
	v17 =	vand.u32 $0xFF, v17;
	v21 =	vor.u32 v1, v15;
	v15 =	vshrl.u32 v13, $0x10;
	s24 =	sadd.s32 $0xFF000000, s0  }
0x419: {  	v13 =	vand.u32 $0xFF000000, v13;
	v15 =	vand.u32 $0xFF, v15;
	v10 =	vmov s24  }
0x41a: {  	v24 =	vor.u32 v1, v15;
	v15 =	vshrl.u32 v16, $0x10;
	vm1 =	veq.s32 v11, v10;
	v11 =	vld [tilespmem:s28+$0xFFFFFFE0]  }
0x41b: {  	v26 =	vand.u32 $0xFF, v15;
	vm0 =	veq.s32 v12, v10;
	v12 =	vor.u32 v1, v17;
	v17 =	vld [tilespmem:s28+$0xFFFFFFD0]  }
0x41c: {  	v15 =	vand.u32 $0xFF000000, v18;
	vm2 =	veq.s32 v13, v10;
	v13 =	vshrl.u32 v18, $0x10;
	v18 =	vld [tilespmem:s28+$0xFFFFFFA0]  }
0x41d: {  	v27 =	vld [tilespmem:s28+$0xFFFFFF90];
	v32 =	vshrl.u32 v25, $0x10;
	v16 =	vand.u32 $0xFF000000, v16;
	v26 =	vor.u32 v1, v26  }
0x41e: {  	v30 =	vld [tilespmem:s28+$0xFFFFFFB0];
	vm4 =	veq.s32 v16, v10;
	vm3 =	veq.s32 v15, v10;
	v16 =	vand.u32 $0xFF, v13  }
0x41f: {  	v13 =	vand.u32 $0xFF000000, v19;
	v19 =	vand.u32 $0xFF000000, v25;
	v16 =	vor.u32 v1, v16  }
0x420: {  	v20 =	vand.u32 $0xFF000000, v11;
	v15 =	vshrl.u32 v17, $0x10;
	v31 =	vand.u32 $0xFF000000, v17  }
0x421: {  	v17 =	vand.u32 $0xFF000000, v22;
	v25 =	vshrl.u32 v11, $0x10;
	v11 =	vshrl.u32 v18, $0x10  }
0x422: {  	v22 =	vand.u32 $0xFF, v23;
	vm5 =	veq.s32 v17, v10;
	v15 =	vand.u32 $0xFF, v15;
	[tilespmem:v21+s16+$0x0] =	vst.idx.add.s32.msk vm1, v2  }
0x423: {  	v17 =	vand.u32 $0xFF, v28;
	[tilespmem:v12+s16+$0x0] =	vst.idx.add.s32.msk vm0, v2;
	v12 =	vand.u32 $0xFF000000, v30;
	v21 =	vshrl.u32 v27, $0x10  }
0x424: {  	[tilespmem:v24+s16+$0x0] =	vst.idx.add.s32.msk vm2, v2;
	v24 =	vand.u32 $0xFF, v29;
	v27 =	vand.u32 $0xFF000000, v27;
	v28 =	vor.u32 v1, v17  }
0x425: {  	[tilespmem:v26+s16+$0x0] =	vst.idx.add.s32.msk vm4, v2;
	v17 =	vand.u32 $0xFF, v11;
	v11 =	vand.u32 $0xFF, v21;
	v21 =	vand.u32 $0xFF000000, v18  }
0x426: {  	vm1 =	veq.s32 v12, v10;
	[tilespmem:v16+s16+$0x0] =	vst.idx.add.s32.msk vm3, v2;
	v12 =	vshrl.u32 v30, $0x10;
	v16 =	vand.u32 $0xFF, v32  }
0x427: {  	v23 =	vld [tilespmem:s28+$0x60];
	vm2 =	veq.s32 v27, v10;
	vm3 =	veq.s32 v31, v10;
	v11 =	vor.u32 v1, v11  }
0x428: {  	v18 =	vld [tilespmem:s28+$0xFFFFFF80];
	vm0 =	veq.s32 v21, v10;
	v21 =	vor.u32 v1, v24;
	v12 =	vand.u32 $0xFF, v12  }
0x429: {  	s26 =	simm.s32 $0x0;
	s28 =	simm.s32 $0x8180;
	v16 =	vor.u32 v1, v16;
	v24 =	vand.u32 $0xFF, v25;
	v12 =	vor.u32 v1, v12;
	[tilespmem:v28+s16+$0x0] =	vst.idx.add.s32.msk vm5, v2  }
.LBB2_33:
0x42a: {  	v25 =	vld [tilespmem:s28+$0x50];
	s26 =	sadd.s32 $0x10, s26;
	vm5 =	veq.s32 v20, v10;
	v20 =	vor.u32 v1, v24;
	v22 =	vor.u32 v1, v22  }
0x42b: {  	v24 =	vld [tilespmem:s28+$0xFFFFFF90];
	p1 =	slt.u32 s26, $0x7F0  }
0x42c: {  	vm4 =	veq.s32 v19, v10;
	v26 =	vld [tilespmem:s28+$0xFFFFFFA0]  }
0x42d: {  	v19 =	vshrl.u32 v18, $0x10;
	v18 =	vand.u32 $0xFF000000, v18;
	v27 =	vld [tilespmem:s28+$0xFFFFFFB0]  }
0x42e: {  	vm6 =	veq.s32 v18, v10;
	v28 =	vld [tilespmem:s28+$0xFFFFFFC0];
	v18 =	vshrl.u32 v23, $0x10;
	v23 =	vand.u32 $0xFF000000, v23  }
0x42f: {  	v19 =	vand.u32 $0xFF, v19;
	v29 =	vld [tilespmem:s28+$0xFFFFFFD0];
	v30 =	vshrl.u32 v25, $0x10;
	v25 =	vand.u32 $0xFF000000, v25  }
0x430: {  	v19 =	vor.u32 v1, v19;
	v18 =	vand.u32 $0xFF, v18;
	v31 =	vld [tilespmem:s28+$0x40];
	v30 =	vand.u32 $0xFF, v30  }
0x431: {  	vm7 =	veq.s32 v23, v10;
	v23 =	vor.u32 v1, v18;
	v32 =	vld [tilespmem:s28+$0xFFFFFFE0]  }
0x432: {  	vm8 =	veq.s32 v13, v10;
	v18 =	vld [tilespmem:s28+$0x70]  }
0x433: {  	v33 =	vld [tilespmem:s28+$0xFFFFFFF0]  }
0x434: {  	vm9 =	veq.s32 v14, v10;
	v13 =	vld [tilespmem:s28+$0x0]  }
0x435: {  	v14 =	vld [tilespmem:s28+$0x10];
	v34 =	vshrl.u32 v31, $0x10;
	v31 =	vand.u32 $0xFF000000, v31  }
0x436: {  	v36 =	vor.u32 v1, v17;
	v17 =	vor.u32 v1, v15;
	v35 =	vld [tilespmem:s28+$0x20];
	v34 =	vand.u32 $0xFF, v34  }
0x437: {  	v30 =	vor.u32 v1, v30;
	v15 =	vld [tilespmem:s28+$0x30];
	v37 =	vshrl.u32 v18, $0x10;
	v38 =	vand.u32 $0xFF000000, v18  }
0x438: {  	vm10 =	veq.s32 v25, v10;
	v39 =	vshrl.u32 v33, $0x10;
	v25 =	vand.u32 $0xFF, v37;
	[tilespmem:v21+s16+$0x0] =	vst.idx.add.s32.msk vm8, v2  }
0x439: {  	vm8 =	veq.s32 v31, v10;
	v21 =	vor.u32 v1, v34;
	v18 =	vld [tilespmem:s28+$0xFFFFFF80];
	v25 =	vor.u32 v1, v25  }
0x43a: {  	vm11 =	veq.s32 v38, v10;
	v31 =	vshrl.u32 v14, $0x10;
	v14 =	vand.u32 $0xFF000000, v14;
	[tilespmem:v22+s16+$0x0] =	vst.idx.add.s32.msk vm9, v2  }
0x43b: {  	v22 =	vand.u32 $0xFF, v31;
	v31 =	vshrl.u32 v35, $0x10;
	v34 =	vand.u32 $0xFF000000, v35;
	[tilespmem:v19+s16+$0x0] =	vst.idx.add.s32.msk vm6, v2  }
0x43c: {  	vm6 =	veq.s32 v14, v10;
	v14 =	vand.u32 $0xFF, v31;
	v31 =	vshrl.u32 v15, $0x10;
	[tilespmem:v20+s16+$0x0] =	vst.idx.add.s32.msk vm5, v2  }
0x43d: {  	v35 =	vshrl.u32 v13, $0x10;
	v13 =	vand.u32 $0xFF000000, v13;
	v37 =	vor.u32 v1, v14;
	[tilespmem:v23+s16+$0x0] =	vst.idx.add.s32.msk vm7, v2  }
0x43e: {  	v20 =	vand.u32 $0xFF000000, v32;
	vm5 =	veq.s32 v34, v10;
	v14 =	vand.u32 $0xFF000000, v33;
	[tilespmem:v30+s16+$0x0] =	vst.idx.add.s32.msk vm10, v2  }
0x43f: {  	v15 =	vand.u32 $0xFF000000, v15;
	v23 =	vshrl.u32 v29, $0x10;
	v29 =	vand.u32 $0xFF000000, v29;
	[tilespmem:v21+s16+$0x0] =	vst.idx.add.s32.msk vm8, v2  }
0x440: {  	v19 =	vand.u32 $0xFF000000, v28;
	vm7 =	veq.s32 v15, v10;
	v21 =	vshrl.u32 v28, $0x10;
	[tilespmem:v25+s16+$0x0] =	vst.idx.add.s32.msk vm11, v2  }
0x441: {  	v15 =	vand.u32 $0xFF, v23;
	v23 =	vshrl.u32 v32, $0x10;
	v25 =	vand.u32 $0xFF, v31;
	[tilespmem:v17+s16+$0x0] =	vst.idx.add.s32.msk vm3, v2  }
0x442: {  	v28 =	vand.u32 $0xFF000000, v27;
	v17 =	vshrl.u32 v26, $0x10;
	v25 =	vor.u32 v1, v25;
	[tilespmem:v16+s16+$0x0] =	vst.idx.add.s32.msk vm4, v2  }
0x443: {  	v30 =	vor.u32 v1, v22;
	v16 =	vshrl.u32 v24, $0x10;
	v17 =	vand.u32 $0xFF, v17;
	[tilespmem:v12+s16+$0x0] =	vst.idx.add.s32.msk vm1, v2  }
0x444: {  	v12 =	vand.u32 $0xFF, v16;
	v16 =	vand.u32 $0xFF000000, v26;
	v26 =	vand.u32 $0xFF, v35;
	[tilespmem:v11+s16+$0x0] =	vst.idx.add.s32.msk vm2, v2  }
.Ltmp15:
0x445: {  	v22 =	vand.u32 $0xFF, v39;
	v24 =	vand.u32 $0xFF000000, v24;
	v11 =	vor.u32 v1, v12;
	[tilespmem:v36+s16+$0x0] =	vst.idx.add.s32.msk vm0, v2;
	(pc) =	sbr.rel @p1 .LBB2_33-.Ltmp15, $4  }
0x446: {  	vm1 =	veq.s32 v28, v10;
	vm0 =	veq.s32 v16, v10;
	[tilespmem:v37+s16+$0x0] =	vst.idx.add.s32.msk vm5, v2  }
0x447: {  	v12 =	vshrl.u32 v27, $0x10;
	v16 =	vand.u32 $0xFF, v21;
	v21 =	vor.u32 v1, v26;
	[tilespmem:v25+s16+$0x0] =	vst.idx.add.s32.msk vm7, v2  }
0x448: {  	vm3 =	veq.s32 v29, v10;
	vm2 =	veq.s32 v24, v10;
	v12 =	vand.u32 $0xFF, v12;
	[tilespmem:v30+s16+$0x0] =	vst.idx.add.s32.msk vm6, v2  }
0x449: {  	v24 =	vand.u32 $0xFF, v23;
	v12 =	vor.u32 v1, v12;
	v16 =	vor.u32 v1, v16;
	v23 =	vld [tilespmem:s28+$0x60];
	s28 =	sadd.s32 $0x100, s28  }
0x44a: {  	_ = 	snop  }
0x44b: {  	vm5 =	veq.s32 v13, v10  }
0x44c: {  	v13 =	vshrl.u32 v18, $0x10;
	v18 =	vand.u32 $0xFF000000, v18;
	vm6 =	veq.s32 v14, v10  }
0x44d: {  	v14 =	vor.u32 v1, v22;
	vm7 =	veq.s32 v18, v10;
	v13 =	vand.u32 $0xFF, v13  }
0x44e: {  	vm4 =	veq.s32 v20, v10;
	v13 =	vor.u32 v1, v13  }
0x44f: {  	v63 =	vor.u32 v1, v24;
	vm9 =	veq.s32 v19, v10;
	[tilespmem:v12+s16+$0x0] =	vst.idx.add.s32.msk vm1, v2  }
0x450: {  	[tilespmem:v11+s16+$0x0] =	vst.idx.add.s32.msk vm2, v2;
	v18 =	vshrl.u32 v23, $0x10;
	v62 =	vand.u32 $0xFF000000, v23  }
0x451: {  	v18 =	vand.u32 $0xFF, v18;
	vm8 =	veq.s32 v62, v10;
	v10 =	vor.u32 v1, v15;
	[tilespmem:v21+s16+$0x0] =	vst.idx.add.s32.msk vm5, v2  }
0x452: {  	p1 =	slt.s32 s23, $0x7D;
	v18 =	vor.u32 v1, v18;
	[tilespmem:v14+s16+$0x0] =	vst.idx.add.s32.msk vm6, v2  }
0x453: {  	s23 =	simm.s32 @!p1 $0x7D;
	[tilespmem:v13+s16+$0x0] =	vst.idx.add.s32.msk vm7, v2;
	v13 =	vor.u32 v1, v17  }
0x454: {  	s0 =	sadd.s32 $0x2, s23;
	[tilespmem:v63+s16+$0x0] =	vst.idx.add.s32.msk vm4, v2  }
0x455: {  	s23 =	sshll.u32 s0, $0xC;
	s0 =	sshll.u32 s0, $0x4;
	[tilespmem:v16+s16+$0x0] =	vst.idx.add.s32.msk vm9, v2  }
0x456: {  	s23 =	sand.u32 $0xF8000, s23;
	s0 =	sand.u32 $0x70, s0;
	[tilespmem:v10+s16+$0x0] =	vst.idx.add.s32.msk vm3, v2  }
0x457: {  	s0 =	sor.u32 s0, s23;
	[tilespmem:v18+s16+$0x0] =	vst.idx.add.s32.msk vm8, v2  }
0x458: {  	s26 =	simm.s32 $0x0;
	s23 =	sadd.s32 s1, s0;
	[tilespmem:v13+s16+$0x0] =	vst.idx.add.s32.msk vm0, v2  }
0x459: {  	[tilespmem:s26], [sflag:$0x1] =	stream.strided.gather [hbm4b:s23+s11], $0x8000, s12, s11, $0x38;
	[tilespmem:$0x19180] =	vst v63  }
0x45a: {  	s28 =	simm.s32 $0x18810;
	s0 =	sadd.s32 s3, s0  }
0x45b: {  	[tilespmem:s13], [sflag:$0x2] =	stream.strided.gather [hbm4b:s0+s11], $0x8000, s12, s11, $0x38;
	[tilespmem:$0x19180] =	vst v63  }
0x45c: {  	s31 =	sand.u32 $0xE0, s26;
	v10 =	vld [tilespmem:s28+$0xFFFFF7F0]  }
0x45d: {  	v11 =	vld [tilespmem:s31+$0x18100]  }
0x45e: {  	v12 =	vld [tilespmem:s31+$0x18200]  }
0x45f: {  	v13 =	vld [tilespmem:s31+$0x18300]  }
0x460: {  	v14 =	vld [tilespmem:s31+$0x18400]  }
0x461: {  	v15 =	vld [tilespmem:s31+$0x18500]  }
0x462: {  	v16 =	vld [tilespmem:s31+$0x18600];
	v10 =	vadd.s32 v10, v11  }
0x463: {  	v11 =	vld [tilespmem:s31+$0x18700];
	v10 =	vadd.s32 v12, v10  }
0x464: {  	v12 =	vld [tilespmem:s31+$0x18800];
	v10 =	vadd.s32 v13, v10  }
0x465: {  	v13 =	vld [tilespmem:s31+$0x18900];
	v10 =	vadd.s32 v14, v10  }
0x466: {  	v14 =	vld [tilespmem:s31+$0x18A00];
	v10 =	vadd.s32 v15, v10  }
0x467: {  	v15 =	vld [tilespmem:s31+$0x18B00];
	v10 =	vadd.s32 v16, v10  }
0x468: {  	v16 =	vld [tilespmem:s31+$0x18C00];
	v10 =	vadd.s32 v11, v10  }
0x469: {  	v11 =	vld [tilespmem:s31+$0x18D00];
	v10 =	vadd.s32 v12, v10  }
0x46a: {  	v12 =	vld [tilespmem:s31+$0x18E00];
	v10 =	vadd.s32 v13, v10  }
0x46b: {  	v13 =	vld [tilespmem:s31+$0x18F00];
	v10 =	vadd.s32 v14, v10  }
0x46c: {  	v14 =	vld [tilespmem:s28+$0xFFFFF800];
	v10 =	vadd.s32 v15, v10  }
0x46d: {  	v15 =	vld [tilespmem:s28+$0xFFFFF900];
	v10 =	vadd.s32 v16, v10  }
0x46e: {  	v16 =	vld [tilespmem:s28+$0xFFFFFA00];
	v10 =	vadd.s32 v11, v10  }
0x46f: {  	v11 =	vld [tilespmem:s28+$0xFFFFFB00];
	v10 =	vadd.s32 v12, v10  }
0x470: {  	v12 =	vld [tilespmem:s28+$0xFFFFFC00];
	v10 =	vadd.s32 v13, v10  }
0x471: {  	v13 =	vld [tilespmem:s28+$0xFFFFFD00];
	v10 =	vperm.xlane v10, v3  }
0x472: {  	v14 =	vadd.s32 v14, v15;
	v15 =	vld [tilespmem:s28+$0xFFFFFE00]  }
0x473: {  	v14 =	vadd.s32 v16, v14;
	v16 =	vld [tilespmem:s28+$0xFFFFFF00];
	(xrf0) =	vadd.scan.msk.s32 $0xffff, v10  }
0x474: {  	v10 =	vadd.s32 v11, v14;
	v14 =	vld [tilespmem:s28+$0x0]  }
0x475: {  	v17 =	vld [tilespmem:s28+$0x100];
	v10 =	vadd.s32 v12, v10  }
0x476: {  	v18 =	vld [tilespmem:s28+$0x200];
	v10 =	vadd.s32 v13, v10  }
0x477: {  	v11 =	vadd.s32 v15, v10;
	v10 =	vld [tilespmem:s28+$0x300]  }
0x478: {  	v12 =	vadd.s32 v16, v11;
	v11 =	vld [tilespmem:s28+$0x400]  }
0x479: {  	v13 =	vadd.s32 v14, v12;
	v12 =	vld [tilespmem:s28+$0x500];
	v15, _, _ =	vpop (xrf0)  }
0x47a: {  	s29 =	simm.s32 $0x20;
	v14 =	vld [tilespmem:s28+$0x600];
	v16 =	vadd.s32 v17, v13;
	v13 =	vperm.xlane v15, v3  }
0x47b: {  	s23 =	simm.s32 $0x19010;
	s26 =	simm.s32 $0x0;
	v16 =	vadd.s32 v18, v16;
	v15 =	vld [tilespmem:s28+$0x700];
	s28 =	simm.s32 $0x18830  }
.LBB2_35:
0x47c: {  	v17 =	vld [tilespmem:s28+$0xFFFFF7F0];
	s0 =	sand.u32 $0xE0, s29;
	s26 =	sadd.s32 $0x2, s26;
	[tilespmem:s23+$0xFFFFFFF0] =	vst v13;
	v10 =	vadd.s32 v10, v16  }
0x47d: {  	v13 =	vld [tilespmem:s0+$0x18100];
	p1 =	slt.u32 s26, $0xE;
	v10 =	vadd.s32 v11, v10  }
0x47e: {  	v11 =	vld [tilespmem:s0+$0x18200];
	v10 =	vadd.s32 v12, v10  }
0x47f: {  	v12 =	vld [tilespmem:s0+$0x18300];
	v10 =	vadd.s32 v14, v10  }
0x480: {  	v14 =	vld [tilespmem:s0+$0x18400];
	v10 =	vadd.s32 v15, v10  }
0x481: {  	v15 =	vld [tilespmem:s0+$0x18500];
	v10 =	vperm.xlane v10, v3  }
0x482: {  	v13 =	vadd.s32 v17, v13;
	v16 =	vld [tilespmem:s0+$0x18600]  }
0x483: {  	v11 =	vadd.s32 v11, v13;
	v13 =	vld [tilespmem:s0+$0x18700];
	(xrf0) =	vadd.scan.msk.s32 $0xffff, v10  }
0x484: {  	v10 =	vadd.s32 v12, v11;
	v11 =	vld [tilespmem:s0+$0x18800]  }
0x485: {  	v10 =	vadd.s32 v14, v10;
	v12 =	vld [tilespmem:s0+$0x18900]  }
0x486: {  	v10 =	vadd.s32 v15, v10;
	v14 =	vld [tilespmem:s0+$0x18A00]  }
0x487: {  	v10 =	vadd.s32 v16, v10;
	v15 =	vld [tilespmem:s0+$0x18B00]  }
0x488: {  	v10 =	vadd.s32 v13, v10;
	v13 =	vld [tilespmem:s0+$0x18C00]  }
0x489: {  	v10 =	vadd.s32 v11, v10;
	v11 =	vld [tilespmem:s0+$0x18D00];
	v16, _, _ =	vpop (xrf0)  }
0x48a: {  	v10 =	vadd.s32 v12, v10;
	v12 =	vld [tilespmem:s0+$0x18E00];
	v16 =	vperm.xlane v16, v3  }
0x48b: {  	v10 =	vadd.s32 v14, v10;
	v14 =	vld [tilespmem:s0+$0x18F00]  }
0x48c: {  	v10 =	vadd.s32 v15, v10;
	v15 =	vld [tilespmem:s28+$0xFFFFF800];
	[tilespmem:s23+$0x0] =	vst v16  }
0x48d: {  	v10 =	vadd.s32 v13, v10;
	v13 =	vld [tilespmem:s28+$0xFFFFF900]  }
0x48e: {  	v10 =	vadd.s32 v11, v10;
	v11 =	vld [tilespmem:s28+$0xFFFFFA00]  }
0x48f: {  	v10 =	vadd.s32 v12, v10;
	v12 =	vld [tilespmem:s28+$0xFFFFFB00]  }
0x490: {  	v10 =	vadd.s32 v14, v10;
	v14 =	vld [tilespmem:s28+$0xFFFFFC00]  }
0x491: {  	v10 =	vperm.xlane v10, v3;
	v16 =	vld [tilespmem:s28+$0xFFFFFD00]  }
0x492: {  	v13 =	vadd.s32 v15, v13;
	v15 =	vld [tilespmem:s28+$0xFFFFFE00]  }
0x493: {  	v11 =	vadd.s32 v11, v13;
	v13 =	vld [tilespmem:s28+$0xFFFFFF00];
	(xrf0) =	vadd.scan.msk.s32 $0xffff, v10  }
0x494: {  	v10 =	vadd.s32 v12, v11;
	v12 =	vld [tilespmem:s28+$0x0]  }
0x495: {  	v10 =	vadd.s32 v14, v10;
	v14 =	vld [tilespmem:s28+$0x100]  }
0x496: {  	v10 =	vadd.s32 v16, v10;
	v16 =	vld [tilespmem:s28+$0x200]  }
.Ltmp16:
0x497: {  	v11 =	vadd.s32 v15, v10;
	v10 =	vld [tilespmem:s28+$0x300];
	(pc) =	sbr.rel @p1 .LBB2_35-.Ltmp16, $4  }
0x498: {  	v17 =	vadd.s32 v13, v11;
	v11 =	vld [tilespmem:s28+$0x400]  }
0x499: {  	v15 =	vadd.s32 v12, v17;
	v12 =	vld [tilespmem:s28+$0x500];
	v13, _, _ =	vpop (xrf0)  }
0x49a: {  	v13 =	vperm.xlane v13, v3;
	v15 =	vadd.s32 v14, v15;
	v14 =	vld [tilespmem:s28+$0x600]  }
0x49b: {  	s29 =	sadd.s32 $0x20, s29;
	s23 =	sadd.s32 $0x20, s23;
	v16 =	vadd.s32 v16, v15;
	v15 =	vld [tilespmem:s28+$0x700];
	s28 =	sadd.s32 $0x20, s28  }
0x49c: {  	v10 =	vadd.s32 v10, v16  }
0x49d: {  	v10 =	vadd.s32 v11, v10  }
0x49e: {  	v10 =	vadd.s32 v12, v10  }
0x49f: {  	v10 =	vadd.s32 v14, v10  }
0x4a0: {  	v10 =	vadd.s32 v15, v10  }
0x4a1: {  	v10 =	vperm.xlane v10, v3  }
0x4a2: {  	vm0 =	vlt.s32 v9, $0xCCC;
	v9 =	vxor.u32 $0x80000000, v9  }
0x4a3: {  	v9 =	vnsel vm0, $0x80000000, v9;
	(xrf0) =	vadd.scan.msk.s32 $0xffff, v10  }
0x4a4: {  	(xrf0) =	vmax.scan.msk.u32 $0xffff, v9;
	_ =	sdelay $0x4  }
0x4a5: {  	v9, _, _ =	vpop (xrf0)  }
0x4a6: {  	v10, _, _ =	vpop (xrf0)  }
0x4a7: {  	(v2sf) =	vpush v10, $0xF  }
0x4a8: {  	v9 =	vperm.xlane v9, v3  }
0x4a9: {  	[tilespmem:s23+$0xFFFFFFF0] =	vst v13  }
0x4aa: {  	[tilespmem:s23+$0x0] =	vst v9  }
0x4ab: {  	v9 =	vld.idx.msk [tilespmem:v4+s17+$0x0], $0xffff;
	_ =	sdelay $0x4  }
0x4ac: {  	v9 =	vperm.xlane v9, v3;
	_ =	sdelay $0x1  }
0x4ad: {  	(xrf0) =	vadd.scan.msk.s32 $0xffff, v9;
	_ =	sdelay $0x3  }
0x4ae: {  	s0 =	spop (v2sf)  }
0x4af: {  	s0 =	sxor.u32 $0x80000000, s0  }
0x4b0: {  	v9, _, _ =	vpop (xrf0);
	p1 =	sgt.s32 s25, s0  }
0x4b1: {  	v9 =	vperm.xlane v9, v3;
	s0 =	smov.u32 @p1 s25  }
0x4b2: {  	s0 =	ssub.s32 $0xCCC, s0  }
0x4b3: {  	v10 =	vxor.u32 $0x80000000, v9;
	vm12 =	vlt.s32 v9, s0  }
0x4b4: {  	vm13 =	vge.s32 v9, s0;
	v10 =	vnsel vm12, $0x80000000, v10  }
0x4b5: {  	v9 =	vsel vm13, $0x1, v0;
	(xrf0) =	vmax.scan.msk.u32 $0xffff, v10  }
0x4b6: {  	(xrf0) =	vadd.scan.msk.s32 $0xffff, v9;
	_ =	sdelay $0x4  }
0x4b7: {  	v9, _, _ =	vpop (xrf0)  }
0x4b8: {  	(v2sf) =	vpush v9, $0xF;
	v9, _, _ =	vpop (xrf0)  }
0x4b9: {  	(v2sf) =	vpush v9, $0xF;
	_ =	sdelay $0xd  }
0x4ba: {  	s29 =	spop (v2sf)  }
0x4bb: {  	s30 =	spop (v2sf)  }
0x4bc: {  	s25 =	sshll.u32 s30, $0x4  }
0x4bd: {  	v9 =	vld [tilespmem:s25+$0x18FF0];
	_ =	sdelay $0x3  }
0x4be: {  	s23 =	sxor.u32 $0x80000000, s29  }
0x4bf: {  	v9 =	vadd.s32 s23, v9  }
0x4c0: {  	vm14 =	vge.s32 v9, s0  }
0x4c1: {  	vm15 =	vlt.s32 v9, s0;
	v9 =	vxor.u32 $0x80000000, v9;
	v10 =	vsel vm14, $0x1, v0  }
0x4c2: {  	v9 =	vnsel vm15, $0x80000000, v9;
	(xrf0) =	vadd.scan.msk.s32 $0xffff, v10  }
0x4c3: {  	(xrf0) =	vmax.scan.msk.u32 $0xffff, v9;
	_ =	sdelay $0x4  }
0x4c4: {  	v9, _, _ =	vpop (xrf0)  }
0x4c5: {  	(v2sf) =	vpush v9, $0xF;
	v9, _, _ =	vpop (xrf0)  }
0x4c6: {  	(v2sf) =	vpush v9, $0xF;
	_ =	sdelay $0xd  }
0x4c7: {  	s26 =	spop (v2sf)  }
0x4c8: {  	s31 =	spop (v2sf)  }
0x4c9: {  	s25 =	sadd.s32 s26, s25;
	s26 =	sxor.u32 $0x80000000, s31  }
0x4ca: {  	s25 =	sshll.u32 s25, $0x10;
	p1 =	sgt.s32 s23, s26  }
0x4cb: {  	p2 =	por $0x0, $0x0;
	s25 =	sadd.s32 $0xFFEF0000, s25;
	s26 =	smov.u32 @p1 s23  }
0x4cc: {  	s23 =	sor.u32 s24, s25;
	s25 =	simm.s32 $0x10;
	s24 =	ssub.s32 s0, s26  }
.LBB2_37:
0x4cd: {  	s26 =	simm.s32 $0x18080  }
0x4ce: {  	[tilespmem:s26+$0xFFFFFF80] =	vst v0  }
0x4cf: {  	[tilespmem:s26+$0x70] =	vst v0  }
0x4d0: {  	[tilespmem:s26+$0x60] =	vst v0  }
0x4d1: {  	[tilespmem:s26+$0x50] =	vst v0  }
0x4d2: {  	[tilespmem:s26+$0x40] =	vst v0  }
0x4d3: {  	[tilespmem:s26+$0x30] =	vst v0  }
0x4d4: {  	[tilespmem:s26+$0x20] =	vst v0  }
0x4d5: {  	[tilespmem:s26+$0x10] =	vst v0  }
0x4d6: {  	[tilespmem:s26+$0x0] =	vst v0  }
0x4d7: {  	[tilespmem:s26+$0xFFFFFFF0] =	vst v0  }
0x4d8: {  	[tilespmem:s26+$0xFFFFFFE0] =	vst v0  }
0x4d9: {  	[tilespmem:s26+$0xFFFFFFD0] =	vst v0  }
0x4da: {  	[tilespmem:s26+$0xFFFFFFC0] =	vst v0  }
0x4db: {  	[tilespmem:s26+$0xFFFFFFB0] =	vst v0  }
0x4dc: {  	p1 =	por p2, p2;
	s28 =	simm.s32 $0x0;
	[tilespmem:s26+$0xFFFFFFA0] =	vst v0  }
.LBB2_38:
0x4dd: {  	s28 =	sadd.s32 $0x10, s28;
	[tilespmem:s26+$0xFFFFFF90] =	vst v0;
	s26 =	sadd.s32 $0x100, s26  }
0x4de: {  	[tilespmem:s26+$0xFFFFFF80] =	vst v0;
	p2 =	slt.u32 s28, $0xF0  }
0x4df: {  	[tilespmem:s26+$0x70] =	vst v0  }
0x4e0: {  	[tilespmem:s26+$0x60] =	vst v0  }
0x4e1: {  	[tilespmem:s26+$0x50] =	vst v0  }
0x4e2: {  	[tilespmem:s26+$0x40] =	vst v0  }
0x4e3: {  	[tilespmem:s26+$0x30] =	vst v0  }
0x4e4: {  	[tilespmem:s26+$0x20] =	vst v0  }
0x4e5: {  	[tilespmem:s26+$0x10] =	vst v0  }
0x4e6: {  	[tilespmem:s26+$0x0] =	vst v0  }
0x4e7: {  	[tilespmem:s26+$0xFFFFFFF0] =	vst v0  }
.Ltmp17:
0x4e8: {  	[tilespmem:s26+$0xFFFFFFE0] =	vst v0;
	(pc) =	sbr.rel @p2 .LBB2_38-.Ltmp17, $4  }
0x4e9: {  	[tilespmem:s26+$0xFFFFFFD0] =	vst v0  }
0x4ea: {  	[tilespmem:s26+$0xFFFFFFC0] =	vst v0  }
0x4eb: {  	[tilespmem:s26+$0xFFFFFFB0] =	vst v0  }
0x4ec: {  	[tilespmem:s26+$0xFFFFFFA0] =	vst v0  }
0x4ed: {  	[tilespmem:s26+$0xFFFFFF90] =	vst v0;
	s31 =	simm.s32 $0x8080  }
0x4ee: {  	v12 =	vld [tilespmem:s31+$0x70]  }
0x4ef: {  	v13 =	vld [tilespmem:s31+$0x60]  }
0x4f0: {  	v14 =	vld [tilespmem:s31+$0x10]  }
0x4f1: {  	v20 =	vld [tilespmem:s31+$0xFFFFFFC0]  }
0x4f2: {  	s0 =	ssub.s32 $0x20, s25;
	v22 =	vld [tilespmem:s31+$0xFFFFFFB0]  }
0x4f3: {  	s25 =	ssub.s32 $0x18, s25;
	s0 =	sshll.u32 s19, s0;
	v24 =	vld [tilespmem:s31+$0xFFFFFFA0]  }
0x4f4: {  	v10 =	vmov s25;
	v11 =	vmov s0  }
0x4f5: {  	v9 =	vmov s23;
	v16 =	vld [tilespmem:s31+$0xFFFFFFF0];
	v17 =	vshrl.u32 v12, v10;
	v12 =	vand.u32 v11, v12  }
0x4f6: {  	v18 =	vld [tilespmem:s31+$0x20];
	v19 =	vshrl.u32 v13, v10;
	v13 =	vand.u32 v11, v13;
	v21 =	vshrl.u32 v14, v10  }
0x4f7: {  	v29 =	vld [tilespmem:s31+$0xFFFFFFE0];
	v14 =	vand.u32 v11, v14;
	v26 =	vand.u32 v11, v20;
	v25 =	vshrl.u32 v22, v10  }
0x4f8: {  	v15 =	vld [tilespmem:s31+$0xFFFFFFD0];
	v27 =	vshrl.u32 v24, v10;
	v17 =	vand.u32 $0xFF, v17;
	v19 =	vand.u32 $0xFF, v19  }
0x4f9: {  	vm0 =	veq.s32 v14, v9;
	v14 =	vand.u32 $0xFF, v21;
	vm1 =	veq.s32 v13, v9  }
0x4fa: {  	vm2 =	veq.s32 v12, v9;
	v12 =	vshrl.u32 v16, v10;
	v13 =	vor.u32 v1, v14  }
0x4fb: {  	v16 =	vand.u32 v11, v16;
	v21 =	vshrl.u32 v18, v10;
	v19 =	vor.u32 v1, v19  }
0x4fc: {  	v31 =	vand.u32 $0xFF, v25;
	v25 =	vand.u32 v11, v29;
	v23 =	vor.u32 v1, v17;
	v14 =	vld [tilespmem:s31+$0xFFFFFF90]  }
0x4fd: {  	v28 =	vand.u32 $0xFF, v12;
	v12 =	vshrl.u32 v15, v10;
	v17 =	vand.u32 v11, v15  }
0x4fe: {  	v15 =	vshrl.u32 v20, v10;
	v20 =	vand.u32 v11, v22;
	v22 =	vand.u32 $0xFF, v21;
	v21 =	vld [tilespmem:s31+$0x0]  }
0x4ff: {  	vm3 =	veq.s32 v26, v9;
	v30 =	vand.u32 $0xFF, v15;
	v15 =	vand.u32 v11, v18;
	[tilespmem:v13+s16+$0x0] =	vst.idx.add.s32.msk vm0, v2  }
0x500: {  	v12 =	vand.u32 $0xFF, v12;
	v22 =	vor.u32 v1, v22;
	v18 =	vshrl.u32 v29, v10;
	[tilespmem:v19+s16+$0x0] =	vst.idx.add.s32.msk vm1, v2  }
0x501: {  	vm6 =	veq.s32 v15, v9;
	v26 =	vand.u32 $0xFF, v18;
	v13 =	vshrl.u32 v14, v10;
	[tilespmem:v23+s16+$0x0] =	vst.idx.add.s32.msk vm2, v2  }
0x502: {  	vm0 =	veq.s32 v16, v9;
	v14 =	vand.u32 v11, v14;
	v16 =	vand.u32 $0xFF, v27;
	v23 =	vld [tilespmem:s31+$0x30]  }
0x503: {  	v27 =	vld [tilespmem:s31+$0xFFFFFF80];
	v19 =	vor.u32 v1, v28;
	v13 =	vand.u32 $0xFF, v13;
	vm1 =	veq.s32 v14, v9  }
0x504: {  	v28 =	vld [tilespmem:s31+$0x50];
	v14 =	vand.u32 v11, v24;
	v15 =	vor.u32 v1, v16;
	v16 =	vor.u32 v1, v30  }
0x505: {  	s28 =	simm.s32 $0x0;
	s29 =	simm.s32 $0x8180;
	v24 =	vld [tilespmem:s31+$0x40];
	v13 =	vor.u32 v1, v13;
	vm2 =	veq.s32 v14, v9;
	v14 =	vor.u32 v1, v31  }
.LBB2_40:
0x506: {  	v29 =	vld [tilespmem:s29+$0xFFFFFFC0];
	s28 =	sadd.s32 $0x10, s28;
	vm4 =	veq.s32 v20, v9;
	vm7 =	veq.s32 v25, v9  }
0x507: {  	vm5 =	veq.s32 v17, v9;
	v17 =	vor.u32 v1, v26;
	v18 =	vld [tilespmem:s29+$0xFFFFFFE0];
	p2 =	slt.u32 s28, $0x7F0  }
0x508: {  	v25 =	vld [tilespmem:s29+$0xFFFFFF90];
	v20 =	vshrl.u32 v27, v10;
	v26 =	vand.u32 v11, v27  }
0x509: {  	vm8 =	veq.s32 v26, v9;
	v20 =	vand.u32 $0xFF, v20;
	[tilespmem:v22+s16+$0x0] =	vst.idx.add.s32.msk vm6, v2;
	v22 =	vand.u32 v11, v23  }
0x50a: {  	v27 =	vand.u32 v11, v24;
	v26 =	vld [tilespmem:s29+$0xFFFFFFA0];
	v20 =	vor.u32 v1, v20;
	v30 =	vshrl.u32 v28, v10  }
0x50b: {  	vm9 =	veq.s32 v27, v9;
	v27 =	vand.u32 v11, v28;
	v31 =	vld [tilespmem:s29+$0xFFFFFFB0];
	v28 =	vand.u32 $0xFF, v30  }
0x50c: {  	vm6 =	veq.s32 v22, v9;
	v22 =	vshrl.u32 v24, v10;
	v30 =	vld [tilespmem:s29+$0xFFFFFFD0];
	v24 =	vor.u32 v1, v28  }
0x50d: {  	v23 =	vshrl.u32 v23, v10;
	v22 =	vand.u32 $0xFF, v22;
	vm10 =	veq.s32 v27, v9;
	v28 =	vld [tilespmem:s29+$0xFFFFFFF0]  }
0x50e: {  	v23 =	vand.u32 $0xFF, v23;
	v22 =	vor.u32 v1, v22;
	v27 =	vld [tilespmem:s29+$0x70]  }
0x50f: {  	v33 =	vshrl.u32 v21, v10;
	v21 =	vand.u32 v11, v21;
	v23 =	vor.u32 v1, v23;
	v32 =	vld [tilespmem:s29+$0x60]  }
0x510: {  	[tilespmem:v20+s16+$0x0] =	vst.idx.add.s32.msk vm8, v2;
	vm8 =	veq.s32 v21, v9;
	v20 =	vand.u32 $0xFF, v33  }
0x511: {  	v21 =	vld [tilespmem:s29+$0x10];
	v20 =	vor.u32 v1, v20  }
0x512: {  	v33 =	vld [tilespmem:s29+$0x20]  }
0x513: {  	v34 =	vshrl.u32 v27, v10;
	v27 =	vand.u32 v11, v27;
	[tilespmem:v22+s16+$0x0] =	vst.idx.add.s32.msk vm9, v2  }
0x514: {  	v22 =	vshrl.u32 v32, v10;
	v32 =	vand.u32 v11, v32;
	v34 =	vand.u32 $0xFF, v34;
	[tilespmem:v23+s16+$0x0] =	vst.idx.add.s32.msk vm6, v2  }
0x515: {  	v12 =	vor.u32 v1, v12;
	v22 =	vand.u32 $0xFF, v22;
	v23 =	vor.u32 v1, v34;
	[tilespmem:v24+s16+$0x0] =	vst.idx.add.s32.msk vm10, v2  }
0x516: {  	vm6 =	veq.s32 v27, v9;
	v22 =	vor.u32 v1, v22;
	[tilespmem:v20+s16+$0x0] =	vst.idx.add.s32.msk vm8, v2  }
0x517: {  	v20 =	vshrl.u32 v21, v10;
	v21 =	vand.u32 v11, v21;
	[tilespmem:v19+s16+$0x0] =	vst.idx.add.s32.msk vm0, v2  }
0x518: {  	vm8 =	veq.s32 v32, v9;
	vm0 =	veq.s32 v21, v9;
	v19 =	vand.u32 $0xFF, v20;
	[tilespmem:v17+s16+$0x0] =	vst.idx.add.s32.msk vm7, v2  }
0x519: {  	v17 =	vshrl.u32 v28, v10;
	v19 =	vor.u32 v1, v19;
	[tilespmem:v13+s16+$0x0] =	vst.idx.add.s32.msk vm1, v2  }
0x51a: {  	v21 =	vshrl.u32 v33, v10;
	v13 =	vand.u32 v11, v28;
	v28 =	vand.u32 $0xFF, v17;
	[tilespmem:v16+s16+$0x0] =	vst.idx.add.s32.msk vm3, v2  }
0x51b: {  	v17 =	vand.u32 v11, v30;
	v16 =	vshrl.u32 v30, v10;
	[tilespmem:v12+s16+$0x0] =	vst.idx.add.s32.msk vm5, v2  }
0x51c: {  	v24 =	vshrl.u32 v29, v10;
	v29 =	vand.u32 v11, v29;
	v12 =	vand.u32 $0xFF, v16;
	[tilespmem:v15+s16+$0x0] =	vst.idx.add.s32.msk vm2, v2  }
0x51d: {  	v20 =	vand.u32 v11, v31;
	v16 =	vand.u32 $0xFF, v21;
	v15 =	vshrl.u32 v31, v10;
	[tilespmem:v14+s16+$0x0] =	vst.idx.add.s32.msk vm4, v2  }
0x51e: {  	v24 =	vand.u32 $0xFF, v24;
	v14 =	vshrl.u32 v26, v10;
	[tilespmem:v19+s16+$0x0] =	vst.idx.add.s32.msk vm0, v2  }
0x51f: {  	v30 =	vand.u32 $0xFF, v15;
	v19 =	vshrl.u32 v25, v10;
	vm0 =	veq.s32 v13, v9;
	[tilespmem:v22+s16+$0x0] =	vst.idx.add.s32.msk vm8, v2  }
0x520: {  	v13 =	vand.u32 v11, v25;
	v15 =	vand.u32 $0xFF, v19;
	v19 =	vand.u32 v11, v33;
	[tilespmem:v23+s16+$0x0] =	vst.idx.add.s32.msk vm6, v2  }
.Ltmp18:
0x521: {  	vm1 =	veq.s32 v13, v9;
	v22 =	vor.u32 v1, v16;
	v13 =	vor.u32 v1, v15;
	v21 =	vld [tilespmem:s29+$0x0];
	(pc) =	sbr.rel @p2 .LBB2_40-.Ltmp18, $4  }
0x522: {  	v14 =	vand.u32 $0xFF, v14;
	v15 =	vand.u32 v11, v26;
	vm6 =	veq.s32 v19, v9;
	v23 =	vld [tilespmem:s29+$0x30]  }
0x523: {  	v25 =	vand.u32 v11, v18;
	vm2 =	veq.s32 v15, v9;
	v15 =	vor.u32 v1, v14;
	v27 =	vld [tilespmem:s29+$0xFFFFFF80]  }
0x524: {  	v18 =	vshrl.u32 v18, v10;
	v16 =	vor.u32 v1, v24;
	v14 =	vor.u32 v1, v30;
	v24 =	vld [tilespmem:s29+$0x40]  }
0x525: {  	s26 =	simm.s32 $0x19010;
	s30 =	simm.s32 $0x0;
	vm3 =	veq.s32 v29, v9;
	v26 =	vand.u32 $0xFF, v18;
	v19 =	vor.u32 v1, v28;
	v28 =	vld [tilespmem:s29+$0x50];
	s29 =	sadd.s32 $0x100, s29  }
0x526: {  	_ =	sdelay $0x4  }
0x527: {  	[tilespmem:v22+s16+$0x0] =	vst.idx.add.s32.msk vm6, v2;
	vm13 =	veq.s32 v25, v9  }
0x528: {  	vm14 =	veq.s32 v17, v9;
	v12 =	vor.u32 v1, v12;
	vm15 =	veq.s32 v20, v9  }
0x529: {  	v56 =	vand.u32 v11, v23;
	v60 =	vshrl.u32 v23, v10;
	v18 =	vand.u32 v11, v27  }
0x52a: {  	[tilespmem:v19+s16+$0x0] =	vst.idx.add.s32.msk vm0, v2;
	v54 =	vshrl.u32 v27, v10;
	vm7 =	veq.s32 v56, v9;
	v61 =	vand.u32 $0xFF, v60  }
0x52b: {  	[tilespmem:v13+s16+$0x0] =	vst.idx.add.s32.msk vm1, v2;
	vm4 =	veq.s32 v18, v9;
	v55 =	vand.u32 $0xFF, v54;
	v29 =	vand.u32 v11, v24  }
0x52c: {  	v59 =	vshrl.u32 v24, v10;
	vm5 =	veq.s32 v29, v9;
	v18 =	vor.u32 v1, v55  }
0x52d: {  	[tilespmem:v16+s16+$0x0] =	vst.idx.add.s32.msk vm3, v2;
	v57 =	vshrl.u32 v28, v10;
	v58 =	vand.u32 v11, v28;
	v24 =	vand.u32 $0xFF, v59  }
0x52e: {  	v10 =	vshrl.u32 v21, v10;
	v11 =	vand.u32 v11, v21;
	v21 =	vor.u32 v1, v61  }
0x52f: {  	[tilespmem:v15+s16+$0x0] =	vst.idx.add.s32.msk vm2, v2;
	v62 =	vor.u32 v1, v24;
	vm8 =	veq.s32 v58, v9  }
0x530: {  	v63 =	vand.u32 $0xFF, v57;
	vm9 =	veq.s32 v11, v9;
	v11 =	vor.u32 v1, v26;
	[tilespmem:v12+s16+$0x0] =	vst.idx.add.s32.msk vm14, v2  }
0x531: {  	v10 =	vand.u32 $0xFF, v10;
	v24 =	vor.u32 v1, v63;
	[tilespmem:v14+s16+$0x0] =	vst.idx.add.s32.msk vm15, v2  }
0x532: {  	v10 =	vor.u32 v1, v10;
	[tilespmem:v18+s16+$0x0] =	vst.idx.add.s32.msk vm4, v2  }
0x533: {  	[tilespmem:v21+s16+$0x0] =	vst.idx.add.s32.msk vm7, v2  }
0x534: {  	[tilespmem:v62+s16+$0x0] =	vst.idx.add.s32.msk vm5, v2  }
0x535: {  	[tilespmem:v11+s16+$0x0] =	vst.idx.add.s32.msk vm13, v2  }
0x536: {  	[tilespmem:v24+s16+$0x0] =	vst.idx.add.s32.msk vm8, v2  }
0x537: {  	s29 =	simm.s32 $0x18810;
	[tilespmem:v10+s16+$0x0] =	vst.idx.add.s32.msk vm9, v2  }
0x538: {  	s0 =	sand.u32 $0xE0, s30;
	v9 =	vld [tilespmem:s29+$0xFFFFF7F0]  }
0x539: {  	v10 =	vld [tilespmem:s0+$0x18100]  }
0x53a: {  	v11 =	vld [tilespmem:s0+$0x18200]  }
0x53b: {  	v12 =	vld [tilespmem:s0+$0x18300]  }
0x53c: {  	v13 =	vld [tilespmem:s0+$0x18400]  }
0x53d: {  	v14 =	vld [tilespmem:s0+$0x18500]  }
0x53e: {  	v15 =	vld [tilespmem:s0+$0x18600];
	v9 =	vadd.s32 v9, v10  }
0x53f: {  	v10 =	vld [tilespmem:s0+$0x18700];
	v9 =	vadd.s32 v11, v9  }
0x540: {  	v11 =	vld [tilespmem:s0+$0x18800];
	v9 =	vadd.s32 v12, v9  }
0x541: {  	v12 =	vld [tilespmem:s0+$0x18900];
	v9 =	vadd.s32 v13, v9  }
0x542: {  	v13 =	vld [tilespmem:s0+$0x18A00];
	v9 =	vadd.s32 v14, v9  }
0x543: {  	v14 =	vld [tilespmem:s0+$0x18B00];
	v9 =	vadd.s32 v15, v9  }
0x544: {  	v15 =	vld [tilespmem:s0+$0x18C00];
	v9 =	vadd.s32 v10, v9  }
0x545: {  	v10 =	vld [tilespmem:s0+$0x18D00];
	v9 =	vadd.s32 v11, v9  }
0x546: {  	v11 =	vld [tilespmem:s0+$0x18E00];
	v9 =	vadd.s32 v12, v9  }
0x547: {  	v12 =	vld [tilespmem:s0+$0x18F00];
	v9 =	vadd.s32 v13, v9  }
0x548: {  	v13 =	vld [tilespmem:s29+$0xFFFFF800];
	v9 =	vadd.s32 v14, v9  }
0x549: {  	v14 =	vld [tilespmem:s29+$0xFFFFF900];
	v9 =	vadd.s32 v15, v9  }
0x54a: {  	v15 =	vld [tilespmem:s29+$0xFFFFFA00];
	v9 =	vadd.s32 v10, v9  }
0x54b: {  	v10 =	vld [tilespmem:s29+$0xFFFFFB00];
	v9 =	vadd.s32 v11, v9  }
0x54c: {  	v11 =	vld [tilespmem:s29+$0xFFFFFC00];
	v9 =	vadd.s32 v12, v9  }
0x54d: {  	v12 =	vld [tilespmem:s29+$0xFFFFFD00];
	v9 =	vperm.xlane v9, v3  }
0x54e: {  	v13 =	vadd.s32 v13, v14;
	v14 =	vld [tilespmem:s29+$0xFFFFFE00]  }
0x54f: {  	v13 =	vadd.s32 v15, v13;
	v15 =	vld [tilespmem:s29+$0xFFFFFF00];
	(xrf0) =	vadd.scan.msk.s32 $0xffff, v9  }
0x550: {  	v9 =	vadd.s32 v10, v13;
	v13 =	vld [tilespmem:s29+$0x0]  }
0x551: {  	v16 =	vld [tilespmem:s29+$0x100];
	v9 =	vadd.s32 v11, v9  }
0x552: {  	v17 =	vld [tilespmem:s29+$0x200];
	v9 =	vadd.s32 v12, v9  }
0x553: {  	v10 =	vadd.s32 v14, v9;
	v9 =	vld [tilespmem:s29+$0x300]  }
0x554: {  	v11 =	vadd.s32 v15, v10;
	v10 =	vld [tilespmem:s29+$0x400]  }
0x555: {  	v12 =	vadd.s32 v13, v11;
	v11 =	vld [tilespmem:s29+$0x500];
	v13, _, _ =	vpop (xrf0)  }
0x556: {  	v15 =	vadd.s32 v16, v12;
	v12 =	vld [tilespmem:s29+$0x600];
	v14 =	vperm.xlane v13, v3  }
0x557: {  	s28 =	simm.s32 $0x0;
	s30 =	simm.s32 $0x20;
	v15 =	vadd.s32 v17, v15;
	v13 =	vld [tilespmem:s29+$0x700];
	s29 =	simm.s32 $0x18830  }
.LBB2_42:
0x558: {  	v16 =	vld [tilespmem:s29+$0xFFFFF7F0];
	s0 =	sand.u32 $0xE0, s30;
	s28 =	sadd.s32 $0x2, s28;
	[tilespmem:s26+$0xFFFFFFF0] =	vst v14;
	v9 =	vadd.s32 v9, v15  }
0x559: {  	v14 =	vld [tilespmem:s0+$0x18100];
	p2 =	slt.u32 s28, $0xE;
	v9 =	vadd.s32 v10, v9  }
0x55a: {  	v10 =	vld [tilespmem:s0+$0x18200];
	v9 =	vadd.s32 v11, v9  }
0x55b: {  	v11 =	vld [tilespmem:s0+$0x18300];
	v9 =	vadd.s32 v12, v9  }
0x55c: {  	v12 =	vld [tilespmem:s0+$0x18400];
	v9 =	vadd.s32 v13, v9  }
0x55d: {  	v13 =	vld [tilespmem:s0+$0x18500];
	v9 =	vperm.xlane v9, v3  }
0x55e: {  	v14 =	vadd.s32 v16, v14;
	v15 =	vld [tilespmem:s0+$0x18600]  }
0x55f: {  	v10 =	vadd.s32 v10, v14;
	v14 =	vld [tilespmem:s0+$0x18700];
	(xrf0) =	vadd.scan.msk.s32 $0xffff, v9  }
0x560: {  	v9 =	vadd.s32 v11, v10;
	v10 =	vld [tilespmem:s0+$0x18800]  }
0x561: {  	v9 =	vadd.s32 v12, v9;
	v11 =	vld [tilespmem:s0+$0x18900]  }
0x562: {  	v9 =	vadd.s32 v13, v9;
	v12 =	vld [tilespmem:s0+$0x18A00]  }
0x563: {  	v9 =	vadd.s32 v15, v9;
	v13 =	vld [tilespmem:s0+$0x18B00]  }
0x564: {  	v9 =	vadd.s32 v14, v9;
	v14 =	vld [tilespmem:s0+$0x18C00]  }
0x565: {  	v9 =	vadd.s32 v10, v9;
	v10 =	vld [tilespmem:s0+$0x18D00];
	v15, _, _ =	vpop (xrf0)  }
0x566: {  	v9 =	vadd.s32 v11, v9;
	v11 =	vld [tilespmem:s0+$0x18E00];
	v15 =	vperm.xlane v15, v3  }
0x567: {  	v9 =	vadd.s32 v12, v9;
	v12 =	vld [tilespmem:s0+$0x18F00]  }
0x568: {  	v9 =	vadd.s32 v13, v9;
	v13 =	vld [tilespmem:s29+$0xFFFFF800];
	[tilespmem:s26+$0x0] =	vst v15  }
0x569: {  	v9 =	vadd.s32 v14, v9;
	v14 =	vld [tilespmem:s29+$0xFFFFF900]  }
0x56a: {  	v9 =	vadd.s32 v10, v9;
	v10 =	vld [tilespmem:s29+$0xFFFFFA00]  }
0x56b: {  	v9 =	vadd.s32 v11, v9;
	v11 =	vld [tilespmem:s29+$0xFFFFFB00]  }
0x56c: {  	v9 =	vadd.s32 v12, v9;
	v12 =	vld [tilespmem:s29+$0xFFFFFC00]  }
0x56d: {  	v9 =	vperm.xlane v9, v3;
	v15 =	vld [tilespmem:s29+$0xFFFFFD00]  }
0x56e: {  	v13 =	vadd.s32 v13, v14;
	v14 =	vld [tilespmem:s29+$0xFFFFFE00]  }
0x56f: {  	v10 =	vadd.s32 v10, v13;
	v13 =	vld [tilespmem:s29+$0xFFFFFF00];
	(xrf0) =	vadd.scan.msk.s32 $0xffff, v9  }
0x570: {  	v9 =	vadd.s32 v11, v10;
	v11 =	vld [tilespmem:s29+$0x0]  }
0x571: {  	v9 =	vadd.s32 v12, v9;
	v12 =	vld [tilespmem:s29+$0x100]  }
0x572: {  	v9 =	vadd.s32 v15, v9;
	v15 =	vld [tilespmem:s29+$0x200]  }
.Ltmp19:
0x573: {  	v10 =	vadd.s32 v14, v9;
	v9 =	vld [tilespmem:s29+$0x300];
	(pc) =	sbr.rel @p2 .LBB2_42-.Ltmp19, $4  }
0x574: {  	v13 =	vadd.s32 v13, v10;
	v10 =	vld [tilespmem:s29+$0x400]  }
0x575: {  	v13 =	vadd.s32 v11, v13;
	v11 =	vld [tilespmem:s29+$0x500];
	v14, _, _ =	vpop (xrf0)  }
0x576: {  	v14 =	vperm.xlane v14, v3;
	v13 =	vadd.s32 v12, v13;
	v12 =	vld [tilespmem:s29+$0x600]  }
0x577: {  	s30 =	sadd.s32 $0x20, s30;
	s26 =	sadd.s32 $0x20, s26;
	v15 =	vadd.s32 v15, v13;
	v13 =	vld [tilespmem:s29+$0x700];
	s29 =	sadd.s32 $0x20, s29  }
0x578: {  	v9 =	vadd.s32 v9, v15  }
0x579: {  	v9 =	vadd.s32 v10, v9  }
0x57a: {  	v9 =	vadd.s32 v11, v9  }
0x57b: {  	v9 =	vadd.s32 v12, v9  }
0x57c: {  	v9 =	vadd.s32 v13, v9  }
0x57d: {  	v9 =	vperm.xlane v9, v3;
	_ =	sdelay $0x1  }
0x57e: {  	(xrf0) =	vadd.scan.msk.s32 $0xffff, v9;
	_ =	sdelay $0x5  }
0x57f: {  	v9, _, _ =	vpop (xrf0)  }
0x580: {  	v9 =	vperm.xlane v9, v3  }
0x581: {  	[tilespmem:s26+$0xFFFFFFF0] =	vst v14  }
0x582: {  	[tilespmem:s26+$0x0] =	vst v9  }
0x583: {  	v9 =	vld.idx.msk [tilespmem:v4+s17+$0x0], $0xffff;
	_ =	sdelay $0x4  }
0x584: {  	v9 =	vperm.xlane v9, v3;
	_ =	sdelay $0x1  }
0x585: {  	(xrf0) =	vadd.scan.msk.s32 $0xffff, v9;
	_ =	sdelay $0x5  }
0x586: {  	v9, _, _ =	vpop (xrf0)  }
0x587: {  	v9 =	vperm.xlane v9, v3;
	_ =	sdelay $0x1  }
0x588: {  	vm0 =	vlt.s32 v9, s24;
	v10 =	vxor.u32 $0x80000000, v9  }
0x589: {  	vm13 =	vge.s32 v9, s24;
	v10 =	vnsel vm0, $0x80000000, v10  }
0x58a: {  	v9 =	vsel vm13, $0x1, v0;
	(xrf0) =	vmax.scan.msk.u32 $0xffff, v10  }
0x58b: {  	(xrf0) =	vadd.scan.msk.s32 $0xffff, v9;
	_ =	sdelay $0x4  }
0x58c: {  	v9, _, _ =	vpop (xrf0)  }
0x58d: {  	(v2sf) =	vpush v9, $0xF;
	v9, _, _ =	vpop (xrf0)  }
0x58e: {  	(v2sf) =	vpush v9, $0xF;
	_ =	sdelay $0xd  }
0x58f: {  	s0 =	spop (v2sf)  }
0x590: {  	s30 =	spop (v2sf)  }
0x591: {  	s26 =	sshll.u32 s30, $0x4  }
0x592: {  	v9 =	vld [tilespmem:s26+$0x18FF0];
	_ =	sdelay $0x3  }
0x593: {  	s0 =	sxor.u32 $0x80000000, s0  }
0x594: {  	v9 =	vadd.s32 s0, v9  }
0x595: {  	vm14 =	vge.s32 v9, s24  }
0x596: {  	vm15 =	vlt.s32 v9, s24;
	v9 =	vxor.u32 $0x80000000, v9;
	v10 =	vsel vm14, $0x1, v0  }
0x597: {  	v9 =	vnsel vm15, $0x80000000, v9;
	(xrf0) =	vadd.scan.msk.s32 $0xffff, v10  }
0x598: {  	(xrf0) =	vmax.scan.msk.u32 $0xffff, v9;
	_ =	sdelay $0x4  }
0x599: {  	v9, _, _ =	vpop (xrf0)  }
0x59a: {  	(v2sf) =	vpush v9, $0xF;
	v9, _, _ =	vpop (xrf0)  }
0x59b: {  	(v2sf) =	vpush v9, $0xF;
	_ =	sdelay $0xd  }
0x59c: {  	s28 =	spop (v2sf)  }
.Ltmp20:
0x59d: {  	s26 =	sadd.s32 s28, s26;
	s31 =	spop (v2sf);
	(pc) =	sbr.rel @!p1 .LBB2_37-.Ltmp20, $4  }
0x59e: {  	s26 =	sadd.s32 $0xFFFFFFEF, s26;
	s28 =	sxor.u32 $0x80000000, s31  }
0x59f: {  	p2 =	sgt.s32 s0, s28;
	s25 =	sshll.u32 s26, s25  }
0x5a0: {  	s28 =	smov.u32 @p2 s0;
	s23 =	sor.u32 s23, s25  }
0x5a1: {  	s25 =	simm.s32 $0x18;
	p2 =	por $0x1, $0x1;
	s24 =	ssub.s32 s24, s28  }
0x5a2: {  	s0 =	simm.s32 $0x8080  }
0x5a3: {  	v12 =	vld [tilespmem:s0+$0xFFFFFF80];
	_ =	sdelay $0x1  }
0x5a4: {  	v9 =	vmov s23;
	v13 =	vld [tilespmem:s0+$0xFFFFFF90]  }
0x5a5: {  	v9 =	vbroadcast v9, $0x0  }
0x5a6: {  	v14 =	vld [tilespmem:s0+$0xFFFFFFA0]  }
0x5a7: {  	vm5 =	vgt.f32 v12, v9  }
0x5a8: {  	v15 =	vimm.f32 $0.0e+00;
	v16 =	vld [tilespmem:s0+$0xFFFFFFB0];
	v12 =	vnsel vm5, $0x0, v12  }
0x5a9: {  	vm6 =	vgt.f32 v13, v9;
	v15 =	vadd.f32 v12, v15  }
0x5aa: {  	v17 =	vld [tilespmem:s0+$0xFFFFFFC0];
	v13 =	vnsel vm6, $0x0, v13  }
0x5ab: {  	v10 =	vld [tilespmem:s0+$0x70];
	vm7 =	vgt.f32 v14, v9;
	v13 =	vadd.f32 v13, v15  }
0x5ac: {  	v18 =	vld [tilespmem:s0+$0xFFFFFFD0];
	v14 =	vnsel vm7, $0x0, v14  }
0x5ad: {  	v19 =	vld [tilespmem:s0+$0xFFFFFFE0];
	vm8 =	vgt.f32 v16, v9;
	v13 =	vadd.f32 v14, v13  }
0x5ae: {  	v20 =	vld [tilespmem:s0+$0xFFFFFFF0];
	v16 =	vnsel vm8, $0x0, v16  }
0x5af: {  	v11 =	vld [tilespmem:s0+$0x60];
	vm9 =	vgt.f32 v17, v9;
	v13 =	vadd.f32 v16, v13  }
0x5b0: {  	v22 =	vld [tilespmem:s0+$0x0];
	v17 =	vnsel vm9, $0x0, v17  }
0x5b1: {  	vm10 =	vgt.f32 v18, v9;
	v13 =	vadd.f32 v17, v13  }
0x5b2: {  	v21 =	vimm.s32 $0x0;
	vm0 =	vgt.f32 v10, v9;
	v18 =	vnsel vm10, $0x0, v18  }
0x5b3: {  	vm12 =	vgt.f32 v19, v9;
	vm13 =	vgt.f32 v20, v9;
	v13 =	vadd.f32 v18, v13  }
0x5b4: {  	vm1 =	vgt.f32 v11, v9;
	v52 =	vnsel vm12, $0x0, v19;
	v53 =	vnsel vm13, $0x0, v20;
	v17 =	vld [tilespmem:s0+$0x10]  }
0x5b5: {  	v54 =	vsel vm5, $0x1, v0;
	vm5 =	vgt.f32 v22, v9;
	v12 =	vld [tilespmem:s0+$0x50];
	v13 =	vadd.f32 v52, v13  }
0x5b6: {  	v56 =	vsel vm6, $0x1, v0;
	v58 =	vsel vm7, $0x1, v0;
	v59 =	vsel vm8, $0x1, v0;
	v16 =	vld [tilespmem:s0+$0x20]  }
0x5b7: {  	v60 =	vsel vm9, $0x1, v0;
	v61 =	vsel vm10, $0x1, v0;
	v15 =	vld [tilespmem:s0+$0x40];
	v13 =	vadd.f32 v53, v13  }
0x5b8: {  	v62 =	vsel vm12, $0x1, v0;
	v55 =	vadd.s32 v54, v21;
	v57 =	vnsel vm5, $0x0, v22;
	v14 =	vld [tilespmem:s0+$0x30]  }
0x5b9: {  	v18 =	vadd.s32 v56, v55;
	vm14 =	vgt.f32 v17, v9;
	v13 =	vadd.f32 v57, v13  }
0x5ba: {  	vm2 =	vgt.f32 v12, v9;
	v18 =	vadd.s32 v58, v18;
	v17 =	vnsel vm14, $0x0, v17  }
0x5bb: {  	vm11 =	vgt.f32 v16, v9;
	v18 =	vadd.s32 v59, v18;
	v13 =	vadd.f32 v17, v13  }
0x5bc: {  	vm3 =	vgt.f32 v15, v9;
	v16 =	vnsel vm11, $0x0, v16;
	v17 =	vadd.s32 v60, v18  }
0x5bd: {  	vm4 =	vgt.f32 v14, v9;
	v17 =	vadd.s32 v61, v17;
	v13 =	vadd.f32 v16, v13  }
0x5be: {  	v14 =	vnsel vm4, $0x0, v14;
	v16 =	vadd.s32 v62, v17;
	v17 =	vsel vm13, $0x1, v0  }
0x5bf: {  	v16 =	vadd.s32 v17, v16;
	v17 =	vsel vm5, $0x1, v0;
	v63 =	vadd.f32 v14, v13  }
0x5c0: {  	v15 =	vnsel vm3, $0x0, v15;
	v13 =	vadd.s32 v17, v16;
	v14 =	vsel vm14, $0x1, v0  }
0x5c1: {  	s23 =	simm.s32 $0x0;
	s24 =	simm.s32 $0x8180;
	v13 =	vadd.s32 v14, v13;
	v14 =	vsel vm11, $0x1, v0;
	v15 =	vadd.f32 v15, v63  }
.LBB2_45:
0x5c2: {  	v16 =	vld [tilespmem:s24+$0xFFFFFF80];
	s23 =	sadd.s32 $0x10, s23;
	v13 =	vadd.s32 v14, v13;
	v14 =	vsel vm4, $0x1, v0;
	v12 =	vnsel vm2, $0x0, v12  }
0x5c3: {  	p1 =	slt.u32 s23, $0x7F0;
	v13 =	vadd.s32 v14, v13;
	v14 =	vsel vm3, $0x1, v0;
	v12 =	vadd.f32 v12, v15  }
0x5c4: {  	v11 =	vnsel vm1, $0x0, v11;
	v15 =	vld [tilespmem:s24+$0xFFFFFF90];
	v13 =	vadd.s32 v14, v13;
	v14 =	vsel vm2, $0x1, v0  }
0x5c5: {  	v17 =	vld [tilespmem:s24+$0x70];
	v13 =	vadd.s32 v14, v13;
	v12 =	vadd.f32 v11, v12;
	v11 =	vsel vm1, $0x1, v0  }
0x5c6: {  	v10 =	vnsel vm0, $0x0, v10;
	v18 =	vsel vm0, $0x1, v0;
	v14 =	vld [tilespmem:s24+$0xFFFFFFA0];
	v13 =	vadd.s32 v11, v13  }
0x5c7: {  	vm5 =	vgt.f32 v16, v9;
	v11 =	vld [tilespmem:s24+$0x60];
	v20 =	vadd.f32 v10, v12;
	v13 =	vadd.s32 v18, v13  }
0x5c8: {  	v12 =	vnsel vm5, $0x0, v16;
	v16 =	vld [tilespmem:s24+$0xFFFFFFB0]  }
0x5c9: {  	v18 =	vadd.f32 v12, v20;
	vm6 =	vgt.f32 v15, v9;
	v12 =	vld [tilespmem:s24+$0x50]  }
0x5ca: {  	v15 =	vnsel vm6, $0x0, v15;
	v19 =	vld [tilespmem:s24+$0xFFFFFFC0];
	v10 =	vmov v17  }
0x5cb: {  	v15 =	vadd.f32 v15, v18;
	vm7 =	vgt.f32 v14, v9;
	v17 =	vld [tilespmem:s24+$0x40]  }
0x5cc: {  	v14 =	vnsel vm7, $0x0, v14;
	v18 =	vld [tilespmem:s24+$0xFFFFFFD0]  }
0x5cd: {  	v14 =	vadd.f32 v14, v15;
	vm8 =	vgt.f32 v16, v9;
	v15 =	vld [tilespmem:s24+$0x30]  }
0x5ce: {  	v16 =	vnsel vm8, $0x0, v16;
	v20 =	vld [tilespmem:s24+$0xFFFFFFE0]  }
0x5cf: {  	v14 =	vadd.f32 v16, v14;
	vm9 =	vgt.f32 v19, v9;
	v16 =	vld [tilespmem:s24+$0x20]  }
0x5d0: {  	v19 =	vnsel vm9, $0x0, v19;
	v21 =	vld [tilespmem:s24+$0xFFFFFFF0]  }
0x5d1: {  	v14 =	vadd.f32 v19, v14;
	vm10 =	vgt.f32 v18, v9;
	v19 =	vld [tilespmem:s24+$0x10]  }
0x5d2: {  	vm0 =	vgt.f32 v10, v9;
	v18 =	vnsel vm10, $0x0, v18;
	v22 =	vld [tilespmem:s24+$0x0]  }
0x5d3: {  	vm1 =	vgt.f32 v11, v9;
	v14 =	vadd.f32 v18, v14;
	vm12 =	vgt.f32 v20, v9  }
0x5d4: {  	vm2 =	vgt.f32 v12, v9;
	vm3 =	vgt.f32 v17, v9;
	v18 =	vnsel vm12, $0x0, v20  }
0x5d5: {  	vm4 =	vgt.f32 v15, v9;
	v14 =	vadd.f32 v18, v14;
	vm14 =	vgt.f32 v21, v9  }
0x5d6: {  	vm11 =	vgt.f32 v16, v9;
	v18 =	vnsel vm14, $0x0, v21;
	vm13 =	vgt.f32 v19, v9  }
0x5d7: {  	v20 =	vsel vm5, $0x1, v0;
	v14 =	vadd.f32 v18, v14;
	vm5 =	vgt.f32 v22, v9  }
0x5d8: {  	v13 =	vadd.s32 v20, v13;
	v18 =	vsel vm6, $0x1, v0;
	v20 =	vnsel vm5, $0x0, v22  }
0x5d9: {  	v13 =	vadd.s32 v18, v13;
	v18 =	vsel vm7, $0x1, v0;
	v14 =	vadd.f32 v20, v14  }
0x5da: {  	v19 =	vnsel vm13, $0x0, v19;
	v13 =	vadd.s32 v18, v13;
	v18 =	vsel vm8, $0x1, v0  }
0x5db: {  	v13 =	vadd.s32 v18, v13;
	v18 =	vsel vm9, $0x1, v0;
	v14 =	vadd.f32 v19, v14  }
0x5dc: {  	v16 =	vnsel vm11, $0x0, v16;
	v13 =	vadd.s32 v18, v13;
	v18 =	vsel vm10, $0x1, v0  }
.Ltmp21:
0x5dd: {  	v13 =	vadd.s32 v18, v13;
	v18 =	vsel vm12, $0x1, v0;
	v14 =	vadd.f32 v16, v14;
	(pc) =	sbr.rel @p1 .LBB2_45-.Ltmp21, $4  }
0x5de: {  	v15 =	vnsel vm4, $0x0, v15;
	v13 =	vadd.s32 v18, v13;
	v16 =	vsel vm14, $0x1, v0  }
0x5df: {  	v13 =	vadd.s32 v16, v13;
	v16 =	vsel vm5, $0x1, v0;
	v15 =	vadd.f32 v15, v14  }
0x5e0: {  	v13 =	vadd.s32 v16, v13;
	v14 =	vsel vm13, $0x1, v0;
	v16 =	vnsel vm3, $0x0, v17  }
0x5e1: {  	s24 =	sadd.s32 $0x100, s24;
	v13 =	vadd.s32 v14, v13;
	v14 =	vsel vm11, $0x1, v0;
	v15 =	vadd.f32 v16, v15  }
0x5e2: {  	v12 =	vnsel vm2, $0x0, v12  }
0x5e3: {  	v12 =	vadd.f32 v12, v15  }
0x5e4: {  	v11 =	vnsel vm1, $0x0, v11  }
0x5e5: {  	v11 =	vadd.f32 v11, v12  }
0x5e6: {  	v10 =	vnsel vm0, $0x0, v10;
	(xrf2) =	vadd.scan.msk.f32 $0xffff, v8  }
0x5e7: {  	v59 =	vadd.s32 v14, v13;
	v60 =	vsel vm4, $0x1, v0;
	v58 =	vadd.f32 v10, v11  }
0x5e8: {  	(xrf0) =	vmax.scan.msk.f32 $0xffff, v6;
	v61 =	vsel vm3, $0x1, v0;
	v6 =	vadd.s32 v60, v59  }
0x5e9: {  	v62 =	vsel vm2, $0x1, v0;
	v6 =	vadd.s32 v61, v6;
	(xrf2) =	vadd.scan.msk.f32 $0xffff, v58  }
0x5ea: {  	v63 =	vsel vm1, $0x1, v0;
	v6 =	vadd.s32 v62, v6  }
0x5eb: {  	(xrf0) =	vadd.scan.msk.s32 $0xffff, v7;
	v7 =	vsel vm0, $0x1, v0;
	v6 =	vadd.s32 v63, v6  }
0x5ec: {  	(xrf0) =	vmax.scan.msk.f32 $0xffff, v9;
	v6 =	vadd.s32 v7, v6;
	_ =	sdelay $0x1  }
0x5ed: {  	(xrf0) =	vadd.scan.msk.s32 $0xffff, v6  }
0x5ee: {  	v6, _, _ =	vpop (xrf0)  }
0x5ef: {  	(v2sf) =	vpush v6, $0xF;
	v7, _, _ =	vpop (xrf2)  }
0x5f0: {  	v6, _, _ =	vpop (xrf0);
	(v2sf) =	vpush v7, $0xF  }
0x5f1: {  	v7, _, _ =	vpop (xrf0);
	(v2sf) =	vpush v6, $0xF  }
0x5f2: {  	(v2sf) =	vpush v7, $0xF;
	v6, _, _ =	vpop (xrf2)  }
0x5f3: {  	(v2sf) =	vpush v6, $0xF;
	v6, _, _ =	vpop (xrf0)  }
0x5f4: {  	(v2sf) =	vpush v6, $0xF;
	_ =	sdelay $0x9  }
0x5f5: {  	s0 =	spop (v2sf)  }
0x5f6: {  	s23 =	spop (v2sf)  }
0x5f7: {  	s24 =	spop (v2sf)  }
0x5f8: {  	s25 =	spop (v2sf)  }
0x5f9: {  	s26 =	spop (v2sf)  }
0x5fa: {  	s24 =	ssub.s32 $0xCCC, s24;
	s28 =	spop (v2sf)  }
0x5fb: {  	s24 =	scvt.s32.f32 s24;
	s28 =	ssub.s32 $0xCCC, s28  }
0x5fc: {  	s28 =	scvt.s32.f32 s28  }
0x5fd: {  	s0 =	smul.f32 s24, s0  }
0x5fe: {  	s30 =	smul.f32 s28, s25  }
0x5ff: {  	s0 =	sadd.f32 s0, s23  }
.Ltmp22:
0x600: {  	s31 =	sadd.f32 s30, s26;
	(pc) =	sbr.rel @p0 .LBB2_2-.Ltmp22, $3  }
0x601: {  	_ = 	snop  }
0x602: {  	s0 =	sadd.f32 s31, s0;
	_ =	sdelay $0x1  }
0x603: {  	p1 =	por $0x0, $0x0;
	s23 =	simm.s32 $0x2;
	v5 =	vadd.f32 s0, v5  }
0x604: {  	_ =	swait.ge [sflag:s14], $0x8000  }
0x605: {  	[sflag:s14] =	ssyncset.done $0x0  }
0x606: {  	[sflag:s14] =	ssyncadd.s32 $0xFFFF8000  }
0x607: {  	_ =	swait.ge [sflag:s15], $0x8000  }
0x608: {  	s22 =	sadd.s32 $0x1, s22;
	[sflag:s15] =	ssyncset.done $0x0  }
0x609: {  	p0 =	sne.s32 s22, s9;
	[sflag:s15] =	ssyncadd.s32 $0xFFFF8000  }
.Ltmp23:
0x60a: {  	[tilespmem:$0x19100] =	vst v5;
	(pc) =	sbr.rel @p0 .LBB2_1-.Ltmp23, $4  }
0x60b: {  	[hbm4b:s8+s4] =	stream.linear.scatter [tilespmem:s20], [sflag:$0x3], $0x80, $0x38;
	[tilespmem:$0x19180] =	vst v63  }
0x60c: {  	_ =	swait.ge [sflag:s21], $0x80  }
0x60d: {  	[sflag:s21] =	ssyncset.done $0x0  }
0x60e: {  	[sflag:s21] =	ssyncadd.s32 $0xFFFFFF80  }
0x60f: {  	_ =	sfence.sel $0x180000  }
0x610: {  	[bflag:$0x0] =	sbarrier.arrive $0xFFFF  }
0x611: {  	_ =	strace $0x90000047  }
0x612: {  	[bflag:$0x2] =	sbarrier.arrive $0xFFFF  }
0x613: {  	p0 =	sne.s32 s2, $0x0;
	s0 =	rddreg [dreg:$0x3]  }
0x614: {  	s0 =	sadd.s32 @!p0 $0x100000, s0  }
0x615: {  	[sflag:s0] =	ssyncadd.tile.s32 @!p0 $0x1;
	_ =	shalt  }
.Lfunc_end2:
_tile_overlayer_lowered:
.L_overlay_start_2:
0x616: {  	(tag) =	ssettag $0x2  }
0x617: {  	s0 =	rddreg [dreg:$0x0];
	s2 =	stileid.u32  }
0x618: {  	s1 =	rddreg [dreg:$0x1];
	p0 =	sne.s32 s2, $0x0  }
0x619: {  	s3 =	rddreg [dreg:$0x2];
	[bflag:$0x3] =	sbarrier.arrive $0xFFFF;
	s2 =	simm.s32 @!p0 $0x1C03  }
0x61a: {  	[timem:s3], [sflag:s2] =	dma.local @!p0 [hbm:s0], s1  }
0x61b: {  	s0 =	simm.s32 @!p0 $0x3  }
0x61c: {  	_ =	swait.ge @!p0 [sflag:s0], s1  }
0x61d: {  	s1 =	ssub.s32 @!p0 $0x0, s1;
	[sflag:s0] =	ssyncset.done @!p0 $0x0  }
0x61e: {  	[sflag:s0] =	ssyncadd.s32 @!p0 s1  }
0x61f: {  	[bflag:$0x3] =	sbarrier.arrive $0xFFFF  }
0x620: {  	_ =	shalt  }

</sc_bundles>
